<compile_context>
chip_gen: v7x
topology: tpu7x:2x2x1
jax: 0.10.2.dev20260603
libtpu: 0.0.44.dev20260713+nightly
codegen_flags: <defaults>
</compile_context>

<pallas_src>
import jax
import jax.numpy as jnp
from jax.experimental import pallas as pl
from jax.experimental.pallas import tpu as pltpu
from jax.experimental.pallas import tpu_sc as plsc

N = 10000
NPAD = 10240
CIN = 128
COUT = 128
MID = 128
S = 8
K = 16
EPS = 1e-5

QB = 512
QB2 = 256
GW = 128

_INF = float("inf")


NB = 40
BW = 256
R = 4


def _knn_body(a_ref, bt_ref, x2c_ref, out_ref):
    a = a_ref[...]
    bt = bt_ref[...]
    d2 = jax.lax.dot_general(a, bt, (((1,), (0,)), ((), ())),
                             preferred_element_type=jnp.float32)
    x2q = 0.25 * jnp.sum(a * a, axis=1, keepdims=True)
    d = (d2 + x2c_ref[...]) + x2q
    p_iota = jax.lax.broadcasted_iota(jnp.int32, (QB, BW), 1)

    def sl(t):
        s = d[:, t * BW:(t + 1) * BW]
        if (t + 1) * BW > N:
            s = jnp.where(p_iota >= N - t * BW, _INF, s)
        return s

    Ms, As = [], []
    for r in range(R):
        Mr = jnp.full((QB, BW), _INF, jnp.float32)
        Ar = jnp.zeros((QB, BW), jnp.int32)
        for t in range(NB):
            dt = sl(t)
            for Ap in As:
                dt = jnp.where(Ap == t, _INF, dt)
            c = dt < Mr
            Mr = jnp.where(c, dt, Mr)
            Ar = jnp.where(c, t, Ar)
        Ms.append(Mr)
        As.append(Ar)
    MM = jnp.concatenate(Ms, axis=1)
    II = jnp.concatenate([Ar * BW + p_iota for Ar in As], axis=1)
    cols = []
    for _ in range(K):
        v = jnp.min(MM, axis=1, keepdims=True)
        cand = jnp.where(MM == v, II, NPAD)
        ik = jnp.min(cand, axis=1, keepdims=True)
        cols.append(ik)
        MM = jnp.where(II == ik, _INF, MM)
    out_ref[...] = jnp.concatenate(cols, axis=1)


def _knn_topk(a_pad, bt_pad, x2c):
    return pl.pallas_call(
        _knn_body,
        grid=(a_pad.shape[0] // QB,),
        in_specs=[
            pl.BlockSpec((QB, 8), lambda i: (i, 0)),
            pl.BlockSpec((8, NPAD), lambda i: (0, 0)),
            pl.BlockSpec((1, NPAD), lambda i: (0, 0)),
        ],
        out_specs=pl.BlockSpec((QB, K), lambda i: (i, 0)),
        out_shape=jax.ShapeDtypeStruct((a_pad.shape[0], K), jnp.int32),
    )(a_pad, bt_pad, x2c)


def _sc_gather(feat_pad, pt_pad, idx_flat):
    nidx = idx_flat.shape[0]
    idx2 = idx_flat.reshape(1, nidx)
    mesh = plsc.VectorSubcoreMesh(core_axis_name="c", subcore_axis_name="s")

    @pl.kernel(
        out_type=(
            jax.ShapeDtypeStruct((nidx, CIN), jnp.float32),
            jax.ShapeDtypeStruct((nidx, 128), jnp.float32),
        ),
        mesh=mesh,
    )
    def gather_kernel(feat_hbm, pt_hbm, i_hbm, of_hbm, op_hbm):
        def body(i_vmem, of_vmem, op_vmem):
            pltpu.sync_copy(feat_hbm.at[i_vmem.at[0]], of_vmem)
            pltpu.sync_copy(pt_hbm.at[i_vmem.at[0]], op_vmem)

        pltpu.emit_pipeline(
            body,
            grid=(nidx // GW,),
            in_specs=[pl.BlockSpec((1, GW), lambda i: (0, i))],
            out_specs=[
                pl.BlockSpec((GW, CIN), lambda i: (i, 0)),
                pl.BlockSpec((GW, 128), lambda i: (i, 0)),
            ],
            core_axis_name=("c", "s"),
            dimension_semantics=(pltpu.PARALLEL,),
        )(i_hbm, of_hbm, op_hbm)

    return gather_kernel(feat_pad, pt_pad, idx2)


def _mm(a, b):
    return jax.lax.dot_general(a, b, (((1,), (0,)), ((), ())),
                               preferred_element_type=jnp.float32)


def _attn_body(gfeat_ref, gpt_ref, feat_ref, pt_ref,
               Wq_ref, bq_ref, Wk_ref, bk_ref, Wv_ref, bv_ref,
               Wp1_ref, bp1_ref, gp1_ref, bep1_ref, Wp2_ref, bp2_ref,
               gw1_ref, bew1_ref, Ww1_ref, bw1_ref,
               gw2_ref, bew2_ref, Ww2_ref, bw2_ref, bmat_ref, out_ref):
    inv = (1.0 + EPS) ** -0.5
    gf = gfeat_ref[...]
    fk = _mm(gf, Wk_ref[...]) + bk_ref[...]
    fv = _mm(gf, Wv_ref[...]) + bv_ref[...]
    fq = _mm(feat_ref[...], Wq_ref[...]) + bq_ref[...]
    rel = (gpt_ref[...][:, :16].reshape(QB2, K, 16)
           - pt_ref[...][:, :16][:, None, :])
    pr = _mm(rel.reshape(QB2 * K, 16), Wp1_ref[...]) + bp1_ref[...]
    pr = jnp.maximum(gp1_ref[...] * pr * inv + bep1_ref[...], 0.0)
    pr = _mm(pr, Wp2_ref[...]) + bp2_ref[...]
    w = fk.reshape(QB2, K, COUT) - fq[:, None, :] + pr.reshape(QB2, K, COUT)
    w = jnp.maximum(gw1_ref[...] * w * inv + bew1_ref[...], 0.0)
    w = _mm(w.reshape(QB2 * K, MID), Ww1_ref[...]) + bw1_ref[...]
    w = jnp.maximum(gw2_ref[...] * w * inv + bew2_ref[...], 0.0)
    w = _mm(w, Ww2_ref[...]) + bw2_ref[...]
    w3 = w.reshape(QB2, K, COUT // S)
    w3 = w3 - jnp.max(w3, axis=1, keepdims=True)
    e = jnp.exp(w3)
    sm = e / jnp.sum(e, axis=1, keepdims=True)
    w128 = _mm(sm.reshape(QB2 * K, COUT // S), bmat_ref[...])
    val = (fv + pr).reshape(QB2, K, COUT) * w128.reshape(QB2, K, COUT)
    out_ref[...] = jnp.sum(val, axis=1)


def _attention(gfeat, gpt, feat_pad, pt_pad, params):
    full = lambda shape: pl.BlockSpec(shape, lambda i: tuple(0 for _ in shape))
    in_specs = [
        pl.BlockSpec((QB2 * K, CIN), lambda i: (i, 0)),
        pl.BlockSpec((QB2 * K, 128), lambda i: (i, 0)),
        pl.BlockSpec((QB2, CIN), lambda i: (i, 0)),
        pl.BlockSpec((QB2, 128), lambda i: (i, 0)),
    ] + [full(p.shape) for p in params]
    nrows = feat_pad.shape[0]
    return pl.pallas_call(
        _attn_body,
        grid=(nrows // QB2,),
        in_specs=in_specs,
        out_specs=pl.BlockSpec((QB2, COUT), lambda i: (i, 0)),
        out_shape=jax.ShapeDtypeStruct((nrows, COUT), jnp.float32),
    )(gfeat, gpt, feat_pad, pt_pad, *params)


def kernel(point, feat, row_splits, training, Wq, bq, Wk, bk, Wv, bv,
           Wp1, bp1, gp1, bep1, Wp2, bp2, gw1, bew1, Ww1, bw1,
           gw2, bew2, Ww2, bw2):
    pad = NPAD - N
    x2c = jnp.pad(jnp.sum(point * point, axis=1)[None, :],
                  ((0, 0), (0, pad)))
    a_pad = jnp.pad(-2.0 * point, ((0, pad), (0, 5)))
    bt_pad = jnp.pad(point, ((0, pad), (0, 5))).T
    pt_pad = jnp.pad(point, ((0, pad), (0, 125)))
    feat_pad = jnp.pad(feat, ((0, pad), (0, 0)))

    row = lambda v: v.reshape(1, -1)
    pad16 = lambda v: jnp.pad(v, (0, 16 - v.shape[0])).reshape(1, 16)

    nchunks = 2
    cw = NPAD // nchunks
    gfeats, gpts = [], []
    for h in range(nchunks):
        idx_h = _knn_topk(a_pad[h * cw:(h + 1) * cw], bt_pad, x2c)
        g1, g2 = _sc_gather(feat_pad, pt_pad, idx_h.reshape(-1))
        gfeats.append(g1)
        gpts.append(g2)

    Wp1p = jnp.zeros((16, 16), jnp.float32).at[:3, :3].set(Wp1)
    Wp2p = jnp.zeros((16, COUT), jnp.float32).at[:3, :].set(Wp2)
    bmat = (jax.lax.broadcasted_iota(jnp.int32, (16, COUT), 1) % 16
            == jax.lax.broadcasted_iota(jnp.int32, (16, COUT), 0)
            ).astype(jnp.float32)

    params = [Wq, row(bq), Wk, row(bk), Wv, row(bv),
              Wp1p, pad16(bp1), pad16(gp1), pad16(bep1), Wp2p, row(bp2),
              row(gw1), row(bew1), Ww1, row(bw1),
              pad16(gw2), pad16(bew2), Ww2, pad16(bw2), bmat]
    outs = [_attention(gfeats[h], gpts[h], feat_pad[h * cw:(h + 1) * cw],
                       pt_pad[h * cw:(h + 1) * cw], params)
            for h in range(nchunks)]
    return jnp.concatenate(outs, axis=0)[:N]

# --- scband reference (transcript-rebuilt; emitter-appended) ---
"""Pipeline reference for scband-transformer-31817117728961 (READ-ONLY COPY).

The authoritative reference and input builder live on the scoring server;
editing this copy changes nothing except your own understanding.
"""

import jax, jax.numpy as jnp
import numpy as np

N = 10000
CIN = 128
COUT = 128
MID = 128
S = 8
K = 16
EPS = 1e-5


def bn_inf(x, gamma, beta):
    # Keras BatchNormalization at inference with fresh moving stats (mean=0, var=1)
    return gamma * x / jnp.sqrt(1.0 + EPS) + beta


def knn_idx(points, k):
    x2 = jnp.sum(points * points, axis=1)
    d = x2[:, None] + x2[None, :] - 2.0 * (points @ points.T)
    _, idx = jax.lax.top_k(-d, k)
    return idx


def setup_inputs(seed: int = 0):
    key = jax.random.key(seed)
    ks = jax.random.split(key, 16)
    s = 0.05
    inp = {}
    inp['point'] = jax.random.normal(ks[0], (N, 3), dtype=jnp.float32)
    inp['feat'] = jax.random.normal(ks[1], (N, CIN), dtype=jnp.float32)
    inp['row_splits'] = jnp.array([0, N], dtype=jnp.int32)
    inp['training'] = False
    inp['Wq'] = jax.random.normal(ks[2], (CIN, MID), dtype=jnp.float32) * s
    inp['bq'] = jnp.zeros((MID,), jnp.float32)
    inp['Wk'] = jax.random.normal(ks[3], (CIN, MID), dtype=jnp.float32) * s
    inp['bk'] = jnp.zeros((MID,), jnp.float32)
    inp['Wv'] = jax.random.normal(ks[4], (CIN, COUT), dtype=jnp.float32) * s
    inp['bv'] = jnp.zeros((COUT,), jnp.float32)
    inp['Wp1'] = jax.random.normal(ks[5], (3, 3), dtype=jnp.float32) * s
    inp['bp1'] = jnp.zeros((3,), jnp.float32)
    inp['gp1'] = jnp.ones((3,), jnp.float32)
    inp['bep1'] = jnp.zeros((3,), jnp.float32)
    inp['Wp2'] = jax.random.normal(ks[6], (3, COUT), dtype=jnp.float32) * s
    inp['bp2'] = jnp.zeros((COUT,), jnp.float32)
    inp['gw1'] = jnp.ones((MID,), jnp.float32)
    inp['bew1'] = jnp.zeros((MID,), jnp.float32)
    inp['Ww1'] = jax.random.normal(ks[7], (MID, MID // S), dtype=jnp.float32) * s
    inp['bw1'] = jnp.zeros((MID // S,), jnp.float32)
    inp['gw2'] = jnp.ones((MID // S,), jnp.float32)
    inp['bew2'] = jnp.zeros((MID // S,), jnp.float32)
    inp['Ww2'] = jax.random.normal(ks[8], (MID // S, COUT // S), dtype=jnp.float32) * s
    inp['bw2'] = jnp.zeros((COUT // S,), jnp.float32)
    return inp


def reference(point, feat, row_splits, training, Wq, bq, Wk, bk, Wv, bv, Wp1, bp1, gp1, bep1, Wp2, bp2, gw1, bew1, Ww1, bw1, gw2, bew2, Ww2, bw2):
    idx = knn_idx(point, K)  # (N, K) nearest-neighbor indices, single batch
    fq = feat @ Wq + bq
    fk = feat @ Wk + bk
    fv = feat @ Wv + bv
    # queryandgroup with use_xyz=True for k, use_xyz=False for v
    g_xyz = point[idx] - point[:, None, :]          # (N, K, 3)
    g_fk = fk[idx]                                  # (N, K, MID)
    g_fv = fv[idx]                                  # (N, K, COUT)
    # linear_p: Dense(3) -> BN -> ReLU -> Dense(COUT)
    pr = g_xyz @ Wp1 + bp1
    pr = jax.nn.relu(bn_inf(pr, gp1, bep1))
    pr = pr @ Wp2 + bp2                             # (N, K, COUT)
    w = g_fk - fq[:, None, :] + jnp.sum(pr.reshape(-1, K, COUT // MID, MID), axis=2)
    # linear_w: BN -> ReLU -> Dense(MID//S) -> BN -> ReLU -> Dense(COUT//S)
    w = jax.nn.relu(bn_inf(w, gw1, bew1))
    w = w @ Ww1 + bw1
    w = jax.nn.relu(bn_inf(w, gw2, bew2))
    w = w @ Ww2 + bw2                               # (N, K, COUT//S)
    w = jax.nn.softmax(w, axis=1)
    out = jnp.sum((g_fv + pr).reshape(-1, K, S, COUT // S) * w[:, :, None, :], axis=1).reshape(-1, COUT)
    return out

if __name__ == "__main__":
    import jax
    _d = setup_inputs()
    print(jax.jit(kernel)(*tuple(_d.values())))

</pallas_src>

<mosaic_0001>
#map = affine_map<(d0, d1) -> (0, 0)>
module attributes {stable_mosaic.version = 14 : i64} {
  func.func @gather_kernel(%arg0: i32, %arg1: i32, %arg2: memref<10240x128xf32, #tpu.memory_space<hbm>>, %arg3: memref<10240x128xf32, #tpu.memory_space<hbm>>, %arg4: memref<1x81920xi32, #tpu.memory_space<hbm>>, %arg5: memref<81920x128xf32, #tpu.memory_space<hbm>>, %arg6: memref<81920x128xf32, #tpu.memory_space<hbm>>) attributes {dimension_semantics = [#tpu.dimension_semantics<core_parallel>, #tpu.dimension_semantics<subcore_parallel>], iteration_bounds = array<i64: 2, 16>, scalar_prefetch = 0 : i64, scratch_operands = 0 : i64, tpu.core_type = #tpu.core_type<sc_vector_subcore>, window_params = [{transform_indices = #map}, {transform_indices = #map}, {transform_indices = #map}, {transform_indices = #map}, {transform_indices = #map}]} {
    %mul3A = arith.constant 1 : i32
    %mul3A_0 = arith.muli %arg1, %mul3A : i32
    %add3A = arith.constant 0 : i32
    %add3A_1 = arith.addi %add3A, %mul3A_0 : i32
    %mul3A_2 = arith.constant 16 : i32
    %mul3A_3 = arith.muli %arg0, %mul3A_2 : i32
    %add3A_4 = arith.addi %add3A_1, %mul3A_3 : i32
    %mul3A_5 = arith.constant 20 : i32
    %mul3A_6 = arith.muli %add3A_4, %mul3A_5 : i32
    "tpu.region"() ({
      %run_scoped3A = memref.alloca() : memref<2x1x128xi32, #tpu.memory_space<vmem>>
      %run_scoped3A_7 = tpu.sem_alloc : memref<2x!tpu.dma_semaphore, #tpu.memory_space<semaphore_mem>>
      %run_scoped3A_8 = memref.alloca() : memref<2x128x128xf32, #tpu.memory_space<vmem>>
      %run_scoped3A_9 = tpu.sem_alloc : memref<2x!tpu.dma_semaphore, #tpu.memory_space<semaphore_mem>>
      %run_scoped3A_10 = memref.alloca() : memref<2x128x128xf32, #tpu.memory_space<vmem>>
      %run_scoped3A_11 = tpu.sem_alloc : memref<2x!tpu.dma_semaphore, #tpu.memory_space<semaphore_mem>>
      %add3A_12 = arith.constant 0 : i32
      %add3A_13 = arith.addi %add3A_12, %mul3A_6 : i32
      %select_n3A = arith.constant true
      %select_n3A_14 = arith.constant 0 : i32
      %select_n3A_15 = arith.constant -1 : i32
      %select_n3A_16 = arith.select %select_n3A, %select_n3A_15, %select_n3A_14 : i32
      %eq3A = arith.constant -1 : i32
      %eq3A_17 = arith.cmpi eq, %select_n3A_16, %eq3A : i32
      %select_n3A_18 = arith.constant 19 : i32
      %select_n3A_19 = arith.select %eq3A_17, %select_n3A_18, %select_n3A_16 : i32
      %add3A_20 = arith.addi %select_n3A_19, %mul3A_6 : i32
      %select_n3A_21 = arith.constant true
      %select_n3A_22 = arith.constant 0 : i32
      %select_n3A_23 = arith.constant 1 : i32
      %select_n3A_24 = arith.select %select_n3A_21, %select_n3A_23, %select_n3A_22 : i32
      %eq3A_25 = arith.constant 20 : i32
      %eq3A_26 = arith.cmpi eq, %select_n3A_24, %eq3A_25 : i32
      %select_n3A_27 = arith.constant 0 : i32
      %select_n3A_28 = arith.select %eq3A_26, %select_n3A_27, %select_n3A_24 : i32
      %add3A_29 = arith.addi %select_n3A_28, %mul3A_6 : i32
      %add3A_30 = arith.constant 1 : i32
      %add3A_31 = arith.addi %select_n3A_28, %add3A_30 : i32
      %select_n3A_32 = arith.constant true
      %select_n3A_33 = arith.select %select_n3A_32, %add3A_31, %select_n3A_28 : i32
      %eq3A_34 = arith.constant 20 : i32
      %eq3A_35 = arith.cmpi eq, %select_n3A_33, %eq3A_34 : i32
      %select_n3A_36 = arith.constant 0 : i32
      %select_n3A_37 = arith.select %eq3A_35, %select_n3A_36, %select_n3A_33 : i32
      %add3A_38 = arith.addi %select_n3A_37, %mul3A_6 : i32
      "tpu.trace_start"() <{level = 10 : i32, message = "ep_initialize_0"}> : () -> ()
      %rem3A = arith.constant 0 : i32
      %rem3A_39 = arith.constant 2 : i32
      %rem3A_40 = arith.remui %rem3A, %rem3A_39 : i32
      %mul3A_41 = arith.constant 128 : i32
      %mul3A_42 = arith.muli %mul3A_41, %add3A_13 : i32
      %dma_start3A = arith.constant 0 : i32
      %dma_start3A_43 = arith.constant 0 : i32
      %dma_start3A_44 = tpu.memref_slice %run_scoped3A[%rem3A_40, %dma_start3A, %dma_start3A_43] : memref<2x1x128xi32, #tpu.memory_space<vmem>> -> memref<1x1x128xi32, #tpu.memory_space<vmem>>
      %dma_start3A_45 = tpu.memref_squeeze %dma_start3A_44 : memref<1x1x128xi32, #tpu.memory_space<vmem>> -> memref<1x128xi32, #tpu.memory_space<vmem>>
      %dma_start3A_46 = arith.constant 0 : i32
      %dma_start3A_47 = tpu.memref_slice %arg4[%dma_start3A_46, %mul3A_42] : memref<1x81920xi32, #tpu.memory_space<hbm>> -> memref<1x128xi32, #tpu.memory_space<hbm>>
      %dma_start3A_48 = tpu.memref_slice %run_scoped3A_7[%rem3A_40] : memref<2x!tpu.dma_semaphore, #tpu.memory_space<semaphore_mem>> -> memref<1x!tpu.dma_semaphore, #tpu.memory_space<semaphore_mem>>
      %dma_start3A_49 = tpu.memref_squeeze %dma_start3A_48 : memref<1x!tpu.dma_semaphore, #tpu.memory_space<semaphore_mem>> -> memref<!tpu.dma_semaphore, #tpu.memory_space<semaphore_mem>>
      %dma_start3A_50 = arith.constant 0 : i32
      %dma_start3A_51 = arith.constant 0 : i32
      %dma_start3A_52 = tpu.memref_slice %run_scoped3A[%rem3A_40, %dma_start3A_50, %dma_start3A_51] : memref<2x1x128xi32, #tpu.memory_space<vmem>> -> memref<1x1x128xi32, #tpu.memory_space<vmem>>
      %dma_start3A_53 = tpu.memref_squeeze %dma_start3A_52 : memref<1x1x128xi32, #tpu.memory_space<vmem>> -> memref<1x128xi32, #tpu.memory_space<vmem>>
      %dma_start3A_54 = arith.constant 0 : i32
      %dma_start3A_55 = tpu.memref_slice %arg4[%dma_start3A_54, %mul3A_42] : memref<1x81920xi32, #tpu.memory_space<hbm>> -> memref<1x128xi32, #tpu.memory_space<hbm>>
      tpu.enqueue_dma source(%dma_start3A_55 : memref<1x128xi32, #tpu.memory_space<hbm>>) target(%dma_start3A_53 : memref<1x128xi32, #tpu.memory_space<vmem>>) target_semaphore(%dma_start3A_49 : memref<!tpu.dma_semaphore, #tpu.memory_space<semaphore_mem>>)
      %add3A_56 = arith.constant 0 : i32
      %add3A_57 = arith.constant 1 : i32
      %add3A_58 = arith.addi %add3A_56, %add3A_57 : i32
      %select_n3A_59 = arith.constant true
      %select_n3A_60 = arith.constant 0 : i32
      %select_n3A_61 = arith.select %select_n3A_59, %add3A_58, %select_n3A_60 : i32
      "tpu.trace_stop"() : () -> ()
      %scan3A = arith.constant 0 : i32
      %scan3A_62 = arith.constant 0 : i32
      %scan3A_63 = arith.constant 0 : i32
      %scan3A_64 = arith.constant 0 : i32
      %scan3A_65 = arith.constant 0 : i32
      %scan3A_66 = arith.constant 0 : i32
      %scan3A_67 = arith.constant 0 : i32
      %scan3A_68 = arith.constant 20 : i32
      %scan3A_69 = arith.addi %scan3A_67, %scan3A_68 : i32
      %scan3A_70 = arith.constant 1 : i32
      %scan3A_71:7 = scf.for %scan3A_143 = %scan3A_67 to %scan3A_69 step %scan3A_70 iter_args(%scan3A_144 = %select_n3A_61, %scan3A_145 = %scan3A, %scan3A_146 = %scan3A_62, %scan3A_147 = %scan3A_63, %scan3A_148 = %scan3A_64, %scan3A_149 = %scan3A_65, %scan3A_150 = %scan3A_66) -> (i32, i32, i32, i32, i32, i32, i32)  : i32 {
        %eq3A_151 = arith.constant 0 : i32
        %eq3A_152 = arith.cmpi eq, %scan3A_143, %eq3A_151 : i32
        %eq3A_153 = arith.constant 19 : i32
        %eq3A_154 = arith.cmpi eq, %scan3A_143, %eq3A_153 : i32
        %add3A_155 = arith.addi %scan3A_150, %mul3A_6 : i32
        %sub3A_156 = arith.constant 1 : i32
        %sub3A_157 = arith.subi %scan3A_150, %sub3A_156 : i32
        %select_n3A_158 = arith.constant true
        %select_n3A_159 = arith.select %select_n3A_158, %sub3A_157, %scan3A_150 : i32
        %eq3A_160 = arith.constant -1 : i32
        %eq3A_161 = arith.cmpi eq, %select_n3A_159, %eq3A_160 : i32
        %select_n3A_162 = arith.constant 19 : i32
        %select_n3A_163 = arith.select %eq3A_161, %select_n3A_162, %select_n3A_159 : i32
        %add3A_164 = arith.addi %select_n3A_163, %mul3A_6 : i32
        %add3A_165 = arith.constant 1 : i32
        %add3A_166 = arith.addi %scan3A_150, %add3A_165 : i32
        %select_n3A_167 = arith.constant true
        %select_n3A_168 = arith.select %select_n3A_167, %add3A_166, %scan3A_150 : i32
        %eq3A_169 = arith.constant 20 : i32
        %eq3A_170 = arith.cmpi eq, %select_n3A_168, %eq3A_169 : i32
        %select_n3A_171 = arith.constant 0 : i32
        %select_n3A_172 = arith.select %eq3A_170, %select_n3A_171, %select_n3A_168 : i32
        %add3A_173 = arith.addi %select_n3A_172, %mul3A_6 : i32
        %add3A_174 = arith.constant 1 : i32
        %add3A_175 = arith.addi %select_n3A_172, %add3A_174 : i32
        %select_n3A_176 = arith.constant true
        %select_n3A_177 = arith.select %select_n3A_176, %add3A_175, %select_n3A_172 : i32
        %eq3A_178 = arith.constant 20 : i32
        %eq3A_179 = arith.cmpi eq, %select_n3A_177, %eq3A_178 : i32
        %select_n3A_180 = arith.constant 0 : i32
        %select_n3A_181 = arith.select %eq3A_179, %select_n3A_180, %select_n3A_177 : i32
        %add3A_182 = arith.addi %select_n3A_181, %mul3A_6 : i32
        %ne3A = arith.cmpi ne, %add3A_155, %add3A_173 : i32
        %or3A = arith.constant false
        %or3A_183 = arith.ori %or3A, %ne3A : i1
        %ge3A = arith.constant 19 : i32
        %ge3A_184 = arith.cmpi sge, %scan3A_143, %ge3A : i32
        %not3A = arith.constant true
        %not3A_185 = arith.xori %ge3A_184, %not3A : i1
        %and3A = arith.andi %or3A_183, %not3A_185 : i1
        %convert_element_type3A = arith.extui %and3A : i1 to i32
        %cond3A = arith.constant 0 : i32
        %cond3A_186 = arith.cmpi ne, %convert_element_type3A, %cond3A : i32
        scf.if %cond3A_186 {
          "tpu.trace_start"() <{level = 10 : i32, message = "ep_copy_in"}> : () -> ()
          %rem3A_340 = arith.constant 2 : i32
          %rem3A_341 = arith.remui %scan3A_144, %rem3A_340 : i32
          %mul3A_342 = arith.constant 128 : i32
          %mul3A_343 = arith.muli %mul3A_342, %add3A_173 : i32
          %dma_start3A_344 = arith.constant 0 : i32
          %dma_start3A_345 = arith.constant 0 : i32
          %dma_start3A_346 = tpu.memref_slice %run_scoped3A[%rem3A_341, %dma_start3A_344, %dma_start3A_345] : memref<2x1x128xi32, #tpu.memory_space<vmem>> -> memref<1x1x128xi32, #tpu.memory_space<vmem>>
          %dma_start3A_347 = tpu.memref_squeeze %dma_start3A_346 : memref<1x1x128xi32, #tpu.memory_space<vmem>> -> memref<1x128xi32, #tpu.memory_space<vmem>>
          %dma_start3A_348 = arith.constant 0 : i32
          %dma_start3A_349 = tpu.memref_slice %arg4[%dma_start3A_348, %mul3A_343] : memref<1x81920xi32, #tpu.memory_space<hbm>> -> memref<1x128xi32, #tpu.memory_space<hbm>>
          %dma_start3A_350 = tpu.memref_slice %run_scoped3A_7[%rem3A_341] : memref<2x!tpu.dma_semaphore, #tpu.memory_space<semaphore_mem>> -> memref<1x!tpu.dma_semaphore, #tpu.memory_space<semaphore_mem>>
          %dma_start3A_351 = tpu.memref_squeeze %dma_start3A_350 : memref<1x!tpu.dma_semaphore, #tpu.memory_space<semaphore_mem>> -> memref<!tpu.dma_semaphore, #tpu.memory_space<semaphore_mem>>
          %dma_start3A_352 = arith.constant 0 : i32
          %dma_start3A_353 = arith.constant 0 : i32
          %dma_start3A_354 = tpu.memref_slice %run_scoped3A[%rem3A_341, %dma_start3A_352, %dma_start3A_353] : memref<2x1x128xi32, #tpu.memory_space<vmem>> -> memref<1x1x128xi32, #tpu.memory_space<vmem>>
          %dma_start3A_355 = tpu.memref_squeeze %dma_start3A_354 : memref<1x1x128xi32, #tpu.memory_space<vmem>> -> memref<1x128xi32, #tpu.memory_space<vmem>>
          %dma_start3A_356 = arith.constant 0 : i32
          %dma_start3A_357 = tpu.memref_slice %arg4[%dma_start3A_356, %mul3A_343] : memref<1x81920xi32, #tpu.memory_space<hbm>> -> memref<1x128xi32, #tpu.memory_space<hbm>>
          tpu.enqueue_dma source(%dma_start3A_357 : memref<1x128xi32, #tpu.memory_space<hbm>>) target(%dma_start3A_355 : memref<1x128xi32, #tpu.memory_space<vmem>>) target_semaphore(%dma_start3A_351 : memref<!tpu.dma_semaphore, #tpu.memory_space<semaphore_mem>>)
          "tpu.trace_stop"() : () -> ()
        } else {
        }
        %and3A_187 = arith.constant true
        %and3A_188 = arith.andi %and3A, %and3A_187 : i1
        %add3A_189 = arith.constant 1 : i32
        %add3A_190 = arith.addi %scan3A_144, %add3A_189 : i32
        %select_n3A_191 = arith.select %and3A_188, %add3A_190, %scan3A_144 : i32
        %ne3A_192 = arith.cmpi ne, %add3A_155, %add3A_173 : i32
        %or3A_193 = arith.constant false
        %or3A_194 = arith.ori %or3A_193, %ne3A_192 : i1
        %or3A_195 = arith.constant false
        %or3A_196 = arith.ori %or3A_194, %or3A_195 : i1
        %ge3A_197 = arith.constant 19 : i32
        %ge3A_198 = arith.cmpi sge, %scan3A_143, %ge3A_197 : i32
        %not3A_199 = arith.constant true
        %not3A_200 = arith.xori %ge3A_198, %not3A_199 : i1
        %and3A_201 = arith.andi %or3A_196, %not3A_200 : i1
        %ne3A_202 = arith.cmpi ne, %add3A_155, %add3A_173 : i32
        %or3A_203 = arith.constant false
        %or3A_204 = arith.ori %or3A_203, %ne3A_202 : i1
        %or3A_205 = arith.constant false
        %or3A_206 = arith.ori %or3A_204, %or3A_205 : i1
        %ge3A_207 = arith.constant 19 : i32
        %ge3A_208 = arith.cmpi sge, %scan3A_143, %ge3A_207 : i32
        %not3A_209 = arith.constant true
        %not3A_210 = arith.xori %ge3A_208, %not3A_209 : i1
        %and3A_211 = arith.andi %or3A_206, %not3A_210 : i1
        %ne3A_212 = arith.cmpi ne, %add3A_155, %add3A_164 : i32
        %or3A_213 = arith.constant false
        %or3A_214 = arith.ori %or3A_213, %ne3A_212 : i1
        %or3A_215 = arith.ori %or3A_214, %eq3A_152 : i1
        %convert_element_type3A_216 = arith.extui %or3A_215 : i1 to i32
        %cond3A_217 = arith.constant 0 : i32
        %cond3A_218 = arith.cmpi ne, %convert_element_type3A_216, %cond3A_217 : i32
        scf.if %cond3A_218 {
          "tpu.trace_start"() <{level = 10 : i32, message = "ep_wait_in"}> : () -> ()
          %mul3A_340 = arith.constant 128 : i32
          %mul3A_341 = arith.muli %mul3A_340, %add3A_155 : i32
          %rem3A_342 = arith.constant 2 : i32
          %rem3A_343 = arith.remui %scan3A_145, %rem3A_342 : i32
          %dma_wait3A_344 = arith.constant 0 : i32
          %dma_wait3A_345 = arith.constant 0 : i32
          %dma_wait3A_346 = tpu.memref_slice %run_scoped3A[%rem3A_343, %dma_wait3A_344, %dma_wait3A_345] : memref<2x1x128xi32, #tpu.memory_space<vmem>> -> memref<1x1x128xi32, #tpu.memory_space<vmem>>
          %dma_wait3A_347 = tpu.memref_squeeze %dma_wait3A_346 : memref<1x1x128xi32, #tpu.memory_space<vmem>> -> memref<1x128xi32, #tpu.memory_space<vmem>>
          %dma_wait3A_348 = arith.constant 0 : i32
          %dma_wait3A_349 = tpu.memref_slice %arg4[%dma_wait3A_348, %mul3A_341] : memref<1x81920xi32, #tpu.memory_space<hbm>> -> memref<1x128xi32, #tpu.memory_space<hbm>>
          %dma_wait3A_350 = tpu.memref_slice %run_scoped3A_7[%rem3A_343] : memref<2x!tpu.dma_semaphore, #tpu.memory_space<semaphore_mem>> -> memref<1x!tpu.dma_semaphore, #tpu.memory_space<semaphore_mem>>
          %dma_wait3A_351 = tpu.memref_squeeze %dma_wait3A_350 : memref<1x!tpu.dma_semaphore, #tpu.memory_space<semaphore_mem>> -> memref<!tpu.dma_semaphore, #tpu.memory_space<semaphore_mem>>
          %dma_wait3A_352 = arith.constant 0 : i32
          %dma_wait3A_353 = arith.constant 0 : i32
          %dma_wait3A_354 = tpu.memref_slice %run_scoped3A[%rem3A_343, %dma_wait3A_352, %dma_wait3A_353] : memref<2x1x128xi32, #tpu.memory_space<vmem>> -> memref<1x1x128xi32, #tpu.memory_space<vmem>>
          %dma_wait3A_355 = tpu.memref_squeeze %dma_wait3A_354 : memref<1x1x128xi32, #tpu.memory_space<vmem>> -> memref<1x128xi32, #tpu.memory_space<vmem>>
          %dma_wait3A_356 = arith.constant 0 : i32
          %dma_wait3A_357 = tpu.memref_slice %arg4[%dma_wait3A_356, %mul3A_341] : memref<1x81920xi32, #tpu.memory_space<hbm>> -> memref<1x128xi32, #tpu.memory_space<hbm>>
          tpu.wait_dma2 semaphore(%dma_wait3A_351 : memref<!tpu.dma_semaphore, #tpu.memory_space<semaphore_mem>>) src(%dma_wait3A_357 : memref<1x128xi32, #tpu.memory_space<hbm>>) dst(%dma_wait3A_355 : memref<1x128xi32, #tpu.memory_space<vmem>>)
          "tpu.trace_stop"() : () -> ()
        } else {
        }
        %ne3A_219 = arith.cmpi ne, %add3A_155, %add3A_164 : i32
        %or3A_220 = arith.constant false
        %or3A_221 = arith.ori %or3A_220, %ne3A_219 : i1
        %or3A_222 = arith.constant false
        %or3A_223 = arith.ori %or3A_221, %or3A_222 : i1
        %or3A_224 = arith.ori %or3A_223, %eq3A_152 : i1
        %convert_element_type3A_225 = arith.extui %or3A_224 : i1 to i32
        %cond3A_226 = arith.constant 0 : i32
        %cond3A_227 = arith.cmpi ne, %convert_element_type3A_225, %cond3A_226 : i32
        scf.if %cond3A_227 {
        } else {
        }
        %ne3A_228 = arith.cmpi ne, %add3A_155, %add3A_164 : i32
        %or3A_229 = arith.constant false
        %or3A_230 = arith.ori %or3A_229, %ne3A_228 : i1
        %or3A_231 = arith.constant false
        %or3A_232 = arith.ori %or3A_230, %or3A_231 : i1
        %or3A_233 = arith.ori %or3A_232, %eq3A_152 : i1
        %convert_element_type3A_234 = arith.extui %or3A_233 : i1 to i32
        %cond3A_235 = arith.constant 0 : i32
        %cond3A_236 = arith.cmpi ne, %convert_element_type3A_234, %cond3A_235 : i32
        scf.if %cond3A_236 {
        } else {
        }
        %rem3A_237 = arith.constant 2 : i32
        %rem3A_238 = arith.remui %scan3A_145, %rem3A_237 : i32
        %rem3A_239 = arith.constant 2 : i32
        %rem3A_240 = arith.remui %scan3A_146, %rem3A_239 : i32
        %rem3A_241 = arith.constant 2 : i32
        %rem3A_242 = arith.remui %scan3A_148, %rem3A_241 : i32
        %run_scoped3A_243 = arith.constant 0 : i32
        "tpu.trace_start"() <{level = 10 : i32, message = "ep_run_kernel"}> : () -> ()
        "tpu.region"() ({
          %run_scoped3A_340 = tpu.sem_alloc : memref<!tpu.dma_semaphore, #tpu.memory_space<semaphore_mem>>
          %dma_start3A_341 = arith.constant 0 : i32
          %dma_start3A_342 = arith.constant 0 : i32
          %dma_start3A_343 = tpu.memref_slice %run_scoped3A_8[%rem3A_240, %dma_start3A_341, %dma_start3A_342] : memref<2x128x128xf32, #tpu.memory_space<vmem>> -> memref<1x128x128xf32, #tpu.memory_space<vmem>>
          %dma_start3A_344 = tpu.memref_squeeze %dma_start3A_343 : memref<1x128x128xf32, #tpu.memory_space<vmem>> -> memref<128x128xf32, #tpu.memory_space<vmem>>
          %dma_start3A_345 = arith.constant 0 : i32
          %dma_start3A_346 = arith.constant 0 : i32
          %dma_start3A_347 = tpu.memref_slice %run_scoped3A[%rem3A_238, %dma_start3A_345, %dma_start3A_346] : memref<2x1x128xi32, #tpu.memory_space<vmem>> -> memref<1x1x128xi32, #tpu.memory_space<vmem>>
          %dma_start3A_348 = tpu.memref_squeeze %dma_start3A_347 : memref<1x1x128xi32, #tpu.memory_space<vmem>> -> memref<1x128xi32, #tpu.memory_space<vmem>>
          %dma_start3A_349 = arith.constant 0 : i32
          %dma_start3A_350 = tpu.memref_slice %dma_start3A_348[%run_scoped3A_243, %dma_start3A_349] : memref<1x128xi32, #tpu.memory_space<vmem>> -> memref<1x128xi32, #tpu.memory_space<vmem>>
          %dma_start3A_351 = tpu.memref_squeeze %dma_start3A_350 : memref<1x128xi32, #tpu.memory_space<vmem>> -> memref<128xi32, #tpu.memory_space<vmem>>
          %dma_start3A_352 = arith.constant 0 : i32
          %dma_start3A_353 = arith.constant 0 : i32
          %dma_start3A_354 = tpu.memref_slice %arg2[%dma_start3A_352, %dma_start3A_353] : memref<10240x128xf32, #tpu.memory_space<hbm>> -> memref<10240x128xf32, #tpu.memory_space<hbm>>
          tpu.enqueue_indirect_dma source(%dma_start3A_354 : memref<10240x128xf32, #tpu.memory_space<hbm>>) target(%dma_start3A_344 : memref<128x128xf32, #tpu.memory_space<vmem>>) offsets(%dma_start3A_351 : memref<128xi32, #tpu.memory_space<vmem>>) semaphore(%run_scoped3A_340 : memref<!tpu.dma_semaphore, #tpu.memory_space<semaphore_mem>>)
          %dma_wait3A_355 = arith.constant 0 : i32
          %dma_wait3A_356 = arith.constant 0 : i32
          %dma_wait3A_357 = tpu.memref_slice %run_scoped3A_8[%rem3A_240, %dma_wait3A_355, %dma_wait3A_356] : memref<2x128x128xf32, #tpu.memory_space<vmem>> -> memref<1x128x128xf32, #tpu.memory_space<vmem>>
          %dma_wait3A_358 = tpu.memref_squeeze %dma_wait3A_357 : memref<1x128x128xf32, #tpu.memory_space<vmem>> -> memref<128x128xf32, #tpu.memory_space<vmem>>
          %dma_wait3A_359 = arith.constant 0 : i32
          %dma_wait3A_360 = arith.constant 0 : i32
          %dma_wait3A_361 = tpu.memref_slice %run_scoped3A[%rem3A_238, %dma_wait3A_359, %dma_wait3A_360] : memref<2x1x128xi32, #tpu.memory_space<vmem>> -> memref<1x1x128xi32, #tpu.memory_space<vmem>>
          %dma_wait3A_362 = tpu.memref_squeeze %dma_wait3A_361 : memref<1x1x128xi32, #tpu.memory_space<vmem>> -> memref<1x128xi32, #tpu.memory_space<vmem>>
          %dma_wait3A_363 = arith.constant 0 : i32
          %dma_wait3A_364 = tpu.memref_slice %dma_wait3A_362[%run_scoped3A_243, %dma_wait3A_363] : memref<1x128xi32, #tpu.memory_space<vmem>> -> memref<1x128xi32, #tpu.memory_space<vmem>>
          %dma_wait3A_365 = tpu.memref_squeeze %dma_wait3A_364 : memref<1x128xi32, #tpu.memory_space<vmem>> -> memref<128xi32, #tpu.memory_space<vmem>>
          %dma_wait3A_366 = arith.constant 0 : i32
          %dma_wait3A_367 = arith.constant 0 : i32
          %dma_wait3A_368 = tpu.memref_slice %arg2[%dma_wait3A_366, %dma_wait3A_367] : memref<10240x128xf32, #tpu.memory_space<hbm>> -> memref<10240x128xf32, #tpu.memory_space<hbm>>
          tpu.wait_indirect_dma semaphore(%run_scoped3A_340 : memref<!tpu.dma_semaphore, #tpu.memory_space<semaphore_mem>>) src(%dma_wait3A_368 : memref<10240x128xf32, #tpu.memory_space<hbm>>) dst(%dma_wait3A_358 : memref<128x128xf32, #tpu.memory_space<vmem>>)
          tpu.yield
        }) : () -> ()
        %run_scoped3A_244 = arith.constant 0 : i32
        "tpu.region"() ({
          %run_scoped3A_340 = tpu.sem_alloc : memref<!tpu.dma_semaphore, #tpu.memory_space<semaphore_mem>>
          %dma_start3A_341 = arith.constant 0 : i32
          %dma_start3A_342 = arith.constant 0 : i32
          %dma_start3A_343 = tpu.memref_slice %run_scoped3A_10[%rem3A_242, %dma_start3A_341, %dma_start3A_342] : memref<2x128x128xf32, #tpu.memory_space<vmem>> -> memref<1x128x128xf32, #tpu.memory_space<vmem>>
          %dma_start3A_344 = tpu.memref_squeeze %dma_start3A_343 : memref<1x128x128xf32, #tpu.memory_space<vmem>> -> memref<128x128xf32, #tpu.memory_space<vmem>>
          %dma_start3A_345 = arith.constant 0 : i32
          %dma_start3A_346 = arith.constant 0 : i32
          %dma_start3A_347 = tpu.memref_slice %run_scoped3A[%rem3A_238, %dma_start3A_345, %dma_start3A_346] : memref<2x1x128xi32, #tpu.memory_space<vmem>> -> memref<1x1x128xi32, #tpu.memory_space<vmem>>
          %dma_start3A_348 = tpu.memref_squeeze %dma_start3A_347 : memref<1x1x128xi32, #tpu.memory_space<vmem>> -> memref<1x128xi32, #tpu.memory_space<vmem>>
          %dma_start3A_349 = arith.constant 0 : i32
          %dma_start3A_350 = tpu.memref_slice %dma_start3A_348[%run_scoped3A_244, %dma_start3A_349] : memref<1x128xi32, #tpu.memory_space<vmem>> -> memref<1x128xi32, #tpu.memory_space<vmem>>
          %dma_start3A_351 = tpu.memref_squeeze %dma_start3A_350 : memref<1x128xi32, #tpu.memory_space<vmem>> -> memref<128xi32, #tpu.memory_space<vmem>>
          %dma_start3A_352 = arith.constant 0 : i32
          %dma_start3A_353 = arith.constant 0 : i32
          %dma_start3A_354 = tpu.memref_slice %arg3[%dma_start3A_352, %dma_start3A_353] : memref<10240x128xf32, #tpu.memory_space<hbm>> -> memref<10240x128xf32, #tpu.memory_space<hbm>>
          tpu.enqueue_indirect_dma source(%dma_start3A_354 : memref<10240x128xf32, #tpu.memory_space<hbm>>) target(%dma_start3A_344 : memref<128x128xf32, #tpu.memory_space<vmem>>) offsets(%dma_start3A_351 : memref<128xi32, #tpu.memory_space<vmem>>) semaphore(%run_scoped3A_340 : memref<!tpu.dma_semaphore, #tpu.memory_space<semaphore_mem>>)
          %dma_wait3A_355 = arith.constant 0 : i32
          %dma_wait3A_356 = arith.constant 0 : i32
          %dma_wait3A_357 = tpu.memref_slice %run_scoped3A_10[%rem3A_242, %dma_wait3A_355, %dma_wait3A_356] : memref<2x128x128xf32, #tpu.memory_space<vmem>> -> memref<1x128x128xf32, #tpu.memory_space<vmem>>
          %dma_wait3A_358 = tpu.memref_squeeze %dma_wait3A_357 : memref<1x128x128xf32, #tpu.memory_space<vmem>> -> memref<128x128xf32, #tpu.memory_space<vmem>>
          %dma_wait3A_359 = arith.constant 0 : i32
          %dma_wait3A_360 = arith.constant 0 : i32
          %dma_wait3A_361 = tpu.memref_slice %run_scoped3A[%rem3A_238, %dma_wait3A_359, %dma_wait3A_360] : memref<2x1x128xi32, #tpu.memory_space<vmem>> -> memref<1x1x128xi32, #tpu.memory_space<vmem>>
          %dma_wait3A_362 = tpu.memref_squeeze %dma_wait3A_361 : memref<1x1x128xi32, #tpu.memory_space<vmem>> -> memref<1x128xi32, #tpu.memory_space<vmem>>
          %dma_wait3A_363 = arith.constant 0 : i32
          %dma_wait3A_364 = tpu.memref_slice %dma_wait3A_362[%run_scoped3A_244, %dma_wait3A_363] : memref<1x128xi32, #tpu.memory_space<vmem>> -> memref<1x128xi32, #tpu.memory_space<vmem>>
          %dma_wait3A_365 = tpu.memref_squeeze %dma_wait3A_364 : memref<1x128xi32, #tpu.memory_space<vmem>> -> memref<128xi32, #tpu.memory_space<vmem>>
          %dma_wait3A_366 = arith.constant 0 : i32
          %dma_wait3A_367 = arith.constant 0 : i32
          %dma_wait3A_368 = tpu.memref_slice %arg3[%dma_wait3A_366, %dma_wait3A_367] : memref<10240x128xf32, #tpu.memory_space<hbm>> -> memref<10240x128xf32, #tpu.memory_space<hbm>>
          tpu.wait_indirect_dma semaphore(%run_scoped3A_340 : memref<!tpu.dma_semaphore, #tpu.memory_space<semaphore_mem>>) src(%dma_wait3A_368 : memref<10240x128xf32, #tpu.memory_space<hbm>>) dst(%dma_wait3A_358 : memref<128x128xf32, #tpu.memory_space<vmem>>)
          tpu.yield
        }) : () -> ()
        "tpu.trace_stop"() : () -> ()
        %ne3A_245 = arith.cmpi ne, %add3A_155, %add3A_173 : i32
        %or3A_246 = arith.constant false
        %or3A_247 = arith.ori %or3A_246, %ne3A_245 : i1
        %or3A_248 = arith.ori %or3A_247, %eq3A_154 : i1
        %convert_element_type3A_249 = arith.extui %or3A_248 : i1 to i32
        %cond3A_250 = arith.constant 0 : i32
        %cond3A_251 = arith.cmpi ne, %convert_element_type3A_249, %cond3A_250 : i32
        scf.if %cond3A_251 {
        } else {
        }
        %and3A_252 = arith.constant false
        %and3A_253 = arith.andi %or3A_248, %and3A_252 : i1
        %ne3A_254 = arith.cmpi ne, %add3A_155, %add3A_173 : i32
        %or3A_255 = arith.constant false
        %or3A_256 = arith.ori %or3A_255, %ne3A_254 : i1
        %or3A_257 = arith.constant false
        %or3A_258 = arith.ori %or3A_256, %or3A_257 : i1
        %or3A_259 = arith.ori %or3A_258, %eq3A_154 : i1
        %convert_element_type3A_260 = arith.extui %or3A_259 : i1 to i32
        %cond3A_261 = arith.constant 0 : i32
        %cond3A_262 = arith.cmpi ne, %convert_element_type3A_260, %cond3A_261 : i32
        scf.if %cond3A_262 {
          "tpu.trace_start"() <{level = 10 : i32, message = "ep_copy_out"}> : () -> ()
          %rem3A_340 = arith.constant 2 : i32
          %rem3A_341 = arith.remui %scan3A_146, %rem3A_340 : i32
          %mul3A_342 = arith.constant 128 : i32
          %mul3A_343 = arith.muli %mul3A_342, %add3A_155 : i32
          %dma_start3A_344 = arith.constant 0 : i32
          %dma_start3A_345 = arith.constant 0 : i32
          %dma_start3A_346 = tpu.memref_slice %run_scoped3A_8[%rem3A_341, %dma_start3A_344, %dma_start3A_345] : memref<2x128x128xf32, #tpu.memory_space<vmem>> -> memref<1x128x128xf32, #tpu.memory_space<vmem>>
          %dma_start3A_347 = tpu.memref_squeeze %dma_start3A_346 : memref<1x128x128xf32, #tpu.memory_space<vmem>> -> memref<128x128xf32, #tpu.memory_space<vmem>>
          %dma_start3A_348 = arith.constant 0 : i32
          %dma_start3A_349 = tpu.memref_slice %arg5[%mul3A_343, %dma_start3A_348] : memref<81920x128xf32, #tpu.memory_space<hbm>> -> memref<128x128xf32, #tpu.memory_space<hbm>>
          %dma_start3A_350 = tpu.memref_slice %run_scoped3A_9[%rem3A_341] : memref<2x!tpu.dma_semaphore, #tpu.memory_space<semaphore_mem>> -> memref<1x!tpu.dma_semaphore, #tpu.memory_space<semaphore_mem>>
          %dma_start3A_351 = tpu.memref_squeeze %dma_start3A_350 : memref<1x!tpu.dma_semaphore, #tpu.memory_space<semaphore_mem>> -> memref<!tpu.dma_semaphore, #tpu.memory_space<semaphore_mem>>
          %dma_start3A_352 = arith.constant 0 : i32
          %dma_start3A_353 = tpu.memref_slice %arg5[%mul3A_343, %dma_start3A_352] : memref<81920x128xf32, #tpu.memory_space<hbm>> -> memref<128x128xf32, #tpu.memory_space<hbm>>
          %dma_start3A_354 = arith.constant 0 : i32
          %dma_start3A_355 = arith.constant 0 : i32
          %dma_start3A_356 = tpu.memref_slice %run_scoped3A_8[%rem3A_341, %dma_start3A_354, %dma_start3A_355] : memref<2x128x128xf32, #tpu.memory_space<vmem>> -> memref<1x128x128xf32, #tpu.memory_space<vmem>>
          %dma_start3A_357 = tpu.memref_squeeze %dma_start3A_356 : memref<1x128x128xf32, #tpu.memory_space<vmem>> -> memref<128x128xf32, #tpu.memory_space<vmem>>
          tpu.enqueue_dma source(%dma_start3A_357 : memref<128x128xf32, #tpu.memory_space<vmem>>) target(%dma_start3A_353 : memref<128x128xf32, #tpu.memory_space<hbm>>) target_semaphore(%dma_start3A_351 : memref<!tpu.dma_semaphore, #tpu.memory_space<semaphore_mem>>)
          "tpu.trace_stop"() : () -> ()
        } else {
        }
        %and3A_263 = arith.constant true
        %and3A_264 = arith.andi %or3A_259, %and3A_263 : i1
        %add3A_265 = arith.constant 1 : i32
        %add3A_266 = arith.addi %scan3A_146, %add3A_265 : i32
        %select_n3A_267 = arith.select %and3A_264, %add3A_266, %scan3A_146 : i32
        %ne3A_268 = arith.cmpi ne, %add3A_155, %add3A_173 : i32
        %or3A_269 = arith.constant false
        %or3A_270 = arith.ori %or3A_269, %ne3A_268 : i1
        %or3A_271 = arith.constant false
        %or3A_272 = arith.ori %or3A_270, %or3A_271 : i1
        %or3A_273 = arith.ori %or3A_272, %eq3A_154 : i1
        %convert_element_type3A_274 = arith.extui %or3A_273 : i1 to i32
        %cond3A_275 = arith.constant 0 : i32
        %cond3A_276 = arith.cmpi ne, %convert_element_type3A_274, %cond3A_275 : i32
        scf.if %cond3A_276 {
          "tpu.trace_start"() <{level = 10 : i32, message = "ep_copy_out"}> : () -> ()
          %rem3A_340 = arith.constant 2 : i32
          %rem3A_341 = arith.remui %scan3A_148, %rem3A_340 : i32
          %mul3A_342 = arith.constant 128 : i32
          %mul3A_343 = arith.muli %mul3A_342, %add3A_155 : i32
          %dma_start3A_344 = arith.constant 0 : i32
          %dma_start3A_345 = arith.constant 0 : i32
          %dma_start3A_346 = tpu.memref_slice %run_scoped3A_10[%rem3A_341, %dma_start3A_344, %dma_start3A_345] : memref<2x128x128xf32, #tpu.memory_space<vmem>> -> memref<1x128x128xf32, #tpu.memory_space<vmem>>
          %dma_start3A_347 = tpu.memref_squeeze %dma_start3A_346 : memref<1x128x128xf32, #tpu.memory_space<vmem>> -> memref<128x128xf32, #tpu.memory_space<vmem>>
          %dma_start3A_348 = arith.constant 0 : i32
          %dma_start3A_349 = tpu.memref_slice %arg6[%mul3A_343, %dma_start3A_348] : memref<81920x128xf32, #tpu.memory_space<hbm>> -> memref<128x128xf32, #tpu.memory_space<hbm>>
          %dma_start3A_350 = tpu.memref_slice %run_scoped3A_11[%rem3A_341] : memref<2x!tpu.dma_semaphore, #tpu.memory_space<semaphore_mem>> -> memref<1x!tpu.dma_semaphore, #tpu.memory_space<semaphore_mem>>
          %dma_start3A_351 = tpu.memref_squeeze %dma_start3A_350 : memref<1x!tpu.dma_semaphore, #tpu.memory_space<semaphore_mem>> -> memref<!tpu.dma_semaphore, #tpu.memory_space<semaphore_mem>>
          %dma_start3A_352 = arith.constant 0 : i32
          %dma_start3A_353 = tpu.memref_slice %arg6[%mul3A_343, %dma_start3A_352] : memref<81920x128xf32, #tpu.memory_space<hbm>> -> memref<128x128xf32, #tpu.memory_space<hbm>>
          %dma_start3A_354 = arith.constant 0 : i32
          %dma_start3A_355 = arith.constant 0 : i32
          %dma_start3A_356 = tpu.memref_slice %run_scoped3A_10[%rem3A_341, %dma_start3A_354, %dma_start3A_355] : memref<2x128x128xf32, #tpu.memory_space<vmem>> -> memref<1x128x128xf32, #tpu.memory_space<vmem>>
          %dma_start3A_357 = tpu.memref_squeeze %dma_start3A_356 : memref<1x128x128xf32, #tpu.memory_space<vmem>> -> memref<128x128xf32, #tpu.memory_space<vmem>>
          tpu.enqueue_dma source(%dma_start3A_357 : memref<128x128xf32, #tpu.memory_space<vmem>>) target(%dma_start3A_353 : memref<128x128xf32, #tpu.memory_space<hbm>>) target_semaphore(%dma_start3A_351 : memref<!tpu.dma_semaphore, #tpu.memory_space<semaphore_mem>>)
          "tpu.trace_stop"() : () -> ()
        } else {
        }
        %and3A_277 = arith.constant true
        %and3A_278 = arith.andi %or3A_273, %and3A_277 : i1
        %add3A_279 = arith.constant 1 : i32
        %add3A_280 = arith.addi %scan3A_148, %add3A_279 : i32
        %select_n3A_281 = arith.select %and3A_278, %add3A_280, %scan3A_148 : i32
        %ne3A_282 = arith.cmpi ne, %add3A_155, %add3A_164 : i32
        %or3A_283 = arith.constant false
        %or3A_284 = arith.ori %or3A_283, %ne3A_282 : i1
        %not3A_285 = arith.constant true
        %not3A_286 = arith.xori %eq3A_152, %not3A_285 : i1
        %and3A_287 = arith.andi %or3A_284, %not3A_286 : i1
        %convert_element_type3A_288 = arith.extui %and3A_287 : i1 to i32
        %cond3A_289 = arith.constant 0 : i32
        %cond3A_290 = arith.cmpi ne, %convert_element_type3A_288, %cond3A_289 : i32
        scf.if %cond3A_290 {
        } else {
        }
        %and3A_291 = arith.constant false
        %and3A_292 = arith.andi %and3A_287, %and3A_291 : i1
        %ne3A_293 = arith.cmpi ne, %add3A_155, %add3A_164 : i32
        %or3A_294 = arith.constant false
        %or3A_295 = arith.ori %or3A_294, %ne3A_293 : i1
        %or3A_296 = arith.constant false
        %or3A_297 = arith.ori %or3A_295, %or3A_296 : i1
        %not3A_298 = arith.constant true
        %not3A_299 = arith.xori %eq3A_152, %not3A_298 : i1
        %and3A_300 = arith.andi %or3A_297, %not3A_299 : i1
        %convert_element_type3A_301 = arith.extui %and3A_300 : i1 to i32
        %cond3A_302 = arith.constant 0 : i32
        %cond3A_303 = arith.cmpi ne, %convert_element_type3A_301, %cond3A_302 : i32
        scf.if %cond3A_303 {
          "tpu.trace_start"() <{level = 10 : i32, message = "ep_wait_out"}> : () -> ()
          %rem3A_340 = arith.constant 2 : i32
          %rem3A_341 = arith.remui %scan3A_147, %rem3A_340 : i32
          %mul3A_342 = arith.constant 128 : i32
          %mul3A_343 = arith.muli %mul3A_342, %add3A_164 : i32
          %dma_wait3A_344 = arith.constant 0 : i32
          %dma_wait3A_345 = arith.constant 0 : i32
          %dma_wait3A_346 = tpu.memref_slice %run_scoped3A_8[%rem3A_341, %dma_wait3A_344, %dma_wait3A_345] : memref<2x128x128xf32, #tpu.memory_space<vmem>> -> memref<1x128x128xf32, #tpu.memory_space<vmem>>
          %dma_wait3A_347 = tpu.memref_squeeze %dma_wait3A_346 : memref<1x128x128xf32, #tpu.memory_space<vmem>> -> memref<128x128xf32, #tpu.memory_space<vmem>>
          %dma_wait3A_348 = arith.constant 0 : i32
          %dma_wait3A_349 = tpu.memref_slice %arg5[%mul3A_343, %dma_wait3A_348] : memref<81920x128xf32, #tpu.memory_space<hbm>> -> memref<128x128xf32, #tpu.memory_space<hbm>>
          %dma_wait3A_350 = tpu.memref_slice %run_scoped3A_9[%rem3A_341] : memref<2x!tpu.dma_semaphore, #tpu.memory_space<semaphore_mem>> -> memref<1x!tpu.dma_semaphore, #tpu.memory_space<semaphore_mem>>
          %dma_wait3A_351 = tpu.memref_squeeze %dma_wait3A_350 : memref<1x!tpu.dma_semaphore, #tpu.memory_space<semaphore_mem>> -> memref<!tpu.dma_semaphore, #tpu.memory_space<semaphore_mem>>
          %dma_wait3A_352 = arith.constant 0 : i32
          %dma_wait3A_353 = tpu.memref_slice %arg5[%mul3A_343, %dma_wait3A_352] : memref<81920x128xf32, #tpu.memory_space<hbm>> -> memref<128x128xf32, #tpu.memory_space<hbm>>
          %dma_wait3A_354 = arith.constant 0 : i32
          %dma_wait3A_355 = arith.constant 0 : i32
          %dma_wait3A_356 = tpu.memref_slice %run_scoped3A_8[%rem3A_341, %dma_wait3A_354, %dma_wait3A_355] : memref<2x128x128xf32, #tpu.memory_space<vmem>> -> memref<1x128x128xf32, #tpu.memory_space<vmem>>
          %dma_wait3A_357 = tpu.memref_squeeze %dma_wait3A_356 : memref<1x128x128xf32, #tpu.memory_space<vmem>> -> memref<128x128xf32, #tpu.memory_space<vmem>>
          tpu.wait_dma2 semaphore(%dma_wait3A_351 : memref<!tpu.dma_semaphore, #tpu.memory_space<semaphore_mem>>) src(%dma_wait3A_357 : memref<128x128xf32, #tpu.memory_space<vmem>>) dst(%dma_wait3A_353 : memref<128x128xf32, #tpu.memory_space<hbm>>)
          "tpu.trace_stop"() : () -> ()
        } else {
        }
        %and3A_304 = arith.constant true
        %and3A_305 = arith.andi %and3A_300, %and3A_304 : i1
        %add3A_306 = arith.constant 1 : i32
        %add3A_307 = arith.addi %scan3A_147, %add3A_306 : i32
        %select_n3A_308 = arith.select %and3A_305, %add3A_307, %scan3A_147 : i32
        %ne3A_309 = arith.cmpi ne, %add3A_155, %add3A_164 : i32
        %or3A_310 = arith.constant false
        %or3A_311 = arith.ori %or3A_310, %ne3A_309 : i1
        %or3A_312 = arith.constant false
        %or3A_313 = arith.ori %or3A_311, %or3A_312 : i1
        %not3A_314 = arith.constant true
        %not3A_315 = arith.xori %eq3A_152, %not3A_314 : i1
        %and3A_316 = arith.andi %or3A_313, %not3A_315 : i1
        %convert_element_type3A_317 = arith.extui %and3A_316 : i1 to i32
        %cond3A_318 = arith.constant 0 : i32
        %cond3A_319 = arith.cmpi ne, %convert_element_type3A_317, %cond3A_318 : i32
        scf.if %cond3A_319 {
          "tpu.trace_start"() <{level = 10 : i32, message = "ep_wait_out"}> : () -> ()
          %rem3A_340 = arith.constant 2 : i32
          %rem3A_341 = arith.remui %scan3A_149, %rem3A_340 : i32
          %mul3A_342 = arith.constant 128 : i32
          %mul3A_343 = arith.muli %mul3A_342, %add3A_164 : i32
          %dma_wait3A_344 = arith.constant 0 : i32
          %dma_wait3A_345 = arith.constant 0 : i32
          %dma_wait3A_346 = tpu.memref_slice %run_scoped3A_10[%rem3A_341, %dma_wait3A_344, %dma_wait3A_345] : memref<2x128x128xf32, #tpu.memory_space<vmem>> -> memref<1x128x128xf32, #tpu.memory_space<vmem>>
          %dma_wait3A_347 = tpu.memref_squeeze %dma_wait3A_346 : memref<1x128x128xf32, #tpu.memory_space<vmem>> -> memref<128x128xf32, #tpu.memory_space<vmem>>
          %dma_wait3A_348 = arith.constant 0 : i32
          %dma_wait3A_349 = tpu.memref_slice %arg6[%mul3A_343, %dma_wait3A_348] : memref<81920x128xf32, #tpu.memory_space<hbm>> -> memref<128x128xf32, #tpu.memory_space<hbm>>
          %dma_wait3A_350 = tpu.memref_slice %run_scoped3A_11[%rem3A_341] : memref<2x!tpu.dma_semaphore, #tpu.memory_space<semaphore_mem>> -> memref<1x!tpu.dma_semaphore, #tpu.memory_space<semaphore_mem>>
          %dma_wait3A_351 = tpu.memref_squeeze %dma_wait3A_350 : memref<1x!tpu.dma_semaphore, #tpu.memory_space<semaphore_mem>> -> memref<!tpu.dma_semaphore, #tpu.memory_space<semaphore_mem>>
          %dma_wait3A_352 = arith.constant 0 : i32
          %dma_wait3A_353 = tpu.memref_slice %arg6[%mul3A_343, %dma_wait3A_352] : memref<81920x128xf32, #tpu.memory_space<hbm>> -> memref<128x128xf32, #tpu.memory_space<hbm>>
          %dma_wait3A_354 = arith.constant 0 : i32
          %dma_wait3A_355 = arith.constant 0 : i32
          %dma_wait3A_356 = tpu.memref_slice %run_scoped3A_10[%rem3A_341, %dma_wait3A_354, %dma_wait3A_355] : memref<2x128x128xf32, #tpu.memory_space<vmem>> -> memref<1x128x128xf32, #tpu.memory_space<vmem>>
          %dma_wait3A_357 = tpu.memref_squeeze %dma_wait3A_356 : memref<1x128x128xf32, #tpu.memory_space<vmem>> -> memref<128x128xf32, #tpu.memory_space<vmem>>
          tpu.wait_dma2 semaphore(%dma_wait3A_351 : memref<!tpu.dma_semaphore, #tpu.memory_space<semaphore_mem>>) src(%dma_wait3A_357 : memref<128x128xf32, #tpu.memory_space<vmem>>) dst(%dma_wait3A_353 : memref<128x128xf32, #tpu.memory_space<hbm>>)
          "tpu.trace_stop"() : () -> ()
        } else {
        }
        %and3A_320 = arith.constant true
        %and3A_321 = arith.andi %and3A_316, %and3A_320 : i1
        %add3A_322 = arith.constant 1 : i32
        %add3A_323 = arith.addi %scan3A_149, %add3A_322 : i32
        %select_n3A_324 = arith.select %and3A_321, %add3A_323, %scan3A_149 : i32
        %ne3A_325 = arith.cmpi ne, %add3A_155, %add3A_173 : i32
        %or3A_326 = arith.constant false
        %or3A_327 = arith.ori %or3A_326, %ne3A_325 : i1
        %or3A_328 = arith.ori %or3A_327, %eq3A_154 : i1
        %add3A_329 = arith.constant 1 : i32
        %add3A_330 = arith.addi %scan3A_145, %add3A_329 : i32
        %select_n3A_331 = arith.select %or3A_328, %add3A_330, %scan3A_145 : i32
        %add3A_332 = arith.constant 1 : i32
        %add3A_333 = arith.addi %scan3A_150, %add3A_332 : i32
        %select_n3A_334 = arith.constant true
        %select_n3A_335 = arith.select %select_n3A_334, %add3A_333, %scan3A_150 : i32
        %eq3A_336 = arith.constant 20 : i32
        %eq3A_337 = arith.cmpi eq, %select_n3A_335, %eq3A_336 : i32
        %select_n3A_338 = arith.constant 0 : i32
        %select_n3A_339 = arith.select %eq3A_337, %select_n3A_338, %select_n3A_335 : i32
        scf.yield %select_n3A_191, %select_n3A_331, %select_n3A_267, %select_n3A_308, %select_n3A_281, %select_n3A_324, %select_n3A_339 : i32, i32, i32, i32, i32, i32, i32
      }
      %scan3A_72 = arith.constant 20 : i32
      %sub3A = arith.constant 1 : i32
      %sub3A_73 = arith.subi %scan3A_71#6, %sub3A : i32
      %select_n3A_74 = arith.constant true
      %select_n3A_75 = arith.select %select_n3A_74, %sub3A_73, %scan3A_71#6 : i32
      %eq3A_76 = arith.constant -1 : i32
      %eq3A_77 = arith.cmpi eq, %select_n3A_75, %eq3A_76 : i32
      %select_n3A_78 = arith.constant 19 : i32
      %select_n3A_79 = arith.select %eq3A_77, %select_n3A_78, %select_n3A_75 : i32
      %add3A_80 = arith.addi %select_n3A_79, %mul3A_6 : i32
      %sub3A_81 = arith.constant 1 : i32
      %sub3A_82 = arith.subi %select_n3A_79, %sub3A_81 : i32
      %select_n3A_83 = arith.constant true
      %select_n3A_84 = arith.select %select_n3A_83, %sub3A_82, %select_n3A_79 : i32
      %eq3A_85 = arith.constant -1 : i32
      %eq3A_86 = arith.cmpi eq, %select_n3A_84, %eq3A_85 : i32
      %select_n3A_87 = arith.constant 19 : i32
      %select_n3A_88 = arith.select %eq3A_86, %select_n3A_87, %select_n3A_84 : i32
      %add3A_89 = arith.addi %select_n3A_88, %mul3A_6 : i32
      %add3A_90 = arith.constant 1 : i32
      %add3A_91 = arith.addi %select_n3A_79, %add3A_90 : i32
      %select_n3A_92 = arith.constant true
      %select_n3A_93 = arith.select %select_n3A_92, %add3A_91, %select_n3A_79 : i32
      %eq3A_94 = arith.constant 20 : i32
      %eq3A_95 = arith.cmpi eq, %select_n3A_93, %eq3A_94 : i32
      %select_n3A_96 = arith.constant 0 : i32
      %select_n3A_97 = arith.select %eq3A_95, %select_n3A_96, %select_n3A_93 : i32
      %add3A_98 = arith.addi %select_n3A_97, %mul3A_6 : i32
      %add3A_99 = arith.constant 1 : i32
      %add3A_100 = arith.addi %select_n3A_97, %add3A_99 : i32
      %select_n3A_101 = arith.constant true
      %select_n3A_102 = arith.select %select_n3A_101, %add3A_100, %select_n3A_97 : i32
      %eq3A_103 = arith.constant 20 : i32
      %eq3A_104 = arith.cmpi eq, %select_n3A_102, %eq3A_103 : i32
      %select_n3A_105 = arith.constant 0 : i32
      %select_n3A_106 = arith.select %eq3A_104, %select_n3A_105, %select_n3A_102 : i32
      %add3A_107 = arith.addi %select_n3A_106, %mul3A_6 : i32
      "tpu.trace_start"() <{level = 10 : i32, message = "ep_finalize"}> : () -> ()
      %rem3A_108 = arith.constant 2 : i32
      %rem3A_109 = arith.remui %scan3A_71#3, %rem3A_108 : i32
      %mul3A_110 = arith.constant 128 : i32
      %mul3A_111 = arith.muli %mul3A_110, %add3A_80 : i32
      %dma_wait3A = arith.constant 0 : i32
      %dma_wait3A_112 = arith.constant 0 : i32
      %dma_wait3A_113 = tpu.memref_slice %run_scoped3A_8[%rem3A_109, %dma_wait3A, %dma_wait3A_112] : memref<2x128x128xf32, #tpu.memory_space<vmem>> -> memref<1x128x128xf32, #tpu.memory_space<vmem>>
      %dma_wait3A_114 = tpu.memref_squeeze %dma_wait3A_113 : memref<1x128x128xf32, #tpu.memory_space<vmem>> -> memref<128x128xf32, #tpu.memory_space<vmem>>
      %dma_wait3A_115 = arith.constant 0 : i32
      %dma_wait3A_116 = tpu.memref_slice %arg5[%mul3A_111, %dma_wait3A_115] : memref<81920x128xf32, #tpu.memory_space<hbm>> -> memref<128x128xf32, #tpu.memory_space<hbm>>
      %dma_wait3A_117 = tpu.memref_slice %run_scoped3A_9[%rem3A_109] : memref<2x!tpu.dma_semaphore, #tpu.memory_space<semaphore_mem>> -> memref<1x!tpu.dma_semaphore, #tpu.memory_space<semaphore_mem>>
      %dma_wait3A_118 = tpu.memref_squeeze %dma_wait3A_117 : memref<1x!tpu.dma_semaphore, #tpu.memory_space<semaphore_mem>> -> memref<!tpu.dma_semaphore, #tpu.memory_space<semaphore_mem>>
      %dma_wait3A_119 = arith.constant 0 : i32
      %dma_wait3A_120 = tpu.memref_slice %arg5[%mul3A_111, %dma_wait3A_119] : memref<81920x128xf32, #tpu.memory_space<hbm>> -> memref<128x128xf32, #tpu.memory_space<hbm>>
      %dma_wait3A_121 = arith.constant 0 : i32
      %dma_wait3A_122 = arith.constant 0 : i32
      %dma_wait3A_123 = tpu.memref_slice %run_scoped3A_8[%rem3A_109, %dma_wait3A_121, %dma_wait3A_122] : memref<2x128x128xf32, #tpu.memory_space<vmem>> -> memref<1x128x128xf32, #tpu.memory_space<vmem>>
      %dma_wait3A_124 = tpu.memref_squeeze %dma_wait3A_123 : memref<1x128x128xf32, #tpu.memory_space<vmem>> -> memref<128x128xf32, #tpu.memory_space<vmem>>
      tpu.wait_dma2 semaphore(%dma_wait3A_118 : memref<!tpu.dma_semaphore, #tpu.memory_space<semaphore_mem>>) src(%dma_wait3A_124 : memref<128x128xf32, #tpu.memory_space<vmem>>) dst(%dma_wait3A_120 : memref<128x128xf32, #tpu.memory_space<hbm>>)
      %rem3A_125 = arith.constant 2 : i32
      %rem3A_126 = arith.remui %scan3A_71#5, %rem3A_125 : i32
      %mul3A_127 = arith.constant 128 : i32
      %mul3A_128 = arith.muli %mul3A_127, %add3A_80 : i32
      %dma_wait3A_129 = arith.constant 0 : i32
      %dma_wait3A_130 = arith.constant 0 : i32
      %dma_wait3A_131 = tpu.memref_slice %run_scoped3A_10[%rem3A_126, %dma_wait3A_129, %dma_wait3A_130] : memref<2x128x128xf32, #tpu.memory_space<vmem>> -> memref<1x128x128xf32, #tpu.memory_space<vmem>>
      %dma_wait3A_132 = tpu.memref_squeeze %dma_wait3A_131 : memref<1x128x128xf32, #tpu.memory_space<vmem>> -> memref<128x128xf32, #tpu.memory_space<vmem>>
      %dma_wait3A_133 = arith.constant 0 : i32
      %dma_wait3A_134 = tpu.memref_slice %arg6[%mul3A_128, %dma_wait3A_133] : memref<81920x128xf32, #tpu.memory_space<hbm>> -> memref<128x128xf32, #tpu.memory_space<hbm>>
      %dma_wait3A_135 = tpu.memref_slice %run_scoped3A_11[%rem3A_126] : memref<2x!tpu.dma_semaphore, #tpu.memory_space<semaphore_mem>> -> memref<1x!tpu.dma_semaphore, #tpu.memory_space<semaphore_mem>>
      %dma_wait3A_136 = tpu.memref_squeeze %dma_wait3A_135 : memref<1x!tpu.dma_semaphore, #tpu.memory_space<semaphore_mem>> -> memref<!tpu.dma_semaphore, #tpu.memory_space<semaphore_mem>>
      %dma_wait3A_137 = arith.constant 0 : i32
      %dma_wait3A_138 = tpu.memref_slice %arg6[%mul3A_128, %dma_wait3A_137] : memref<81920x128xf32, #tpu.memory_space<hbm>> -> memref<128x128xf32, #tpu.memory_space<hbm>>
      %dma_wait3A_139 = arith.constant 0 : i32
      %dma_wait3A_140 = arith.constant 0 : i32
      %dma_wait3A_141 = tpu.memref_slice %run_scoped3A_10[%rem3A_126, %dma_wait3A_139, %dma_wait3A_140] : memref<2x128x128xf32, #tpu.memory_space<vmem>> -> memref<1x128x128xf32, #tpu.memory_space<vmem>>
      %dma_wait3A_142 = tpu.memref_squeeze %dma_wait3A_141 : memref<1x128x128xf32, #tpu.memory_space<vmem>> -> memref<128x128xf32, #tpu.memory_space<vmem>>
      tpu.wait_dma2 semaphore(%dma_wait3A_136 : memref<!tpu.dma_semaphore, #tpu.memory_space<semaphore_mem>>) src(%dma_wait3A_142 : memref<128x128xf32, #tpu.memory_space<vmem>>) dst(%dma_wait3A_138 : memref<128x128xf32, #tpu.memory_space<hbm>>)
      "tpu.trace_stop"() : () -> ()
      tpu.yield
    }) : () -> ()
    return
  }
}

#map = affine_map<(d0, d1) -> (0, 0)>
module attributes {stable_mosaic.version = 14 : i64} {
  func.func @gather_kernel(%arg0: i32, %arg1: i32, %arg2: memref<10240x128xf32, #tpu.memory_space<hbm>>, %arg3: memref<10240x128xf32, #tpu.memory_space<hbm>>, %arg4: memref<1x81920xi32, #tpu.memory_space<hbm>>, %arg5: memref<81920x128xf32, #tpu.memory_space<hbm>>, %arg6: memref<81920x128xf32, #tpu.memory_space<hbm>>) attributes {dimension_semantics = [#tpu.dimension_semantics<core_parallel>, #tpu.dimension_semantics<subcore_parallel>], iteration_bounds = array<i64: 2, 16>, scalar_prefetch = 0 : i64, scratch_operands = 0 : i64, tpu.core_type = #tpu.core_type<sc_vector_subcore>, window_params = [{transform_indices = #map}, {transform_indices = #map}, {transform_indices = #map}, {transform_indices = #map}, {transform_indices = #map}]} {
    %mul3A = arith.constant 1 : i32
    %mul3A_0 = arith.muli %arg1, %mul3A : i32
    %add3A = arith.constant 0 : i32
    %add3A_1 = arith.addi %add3A, %mul3A_0 : i32
    %mul3A_2 = arith.constant 16 : i32
    %mul3A_3 = arith.muli %arg0, %mul3A_2 : i32
    %add3A_4 = arith.addi %add3A_1, %mul3A_3 : i32
    %mul3A_5 = arith.constant 20 : i32
    %mul3A_6 = arith.muli %add3A_4, %mul3A_5 : i32
    "tpu.region"() ({
      %run_scoped3A = memref.alloca() : memref<2x1x128xi32, #tpu.memory_space<vmem>>
      %run_scoped3A_7 = tpu.sem_alloc : memref<2x!tpu.dma_semaphore, #tpu.memory_space<semaphore_mem>>
      %run_scoped3A_8 = memref.alloca() : memref<2x128x128xf32, #tpu.memory_space<vmem>>
      %run_scoped3A_9 = tpu.sem_alloc : memref<2x!tpu.dma_semaphore, #tpu.memory_space<semaphore_mem>>
      %run_scoped3A_10 = memref.alloca() : memref<2x128x128xf32, #tpu.memory_space<vmem>>
      %run_scoped3A_11 = tpu.sem_alloc : memref<2x!tpu.dma_semaphore, #tpu.memory_space<semaphore_mem>>
      %add3A_12 = arith.constant 0 : i32
      %add3A_13 = arith.addi %add3A_12, %mul3A_6 : i32
      %select_n3A = arith.constant true
      %select_n3A_14 = arith.constant 0 : i32
      %select_n3A_15 = arith.constant -1 : i32
      %select_n3A_16 = arith.select %select_n3A, %select_n3A_15, %select_n3A_14 : i32
      %eq3A = arith.constant -1 : i32
      %eq3A_17 = arith.cmpi eq, %select_n3A_16, %eq3A : i32
      %select_n3A_18 = arith.constant 19 : i32
      %select_n3A_19 = arith.select %eq3A_17, %select_n3A_18, %select_n3A_16 : i32
      %add3A_20 = arith.addi %select_n3A_19, %mul3A_6 : i32
      %select_n3A_21 = arith.constant true
      %select_n3A_22 = arith.constant 0 : i32
      %select_n3A_23 = arith.constant 1 : i32
      %select_n3A_24 = arith.select %select_n3A_21, %select_n3A_23, %select_n3A_22 : i32
      %eq3A_25 = arith.constant 20 : i32
      %eq3A_26 = arith.cmpi eq, %select_n3A_24, %eq3A_25 : i32
      %select_n3A_27 = arith.constant 0 : i32
      %select_n3A_28 = arith.select %eq3A_26, %select_n3A_27, %select_n3A_24 : i32
      %add3A_29 = arith.addi %select_n3A_28, %mul3A_6 : i32
      %add3A_30 = arith.constant 1 : i32
      %add3A_31 = arith.addi %select_n3A_28, %add3A_30 : i32
      %select_n3A_32 = arith.constant true
      %select_n3A_33 = arith.select %select_n3A_32, %add3A_31, %select_n3A_28 : i32
      %eq3A_34 = arith.constant 20 : i32
      %eq3A_35 = arith.cmpi eq, %select_n3A_33, %eq3A_34 : i32
      %select_n3A_36 = arith.constant 0 : i32
      %select_n3A_37 = arith.select %eq3A_35, %select_n3A_36, %select_n3A_33 : i32
      %add3A_38 = arith.addi %select_n3A_37, %mul3A_6 : i32
      "tpu.trace_start"() <{level = 10 : i32, message = "ep_initialize_0"}> : () -> ()
      %rem3A = arith.constant 0 : i32
      %rem3A_39 = arith.constant 2 : i32
      %rem3A_40 = arith.remui %rem3A, %rem3A_39 : i32
      %mul3A_41 = arith.constant 128 : i32
      %mul3A_42 = arith.muli %mul3A_41, %add3A_13 : i32
      %dma_start3A = arith.constant 0 : i32
      %dma_start3A_43 = arith.constant 0 : i32
      %dma_start3A_44 = tpu.memref_slice %run_scoped3A[%rem3A_40, %dma_start3A, %dma_start3A_43] : memref<2x1x128xi32, #tpu.memory_space<vmem>> -> memref<1x1x128xi32, #tpu.memory_space<vmem>>
      %dma_start3A_45 = tpu.memref_squeeze %dma_start3A_44 : memref<1x1x128xi32, #tpu.memory_space<vmem>> -> memref<1x128xi32, #tpu.memory_space<vmem>>
      %dma_start3A_46 = arith.constant 0 : i32
      %dma_start3A_47 = tpu.memref_slice %arg4[%dma_start3A_46, %mul3A_42] : memref<1x81920xi32, #tpu.memory_space<hbm>> -> memref<1x128xi32, #tpu.memory_space<hbm>>
      %dma_start3A_48 = tpu.memref_slice %run_scoped3A_7[%rem3A_40] : memref<2x!tpu.dma_semaphore, #tpu.memory_space<semaphore_mem>> -> memref<1x!tpu.dma_semaphore, #tpu.memory_space<semaphore_mem>>
      %dma_start3A_49 = tpu.memref_squeeze %dma_start3A_48 : memref<1x!tpu.dma_semaphore, #tpu.memory_space<semaphore_mem>> -> memref<!tpu.dma_semaphore, #tpu.memory_space<semaphore_mem>>
      %dma_start3A_50 = arith.constant 0 : i32
      %dma_start3A_51 = arith.constant 0 : i32
      %dma_start3A_52 = tpu.memref_slice %run_scoped3A[%rem3A_40, %dma_start3A_50, %dma_start3A_51] : memref<2x1x128xi32, #tpu.memory_space<vmem>> -> memref<1x1x128xi32, #tpu.memory_space<vmem>>
      %dma_start3A_53 = tpu.memref_squeeze %dma_start3A_52 : memref<1x1x128xi32, #tpu.memory_space<vmem>> -> memref<1x128xi32, #tpu.memory_space<vmem>>
      %dma_start3A_54 = arith.constant 0 : i32
      %dma_start3A_55 = tpu.memref_slice %arg4[%dma_start3A_54, %mul3A_42] : memref<1x81920xi32, #tpu.memory_space<hbm>> -> memref<1x128xi32, #tpu.memory_space<hbm>>
      tpu.enqueue_dma source(%dma_start3A_55 : memref<1x128xi32, #tpu.memory_space<hbm>>) target(%dma_start3A_53 : memref<1x128xi32, #tpu.memory_space<vmem>>) target_semaphore(%dma_start3A_49 : memref<!tpu.dma_semaphore, #tpu.memory_space<semaphore_mem>>)
      %add3A_56 = arith.constant 0 : i32
      %add3A_57 = arith.constant 1 : i32
      %add3A_58 = arith.addi %add3A_56, %add3A_57 : i32
      %select_n3A_59 = arith.constant true
      %select_n3A_60 = arith.constant 0 : i32
      %select_n3A_61 = arith.select %select_n3A_59, %add3A_58, %select_n3A_60 : i32
      "tpu.trace_stop"() : () -> ()
      %scan3A = arith.constant 0 : i32
      %scan3A_62 = arith.constant 0 : i32
      %scan3A_63 = arith.constant 0 : i32
      %scan3A_64 = arith.constant 0 : i32
      %scan3A_65 = arith.constant 0 : i32
      %scan3A_66 = arith.constant 0 : i32
      %scan3A_67 = arith.constant 0 : i32
      %scan3A_68 = arith.constant 20 : i32
      %scan3A_69 = arith.addi %scan3A_67, %scan3A_68 : i32
      %scan3A_70 = arith.constant 1 : i32
      %scan3A_71:7 = scf.for %scan3A_143 = %scan3A_67 to %scan3A_69 step %scan3A_70 iter_args(%scan3A_144 = %select_n3A_61, %scan3A_145 = %scan3A, %scan3A_146 = %scan3A_62, %scan3A_147 = %scan3A_63, %scan3A_148 = %scan3A_64, %scan3A_149 = %scan3A_65, %scan3A_150 = %scan3A_66) -> (i32, i32, i32, i32, i32, i32, i32)  : i32 {
        %eq3A_151 = arith.constant 0 : i32
        %eq3A_152 = arith.cmpi eq, %scan3A_143, %eq3A_151 : i32
        %eq3A_153 = arith.constant 19 : i32
        %eq3A_154 = arith.cmpi eq, %scan3A_143, %eq3A_153 : i32
        %add3A_155 = arith.addi %scan3A_150, %mul3A_6 : i32
        %sub3A_156 = arith.constant 1 : i32
        %sub3A_157 = arith.subi %scan3A_150, %sub3A_156 : i32
        %select_n3A_158 = arith.constant true
        %select_n3A_159 = arith.select %select_n3A_158, %sub3A_157, %scan3A_150 : i32
        %eq3A_160 = arith.constant -1 : i32
        %eq3A_161 = arith.cmpi eq, %select_n3A_159, %eq3A_160 : i32
        %select_n3A_162 = arith.constant 19 : i32
        %select_n3A_163 = arith.select %eq3A_161, %select_n3A_162, %select_n3A_159 : i32
        %add3A_164 = arith.addi %select_n3A_163, %mul3A_6 : i32
        %add3A_165 = arith.constant 1 : i32
        %add3A_166 = arith.addi %scan3A_150, %add3A_165 : i32
        %select_n3A_167 = arith.constant true
        %select_n3A_168 = arith.select %select_n3A_167, %add3A_166, %scan3A_150 : i32
        %eq3A_169 = arith.constant 20 : i32
        %eq3A_170 = arith.cmpi eq, %select_n3A_168, %eq3A_169 : i32
        %select_n3A_171 = arith.constant 0 : i32
        %select_n3A_172 = arith.select %eq3A_170, %select_n3A_171, %select_n3A_168 : i32
        %add3A_173 = arith.addi %select_n3A_172, %mul3A_6 : i32
        %add3A_174 = arith.constant 1 : i32
        %add3A_175 = arith.addi %select_n3A_172, %add3A_174 : i32
        %select_n3A_176 = arith.constant true
        %select_n3A_177 = arith.select %select_n3A_176, %add3A_175, %select_n3A_172 : i32
        %eq3A_178 = arith.constant 20 : i32
        %eq3A_179 = arith.cmpi eq, %select_n3A_177, %eq3A_178 : i32
        %select_n3A_180 = arith.constant 0 : i32
        %select_n3A_181 = arith.select %eq3A_179, %select_n3A_180, %select_n3A_177 : i32
        %add3A_182 = arith.addi %select_n3A_181, %mul3A_6 : i32
        %ne3A = arith.cmpi ne, %add3A_155, %add3A_173 : i32
        %or3A = arith.constant false
        %or3A_183 = arith.ori %or3A, %ne3A : i1
        %ge3A = arith.constant 19 : i32
        %ge3A_184 = arith.cmpi sge, %scan3A_143, %ge3A : i32
        %not3A = arith.constant true
        %not3A_185 = arith.xori %ge3A_184, %not3A : i1
        %and3A = arith.andi %or3A_183, %not3A_185 : i1
        %convert_element_type3A = arith.extui %and3A : i1 to i32
        %cond3A = arith.constant 0 : i32
        %cond3A_186 = arith.cmpi ne, %convert_element_type3A, %cond3A : i32
        scf.if %cond3A_186 {
          "tpu.trace_start"() <{level = 10 : i32, message = "ep_copy_in"}> : () -> ()
          %rem3A_340 = arith.constant 2 : i32
          %rem3A_341 = arith.remui %scan3A_144, %rem3A_340 : i32
          %mul3A_342 = arith.constant 128 : i32
          %mul3A_343 = arith.muli %mul3A_342, %add3A_173 : i32
          %dma_start3A_344 = arith.constant 0 : i32
          %dma_start3A_345 = arith.constant 0 : i32
          %dma_start3A_346 = tpu.memref_slice %run_scoped3A[%rem3A_341, %dma_start3A_344, %dma_start3A_345] : memref<2x1x128xi32, #tpu.memory_space<vmem>> -> memref<1x1x128xi32, #tpu.memory_space<vmem>>
          %dma_start3A_347 = tpu.memref_squeeze %dma_start3A_346 : memref<1x1x128xi32, #tpu.memory_space<vmem>> -> memref<1x128xi32, #tpu.memory_space<vmem>>
          %dma_start3A_348 = arith.constant 0 : i32
          %dma_start3A_349 = tpu.memref_slice %arg4[%dma_start3A_348, %mul3A_343] : memref<1x81920xi32, #tpu.memory_space<hbm>> -> memref<1x128xi32, #tpu.memory_space<hbm>>
          %dma_start3A_350 = tpu.memref_slice %run_scoped3A_7[%rem3A_341] : memref<2x!tpu.dma_semaphore, #tpu.memory_space<semaphore_mem>> -> memref<1x!tpu.dma_semaphore, #tpu.memory_space<semaphore_mem>>
          %dma_start3A_351 = tpu.memref_squeeze %dma_start3A_350 : memref<1x!tpu.dma_semaphore, #tpu.memory_space<semaphore_mem>> -> memref<!tpu.dma_semaphore, #tpu.memory_space<semaphore_mem>>
          %dma_start3A_352 = arith.constant 0 : i32
          %dma_start3A_353 = arith.constant 0 : i32
          %dma_start3A_354 = tpu.memref_slice %run_scoped3A[%rem3A_341, %dma_start3A_352, %dma_start3A_353] : memref<2x1x128xi32, #tpu.memory_space<vmem>> -> memref<1x1x128xi32, #tpu.memory_space<vmem>>
          %dma_start3A_355 = tpu.memref_squeeze %dma_start3A_354 : memref<1x1x128xi32, #tpu.memory_space<vmem>> -> memref<1x128xi32, #tpu.memory_space<vmem>>
          %dma_start3A_356 = arith.constant 0 : i32
          %dma_start3A_357 = tpu.memref_slice %arg4[%dma_start3A_356, %mul3A_343] : memref<1x81920xi32, #tpu.memory_space<hbm>> -> memref<1x128xi32, #tpu.memory_space<hbm>>
          tpu.enqueue_dma source(%dma_start3A_357 : memref<1x128xi32, #tpu.memory_space<hbm>>) target(%dma_start3A_355 : memref<1x128xi32, #tpu.memory_space<vmem>>) target_semaphore(%dma_start3A_351 : memref<!tpu.dma_semaphore, #tpu.memory_space<semaphore_mem>>)
          "tpu.trace_stop"() : () -> ()
        } else {
        }
        %and3A_187 = arith.constant true
        %and3A_188 = arith.andi %and3A, %and3A_187 : i1
        %add3A_189 = arith.constant 1 : i32
        %add3A_190 = arith.addi %scan3A_144, %add3A_189 : i32
        %select_n3A_191 = arith.select %and3A_188, %add3A_190, %scan3A_144 : i32
        %ne3A_192 = arith.cmpi ne, %add3A_155, %add3A_173 : i32
        %or3A_193 = arith.constant false
        %or3A_194 = arith.ori %or3A_193, %ne3A_192 : i1
        %or3A_195 = arith.constant false
        %or3A_196 = arith.ori %or3A_194, %or3A_195 : i1
        %ge3A_197 = arith.constant 19 : i32
        %ge3A_198 = arith.cmpi sge, %scan3A_143, %ge3A_197 : i32
        %not3A_199 = arith.constant true
        %not3A_200 = arith.xori %ge3A_198, %not3A_199 : i1
        %and3A_201 = arith.andi %or3A_196, %not3A_200 : i1
        %ne3A_202 = arith.cmpi ne, %add3A_155, %add3A_173 : i32
        %or3A_203 = arith.constant false
        %or3A_204 = arith.ori %or3A_203, %ne3A_202 : i1
        %or3A_205 = arith.constant false
        %or3A_206 = arith.ori %or3A_204, %or3A_205 : i1
        %ge3A_207 = arith.constant 19 : i32
        %ge3A_208 = arith.cmpi sge, %scan3A_143, %ge3A_207 : i32
        %not3A_209 = arith.constant true
        %not3A_210 = arith.xori %ge3A_208, %not3A_209 : i1
        %and3A_211 = arith.andi %or3A_206, %not3A_210 : i1
        %ne3A_212 = arith.cmpi ne, %add3A_155, %add3A_164 : i32
        %or3A_213 = arith.constant false
        %or3A_214 = arith.ori %or3A_213, %ne3A_212 : i1
        %or3A_215 = arith.ori %or3A_214, %eq3A_152 : i1
        %convert_element_type3A_216 = arith.extui %or3A_215 : i1 to i32
        %cond3A_217 = arith.constant 0 : i32
        %cond3A_218 = arith.cmpi ne, %convert_element_type3A_216, %cond3A_217 : i32
        scf.if %cond3A_218 {
          "tpu.trace_start"() <{level = 10 : i32, message = "ep_wait_in"}> : () -> ()
          %mul3A_340 = arith.constant 128 : i32
          %mul3A_341 = arith.muli %mul3A_340, %add3A_155 : i32
          %rem3A_342 = arith.constant 2 : i32
          %rem3A_343 = arith.remui %scan3A_145, %rem3A_342 : i32
          %dma_wait3A_344 = arith.constant 0 : i32
          %dma_wait3A_345 = arith.constant 0 : i32
          %dma_wait3A_346 = tpu.memref_slice %run_scoped3A[%rem3A_343, %dma_wait3A_344, %dma_wait3A_345] : memref<2x1x128xi32, #tpu.memory_space<vmem>> -> memref<1x1x128xi32, #tpu.memory_space<vmem>>
          %dma_wait3A_347 = tpu.memref_squeeze %dma_wait3A_346 : memref<1x1x128xi32, #tpu.memory_space<vmem>> -> memref<1x128xi32, #tpu.memory_space<vmem>>
          %dma_wait3A_348 = arith.constant 0 : i32
          %dma_wait3A_349 = tpu.memref_slice %arg4[%dma_wait3A_348, %mul3A_341] : memref<1x81920xi32, #tpu.memory_space<hbm>> -> memref<1x128xi32, #tpu.memory_space<hbm>>
          %dma_wait3A_350 = tpu.memref_slice %run_scoped3A_7[%rem3A_343] : memref<2x!tpu.dma_semaphore, #tpu.memory_space<semaphore_mem>> -> memref<1x!tpu.dma_semaphore, #tpu.memory_space<semaphore_mem>>
          %dma_wait3A_351 = tpu.memref_squeeze %dma_wait3A_350 : memref<1x!tpu.dma_semaphore, #tpu.memory_space<semaphore_mem>> -> memref<!tpu.dma_semaphore, #tpu.memory_space<semaphore_mem>>
          %dma_wait3A_352 = arith.constant 0 : i32
          %dma_wait3A_353 = arith.constant 0 : i32
          %dma_wait3A_354 = tpu.memref_slice %run_scoped3A[%rem3A_343, %dma_wait3A_352, %dma_wait3A_353] : memref<2x1x128xi32, #tpu.memory_space<vmem>> -> memref<1x1x128xi32, #tpu.memory_space<vmem>>
          %dma_wait3A_355 = tpu.memref_squeeze %dma_wait3A_354 : memref<1x1x128xi32, #tpu.memory_space<vmem>> -> memref<1x128xi32, #tpu.memory_space<vmem>>
          %dma_wait3A_356 = arith.constant 0 : i32
          %dma_wait3A_357 = tpu.memref_slice %arg4[%dma_wait3A_356, %mul3A_341] : memref<1x81920xi32, #tpu.memory_space<hbm>> -> memref<1x128xi32, #tpu.memory_space<hbm>>
          tpu.wait_dma2 semaphore(%dma_wait3A_351 : memref<!tpu.dma_semaphore, #tpu.memory_space<semaphore_mem>>) src(%dma_wait3A_357 : memref<1x128xi32, #tpu.memory_space<hbm>>) dst(%dma_wait3A_355 : memref<1x128xi32, #tpu.memory_space<vmem>>)
          "tpu.trace_stop"() : () -> ()
        } else {
        }
        %ne3A_219 = arith.cmpi ne, %add3A_155, %add3A_164 : i32
        %or3A_220 = arith.constant false
        %or3A_221 = arith.ori %or3A_220, %ne3A_219 : i1
        %or3A_222 = arith.constant false
        %or3A_223 = arith.ori %or3A_221, %or3A_222 : i1
        %or3A_224 = arith.ori %or3A_223, %eq3A_152 : i1
        %convert_element_type3A_225 = arith.extui %or3A_224 : i1 to i32
        %cond3A_226 = arith.constant 0 : i32
        %cond3A_227 = arith.cmpi ne, %convert_element_type3A_225, %cond3A_226 : i32
        scf.if %cond3A_227 {
        } else {
        }
        %ne3A_228 = arith.cmpi ne, %add3A_155, %add3A_164 : i32
        %or3A_229 = arith.constant false
        %or3A_230 = arith.ori %or3A_229, %ne3A_228 : i1
        %or3A_231 = arith.constant false
        %or3A_232 = arith.ori %or3A_230, %or3A_231 : i1
        %or3A_233 = arith.ori %or3A_232, %eq3A_152 : i1
        %convert_element_type3A_234 = arith.extui %or3A_233 : i1 to i32
        %cond3A_235 = arith.constant 0 : i32
        %cond3A_236 = arith.cmpi ne, %convert_element_type3A_234, %cond3A_235 : i32
        scf.if %cond3A_236 {
        } else {
        }
        %rem3A_237 = arith.constant 2 : i32
        %rem3A_238 = arith.remui %scan3A_145, %rem3A_237 : i32
        %rem3A_239 = arith.constant 2 : i32
        %rem3A_240 = arith.remui %scan3A_146, %rem3A_239 : i32
        %rem3A_241 = arith.constant 2 : i32
        %rem3A_242 = arith.remui %scan3A_148, %rem3A_241 : i32
        %run_scoped3A_243 = arith.constant 0 : i32
        "tpu.trace_start"() <{level = 10 : i32, message = "ep_run_kernel"}> : () -> ()
        "tpu.region"() ({
          %run_scoped3A_340 = tpu.sem_alloc : memref<!tpu.dma_semaphore, #tpu.memory_space<semaphore_mem>>
          %dma_start3A_341 = arith.constant 0 : i32
          %dma_start3A_342 = arith.constant 0 : i32
          %dma_start3A_343 = tpu.memref_slice %run_scoped3A_8[%rem3A_240, %dma_start3A_341, %dma_start3A_342] : memref<2x128x128xf32, #tpu.memory_space<vmem>> -> memref<1x128x128xf32, #tpu.memory_space<vmem>>
          %dma_start3A_344 = tpu.memref_squeeze %dma_start3A_343 : memref<1x128x128xf32, #tpu.memory_space<vmem>> -> memref<128x128xf32, #tpu.memory_space<vmem>>
          %dma_start3A_345 = arith.constant 0 : i32
          %dma_start3A_346 = arith.constant 0 : i32
          %dma_start3A_347 = tpu.memref_slice %run_scoped3A[%rem3A_238, %dma_start3A_345, %dma_start3A_346] : memref<2x1x128xi32, #tpu.memory_space<vmem>> -> memref<1x1x128xi32, #tpu.memory_space<vmem>>
          %dma_start3A_348 = tpu.memref_squeeze %dma_start3A_347 : memref<1x1x128xi32, #tpu.memory_space<vmem>> -> memref<1x128xi32, #tpu.memory_space<vmem>>
          %dma_start3A_349 = arith.constant 0 : i32
          %dma_start3A_350 = tpu.memref_slice %dma_start3A_348[%run_scoped3A_243, %dma_start3A_349] : memref<1x128xi32, #tpu.memory_space<vmem>> -> memref<1x128xi32, #tpu.memory_space<vmem>>
          %dma_start3A_351 = tpu.memref_squeeze %dma_start3A_350 : memref<1x128xi32, #tpu.memory_space<vmem>> -> memref<128xi32, #tpu.memory_space<vmem>>
          %dma_start3A_352 = arith.constant 0 : i32
          %dma_start3A_353 = arith.constant 0 : i32
          %dma_start3A_354 = tpu.memref_slice %arg2[%dma_start3A_352, %dma_start3A_353] : memref<10240x128xf32, #tpu.memory_space<hbm>> -> memref<10240x128xf32, #tpu.memory_space<hbm>>
          tpu.enqueue_indirect_dma source(%dma_start3A_354 : memref<10240x128xf32, #tpu.memory_space<hbm>>) target(%dma_start3A_344 : memref<128x128xf32, #tpu.memory_space<vmem>>) offsets(%dma_start3A_351 : memref<128xi32, #tpu.memory_space<vmem>>) semaphore(%run_scoped3A_340 : memref<!tpu.dma_semaphore, #tpu.memory_space<semaphore_mem>>)
          %dma_wait3A_355 = arith.constant 0 : i32
          %dma_wait3A_356 = arith.constant 0 : i32
          %dma_wait3A_357 = tpu.memref_slice %run_scoped3A_8[%rem3A_240, %dma_wait3A_355, %dma_wait3A_356] : memref<2x128x128xf32, #tpu.memory_space<vmem>> -> memref<1x128x128xf32, #tpu.memory_space<vmem>>
          %dma_wait3A_358 = tpu.memref_squeeze %dma_wait3A_357 : memref<1x128x128xf32, #tpu.memory_space<vmem>> -> memref<128x128xf32, #tpu.memory_space<vmem>>
          %dma_wait3A_359 = arith.constant 0 : i32
          %dma_wait3A_360 = arith.constant 0 : i32
          %dma_wait3A_361 = tpu.memref_slice %run_scoped3A[%rem3A_238, %dma_wait3A_359, %dma_wait3A_360] : memref<2x1x128xi32, #tpu.memory_space<vmem>> -> memref<1x1x128xi32, #tpu.memory_space<vmem>>
          %dma_wait3A_362 = tpu.memref_squeeze %dma_wait3A_361 : memref<1x1x128xi32, #tpu.memory_space<vmem>> -> memref<1x128xi32, #tpu.memory_space<vmem>>
          %dma_wait3A_363 = arith.constant 0 : i32
          %dma_wait3A_364 = tpu.memref_slice %dma_wait3A_362[%run_scoped3A_243, %dma_wait3A_363] : memref<1x128xi32, #tpu.memory_space<vmem>> -> memref<1x128xi32, #tpu.memory_space<vmem>>
          %dma_wait3A_365 = tpu.memref_squeeze %dma_wait3A_364 : memref<1x128xi32, #tpu.memory_space<vmem>> -> memref<128xi32, #tpu.memory_space<vmem>>
          %dma_wait3A_366 = arith.constant 0 : i32
          %dma_wait3A_367 = arith.constant 0 : i32
          %dma_wait3A_368 = tpu.memref_slice %arg2[%dma_wait3A_366, %dma_wait3A_367] : memref<10240x128xf32, #tpu.memory_space<hbm>> -> memref<10240x128xf32, #tpu.memory_space<hbm>>
          tpu.wait_indirect_dma semaphore(%run_scoped3A_340 : memref<!tpu.dma_semaphore, #tpu.memory_space<semaphore_mem>>) src(%dma_wait3A_368 : memref<10240x128xf32, #tpu.memory_space<hbm>>) dst(%dma_wait3A_358 : memref<128x128xf32, #tpu.memory_space<vmem>>)
          tpu.yield
        }) : () -> ()
        %run_scoped3A_244 = arith.constant 0 : i32
        "tpu.region"() ({
          %run_scoped3A_340 = tpu.sem_alloc : memref<!tpu.dma_semaphore, #tpu.memory_space<semaphore_mem>>
          %dma_start3A_341 = arith.constant 0 : i32
          %dma_start3A_342 = arith.constant 0 : i32
          %dma_start3A_343 = tpu.memref_slice %run_scoped3A_10[%rem3A_242, %dma_start3A_341, %dma_start3A_342] : memref<2x128x128xf32, #tpu.memory_space<vmem>> -> memref<1x128x128xf32, #tpu.memory_space<vmem>>
          %dma_start3A_344 = tpu.memref_squeeze %dma_start3A_343 : memref<1x128x128xf32, #tpu.memory_space<vmem>> -> memref<128x128xf32, #tpu.memory_space<vmem>>
          %dma_start3A_345 = arith.constant 0 : i32
          %dma_start3A_346 = arith.constant 0 : i32
          %dma_start3A_347 = tpu.memref_slice %run_scoped3A[%rem3A_238, %dma_start3A_345, %dma_start3A_346] : memref<2x1x128xi32, #tpu.memory_space<vmem>> -> memref<1x1x128xi32, #tpu.memory_space<vmem>>
          %dma_start3A_348 = tpu.memref_squeeze %dma_start3A_347 : memref<1x1x128xi32, #tpu.memory_space<vmem>> -> memref<1x128xi32, #tpu.memory_space<vmem>>
          %dma_start3A_349 = arith.constant 0 : i32
          %dma_start3A_350 = tpu.memref_slice %dma_start3A_348[%run_scoped3A_244, %dma_start3A_349] : memref<1x128xi32, #tpu.memory_space<vmem>> -> memref<1x128xi32, #tpu.memory_space<vmem>>
          %dma_start3A_351 = tpu.memref_squeeze %dma_start3A_350 : memref<1x128xi32, #tpu.memory_space<vmem>> -> memref<128xi32, #tpu.memory_space<vmem>>
          %dma_start3A_352 = arith.constant 0 : i32
          %dma_start3A_353 = arith.constant 0 : i32
          %dma_start3A_354 = tpu.memref_slice %arg3[%dma_start3A_352, %dma_start3A_353] : memref<10240x128xf32, #tpu.memory_space<hbm>> -> memref<10240x128xf32, #tpu.memory_space<hbm>>
          tpu.enqueue_indirect_dma source(%dma_start3A_354 : memref<10240x128xf32, #tpu.memory_space<hbm>>) target(%dma_start3A_344 : memref<128x128xf32, #tpu.memory_space<vmem>>) offsets(%dma_start3A_351 : memref<128xi32, #tpu.memory_space<vmem>>) semaphore(%run_scoped3A_340 : memref<!tpu.dma_semaphore, #tpu.memory_space<semaphore_mem>>)
          %dma_wait3A_355 = arith.constant 0 : i32
          %dma_wait3A_356 = arith.constant 0 : i32
          %dma_wait3A_357 = tpu.memref_slice %run_scoped3A_10[%rem3A_242, %dma_wait3A_355, %dma_wait3A_356] : memref<2x128x128xf32, #tpu.memory_space<vmem>> -> memref<1x128x128xf32, #tpu.memory_space<vmem>>
          %dma_wait3A_358 = tpu.memref_squeeze %dma_wait3A_357 : memref<1x128x128xf32, #tpu.memory_space<vmem>> -> memref<128x128xf32, #tpu.memory_space<vmem>>
          %dma_wait3A_359 = arith.constant 0 : i32
          %dma_wait3A_360 = arith.constant 0 : i32
          %dma_wait3A_361 = tpu.memref_slice %run_scoped3A[%rem3A_238, %dma_wait3A_359, %dma_wait3A_360] : memref<2x1x128xi32, #tpu.memory_space<vmem>> -> memref<1x1x128xi32, #tpu.memory_space<vmem>>
          %dma_wait3A_362 = tpu.memref_squeeze %dma_wait3A_361 : memref<1x1x128xi32, #tpu.memory_space<vmem>> -> memref<1x128xi32, #tpu.memory_space<vmem>>
          %dma_wait3A_363 = arith.constant 0 : i32
          %dma_wait3A_364 = tpu.memref_slice %dma_wait3A_362[%run_scoped3A_244, %dma_wait3A_363] : memref<1x128xi32, #tpu.memory_space<vmem>> -> memref<1x128xi32, #tpu.memory_space<vmem>>
          %dma_wait3A_365 = tpu.memref_squeeze %dma_wait3A_364 : memref<1x128xi32, #tpu.memory_space<vmem>> -> memref<128xi32, #tpu.memory_space<vmem>>
          %dma_wait3A_366 = arith.constant 0 : i32
          %dma_wait3A_367 = arith.constant 0 : i32
          %dma_wait3A_368 = tpu.memref_slice %arg3[%dma_wait3A_366, %dma_wait3A_367] : memref<10240x128xf32, #tpu.memory_space<hbm>> -> memref<10240x128xf32, #tpu.memory_space<hbm>>
          tpu.wait_indirect_dma semaphore(%run_scoped3A_340 : memref<!tpu.dma_semaphore, #tpu.memory_space<semaphore_mem>>) src(%dma_wait3A_368 : memref<10240x128xf32, #tpu.memory_space<hbm>>) dst(%dma_wait3A_358 : memref<128x128xf32, #tpu.memory_space<vmem>>)
          tpu.yield
        }) : () -> ()
        "tpu.trace_stop"() : () -> ()
        %ne3A_245 = arith.cmpi ne, %add3A_155, %add3A_173 : i32
        %or3A_246 = arith.constant false
        %or3A_247 = arith.ori %or3A_246, %ne3A_245 : i1
        %or3A_248 = arith.ori %or3A_247, %eq3A_154 : i1
        %convert_element_type3A_249 = arith.extui %or3A_248 : i1 to i32
        %cond3A_250 = arith.constant 0 : i32
        %cond3A_251 = arith.cmpi ne, %convert_element_type3A_249, %cond3A_250 : i32
        scf.if %cond3A_251 {
        } else {
        }
        %and3A_252 = arith.constant false
        %and3A_253 = arith.andi %or3A_248, %and3A_252 : i1
        %ne3A_254 = arith.cmpi ne, %add3A_155, %add3A_173 : i32
        %or3A_255 = arith.constant false
        %or3A_256 = arith.ori %or3A_255, %ne3A_254 : i1
        %or3A_257 = arith.constant false
        %or3A_258 = arith.ori %or3A_256, %or3A_257 : i1
        %or3A_259 = arith.ori %or3A_258, %eq3A_154 : i1
        %convert_element_type3A_260 = arith.extui %or3A_259 : i1 to i32
        %cond3A_261 = arith.constant 0 : i32
        %cond3A_262 = arith.cmpi ne, %convert_element_type3A_260, %cond3A_261 : i32
        scf.if %cond3A_262 {
          "tpu.trace_start"() <{level = 10 : i32, message = "ep_copy_out"}> : () -> ()
          %rem3A_340 = arith.constant 2 : i32
          %rem3A_341 = arith.remui %scan3A_146, %rem3A_340 : i32
          %mul3A_342 = arith.constant 128 : i32
          %mul3A_343 = arith.muli %mul3A_342, %add3A_155 : i32
          %dma_start3A_344 = arith.constant 0 : i32
          %dma_start3A_345 = arith.constant 0 : i32
          %dma_start3A_346 = tpu.memref_slice %run_scoped3A_8[%rem3A_341, %dma_start3A_344, %dma_start3A_345] : memref<2x128x128xf32, #tpu.memory_space<vmem>> -> memref<1x128x128xf32, #tpu.memory_space<vmem>>
          %dma_start3A_347 = tpu.memref_squeeze %dma_start3A_346 : memref<1x128x128xf32, #tpu.memory_space<vmem>> -> memref<128x128xf32, #tpu.memory_space<vmem>>
          %dma_start3A_348 = arith.constant 0 : i32
          %dma_start3A_349 = tpu.memref_slice %arg5[%mul3A_343, %dma_start3A_348] : memref<81920x128xf32, #tpu.memory_space<hbm>> -> memref<128x128xf32, #tpu.memory_space<hbm>>
          %dma_start3A_350 = tpu.memref_slice %run_scoped3A_9[%rem3A_341] : memref<2x!tpu.dma_semaphore, #tpu.memory_space<semaphore_mem>> -> memref<1x!tpu.dma_semaphore, #tpu.memory_space<semaphore_mem>>
          %dma_start3A_351 = tpu.memref_squeeze %dma_start3A_350 : memref<1x!tpu.dma_semaphore, #tpu.memory_space<semaphore_mem>> -> memref<!tpu.dma_semaphore, #tpu.memory_space<semaphore_mem>>
          %dma_start3A_352 = arith.constant 0 : i32
          %dma_start3A_353 = tpu.memref_slice %arg5[%mul3A_343, %dma_start3A_352] : memref<81920x128xf32, #tpu.memory_space<hbm>> -> memref<128x128xf32, #tpu.memory_space<hbm>>
          %dma_start3A_354 = arith.constant 0 : i32
          %dma_start3A_355 = arith.constant 0 : i32
          %dma_start3A_356 = tpu.memref_slice %run_scoped3A_8[%rem3A_341, %dma_start3A_354, %dma_start3A_355] : memref<2x128x128xf32, #tpu.memory_space<vmem>> -> memref<1x128x128xf32, #tpu.memory_space<vmem>>
          %dma_start3A_357 = tpu.memref_squeeze %dma_start3A_356 : memref<1x128x128xf32, #tpu.memory_space<vmem>> -> memref<128x128xf32, #tpu.memory_space<vmem>>
          tpu.enqueue_dma source(%dma_start3A_357 : memref<128x128xf32, #tpu.memory_space<vmem>>) target(%dma_start3A_353 : memref<128x128xf32, #tpu.memory_space<hbm>>) target_semaphore(%dma_start3A_351 : memref<!tpu.dma_semaphore, #tpu.memory_space<semaphore_mem>>)
          "tpu.trace_stop"() : () -> ()
        } else {
        }
        %and3A_263 = arith.constant true
        %and3A_264 = arith.andi %or3A_259, %and3A_263 : i1
        %add3A_265 = arith.constant 1 : i32
        %add3A_266 = arith.addi %scan3A_146, %add3A_265 : i32
        %select_n3A_267 = arith.select %and3A_264, %add3A_266, %scan3A_146 : i32
        %ne3A_268 = arith.cmpi ne, %add3A_155, %add3A_173 : i32
        %or3A_269 = arith.constant false
        %or3A_270 = arith.ori %or3A_269, %ne3A_268 : i1
        %or3A_271 = arith.constant false
        %or3A_272 = arith.ori %or3A_270, %or3A_271 : i1
        %or3A_273 = arith.ori %or3A_272, %eq3A_154 : i1
        %convert_element_type3A_274 = arith.extui %or3A_273 : i1 to i32
        %cond3A_275 = arith.constant 0 : i32
        %cond3A_276 = arith.cmpi ne, %convert_element_type3A_274, %cond3A_275 : i32
        scf.if %cond3A_276 {
          "tpu.trace_start"() <{level = 10 : i32, message = "ep_copy_out"}> : () -> ()
          %rem3A_340 = arith.constant 2 : i32
          %rem3A_341 = arith.remui %scan3A_148, %rem3A_340 : i32
          %mul3A_342 = arith.constant 128 : i32
          %mul3A_343 = arith.muli %mul3A_342, %add3A_155 : i32
          %dma_start3A_344 = arith.constant 0 : i32
          %dma_start3A_345 = arith.constant 0 : i32
          %dma_start3A_346 = tpu.memref_slice %run_scoped3A_10[%rem3A_341, %dma_start3A_344, %dma_start3A_345] : memref<2x128x128xf32, #tpu.memory_space<vmem>> -> memref<1x128x128xf32, #tpu.memory_space<vmem>>
          %dma_start3A_347 = tpu.memref_squeeze %dma_start3A_346 : memref<1x128x128xf32, #tpu.memory_space<vmem>> -> memref<128x128xf32, #tpu.memory_space<vmem>>
          %dma_start3A_348 = arith.constant 0 : i32
          %dma_start3A_349 = tpu.memref_slice %arg6[%mul3A_343, %dma_start3A_348] : memref<81920x128xf32, #tpu.memory_space<hbm>> -> memref<128x128xf32, #tpu.memory_space<hbm>>
          %dma_start3A_350 = tpu.memref_slice %run_scoped3A_11[%rem3A_341] : memref<2x!tpu.dma_semaphore, #tpu.memory_space<semaphore_mem>> -> memref<1x!tpu.dma_semaphore, #tpu.memory_space<semaphore_mem>>
          %dma_start3A_351 = tpu.memref_squeeze %dma_start3A_350 : memref<1x!tpu.dma_semaphore, #tpu.memory_space<semaphore_mem>> -> memref<!tpu.dma_semaphore, #tpu.memory_space<semaphore_mem>>
          %dma_start3A_352 = arith.constant 0 : i32
          %dma_start3A_353 = tpu.memref_slice %arg6[%mul3A_343, %dma_start3A_352] : memref<81920x128xf32, #tpu.memory_space<hbm>> -> memref<128x128xf32, #tpu.memory_space<hbm>>
          %dma_start3A_354 = arith.constant 0 : i32
          %dma_start3A_355 = arith.constant 0 : i32
          %dma_start3A_356 = tpu.memref_slice %run_scoped3A_10[%rem3A_341, %dma_start3A_354, %dma_start3A_355] : memref<2x128x128xf32, #tpu.memory_space<vmem>> -> memref<1x128x128xf32, #tpu.memory_space<vmem>>
          %dma_start3A_357 = tpu.memref_squeeze %dma_start3A_356 : memref<1x128x128xf32, #tpu.memory_space<vmem>> -> memref<128x128xf32, #tpu.memory_space<vmem>>
          tpu.enqueue_dma source(%dma_start3A_357 : memref<128x128xf32, #tpu.memory_space<vmem>>) target(%dma_start3A_353 : memref<128x128xf32, #tpu.memory_space<hbm>>) target_semaphore(%dma_start3A_351 : memref<!tpu.dma_semaphore, #tpu.memory_space<semaphore_mem>>)
          "tpu.trace_stop"() : () -> ()
        } else {
        }
        %and3A_277 = arith.constant true
        %and3A_278 = arith.andi %or3A_273, %and3A_277 : i1
        %add3A_279 = arith.constant 1 : i32
        %add3A_280 = arith.addi %scan3A_148, %add3A_279 : i32
        %select_n3A_281 = arith.select %and3A_278, %add3A_280, %scan3A_148 : i32
        %ne3A_282 = arith.cmpi ne, %add3A_155, %add3A_164 : i32
        %or3A_283 = arith.constant false
        %or3A_284 = arith.ori %or3A_283, %ne3A_282 : i1
        %not3A_285 = arith.constant true
        %not3A_286 = arith.xori %eq3A_152, %not3A_285 : i1
        %and3A_287 = arith.andi %or3A_284, %not3A_286 : i1
        %convert_element_type3A_288 = arith.extui %and3A_287 : i1 to i32
        %cond3A_289 = arith.constant 0 : i32
        %cond3A_290 = arith.cmpi ne, %convert_element_type3A_288, %cond3A_289 : i32
        scf.if %cond3A_290 {
        } else {
        }
        %and3A_291 = arith.constant false
        %and3A_292 = arith.andi %and3A_287, %and3A_291 : i1
        %ne3A_293 = arith.cmpi ne, %add3A_155, %add3A_164 : i32
        %or3A_294 = arith.constant false
        %or3A_295 = arith.ori %or3A_294, %ne3A_293 : i1
        %or3A_296 = arith.constant false
        %or3A_297 = arith.ori %or3A_295, %or3A_296 : i1
        %not3A_298 = arith.constant true
        %not3A_299 = arith.xori %eq3A_152, %not3A_298 : i1
        %and3A_300 = arith.andi %or3A_297, %not3A_299 : i1
        %convert_element_type3A_301 = arith.extui %and3A_300 : i1 to i32
        %cond3A_302 = arith.constant 0 : i32
        %cond3A_303 = arith.cmpi ne, %convert_element_type3A_301, %cond3A_302 : i32
        scf.if %cond3A_303 {
          "tpu.trace_start"() <{level = 10 : i32, message = "ep_wait_out"}> : () -> ()
          %rem3A_340 = arith.constant 2 : i32
          %rem3A_341 = arith.remui %scan3A_147, %rem3A_340 : i32
          %mul3A_342 = arith.constant 128 : i32
          %mul3A_343 = arith.muli %mul3A_342, %add3A_164 : i32
          %dma_wait3A_344 = arith.constant 0 : i32
          %dma_wait3A_345 = arith.constant 0 : i32
          %dma_wait3A_346 = tpu.memref_slice %run_scoped3A_8[%rem3A_341, %dma_wait3A_344, %dma_wait3A_345] : memref<2x128x128xf32, #tpu.memory_space<vmem>> -> memref<1x128x128xf32, #tpu.memory_space<vmem>>
          %dma_wait3A_347 = tpu.memref_squeeze %dma_wait3A_346 : memref<1x128x128xf32, #tpu.memory_space<vmem>> -> memref<128x128xf32, #tpu.memory_space<vmem>>
          %dma_wait3A_348 = arith.constant 0 : i32
          %dma_wait3A_349 = tpu.memref_slice %arg5[%mul3A_343, %dma_wait3A_348] : memref<81920x128xf32, #tpu.memory_space<hbm>> -> memref<128x128xf32, #tpu.memory_space<hbm>>
          %dma_wait3A_350 = tpu.memref_slice %run_scoped3A_9[%rem3A_341] : memref<2x!tpu.dma_semaphore, #tpu.memory_space<semaphore_mem>> -> memref<1x!tpu.dma_semaphore, #tpu.memory_space<semaphore_mem>>
          %dma_wait3A_351 = tpu.memref_squeeze %dma_wait3A_350 : memref<1x!tpu.dma_semaphore, #tpu.memory_space<semaphore_mem>> -> memref<!tpu.dma_semaphore, #tpu.memory_space<semaphore_mem>>
          %dma_wait3A_352 = arith.constant 0 : i32
          %dma_wait3A_353 = tpu.memref_slice %arg5[%mul3A_343, %dma_wait3A_352] : memref<81920x128xf32, #tpu.memory_space<hbm>> -> memref<128x128xf32, #tpu.memory_space<hbm>>
          %dma_wait3A_354 = arith.constant 0 : i32
          %dma_wait3A_355 = arith.constant 0 : i32
          %dma_wait3A_356 = tpu.memref_slice %run_scoped3A_8[%rem3A_341, %dma_wait3A_354, %dma_wait3A_355] : memref<2x128x128xf32, #tpu.memory_space<vmem>> -> memref<1x128x128xf32, #tpu.memory_space<vmem>>
          %dma_wait3A_357 = tpu.memref_squeeze %dma_wait3A_356 : memref<1x128x128xf32, #tpu.memory_space<vmem>> -> memref<128x128xf32, #tpu.memory_space<vmem>>
          tpu.wait_dma2 semaphore(%dma_wait3A_351 : memref<!tpu.dma_semaphore, #tpu.memory_space<semaphore_mem>>) src(%dma_wait3A_357 : memref<128x128xf32, #tpu.memory_space<vmem>>) dst(%dma_wait3A_353 : memref<128x128xf32, #tpu.memory_space<hbm>>)
          "tpu.trace_stop"() : () -> ()
        } else {
        }
        %and3A_304 = arith.constant true
        %and3A_305 = arith.andi %and3A_300, %and3A_304 : i1
        %add3A_306 = arith.constant 1 : i32
        %add3A_307 = arith.addi %scan3A_147, %add3A_306 : i32
        %select_n3A_308 = arith.select %and3A_305, %add3A_307, %scan3A_147 : i32
        %ne3A_309 = arith.cmpi ne, %add3A_155, %add3A_164 : i32
        %or3A_310 = arith.constant false
        %or3A_311 = arith.ori %or3A_310, %ne3A_309 : i1
        %or3A_312 = arith.constant false
        %or3A_313 = arith.ori %or3A_311, %or3A_312 : i1
        %not3A_314 = arith.constant true
        %not3A_315 = arith.xori %eq3A_152, %not3A_314 : i1
        %and3A_316 = arith.andi %or3A_313, %not3A_315 : i1
        %convert_element_type3A_317 = arith.extui %and3A_316 : i1 to i32
        %cond3A_318 = arith.constant 0 : i32
        %cond3A_319 = arith.cmpi ne, %convert_element_type3A_317, %cond3A_318 : i32
        scf.if %cond3A_319 {
          "tpu.trace_start"() <{level = 10 : i32, message = "ep_wait_out"}> : () -> ()
          %rem3A_340 = arith.constant 2 : i32
          %rem3A_341 = arith.remui %scan3A_149, %rem3A_340 : i32
          %mul3A_342 = arith.constant 128 : i32
          %mul3A_343 = arith.muli %mul3A_342, %add3A_164 : i32
          %dma_wait3A_344 = arith.constant 0 : i32
          %dma_wait3A_345 = arith.constant 0 : i32
          %dma_wait3A_346 = tpu.memref_slice %run_scoped3A_10[%rem3A_341, %dma_wait3A_344, %dma_wait3A_345] : memref<2x128x128xf32, #tpu.memory_space<vmem>> -> memref<1x128x128xf32, #tpu.memory_space<vmem>>
          %dma_wait3A_347 = tpu.memref_squeeze %dma_wait3A_346 : memref<1x128x128xf32, #tpu.memory_space<vmem>> -> memref<128x128xf32, #tpu.memory_space<vmem>>
          %dma_wait3A_348 = arith.constant 0 : i32
          %dma_wait3A_349 = tpu.memref_slice %arg6[%mul3A_343, %dma_wait3A_348] : memref<81920x128xf32, #tpu.memory_space<hbm>> -> memref<128x128xf32, #tpu.memory_space<hbm>>
          %dma_wait3A_350 = tpu.memref_slice %run_scoped3A_11[%rem3A_341] : memref<2x!tpu.dma_semaphore, #tpu.memory_space<semaphore_mem>> -> memref<1x!tpu.dma_semaphore, #tpu.memory_space<semaphore_mem>>
          %dma_wait3A_351 = tpu.memref_squeeze %dma_wait3A_350 : memref<1x!tpu.dma_semaphore, #tpu.memory_space<semaphore_mem>> -> memref<!tpu.dma_semaphore, #tpu.memory_space<semaphore_mem>>
          %dma_wait3A_352 = arith.constant 0 : i32
          %dma_wait3A_353 = tpu.memref_slice %arg6[%mul3A_343, %dma_wait3A_352] : memref<81920x128xf32, #tpu.memory_space<hbm>> -> memref<128x128xf32, #tpu.memory_space<hbm>>
          %dma_wait3A_354 = arith.constant 0 : i32
          %dma_wait3A_355 = arith.constant 0 : i32
          %dma_wait3A_356 = tpu.memref_slice %run_scoped3A_10[%rem3A_341, %dma_wait3A_354, %dma_wait3A_355] : memref<2x128x128xf32, #tpu.memory_space<vmem>> -> memref<1x128x128xf32, #tpu.memory_space<vmem>>
          %dma_wait3A_357 = tpu.memref_squeeze %dma_wait3A_356 : memref<1x128x128xf32, #tpu.memory_space<vmem>> -> memref<128x128xf32, #tpu.memory_space<vmem>>
          tpu.wait_dma2 semaphore(%dma_wait3A_351 : memref<!tpu.dma_semaphore, #tpu.memory_space<semaphore_mem>>) src(%dma_wait3A_357 : memref<128x128xf32, #tpu.memory_space<vmem>>) dst(%dma_wait3A_353 : memref<128x128xf32, #tpu.memory_space<hbm>>)
          "tpu.trace_stop"() : () -> ()
        } else {
        }
        %and3A_320 = arith.constant true
        %and3A_321 = arith.andi %and3A_316, %and3A_320 : i1
        %add3A_322 = arith.constant 1 : i32
        %add3A_323 = arith.addi %scan3A_149, %add3A_322 : i32
        %select_n3A_324 = arith.select %and3A_321, %add3A_323, %scan3A_149 : i32
        %ne3A_325 = arith.cmpi ne, %add3A_155, %add3A_173 : i32
        %or3A_326 = arith.constant false
        %or3A_327 = arith.ori %or3A_326, %ne3A_325 : i1
        %or3A_328 = arith.ori %or3A_327, %eq3A_154 : i1
        %add3A_329 = arith.constant 1 : i32
        %add3A_330 = arith.addi %scan3A_145, %add3A_329 : i32
        %select_n3A_331 = arith.select %or3A_328, %add3A_330, %scan3A_145 : i32
        %add3A_332 = arith.constant 1 : i32
        %add3A_333 = arith.addi %scan3A_150, %add3A_332 : i32
        %select_n3A_334 = arith.constant true
        %select_n3A_335 = arith.select %select_n3A_334, %add3A_333, %scan3A_150 : i32
        %eq3A_336 = arith.constant 20 : i32
        %eq3A_337 = arith.cmpi eq, %select_n3A_335, %eq3A_336 : i32
        %select_n3A_338 = arith.constant 0 : i32
        %select_n3A_339 = arith.select %eq3A_337, %select_n3A_338, %select_n3A_335 : i32
        scf.yield %select_n3A_191, %select_n3A_331, %select_n3A_267, %select_n3A_308, %select_n3A_281, %select_n3A_324, %select_n3A_339 : i32, i32, i32, i32, i32, i32, i32
      }
      %scan3A_72 = arith.constant 20 : i32
      %sub3A = arith.constant 1 : i32
      %sub3A_73 = arith.subi %scan3A_71#6, %sub3A : i32
      %select_n3A_74 = arith.constant true
      %select_n3A_75 = arith.select %select_n3A_74, %sub3A_73, %scan3A_71#6 : i32
      %eq3A_76 = arith.constant -1 : i32
      %eq3A_77 = arith.cmpi eq, %select_n3A_75, %eq3A_76 : i32
      %select_n3A_78 = arith.constant 19 : i32
      %select_n3A_79 = arith.select %eq3A_77, %select_n3A_78, %select_n3A_75 : i32
      %add3A_80 = arith.addi %select_n3A_79, %mul3A_6 : i32
      %sub3A_81 = arith.constant 1 : i32
      %sub3A_82 = arith.subi %select_n3A_79, %sub3A_81 : i32
      %select_n3A_83 = arith.constant true
      %select_n3A_84 = arith.select %select_n3A_83, %sub3A_82, %select_n3A_79 : i32
      %eq3A_85 = arith.constant -1 : i32
      %eq3A_86 = arith.cmpi eq, %select_n3A_84, %eq3A_85 : i32
      %select_n3A_87 = arith.constant 19 : i32
      %select_n3A_88 = arith.select %eq3A_86, %select_n3A_87, %select_n3A_84 : i32
      %add3A_89 = arith.addi %select_n3A_88, %mul3A_6 : i32
      %add3A_90 = arith.constant 1 : i32
      %add3A_91 = arith.addi %select_n3A_79, %add3A_90 : i32
      %select_n3A_92 = arith.constant true
      %select_n3A_93 = arith.select %select_n3A_92, %add3A_91, %select_n3A_79 : i32
      %eq3A_94 = arith.constant 20 : i32
      %eq3A_95 = arith.cmpi eq, %select_n3A_93, %eq3A_94 : i32
      %select_n3A_96 = arith.constant 0 : i32
      %select_n3A_97 = arith.select %eq3A_95, %select_n3A_96, %select_n3A_93 : i32
      %add3A_98 = arith.addi %select_n3A_97, %mul3A_6 : i32
      %add3A_99 = arith.constant 1 : i32
      %add3A_100 = arith.addi %select_n3A_97, %add3A_99 : i32
      %select_n3A_101 = arith.constant true
      %select_n3A_102 = arith.select %select_n3A_101, %add3A_100, %select_n3A_97 : i32
      %eq3A_103 = arith.constant 20 : i32
      %eq3A_104 = arith.cmpi eq, %select_n3A_102, %eq3A_103 : i32
      %select_n3A_105 = arith.constant 0 : i32
      %select_n3A_106 = arith.select %eq3A_104, %select_n3A_105, %select_n3A_102 : i32
      %add3A_107 = arith.addi %select_n3A_106, %mul3A_6 : i32
      "tpu.trace_start"() <{level = 10 : i32, message = "ep_finalize"}> : () -> ()
      %rem3A_108 = arith.constant 2 : i32
      %rem3A_109 = arith.remui %scan3A_71#3, %rem3A_108 : i32
      %mul3A_110 = arith.constant 128 : i32
      %mul3A_111 = arith.muli %mul3A_110, %add3A_80 : i32
      %dma_wait3A = arith.constant 0 : i32
      %dma_wait3A_112 = arith.constant 0 : i32
      %dma_wait3A_113 = tpu.memref_slice %run_scoped3A_8[%rem3A_109, %dma_wait3A, %dma_wait3A_112] : memref<2x128x128xf32, #tpu.memory_space<vmem>> -> memref<1x128x128xf32, #tpu.memory_space<vmem>>
      %dma_wait3A_114 = tpu.memref_squeeze %dma_wait3A_113 : memref<1x128x128xf32, #tpu.memory_space<vmem>> -> memref<128x128xf32, #tpu.memory_space<vmem>>
      %dma_wait3A_115 = arith.constant 0 : i32
      %dma_wait3A_116 = tpu.memref_slice %arg5[%mul3A_111, %dma_wait3A_115] : memref<81920x128xf32, #tpu.memory_space<hbm>> -> memref<128x128xf32, #tpu.memory_space<hbm>>
      %dma_wait3A_117 = tpu.memref_slice %run_scoped3A_9[%rem3A_109] : memref<2x!tpu.dma_semaphore, #tpu.memory_space<semaphore_mem>> -> memref<1x!tpu.dma_semaphore, #tpu.memory_space<semaphore_mem>>
      %dma_wait3A_118 = tpu.memref_squeeze %dma_wait3A_117 : memref<1x!tpu.dma_semaphore, #tpu.memory_space<semaphore_mem>> -> memref<!tpu.dma_semaphore, #tpu.memory_space<semaphore_mem>>
      %dma_wait3A_119 = arith.constant 0 : i32
      %dma_wait3A_120 = tpu.memref_slice %arg5[%mul3A_111, %dma_wait3A_119] : memref<81920x128xf32, #tpu.memory_space<hbm>> -> memref<128x128xf32, #tpu.memory_space<hbm>>
      %dma_wait3A_121 = arith.constant 0 : i32
      %dma_wait3A_122 = arith.constant 0 : i32
      %dma_wait3A_123 = tpu.memref_slice %run_scoped3A_8[%rem3A_109, %dma_wait3A_121, %dma_wait3A_122] : memref<2x128x128xf32, #tpu.memory_space<vmem>> -> memref<1x128x128xf32, #tpu.memory_space<vmem>>
      %dma_wait3A_124 = tpu.memref_squeeze %dma_wait3A_123 : memref<1x128x128xf32, #tpu.memory_space<vmem>> -> memref<128x128xf32, #tpu.memory_space<vmem>>
      tpu.wait_dma2 semaphore(%dma_wait3A_118 : memref<!tpu.dma_semaphore, #tpu.memory_space<semaphore_mem>>) src(%dma_wait3A_124 : memref<128x128xf32, #tpu.memory_space<vmem>>) dst(%dma_wait3A_120 : memref<128x128xf32, #tpu.memory_space<hbm>>)
      %rem3A_125 = arith.constant 2 : i32
      %rem3A_126 = arith.remui %scan3A_71#5, %rem3A_125 : i32
      %mul3A_127 = arith.constant 128 : i32
      %mul3A_128 = arith.muli %mul3A_127, %add3A_80 : i32
      %dma_wait3A_129 = arith.constant 0 : i32
      %dma_wait3A_130 = arith.constant 0 : i32
      %dma_wait3A_131 = tpu.memref_slice %run_scoped3A_10[%rem3A_126, %dma_wait3A_129, %dma_wait3A_130] : memref<2x128x128xf32, #tpu.memory_space<vmem>> -> memref<1x128x128xf32, #tpu.memory_space<vmem>>
      %dma_wait3A_132 = tpu.memref_squeeze %dma_wait3A_131 : memref<1x128x128xf32, #tpu.memory_space<vmem>> -> memref<128x128xf32, #tpu.memory_space<vmem>>
      %dma_wait3A_133 = arith.constant 0 : i32
      %dma_wait3A_134 = tpu.memref_slice %arg6[%mul3A_128, %dma_wait3A_133] : memref<81920x128xf32, #tpu.memory_space<hbm>> -> memref<128x128xf32, #tpu.memory_space<hbm>>
      %dma_wait3A_135 = tpu.memref_slice %run_scoped3A_11[%rem3A_126] : memref<2x!tpu.dma_semaphore, #tpu.memory_space<semaphore_mem>> -> memref<1x!tpu.dma_semaphore, #tpu.memory_space<semaphore_mem>>
      %dma_wait3A_136 = tpu.memref_squeeze %dma_wait3A_135 : memref<1x!tpu.dma_semaphore, #tpu.memory_space<semaphore_mem>> -> memref<!tpu.dma_semaphore, #tpu.memory_space<semaphore_mem>>
      %dma_wait3A_137 = arith.constant 0 : i32
      %dma_wait3A_138 = tpu.memref_slice %arg6[%mul3A_128, %dma_wait3A_137] : memref<81920x128xf32, #tpu.memory_space<hbm>> -> memref<128x128xf32, #tpu.memory_space<hbm>>
      %dma_wait3A_139 = arith.constant 0 : i32
      %dma_wait3A_140 = arith.constant 0 : i32
      %dma_wait3A_141 = tpu.memref_slice %run_scoped3A_10[%rem3A_126, %dma_wait3A_139, %dma_wait3A_140] : memref<2x128x128xf32, #tpu.memory_space<vmem>> -> memref<1x128x128xf32, #tpu.memory_space<vmem>>
      %dma_wait3A_142 = tpu.memref_squeeze %dma_wait3A_141 : memref<1x128x128xf32, #tpu.memory_space<vmem>> -> memref<128x128xf32, #tpu.memory_space<vmem>>
      tpu.wait_dma2 semaphore(%dma_wait3A_136 : memref<!tpu.dma_semaphore, #tpu.memory_space<semaphore_mem>>) src(%dma_wait3A_142 : memref<128x128xf32, #tpu.memory_space<vmem>>) dst(%dma_wait3A_138 : memref<128x128xf32, #tpu.memory_space<hbm>>)
      "tpu.trace_stop"() : () -> ()
      tpu.yield
    }) : () -> ()
    return
  }
}

module attributes {stable_mosaic.version = 14 : i64} {
  func.func @_knn_body(%arg0: i32, %arg1: memref<512x8xf32, #tpu.memory_space<vmem>>, %arg2: memref<8x10240xf32, #tpu.memory_space<vmem>>, %arg3: memref<1x10240xf32, #tpu.memory_space<vmem>>, %arg4: memref<512x16xi32, #tpu.memory_space<vmem>>) attributes {dimension_semantics = [#tpu.dimension_semantics<arbitrary>], iteration_bounds = array<i64: 10>, scalar_prefetch = 0 : i64, scratch_operands = 0 : i64, tpu.core_type = #tpu.core_type<tc>, window_params = [{transform_indices = @transform_0, window_bounds = array<i64: 512, 8>}, {pipeline_mode = #tpu.pipeline_mode<synchronous>, transform_indices = @transform_1, window_bounds = array<i64: 8, 10240>}, {pipeline_mode = #tpu.pipeline_mode<synchronous>, transform_indices = @transform_2, window_bounds = array<i64: 1, 10240>}, {transform_indices = @transform_3, window_bounds = array<i64: 512, 16>}]} {
    %get3A = arith.constant 0 : index
    %get3A_0 = arith.constant 0 : index
    %get3A_1 = vector.load %arg1[%get3A, %get3A_0] : memref<512x8xf32, #tpu.memory_space<vmem>>, vector<512x8xf32>
    %get3A_2 = arith.constant 0 : index
    %get3A_3 = arith.constant 0 : index
    %get3A_4 = vector.load %arg2[%get3A_2, %get3A_3] : memref<8x10240xf32, #tpu.memory_space<vmem>>, vector<8x10240xf32>
    %dot_general3A = arith.constant dense<0.000000e+00> : vector<512x10240xf32>
    %dot_general3A_5 = tpu.matmul %get3A_1, %get3A_4, %dot_general3A {dimension_numbers = #tpu.dot_dimension_numbers<[1], [0], [0], [1], [0, 0, 1, 1], [], []>, transpose_lhs_hint = false} : vector<512x8xf32>, vector<8x10240xf32>, vector<512x10240xf32> -> vector<512x10240xf32>
    %mul3A = arith.mulf %get3A_1, %get3A_1 : vector<512x8xf32>
    %reduce_sum3A = arith.constant dense<0.000000e+00> : vector<512xf32>
    %reduce_sum3A_6 = vector.multi_reduction <add>, %mul3A, %reduce_sum3A [1] : vector<512x8xf32> to vector<512xf32>
    %broadcast_in_dim3A = vector.shape_cast %reduce_sum3A_6 : vector<512xf32> to vector<512x1xf32>
    %mul3A_7 = arith.constant 2.500000e-01 : f32
    %mul3A_8 = vector.broadcast %mul3A_7 : f32 to vector<512x1xf32>
    %mul3A_9 = arith.mulf %mul3A_8, %broadcast_in_dim3A : vector<512x1xf32>
    %get3A_10 = arith.constant 0 : index
    %get3A_11 = arith.constant 0 : index
    %get3A_12 = vector.load %arg3[%get3A_10, %get3A_11] : memref<1x10240xf32, #tpu.memory_space<vmem>>, vector<1x10240xf32>
    %add3A = vector.broadcast %get3A_12 : vector<1x10240xf32> to vector<512x10240xf32>
    %add3A_13 = arith.addf %dot_general3A_5, %add3A : vector<512x10240xf32>
    %add3A_14 = vector.broadcast %mul3A_9 : vector<512x1xf32> to vector<512x10240xf32>
    %add3A_15 = arith.addf %add3A_13, %add3A_14 : vector<512x10240xf32>
    %iota3A = tpu.iota {dimensions = array<i32: 1>} : vector<512x256xi32>
    %broadcast_in_dim3A_16 = arith.constant 0x7F800000 : f32
    %broadcast_in_dim3A_17 = vector.broadcast %broadcast_in_dim3A_16 : f32 to vector<512x256xf32>
    %broadcast_in_dim3A_18 = arith.constant 0 : i32
    %broadcast_in_dim3A_19 = vector.broadcast %broadcast_in_dim3A_18 : i32 to vector<512x256xi32>
    %slice3A = vector.extract_strided_slice %add3A_15 {offsets = [0, 0], sizes = [512, 256], strides = [1, 1]} : vector<512x10240xf32> to vector<512x256xf32>
    %lt3A = arith.cmpf olt, %slice3A, %broadcast_in_dim3A_17 : vector<512x256xf32>
    %select_n3A = arith.select %lt3A, %slice3A, %broadcast_in_dim3A_17 : vector<512x256xi1>, vector<512x256xf32>
    %jit3A = arith.constant 0 : i32
    %broadcast_in_dim3A_20 = vector.broadcast %jit3A : i32 to vector<512x256xi32>
    %select_n3A_21 = arith.select %lt3A, %broadcast_in_dim3A_20, %broadcast_in_dim3A_19 : vector<512x256xi1>, vector<512x256xi32>
    %slice3A_22 = vector.extract_strided_slice %add3A_15 {offsets = [0, 256], sizes = [512, 256], strides = [1, 1]} : vector<512x10240xf32> to vector<512x256xf32>
    %lt3A_23 = arith.cmpf olt, %slice3A_22, %select_n3A : vector<512x256xf32>
    %select_n3A_24 = arith.select %lt3A_23, %slice3A_22, %select_n3A : vector<512x256xi1>, vector<512x256xf32>
    %jit3A_25 = arith.constant 1 : i32
    %broadcast_in_dim3A_26 = vector.broadcast %jit3A_25 : i32 to vector<512x256xi32>
    %select_n3A_27 = arith.select %lt3A_23, %broadcast_in_dim3A_26, %select_n3A_21 : vector<512x256xi1>, vector<512x256xi32>
    %slice3A_28 = vector.extract_strided_slice %add3A_15 {offsets = [0, 512], sizes = [512, 256], strides = [1, 1]} : vector<512x10240xf32> to vector<512x256xf32>
    %lt3A_29 = arith.cmpf olt, %slice3A_28, %select_n3A_24 : vector<512x256xf32>
    %select_n3A_30 = arith.select %lt3A_29, %slice3A_28, %select_n3A_24 : vector<512x256xi1>, vector<512x256xf32>
    %jit3A_31 = arith.constant 2 : i32
    %broadcast_in_dim3A_32 = vector.broadcast %jit3A_31 : i32 to vector<512x256xi32>
    %select_n3A_33 = arith.select %lt3A_29, %broadcast_in_dim3A_32, %select_n3A_27 : vector<512x256xi1>, vector<512x256xi32>
    %slice3A_34 = vector.extract_strided_slice %add3A_15 {offsets = [0, 768], sizes = [512, 256], strides = [1, 1]} : vector<512x10240xf32> to vector<512x256xf32>
    %lt3A_35 = arith.cmpf olt, %slice3A_34, %select_n3A_30 : vector<512x256xf32>
    %select_n3A_36 = arith.select %lt3A_35, %slice3A_34, %select_n3A_30 : vector<512x256xi1>, vector<512x256xf32>
    %jit3A_37 = arith.constant 3 : i32
    %broadcast_in_dim3A_38 = vector.broadcast %jit3A_37 : i32 to vector<512x256xi32>
    %select_n3A_39 = arith.select %lt3A_35, %broadcast_in_dim3A_38, %select_n3A_33 : vector<512x256xi1>, vector<512x256xi32>
    %slice3A_40 = vector.extract_strided_slice %add3A_15 {offsets = [0, 1024], sizes = [512, 256], strides = [1, 1]} : vector<512x10240xf32> to vector<512x256xf32>
    %lt3A_41 = arith.cmpf olt, %slice3A_40, %select_n3A_36 : vector<512x256xf32>
    %select_n3A_42 = arith.select %lt3A_41, %slice3A_40, %select_n3A_36 : vector<512x256xi1>, vector<512x256xf32>
    %jit3A_43 = arith.constant 4 : i32
    %broadcast_in_dim3A_44 = vector.broadcast %jit3A_43 : i32 to vector<512x256xi32>
    %select_n3A_45 = arith.select %lt3A_41, %broadcast_in_dim3A_44, %select_n3A_39 : vector<512x256xi1>, vector<512x256xi32>
    %slice3A_46 = vector.extract_strided_slice %add3A_15 {offsets = [0, 1280], sizes = [512, 256], strides = [1, 1]} : vector<512x10240xf32> to vector<512x256xf32>
    %lt3A_47 = arith.cmpf olt, %slice3A_46, %select_n3A_42 : vector<512x256xf32>
    %select_n3A_48 = arith.select %lt3A_47, %slice3A_46, %select_n3A_42 : vector<512x256xi1>, vector<512x256xf32>
    %jit3A_49 = arith.constant 5 : i32
    %broadcast_in_dim3A_50 = vector.broadcast %jit3A_49 : i32 to vector<512x256xi32>
    %select_n3A_51 = arith.select %lt3A_47, %broadcast_in_dim3A_50, %select_n3A_45 : vector<512x256xi1>, vector<512x256xi32>
    %slice3A_52 = vector.extract_strided_slice %add3A_15 {offsets = [0, 1536], sizes = [512, 256], strides = [1, 1]} : vector<512x10240xf32> to vector<512x256xf32>
    %lt3A_53 = arith.cmpf olt, %slice3A_52, %select_n3A_48 : vector<512x256xf32>
    %select_n3A_54 = arith.select %lt3A_53, %slice3A_52, %select_n3A_48 : vector<512x256xi1>, vector<512x256xf32>
    %jit3A_55 = arith.constant 6 : i32
    %broadcast_in_dim3A_56 = vector.broadcast %jit3A_55 : i32 to vector<512x256xi32>
    %select_n3A_57 = arith.select %lt3A_53, %broadcast_in_dim3A_56, %select_n3A_51 : vector<512x256xi1>, vector<512x256xi32>
    %slice3A_58 = vector.extract_strided_slice %add3A_15 {offsets = [0, 1792], sizes = [512, 256], strides = [1, 1]} : vector<512x10240xf32> to vector<512x256xf32>
    %lt3A_59 = arith.cmpf olt, %slice3A_58, %select_n3A_54 : vector<512x256xf32>
    %select_n3A_60 = arith.select %lt3A_59, %slice3A_58, %select_n3A_54 : vector<512x256xi1>, vector<512x256xf32>
    %jit3A_61 = arith.constant 7 : i32
    %broadcast_in_dim3A_62 = vector.broadcast %jit3A_61 : i32 to vector<512x256xi32>
    %select_n3A_63 = arith.select %lt3A_59, %broadcast_in_dim3A_62, %select_n3A_57 : vector<512x256xi1>, vector<512x256xi32>
    %slice3A_64 = vector.extract_strided_slice %add3A_15 {offsets = [0, 2048], sizes = [512, 256], strides = [1, 1]} : vector<512x10240xf32> to vector<512x256xf32>
    %lt3A_65 = arith.cmpf olt, %slice3A_64, %select_n3A_60 : vector<512x256xf32>
    %select_n3A_66 = arith.select %lt3A_65, %slice3A_64, %select_n3A_60 : vector<512x256xi1>, vector<512x256xf32>
    %jit3A_67 = arith.constant 8 : i32
    %broadcast_in_dim3A_68 = vector.broadcast %jit3A_67 : i32 to vector<512x256xi32>
    %select_n3A_69 = arith.select %lt3A_65, %broadcast_in_dim3A_68, %select_n3A_63 : vector<512x256xi1>, vector<512x256xi32>
    %slice3A_70 = vector.extract_strided_slice %add3A_15 {offsets = [0, 2304], sizes = [512, 256], strides = [1, 1]} : vector<512x10240xf32> to vector<512x256xf32>
    %lt3A_71 = arith.cmpf olt, %slice3A_70, %select_n3A_66 : vector<512x256xf32>
    %select_n3A_72 = arith.select %lt3A_71, %slice3A_70, %select_n3A_66 : vector<512x256xi1>, vector<512x256xf32>
    %jit3A_73 = arith.constant 9 : i32
    %broadcast_in_dim3A_74 = vector.broadcast %jit3A_73 : i32 to vector<512x256xi32>
    %select_n3A_75 = arith.select %lt3A_71, %broadcast_in_dim3A_74, %select_n3A_69 : vector<512x256xi1>, vector<512x256xi32>
    %slice3A_76 = vector.extract_strided_slice %add3A_15 {offsets = [0, 2560], sizes = [512, 256], strides = [1, 1]} : vector<512x10240xf32> to vector<512x256xf32>
    %lt3A_77 = arith.cmpf olt, %slice3A_76, %select_n3A_72 : vector<512x256xf32>
    %select_n3A_78 = arith.select %lt3A_77, %slice3A_76, %select_n3A_72 : vector<512x256xi1>, vector<512x256xf32>
    %jit3A_79 = arith.constant 10 : i32
    %broadcast_in_dim3A_80 = vector.broadcast %jit3A_79 : i32 to vector<512x256xi32>
    %select_n3A_81 = arith.select %lt3A_77, %broadcast_in_dim3A_80, %select_n3A_75 : vector<512x256xi1>, vector<512x256xi32>
    %slice3A_82 = vector.extract_strided_slice %add3A_15 {offsets = [0, 2816], sizes = [512, 256], strides = [1, 1]} : vector<512x10240xf32> to vector<512x256xf32>
    %lt3A_83 = arith.cmpf olt, %slice3A_82, %select_n3A_78 : vector<512x256xf32>
    %select_n3A_84 = arith.select %lt3A_83, %slice3A_82, %select_n3A_78 : vector<512x256xi1>, vector<512x256xf32>
    %jit3A_85 = arith.constant 11 : i32
    %broadcast_in_dim3A_86 = vector.broadcast %jit3A_85 : i32 to vector<512x256xi32>
    %select_n3A_87 = arith.select %lt3A_83, %broadcast_in_dim3A_86, %select_n3A_81 : vector<512x256xi1>, vector<512x256xi32>
    %slice3A_88 = vector.extract_strided_slice %add3A_15 {offsets = [0, 3072], sizes = [512, 256], strides = [1, 1]} : vector<512x10240xf32> to vector<512x256xf32>
    %lt3A_89 = arith.cmpf olt, %slice3A_88, %select_n3A_84 : vector<512x256xf32>
    %select_n3A_90 = arith.select %lt3A_89, %slice3A_88, %select_n3A_84 : vector<512x256xi1>, vector<512x256xf32>
    %jit3A_91 = arith.constant 12 : i32
    %broadcast_in_dim3A_92 = vector.broadcast %jit3A_91 : i32 to vector<512x256xi32>
    %select_n3A_93 = arith.select %lt3A_89, %broadcast_in_dim3A_92, %select_n3A_87 : vector<512x256xi1>, vector<512x256xi32>
    %slice3A_94 = vector.extract_strided_slice %add3A_15 {offsets = [0, 3328], sizes = [512, 256], strides = [1, 1]} : vector<512x10240xf32> to vector<512x256xf32>
    %lt3A_95 = arith.cmpf olt, %slice3A_94, %select_n3A_90 : vector<512x256xf32>
    %select_n3A_96 = arith.select %lt3A_95, %slice3A_94, %select_n3A_90 : vector<512x256xi1>, vector<512x256xf32>
    %jit3A_97 = arith.constant 13 : i32
    %broadcast_in_dim3A_98 = vector.broadcast %jit3A_97 : i32 to vector<512x256xi32>
    %select_n3A_99 = arith.select %lt3A_95, %broadcast_in_dim3A_98, %select_n3A_93 : vector<512x256xi1>, vector<512x256xi32>
    %slice3A_100 = vector.extract_strided_slice %add3A_15 {offsets = [0, 3584], sizes = [512, 256], strides = [1, 1]} : vector<512x10240xf32> to vector<512x256xf32>
    %lt3A_101 = arith.cmpf olt, %slice3A_100, %select_n3A_96 : vector<512x256xf32>
    %select_n3A_102 = arith.select %lt3A_101, %slice3A_100, %select_n3A_96 : vector<512x256xi1>, vector<512x256xf32>
    %jit3A_103 = arith.constant 14 : i32
    %broadcast_in_dim3A_104 = vector.broadcast %jit3A_103 : i32 to vector<512x256xi32>
    %select_n3A_105 = arith.select %lt3A_101, %broadcast_in_dim3A_104, %select_n3A_99 : vector<512x256xi1>, vector<512x256xi32>
    %slice3A_106 = vector.extract_strided_slice %add3A_15 {offsets = [0, 3840], sizes = [512, 256], strides = [1, 1]} : vector<512x10240xf32> to vector<512x256xf32>
    %lt3A_107 = arith.cmpf olt, %slice3A_106, %select_n3A_102 : vector<512x256xf32>
    %select_n3A_108 = arith.select %lt3A_107, %slice3A_106, %select_n3A_102 : vector<512x256xi1>, vector<512x256xf32>
    %jit3A_109 = arith.constant 15 : i32
    %broadcast_in_dim3A_110 = vector.broadcast %jit3A_109 : i32 to vector<512x256xi32>
    %select_n3A_111 = arith.select %lt3A_107, %broadcast_in_dim3A_110, %select_n3A_105 : vector<512x256xi1>, vector<512x256xi32>
    %slice3A_112 = vector.extract_strided_slice %add3A_15 {offsets = [0, 4096], sizes = [512, 256], strides = [1, 1]} : vector<512x10240xf32> to vector<512x256xf32>
    %lt3A_113 = arith.cmpf olt, %slice3A_112, %select_n3A_108 : vector<512x256xf32>
    %select_n3A_114 = arith.select %lt3A_113, %slice3A_112, %select_n3A_108 : vector<512x256xi1>, vector<512x256xf32>
    %jit3A_115 = arith.constant 16 : i32
    %broadcast_in_dim3A_116 = vector.broadcast %jit3A_115 : i32 to vector<512x256xi32>
    %select_n3A_117 = arith.select %lt3A_113, %broadcast_in_dim3A_116, %select_n3A_111 : vector<512x256xi1>, vector<512x256xi32>
    %slice3A_118 = vector.extract_strided_slice %add3A_15 {offsets = [0, 4352], sizes = [512, 256], strides = [1, 1]} : vector<512x10240xf32> to vector<512x256xf32>
    %lt3A_119 = arith.cmpf olt, %slice3A_118, %select_n3A_114 : vector<512x256xf32>
    %select_n3A_120 = arith.select %lt3A_119, %slice3A_118, %select_n3A_114 : vector<512x256xi1>, vector<512x256xf32>
    %jit3A_121 = arith.constant 17 : i32
    %broadcast_in_dim3A_122 = vector.broadcast %jit3A_121 : i32 to vector<512x256xi32>
    %select_n3A_123 = arith.select %lt3A_119, %broadcast_in_dim3A_122, %select_n3A_117 : vector<512x256xi1>, vector<512x256xi32>
    %slice3A_124 = vector.extract_strided_slice %add3A_15 {offsets = [0, 4608], sizes = [512, 256], strides = [1, 1]} : vector<512x10240xf32> to vector<512x256xf32>
    %lt3A_125 = arith.cmpf olt, %slice3A_124, %select_n3A_120 : vector<512x256xf32>
    %select_n3A_126 = arith.select %lt3A_125, %slice3A_124, %select_n3A_120 : vector<512x256xi1>, vector<512x256xf32>
    %jit3A_127 = arith.constant 18 : i32
    %broadcast_in_dim3A_128 = vector.broadcast %jit3A_127 : i32 to vector<512x256xi32>
    %select_n3A_129 = arith.select %lt3A_125, %broadcast_in_dim3A_128, %select_n3A_123 : vector<512x256xi1>, vector<512x256xi32>
    %slice3A_130 = vector.extract_strided_slice %add3A_15 {offsets = [0, 4864], sizes = [512, 256], strides = [1, 1]} : vector<512x10240xf32> to vector<512x256xf32>
    %lt3A_131 = arith.cmpf olt, %slice3A_130, %select_n3A_126 : vector<512x256xf32>
    %select_n3A_132 = arith.select %lt3A_131, %slice3A_130, %select_n3A_126 : vector<512x256xi1>, vector<512x256xf32>
    %jit3A_133 = arith.constant 19 : i32
    %broadcast_in_dim3A_134 = vector.broadcast %jit3A_133 : i32 to vector<512x256xi32>
    %select_n3A_135 = arith.select %lt3A_131, %broadcast_in_dim3A_134, %select_n3A_129 : vector<512x256xi1>, vector<512x256xi32>
    %slice3A_136 = vector.extract_strided_slice %add3A_15 {offsets = [0, 5120], sizes = [512, 256], strides = [1, 1]} : vector<512x10240xf32> to vector<512x256xf32>
    %lt3A_137 = arith.cmpf olt, %slice3A_136, %select_n3A_132 : vector<512x256xf32>
    %select_n3A_138 = arith.select %lt3A_137, %slice3A_136, %select_n3A_132 : vector<512x256xi1>, vector<512x256xf32>
    %jit3A_139 = arith.constant 20 : i32
    %broadcast_in_dim3A_140 = vector.broadcast %jit3A_139 : i32 to vector<512x256xi32>
    %select_n3A_141 = arith.select %lt3A_137, %broadcast_in_dim3A_140, %select_n3A_135 : vector<512x256xi1>, vector<512x256xi32>
    %slice3A_142 = vector.extract_strided_slice %add3A_15 {offsets = [0, 5376], sizes = [512, 256], strides = [1, 1]} : vector<512x10240xf32> to vector<512x256xf32>
    %lt3A_143 = arith.cmpf olt, %slice3A_142, %select_n3A_138 : vector<512x256xf32>
    %select_n3A_144 = arith.select %lt3A_143, %slice3A_142, %select_n3A_138 : vector<512x256xi1>, vector<512x256xf32>
    %jit3A_145 = arith.constant 21 : i32
    %broadcast_in_dim3A_146 = vector.broadcast %jit3A_145 : i32 to vector<512x256xi32>
    %select_n3A_147 = arith.select %lt3A_143, %broadcast_in_dim3A_146, %select_n3A_141 : vector<512x256xi1>, vector<512x256xi32>
    %slice3A_148 = vector.extract_strided_slice %add3A_15 {offsets = [0, 5632], sizes = [512, 256], strides = [1, 1]} : vector<512x10240xf32> to vector<512x256xf32>
    %lt3A_149 = arith.cmpf olt, %slice3A_148, %select_n3A_144 : vector<512x256xf32>
    %select_n3A_150 = arith.select %lt3A_149, %slice3A_148, %select_n3A_144 : vector<512x256xi1>, vector<512x256xf32>
    %jit3A_151 = arith.constant 22 : i32
    %broadcast_in_dim3A_152 = vector.broadcast %jit3A_151 : i32 to vector<512x256xi32>
    %select_n3A_153 = arith.select %lt3A_149, %broadcast_in_dim3A_152, %select_n3A_147 : vector<512x256xi1>, vector<512x256xi32>
    %slice3A_154 = vector.extract_strided_slice %add3A_15 {offsets = [0, 5888], sizes = [512, 256], strides = [1, 1]} : vector<512x10240xf32> to vector<512x256xf32>
    %lt3A_155 = arith.cmpf olt, %slice3A_154, %select_n3A_150 : vector<512x256xf32>
    %select_n3A_156 = arith.select %lt3A_155, %slice3A_154, %select_n3A_150 : vector<512x256xi1>, vector<512x256xf32>
    %jit3A_157 = arith.constant 23 : i32
    %broadcast_in_dim3A_158 = vector.broadcast %jit3A_157 : i32 to vector<512x256xi32>
    %select_n3A_159 = arith.select %lt3A_155, %broadcast_in_dim3A_158, %select_n3A_153 : vector<512x256xi1>, vector<512x256xi32>
    %slice3A_160 = vector.extract_strided_slice %add3A_15 {offsets = [0, 6144], sizes = [512, 256], strides = [1, 1]} : vector<512x10240xf32> to vector<512x256xf32>
    %lt3A_161 = arith.cmpf olt, %slice3A_160, %select_n3A_156 : vector<512x256xf32>
    %select_n3A_162 = arith.select %lt3A_161, %slice3A_160, %select_n3A_156 : vector<512x256xi1>, vector<512x256xf32>
    %jit3A_163 = arith.constant 24 : i32
    %broadcast_in_dim3A_164 = vector.broadcast %jit3A_163 : i32 to vector<512x256xi32>
    %select_n3A_165 = arith.select %lt3A_161, %broadcast_in_dim3A_164, %select_n3A_159 : vector<512x256xi1>, vector<512x256xi32>
    %slice3A_166 = vector.extract_strided_slice %add3A_15 {offsets = [0, 6400], sizes = [512, 256], strides = [1, 1]} : vector<512x10240xf32> to vector<512x256xf32>
    %lt3A_167 = arith.cmpf olt, %slice3A_166, %select_n3A_162 : vector<512x256xf32>
    %select_n3A_168 = arith.select %lt3A_167, %slice3A_166, %select_n3A_162 : vector<512x256xi1>, vector<512x256xf32>
    %jit3A_169 = arith.constant 25 : i32
    %broadcast_in_dim3A_170 = vector.broadcast %jit3A_169 : i32 to vector<512x256xi32>
    %select_n3A_171 = arith.select %lt3A_167, %broadcast_in_dim3A_170, %select_n3A_165 : vector<512x256xi1>, vector<512x256xi32>
    %slice3A_172 = vector.extract_strided_slice %add3A_15 {offsets = [0, 6656], sizes = [512, 256], strides = [1, 1]} : vector<512x10240xf32> to vector<512x256xf32>
    %lt3A_173 = arith.cmpf olt, %slice3A_172, %select_n3A_168 : vector<512x256xf32>
    %select_n3A_174 = arith.select %lt3A_173, %slice3A_172, %select_n3A_168 : vector<512x256xi1>, vector<512x256xf32>
    %jit3A_175 = arith.constant 26 : i32
    %broadcast_in_dim3A_176 = vector.broadcast %jit3A_175 : i32 to vector<512x256xi32>
    %select_n3A_177 = arith.select %lt3A_173, %broadcast_in_dim3A_176, %select_n3A_171 : vector<512x256xi1>, vector<512x256xi32>
    %slice3A_178 = vector.extract_strided_slice %add3A_15 {offsets = [0, 6912], sizes = [512, 256], strides = [1, 1]} : vector<512x10240xf32> to vector<512x256xf32>
    %lt3A_179 = arith.cmpf olt, %slice3A_178, %select_n3A_174 : vector<512x256xf32>
    %select_n3A_180 = arith.select %lt3A_179, %slice3A_178, %select_n3A_174 : vector<512x256xi1>, vector<512x256xf32>
    %jit3A_181 = arith.constant 27 : i32
    %broadcast_in_dim3A_182 = vector.broadcast %jit3A_181 : i32 to vector<512x256xi32>
    %select_n3A_183 = arith.select %lt3A_179, %broadcast_in_dim3A_182, %select_n3A_177 : vector<512x256xi1>, vector<512x256xi32>
    %slice3A_184 = vector.extract_strided_slice %add3A_15 {offsets = [0, 7168], sizes = [512, 256], strides = [1, 1]} : vector<512x10240xf32> to vector<512x256xf32>
    %lt3A_185 = arith.cmpf olt, %slice3A_184, %select_n3A_180 : vector<512x256xf32>
    %select_n3A_186 = arith.select %lt3A_185, %slice3A_184, %select_n3A_180 : vector<512x256xi1>, vector<512x256xf32>
    %jit3A_187 = arith.constant 28 : i32
    %broadcast_in_dim3A_188 = vector.broadcast %jit3A_187 : i32 to vector<512x256xi32>
    %select_n3A_189 = arith.select %lt3A_185, %broadcast_in_dim3A_188, %select_n3A_183 : vector<512x256xi1>, vector<512x256xi32>
    %slice3A_190 = vector.extract_strided_slice %add3A_15 {offsets = [0, 7424], sizes = [512, 256], strides = [1, 1]} : vector<512x10240xf32> to vector<512x256xf32>
    %lt3A_191 = arith.cmpf olt, %slice3A_190, %select_n3A_186 : vector<512x256xf32>
    %select_n3A_192 = arith.select %lt3A_191, %slice3A_190, %select_n3A_186 : vector<512x256xi1>, vector<512x256xf32>
    %jit3A_193 = arith.constant 29 : i32
    %broadcast_in_dim3A_194 = vector.broadcast %jit3A_193 : i32 to vector<512x256xi32>
    %select_n3A_195 = arith.select %lt3A_191, %broadcast_in_dim3A_194, %select_n3A_189 : vector<512x256xi1>, vector<512x256xi32>
    %slice3A_196 = vector.extract_strided_slice %add3A_15 {offsets = [0, 7680], sizes = [512, 256], strides = [1, 1]} : vector<512x10240xf32> to vector<512x256xf32>
    %lt3A_197 = arith.cmpf olt, %slice3A_196, %select_n3A_192 : vector<512x256xf32>
    %select_n3A_198 = arith.select %lt3A_197, %slice3A_196, %select_n3A_192 : vector<512x256xi1>, vector<512x256xf32>
    %jit3A_199 = arith.constant 30 : i32
    %broadcast_in_dim3A_200 = vector.broadcast %jit3A_199 : i32 to vector<512x256xi32>
    %select_n3A_201 = arith.select %lt3A_197, %broadcast_in_dim3A_200, %select_n3A_195 : vector<512x256xi1>, vector<512x256xi32>
    %slice3A_202 = vector.extract_strided_slice %add3A_15 {offsets = [0, 7936], sizes = [512, 256], strides = [1, 1]} : vector<512x10240xf32> to vector<512x256xf32>
    %lt3A_203 = arith.cmpf olt, %slice3A_202, %select_n3A_198 : vector<512x256xf32>
    %select_n3A_204 = arith.select %lt3A_203, %slice3A_202, %select_n3A_198 : vector<512x256xi1>, vector<512x256xf32>
    %jit3A_205 = arith.constant 31 : i32
    %broadcast_in_dim3A_206 = vector.broadcast %jit3A_205 : i32 to vector<512x256xi32>
    %select_n3A_207 = arith.select %lt3A_203, %broadcast_in_dim3A_206, %select_n3A_201 : vector<512x256xi1>, vector<512x256xi32>
    %slice3A_208 = vector.extract_strided_slice %add3A_15 {offsets = [0, 8192], sizes = [512, 256], strides = [1, 1]} : vector<512x10240xf32> to vector<512x256xf32>
    %lt3A_209 = arith.cmpf olt, %slice3A_208, %select_n3A_204 : vector<512x256xf32>
    %select_n3A_210 = arith.select %lt3A_209, %slice3A_208, %select_n3A_204 : vector<512x256xi1>, vector<512x256xf32>
    %jit3A_211 = arith.constant 32 : i32
    %broadcast_in_dim3A_212 = vector.broadcast %jit3A_211 : i32 to vector<512x256xi32>
    %select_n3A_213 = arith.select %lt3A_209, %broadcast_in_dim3A_212, %select_n3A_207 : vector<512x256xi1>, vector<512x256xi32>
    %slice3A_214 = vector.extract_strided_slice %add3A_15 {offsets = [0, 8448], sizes = [512, 256], strides = [1, 1]} : vector<512x10240xf32> to vector<512x256xf32>
    %lt3A_215 = arith.cmpf olt, %slice3A_214, %select_n3A_210 : vector<512x256xf32>
    %select_n3A_216 = arith.select %lt3A_215, %slice3A_214, %select_n3A_210 : vector<512x256xi1>, vector<512x256xf32>
    %jit3A_217 = arith.constant 33 : i32
    %broadcast_in_dim3A_218 = vector.broadcast %jit3A_217 : i32 to vector<512x256xi32>
    %select_n3A_219 = arith.select %lt3A_215, %broadcast_in_dim3A_218, %select_n3A_213 : vector<512x256xi1>, vector<512x256xi32>
    %slice3A_220 = vector.extract_strided_slice %add3A_15 {offsets = [0, 8704], sizes = [512, 256], strides = [1, 1]} : vector<512x10240xf32> to vector<512x256xf32>
    %lt3A_221 = arith.cmpf olt, %slice3A_220, %select_n3A_216 : vector<512x256xf32>
    %select_n3A_222 = arith.select %lt3A_221, %slice3A_220, %select_n3A_216 : vector<512x256xi1>, vector<512x256xf32>
    %jit3A_223 = arith.constant 34 : i32
    %broadcast_in_dim3A_224 = vector.broadcast %jit3A_223 : i32 to vector<512x256xi32>
    %select_n3A_225 = arith.select %lt3A_221, %broadcast_in_dim3A_224, %select_n3A_219 : vector<512x256xi1>, vector<512x256xi32>
    %slice3A_226 = vector.extract_strided_slice %add3A_15 {offsets = [0, 8960], sizes = [512, 256], strides = [1, 1]} : vector<512x10240xf32> to vector<512x256xf32>
    %lt3A_227 = arith.cmpf olt, %slice3A_226, %select_n3A_222 : vector<512x256xf32>
    %select_n3A_228 = arith.select %lt3A_227, %slice3A_226, %select_n3A_222 : vector<512x256xi1>, vector<512x256xf32>
    %jit3A_229 = arith.constant 35 : i32
    %broadcast_in_dim3A_230 = vector.broadcast %jit3A_229 : i32 to vector<512x256xi32>
    %select_n3A_231 = arith.select %lt3A_227, %broadcast_in_dim3A_230, %select_n3A_225 : vector<512x256xi1>, vector<512x256xi32>
    %slice3A_232 = vector.extract_strided_slice %add3A_15 {offsets = [0, 9216], sizes = [512, 256], strides = [1, 1]} : vector<512x10240xf32> to vector<512x256xf32>
    %lt3A_233 = arith.cmpf olt, %slice3A_232, %select_n3A_228 : vector<512x256xf32>
    %select_n3A_234 = arith.select %lt3A_233, %slice3A_232, %select_n3A_228 : vector<512x256xi1>, vector<512x256xf32>
    %jit3A_235 = arith.constant 36 : i32
    %broadcast_in_dim3A_236 = vector.broadcast %jit3A_235 : i32 to vector<512x256xi32>
    %select_n3A_237 = arith.select %lt3A_233, %broadcast_in_dim3A_236, %select_n3A_231 : vector<512x256xi1>, vector<512x256xi32>
    %slice3A_238 = vector.extract_strided_slice %add3A_15 {offsets = [0, 9472], sizes = [512, 256], strides = [1, 1]} : vector<512x10240xf32> to vector<512x256xf32>
    %lt3A_239 = arith.cmpf olt, %slice3A_238, %select_n3A_234 : vector<512x256xf32>
    %select_n3A_240 = arith.select %lt3A_239, %slice3A_238, %select_n3A_234 : vector<512x256xi1>, vector<512x256xf32>
    %jit3A_241 = arith.constant 37 : i32
    %broadcast_in_dim3A_242 = vector.broadcast %jit3A_241 : i32 to vector<512x256xi32>
    %select_n3A_243 = arith.select %lt3A_239, %broadcast_in_dim3A_242, %select_n3A_237 : vector<512x256xi1>, vector<512x256xi32>
    %slice3A_244 = vector.extract_strided_slice %add3A_15 {offsets = [0, 9728], sizes = [512, 256], strides = [1, 1]} : vector<512x10240xf32> to vector<512x256xf32>
    %lt3A_245 = arith.cmpf olt, %slice3A_244, %select_n3A_240 : vector<512x256xf32>
    %select_n3A_246 = arith.select %lt3A_245, %slice3A_244, %select_n3A_240 : vector<512x256xi1>, vector<512x256xf32>
    %jit3A_247 = arith.constant 38 : i32
    %broadcast_in_dim3A_248 = vector.broadcast %jit3A_247 : i32 to vector<512x256xi32>
    %select_n3A_249 = arith.select %lt3A_245, %broadcast_in_dim3A_248, %select_n3A_243 : vector<512x256xi1>, vector<512x256xi32>
    %slice3A_250 = vector.extract_strided_slice %add3A_15 {offsets = [0, 9984], sizes = [512, 256], strides = [1, 1]} : vector<512x10240xf32> to vector<512x256xf32>
    %ge3A = arith.constant 16 : i32
    %ge3A_251 = vector.broadcast %ge3A : i32 to vector<512x256xi32>
    %ge3A_252 = arith.cmpi sge, %iota3A, %ge3A_251 : vector<512x256xi32>
    %jit3A_253 = arith.constant 0x7F800000 : f32
    %broadcast_in_dim3A_254 = vector.broadcast %jit3A_253 : f32 to vector<512x256xf32>
    %select_n3A_255 = arith.select %ge3A_252, %broadcast_in_dim3A_254, %slice3A_250 : vector<512x256xi1>, vector<512x256xf32>
    %lt3A_256 = arith.cmpf olt, %select_n3A_255, %select_n3A_246 : vector<512x256xf32>
    %select_n3A_257 = arith.select %lt3A_256, %select_n3A_255, %select_n3A_246 : vector<512x256xi1>, vector<512x256xf32>
    %jit3A_258 = arith.constant 39 : i32
    %broadcast_in_dim3A_259 = vector.broadcast %jit3A_258 : i32 to vector<512x256xi32>
    %select_n3A_260 = arith.select %lt3A_256, %broadcast_in_dim3A_259, %select_n3A_249 : vector<512x256xi1>, vector<512x256xi32>
    %broadcast_in_dim3A_261 = arith.constant 0x7F800000 : f32
    %broadcast_in_dim3A_262 = vector.broadcast %broadcast_in_dim3A_261 : f32 to vector<512x256xf32>
    %broadcast_in_dim3A_263 = arith.constant 0 : i32
    %broadcast_in_dim3A_264 = vector.broadcast %broadcast_in_dim3A_263 : i32 to vector<512x256xi32>
    %slice3A_265 = vector.extract_strided_slice %add3A_15 {offsets = [0, 0], sizes = [512, 256], strides = [1, 1]} : vector<512x10240xf32> to vector<512x256xf32>
    %eq3A = arith.constant 0 : i32
    %eq3A_266 = vector.broadcast %eq3A : i32 to vector<512x256xi32>
    %eq3A_267 = arith.cmpi eq, %select_n3A_260, %eq3A_266 : vector<512x256xi32>
    %jit3A_268 = arith.constant 0x7F800000 : f32
    %broadcast_in_dim3A_269 = vector.broadcast %jit3A_268 : f32 to vector<512x256xf32>
    %select_n3A_270 = arith.select %eq3A_267, %broadcast_in_dim3A_269, %slice3A_265 : vector<512x256xi1>, vector<512x256xf32>
    %lt3A_271 = arith.cmpf olt, %select_n3A_270, %broadcast_in_dim3A_262 : vector<512x256xf32>
    %select_n3A_272 = arith.select %lt3A_271, %select_n3A_270, %broadcast_in_dim3A_262 : vector<512x256xi1>, vector<512x256xf32>
    %jit3A_273 = arith.constant 0 : i32
    %broadcast_in_dim3A_274 = vector.broadcast %jit3A_273 : i32 to vector<512x256xi32>
    %select_n3A_275 = arith.select %lt3A_271, %broadcast_in_dim3A_274, %broadcast_in_dim3A_264 : vector<512x256xi1>, vector<512x256xi32>
    %slice3A_276 = vector.extract_strided_slice %add3A_15 {offsets = [0, 256], sizes = [512, 256], strides = [1, 1]} : vector<512x10240xf32> to vector<512x256xf32>
    %eq3A_277 = arith.constant 1 : i32
    %eq3A_278 = vector.broadcast %eq3A_277 : i32 to vector<512x256xi32>
    %eq3A_279 = arith.cmpi eq, %select_n3A_260, %eq3A_278 : vector<512x256xi32>
    %jit3A_280 = arith.constant 0x7F800000 : f32
    %broadcast_in_dim3A_281 = vector.broadcast %jit3A_280 : f32 to vector<512x256xf32>
    %select_n3A_282 = arith.select %eq3A_279, %broadcast_in_dim3A_281, %slice3A_276 : vector<512x256xi1>, vector<512x256xf32>
    %lt3A_283 = arith.cmpf olt, %select_n3A_282, %select_n3A_272 : vector<512x256xf32>
    %select_n3A_284 = arith.select %lt3A_283, %select_n3A_282, %select_n3A_272 : vector<512x256xi1>, vector<512x256xf32>
    %jit3A_285 = arith.constant 1 : i32
    %broadcast_in_dim3A_286 = vector.broadcast %jit3A_285 : i32 to vector<512x256xi32>
    %select_n3A_287 = arith.select %lt3A_283, %broadcast_in_dim3A_286, %select_n3A_275 : vector<512x256xi1>, vector<512x256xi32>
    %slice3A_288 = vector.extract_strided_slice %add3A_15 {offsets = [0, 512], sizes = [512, 256], strides = [1, 1]} : vector<512x10240xf32> to vector<512x256xf32>
    %eq3A_289 = arith.constant 2 : i32
    %eq3A_290 = vector.broadcast %eq3A_289 : i32 to vector<512x256xi32>
    %eq3A_291 = arith.cmpi eq, %select_n3A_260, %eq3A_290 : vector<512x256xi32>
    %jit3A_292 = arith.constant 0x7F800000 : f32
    %broadcast_in_dim3A_293 = vector.broadcast %jit3A_292 : f32 to vector<512x256xf32>
    %select_n3A_294 = arith.select %eq3A_291, %broadcast_in_dim3A_293, %slice3A_288 : vector<512x256xi1>, vector<512x256xf32>
    %lt3A_295 = arith.cmpf olt, %select_n3A_294, %select_n3A_284 : vector<512x256xf32>
    %select_n3A_296 = arith.select %lt3A_295, %select_n3A_294, %select_n3A_284 : vector<512x256xi1>, vector<512x256xf32>
    %jit3A_297 = arith.constant 2 : i32
    %broadcast_in_dim3A_298 = vector.broadcast %jit3A_297 : i32 to vector<512x256xi32>
    %select_n3A_299 = arith.select %lt3A_295, %broadcast_in_dim3A_298, %select_n3A_287 : vector<512x256xi1>, vector<512x256xi32>
    %slice3A_300 = vector.extract_strided_slice %add3A_15 {offsets = [0, 768], sizes = [512, 256], strides = [1, 1]} : vector<512x10240xf32> to vector<512x256xf32>
    %eq3A_301 = arith.constant 3 : i32
    %eq3A_302 = vector.broadcast %eq3A_301 : i32 to vector<512x256xi32>
    %eq3A_303 = arith.cmpi eq, %select_n3A_260, %eq3A_302 : vector<512x256xi32>
    %jit3A_304 = arith.constant 0x7F800000 : f32
    %broadcast_in_dim3A_305 = vector.broadcast %jit3A_304 : f32 to vector<512x256xf32>
    %select_n3A_306 = arith.select %eq3A_303, %broadcast_in_dim3A_305, %slice3A_300 : vector<512x256xi1>, vector<512x256xf32>
    %lt3A_307 = arith.cmpf olt, %select_n3A_306, %select_n3A_296 : vector<512x256xf32>
    %select_n3A_308 = arith.select %lt3A_307, %select_n3A_306, %select_n3A_296 : vector<512x256xi1>, vector<512x256xf32>
    %jit3A_309 = arith.constant 3 : i32
    %broadcast_in_dim3A_310 = vector.broadcast %jit3A_309 : i32 to vector<512x256xi32>
    %select_n3A_311 = arith.select %lt3A_307, %broadcast_in_dim3A_310, %select_n3A_299 : vector<512x256xi1>, vector<512x256xi32>
    %slice3A_312 = vector.extract_strided_slice %add3A_15 {offsets = [0, 1024], sizes = [512, 256], strides = [1, 1]} : vector<512x10240xf32> to vector<512x256xf32>
    %eq3A_313 = arith.constant 4 : i32
    %eq3A_314 = vector.broadcast %eq3A_313 : i32 to vector<512x256xi32>
    %eq3A_315 = arith.cmpi eq, %select_n3A_260, %eq3A_314 : vector<512x256xi32>
    %jit3A_316 = arith.constant 0x7F800000 : f32
    %broadcast_in_dim3A_317 = vector.broadcast %jit3A_316 : f32 to vector<512x256xf32>
    %select_n3A_318 = arith.select %eq3A_315, %broadcast_in_dim3A_317, %slice3A_312 : vector<512x256xi1>, vector<512x256xf32>
    %lt3A_319 = arith.cmpf olt, %select_n3A_318, %select_n3A_308 : vector<512x256xf32>
    %select_n3A_320 = arith.select %lt3A_319, %select_n3A_318, %select_n3A_308 : vector<512x256xi1>, vector<512x256xf32>
    %jit3A_321 = arith.constant 4 : i32
    %broadcast_in_dim3A_322 = vector.broadcast %jit3A_321 : i32 to vector<512x256xi32>
    %select_n3A_323 = arith.select %lt3A_319, %broadcast_in_dim3A_322, %select_n3A_311 : vector<512x256xi1>, vector<512x256xi32>
    %slice3A_324 = vector.extract_strided_slice %add3A_15 {offsets = [0, 1280], sizes = [512, 256], strides = [1, 1]} : vector<512x10240xf32> to vector<512x256xf32>
    %eq3A_325 = arith.constant 5 : i32
    %eq3A_326 = vector.broadcast %eq3A_325 : i32 to vector<512x256xi32>
    %eq3A_327 = arith.cmpi eq, %select_n3A_260, %eq3A_326 : vector<512x256xi32>
    %jit3A_328 = arith.constant 0x7F800000 : f32
    %broadcast_in_dim3A_329 = vector.broadcast %jit3A_328 : f32 to vector<512x256xf32>
    %select_n3A_330 = arith.select %eq3A_327, %broadcast_in_dim3A_329, %slice3A_324 : vector<512x256xi1>, vector<512x256xf32>
    %lt3A_331 = arith.cmpf olt, %select_n3A_330, %select_n3A_320 : vector<512x256xf32>
    %select_n3A_332 = arith.select %lt3A_331, %select_n3A_330, %select_n3A_320 : vector<512x256xi1>, vector<512x256xf32>
    %jit3A_333 = arith.constant 5 : i32
    %broadcast_in_dim3A_334 = vector.broadcast %jit3A_333 : i32 to vector<512x256xi32>
    %select_n3A_335 = arith.select %lt3A_331, %broadcast_in_dim3A_334, %select_n3A_323 : vector<512x256xi1>, vector<512x256xi32>
    %slice3A_336 = vector.extract_strided_slice %add3A_15 {offsets = [0, 1536], sizes = [512, 256], strides = [1, 1]} : vector<512x10240xf32> to vector<512x256xf32>
    %eq3A_337 = arith.constant 6 : i32
    %eq3A_338 = vector.broadcast %eq3A_337 : i32 to vector<512x256xi32>
    %eq3A_339 = arith.cmpi eq, %select_n3A_260, %eq3A_338 : vector<512x256xi32>
    %jit3A_340 = arith.constant 0x7F800000 : f32
    %broadcast_in_dim3A_341 = vector.broadcast %jit3A_340 : f32 to vector<512x256xf32>
    %select_n3A_342 = arith.select %eq3A_339, %broadcast_in_dim3A_341, %slice3A_336 : vector<512x256xi1>, vector<512x256xf32>
    %lt3A_343 = arith.cmpf olt, %select_n3A_342, %select_n3A_332 : vector<512x256xf32>
    %select_n3A_344 = arith.select %lt3A_343, %select_n3A_342, %select_n3A_332 : vector<512x256xi1>, vector<512x256xf32>
    %jit3A_345 = arith.constant 6 : i32
    %broadcast_in_dim3A_346 = vector.broadcast %jit3A_345 : i32 to vector<512x256xi32>
    %select_n3A_347 = arith.select %lt3A_343, %broadcast_in_dim3A_346, %select_n3A_335 : vector<512x256xi1>, vector<512x256xi32>
    %slice3A_348 = vector.extract_strided_slice %add3A_15 {offsets = [0, 1792], sizes = [512, 256], strides = [1, 1]} : vector<512x10240xf32> to vector<512x256xf32>
    %eq3A_349 = arith.constant 7 : i32
    %eq3A_350 = vector.broadcast %eq3A_349 : i32 to vector<512x256xi32>
    %eq3A_351 = arith.cmpi eq, %select_n3A_260, %eq3A_350 : vector<512x256xi32>
    %jit3A_352 = arith.constant 0x7F800000 : f32
    %broadcast_in_dim3A_353 = vector.broadcast %jit3A_352 : f32 to vector<512x256xf32>
    %select_n3A_354 = arith.select %eq3A_351, %broadcast_in_dim3A_353, %slice3A_348 : vector<512x256xi1>, vector<512x256xf32>
    %lt3A_355 = arith.cmpf olt, %select_n3A_354, %select_n3A_344 : vector<512x256xf32>
    %select_n3A_356 = arith.select %lt3A_355, %select_n3A_354, %select_n3A_344 : vector<512x256xi1>, vector<512x256xf32>
    %jit3A_357 = arith.constant 7 : i32
    %broadcast_in_dim3A_358 = vector.broadcast %jit3A_357 : i32 to vector<512x256xi32>
    %select_n3A_359 = arith.select %lt3A_355, %broadcast_in_dim3A_358, %select_n3A_347 : vector<512x256xi1>, vector<512x256xi32>
    %slice3A_360 = vector.extract_strided_slice %add3A_15 {offsets = [0, 2048], sizes = [512, 256], strides = [1, 1]} : vector<512x10240xf32> to vector<512x256xf32>
    %eq3A_361 = arith.constant 8 : i32
    %eq3A_362 = vector.broadcast %eq3A_361 : i32 to vector<512x256xi32>
    %eq3A_363 = arith.cmpi eq, %select_n3A_260, %eq3A_362 : vector<512x256xi32>
    %jit3A_364 = arith.constant 0x7F800000 : f32
    %broadcast_in_dim3A_365 = vector.broadcast %jit3A_364 : f32 to vector<512x256xf32>
    %select_n3A_366 = arith.select %eq3A_363, %broadcast_in_dim3A_365, %slice3A_360 : vector<512x256xi1>, vector<512x256xf32>
    %lt3A_367 = arith.cmpf olt, %select_n3A_366, %select_n3A_356 : vector<512x256xf32>
    %select_n3A_368 = arith.select %lt3A_367, %select_n3A_366, %select_n3A_356 : vector<512x256xi1>, vector<512x256xf32>
    %jit3A_369 = arith.constant 8 : i32
    %broadcast_in_dim3A_370 = vector.broadcast %jit3A_369 : i32 to vector<512x256xi32>
    %select_n3A_371 = arith.select %lt3A_367, %broadcast_in_dim3A_370, %select_n3A_359 : vector<512x256xi1>, vector<512x256xi32>
    %slice3A_372 = vector.extract_strided_slice %add3A_15 {offsets = [0, 2304], sizes = [512, 256], strides = [1, 1]} : vector<512x10240xf32> to vector<512x256xf32>
    %eq3A_373 = arith.constant 9 : i32
    %eq3A_374 = vector.broadcast %eq3A_373 : i32 to vector<512x256xi32>
    %eq3A_375 = arith.cmpi eq, %select_n3A_260, %eq3A_374 : vector<512x256xi32>
    %jit3A_376 = arith.constant 0x7F800000 : f32
    %broadcast_in_dim3A_377 = vector.broadcast %jit3A_376 : f32 to vector<512x256xf32>
    %select_n3A_378 = arith.select %eq3A_375, %broadcast_in_dim3A_377, %slice3A_372 : vector<512x256xi1>, vector<512x256xf32>
    %lt3A_379 = arith.cmpf olt, %select_n3A_378, %select_n3A_368 : vector<512x256xf32>
    %select_n3A_380 = arith.select %lt3A_379, %select_n3A_378, %select_n3A_368 : vector<512x256xi1>, vector<512x256xf32>
    %jit3A_381 = arith.constant 9 : i32
    %broadcast_in_dim3A_382 = vector.broadcast %jit3A_381 : i32 to vector<512x256xi32>
    %select_n3A_383 = arith.select %lt3A_379, %broadcast_in_dim3A_382, %select_n3A_371 : vector<512x256xi1>, vector<512x256xi32>
    %slice3A_384 = vector.extract_strided_slice %add3A_15 {offsets = [0, 2560], sizes = [512, 256], strides = [1, 1]} : vector<512x10240xf32> to vector<512x256xf32>
    %eq3A_385 = arith.constant 10 : i32
    %eq3A_386 = vector.broadcast %eq3A_385 : i32 to vector<512x256xi32>
    %eq3A_387 = arith.cmpi eq, %select_n3A_260, %eq3A_386 : vector<512x256xi32>
    %jit3A_388 = arith.constant 0x7F800000 : f32
    %broadcast_in_dim3A_389 = vector.broadcast %jit3A_388 : f32 to vector<512x256xf32>
    %select_n3A_390 = arith.select %eq3A_387, %broadcast_in_dim3A_389, %slice3A_384 : vector<512x256xi1>, vector<512x256xf32>
    %lt3A_391 = arith.cmpf olt, %select_n3A_390, %select_n3A_380 : vector<512x256xf32>
    %select_n3A_392 = arith.select %lt3A_391, %select_n3A_390, %select_n3A_380 : vector<512x256xi1>, vector<512x256xf32>
    %jit3A_393 = arith.constant 10 : i32
    %broadcast_in_dim3A_394 = vector.broadcast %jit3A_393 : i32 to vector<512x256xi32>
    %select_n3A_395 = arith.select %lt3A_391, %broadcast_in_dim3A_394, %select_n3A_383 : vector<512x256xi1>, vector<512x256xi32>
    %slice3A_396 = vector.extract_strided_slice %add3A_15 {offsets = [0, 2816], sizes = [512, 256], strides = [1, 1]} : vector<512x10240xf32> to vector<512x256xf32>
    %eq3A_397 = arith.constant 11 : i32
    %eq3A_398 = vector.broadcast %eq3A_397 : i32 to vector<512x256xi32>
    %eq3A_399 = arith.cmpi eq, %select_n3A_260, %eq3A_398 : vector<512x256xi32>
    %jit3A_400 = arith.constant 0x7F800000 : f32
    %broadcast_in_dim3A_401 = vector.broadcast %jit3A_400 : f32 to vector<512x256xf32>
    %select_n3A_402 = arith.select %eq3A_399, %broadcast_in_dim3A_401, %slice3A_396 : vector<512x256xi1>, vector<512x256xf32>
    %lt3A_403 = arith.cmpf olt, %select_n3A_402, %select_n3A_392 : vector<512x256xf32>
    %select_n3A_404 = arith.select %lt3A_403, %select_n3A_402, %select_n3A_392 : vector<512x256xi1>, vector<512x256xf32>
    %jit3A_405 = arith.constant 11 : i32
    %broadcast_in_dim3A_406 = vector.broadcast %jit3A_405 : i32 to vector<512x256xi32>
    %select_n3A_407 = arith.select %lt3A_403, %broadcast_in_dim3A_406, %select_n3A_395 : vector<512x256xi1>, vector<512x256xi32>
    %slice3A_408 = vector.extract_strided_slice %add3A_15 {offsets = [0, 3072], sizes = [512, 256], strides = [1, 1]} : vector<512x10240xf32> to vector<512x256xf32>
    %eq3A_409 = arith.constant 12 : i32
    %eq3A_410 = vector.broadcast %eq3A_409 : i32 to vector<512x256xi32>
    %eq3A_411 = arith.cmpi eq, %select_n3A_260, %eq3A_410 : vector<512x256xi32>
    %jit3A_412 = arith.constant 0x7F800000 : f32
    %broadcast_in_dim3A_413 = vector.broadcast %jit3A_412 : f32 to vector<512x256xf32>
    %select_n3A_414 = arith.select %eq3A_411, %broadcast_in_dim3A_413, %slice3A_408 : vector<512x256xi1>, vector<512x256xf32>
    %lt3A_415 = arith.cmpf olt, %select_n3A_414, %select_n3A_404 : vector<512x256xf32>
    %select_n3A_416 = arith.select %lt3A_415, %select_n3A_414, %select_n3A_404 : vector<512x256xi1>, vector<512x256xf32>
    %jit3A_417 = arith.constant 12 : i32
    %broadcast_in_dim3A_418 = vector.broadcast %jit3A_417 : i32 to vector<512x256xi32>
    %select_n3A_419 = arith.select %lt3A_415, %broadcast_in_dim3A_418, %select_n3A_407 : vector<512x256xi1>, vector<512x256xi32>
    %slice3A_420 = vector.extract_strided_slice %add3A_15 {offsets = [0, 3328], sizes = [512, 256], strides = [1, 1]} : vector<512x10240xf32> to vector<512x256xf32>
    %eq3A_421 = arith.constant 13 : i32
    %eq3A_422 = vector.broadcast %eq3A_421 : i32 to vector<512x256xi32>
    %eq3A_423 = arith.cmpi eq, %select_n3A_260, %eq3A_422 : vector<512x256xi32>
    %jit3A_424 = arith.constant 0x7F800000 : f32
    %broadcast_in_dim3A_425 = vector.broadcast %jit3A_424 : f32 to vector<512x256xf32>
    %select_n3A_426 = arith.select %eq3A_423, %broadcast_in_dim3A_425, %slice3A_420 : vector<512x256xi1>, vector<512x256xf32>
    %lt3A_427 = arith.cmpf olt, %select_n3A_426, %select_n3A_416 : vector<512x256xf32>
    %select_n3A_428 = arith.select %lt3A_427, %select_n3A_426, %select_n3A_416 : vector<512x256xi1>, vector<512x256xf32>
    %jit3A_429 = arith.constant 13 : i32
    %broadcast_in_dim3A_430 = vector.broadcast %jit3A_429 : i32 to vector<512x256xi32>
    %select_n3A_431 = arith.select %lt3A_427, %broadcast_in_dim3A_430, %select_n3A_419 : vector<512x256xi1>, vector<512x256xi32>
    %slice3A_432 = vector.extract_strided_slice %add3A_15 {offsets = [0, 3584], sizes = [512, 256], strides = [1, 1]} : vector<512x10240xf32> to vector<512x256xf32>
    %eq3A_433 = arith.constant 14 : i32
    %eq3A_434 = vector.broadcast %eq3A_433 : i32 to vector<512x256xi32>
    %eq3A_435 = arith.cmpi eq, %select_n3A_260, %eq3A_434 : vector<512x256xi32>
    %jit3A_436 = arith.constant 0x7F800000 : f32
    %broadcast_in_dim3A_437 = vector.broadcast %jit3A_436 : f32 to vector<512x256xf32>
    %select_n3A_438 = arith.select %eq3A_435, %broadcast_in_dim3A_437, %slice3A_432 : vector<512x256xi1>, vector<512x256xf32>
    %lt3A_439 = arith.cmpf olt, %select_n3A_438, %select_n3A_428 : vector<512x256xf32>
    %select_n3A_440 = arith.select %lt3A_439, %select_n3A_438, %select_n3A_428 : vector<512x256xi1>, vector<512x256xf32>
    %jit3A_441 = arith.constant 14 : i32
    %broadcast_in_dim3A_442 = vector.broadcast %jit3A_441 : i32 to vector<512x256xi32>
    %select_n3A_443 = arith.select %lt3A_439, %broadcast_in_dim3A_442, %select_n3A_431 : vector<512x256xi1>, vector<512x256xi32>
    %slice3A_444 = vector.extract_strided_slice %add3A_15 {offsets = [0, 3840], sizes = [512, 256], strides = [1, 1]} : vector<512x10240xf32> to vector<512x256xf32>
    %eq3A_445 = arith.constant 15 : i32
    %eq3A_446 = vector.broadcast %eq3A_445 : i32 to vector<512x256xi32>
    %eq3A_447 = arith.cmpi eq, %select_n3A_260, %eq3A_446 : vector<512x256xi32>
    %jit3A_448 = arith.constant 0x7F800000 : f32
    %broadcast_in_dim3A_449 = vector.broadcast %jit3A_448 : f32 to vector<512x256xf32>
    %select_n3A_450 = arith.select %eq3A_447, %broadcast_in_dim3A_449, %slice3A_444 : vector<512x256xi1>, vector<512x256xf32>
    %lt3A_451 = arith.cmpf olt, %select_n3A_450, %select_n3A_440 : vector<512x256xf32>
    %select_n3A_452 = arith.select %lt3A_451, %select_n3A_450, %select_n3A_440 : vector<512x256xi1>, vector<512x256xf32>
    %jit3A_453 = arith.constant 15 : i32
    %broadcast_in_dim3A_454 = vector.broadcast %jit3A_453 : i32 to vector<512x256xi32>
    %select_n3A_455 = arith.select %lt3A_451, %broadcast_in_dim3A_454, %select_n3A_443 : vector<512x256xi1>, vector<512x256xi32>
    %slice3A_456 = vector.extract_strided_slice %add3A_15 {offsets = [0, 4096], sizes = [512, 256], strides = [1, 1]} : vector<512x10240xf32> to vector<512x256xf32>
    %eq3A_457 = arith.constant 16 : i32
    %eq3A_458 = vector.broadcast %eq3A_457 : i32 to vector<512x256xi32>
    %eq3A_459 = arith.cmpi eq, %select_n3A_260, %eq3A_458 : vector<512x256xi32>
    %jit3A_460 = arith.constant 0x7F800000 : f32
    %broadcast_in_dim3A_461 = vector.broadcast %jit3A_460 : f32 to vector<512x256xf32>
    %select_n3A_462 = arith.select %eq3A_459, %broadcast_in_dim3A_461, %slice3A_456 : vector<512x256xi1>, vector<512x256xf32>
    %lt3A_463 = arith.cmpf olt, %select_n3A_462, %select_n3A_452 : vector<512x256xf32>
    %select_n3A_464 = arith.select %lt3A_463, %select_n3A_462, %select_n3A_452 : vector<512x256xi1>, vector<512x256xf32>
    %jit3A_465 = arith.constant 16 : i32
    %broadcast_in_dim3A_466 = vector.broadcast %jit3A_465 : i32 to vector<512x256xi32>
    %select_n3A_467 = arith.select %lt3A_463, %broadcast_in_dim3A_466, %select_n3A_455 : vector<512x256xi1>, vector<512x256xi32>
    %slice3A_468 = vector.extract_strided_slice %add3A_15 {offsets = [0, 4352], sizes = [512, 256], strides = [1, 1]} : vector<512x10240xf32> to vector<512x256xf32>
    %eq3A_469 = arith.constant 17 : i32
    %eq3A_470 = vector.broadcast %eq3A_469 : i32 to vector<512x256xi32>
    %eq3A_471 = arith.cmpi eq, %select_n3A_260, %eq3A_470 : vector<512x256xi32>
    %jit3A_472 = arith.constant 0x7F800000 : f32
    %broadcast_in_dim3A_473 = vector.broadcast %jit3A_472 : f32 to vector<512x256xf32>
    %select_n3A_474 = arith.select %eq3A_471, %broadcast_in_dim3A_473, %slice3A_468 : vector<512x256xi1>, vector<512x256xf32>
    %lt3A_475 = arith.cmpf olt, %select_n3A_474, %select_n3A_464 : vector<512x256xf32>
    %select_n3A_476 = arith.select %lt3A_475, %select_n3A_474, %select_n3A_464 : vector<512x256xi1>, vector<512x256xf32>
    %jit3A_477 = arith.constant 17 : i32
    %broadcast_in_dim3A_478 = vector.broadcast %jit3A_477 : i32 to vector<512x256xi32>
    %select_n3A_479 = arith.select %lt3A_475, %broadcast_in_dim3A_478, %select_n3A_467 : vector<512x256xi1>, vector<512x256xi32>
    %slice3A_480 = vector.extract_strided_slice %add3A_15 {offsets = [0, 4608], sizes = [512, 256], strides = [1, 1]} : vector<512x10240xf32> to vector<512x256xf32>
    %eq3A_481 = arith.constant 18 : i32
    %eq3A_482 = vector.broadcast %eq3A_481 : i32 to vector<512x256xi32>
    %eq3A_483 = arith.cmpi eq, %select_n3A_260, %eq3A_482 : vector<512x256xi32>
    %jit3A_484 = arith.constant 0x7F800000 : f32
    %broadcast_in_dim3A_485 = vector.broadcast %jit3A_484 : f32 to vector<512x256xf32>
    %select_n3A_486 = arith.select %eq3A_483, %broadcast_in_dim3A_485, %slice3A_480 : vector<512x256xi1>, vector<512x256xf32>
    %lt3A_487 = arith.cmpf olt, %select_n3A_486, %select_n3A_476 : vector<512x256xf32>
    %select_n3A_488 = arith.select %lt3A_487, %select_n3A_486, %select_n3A_476 : vector<512x256xi1>, vector<512x256xf32>
    %jit3A_489 = arith.constant 18 : i32
    %broadcast_in_dim3A_490 = vector.broadcast %jit3A_489 : i32 to vector<512x256xi32>
    %select_n3A_491 = arith.select %lt3A_487, %broadcast_in_dim3A_490, %select_n3A_479 : vector<512x256xi1>, vector<512x256xi32>
    %slice3A_492 = vector.extract_strided_slice %add3A_15 {offsets = [0, 4864], sizes = [512, 256], strides = [1, 1]} : vector<512x10240xf32> to vector<512x256xf32>
    %eq3A_493 = arith.constant 19 : i32
    %eq3A_494 = vector.broadcast %eq3A_493 : i32 to vector<512x256xi32>
    %eq3A_495 = arith.cmpi eq, %select_n3A_260, %eq3A_494 : vector<512x256xi32>
    %jit3A_496 = arith.constant 0x7F800000 : f32
    %broadcast_in_dim3A_497 = vector.broadcast %jit3A_496 : f32 to vector<512x256xf32>
    %select_n3A_498 = arith.select %eq3A_495, %broadcast_in_dim3A_497, %slice3A_492 : vector<512x256xi1>, vector<512x256xf32>
    %lt3A_499 = arith.cmpf olt, %select_n3A_498, %select_n3A_488 : vector<512x256xf32>
    %select_n3A_500 = arith.select %lt3A_499, %select_n3A_498, %select_n3A_488 : vector<512x256xi1>, vector<512x256xf32>
    %jit3A_501 = arith.constant 19 : i32
    %broadcast_in_dim3A_502 = vector.broadcast %jit3A_501 : i32 to vector<512x256xi32>
    %select_n3A_503 = arith.select %lt3A_499, %broadcast_in_dim3A_502, %select_n3A_491 : vector<512x256xi1>, vector<512x256xi32>
    %slice3A_504 = vector.extract_strided_slice %add3A_15 {offsets = [0, 5120], sizes = [512, 256], strides = [1, 1]} : vector<512x10240xf32> to vector<512x256xf32>
    %eq3A_505 = arith.constant 20 : i32
    %eq3A_506 = vector.broadcast %eq3A_505 : i32 to vector<512x256xi32>
    %eq3A_507 = arith.cmpi eq, %select_n3A_260, %eq3A_506 : vector<512x256xi32>
    %jit3A_508 = arith.constant 0x7F800000 : f32
    %broadcast_in_dim3A_509 = vector.broadcast %jit3A_508 : f32 to vector<512x256xf32>
    %select_n3A_510 = arith.select %eq3A_507, %broadcast_in_dim3A_509, %slice3A_504 : vector<512x256xi1>, vector<512x256xf32>
    %lt3A_511 = arith.cmpf olt, %select_n3A_510, %select_n3A_500 : vector<512x256xf32>
    %select_n3A_512 = arith.select %lt3A_511, %select_n3A_510, %select_n3A_500 : vector<512x256xi1>, vector<512x256xf32>
    %jit3A_513 = arith.constant 20 : i32
    %broadcast_in_dim3A_514 = vector.broadcast %jit3A_513 : i32 to vector<512x256xi32>
    %select_n3A_515 = arith.select %lt3A_511, %broadcast_in_dim3A_514, %select_n3A_503 : vector<512x256xi1>, vector<512x256xi32>
    %slice3A_516 = vector.extract_strided_slice %add3A_15 {offsets = [0, 5376], sizes = [512, 256], strides = [1, 1]} : vector<512x10240xf32> to vector<512x256xf32>
    %eq3A_517 = arith.constant 21 : i32
    %eq3A_518 = vector.broadcast %eq3A_517 : i32 to vector<512x256xi32>
    %eq3A_519 = arith.cmpi eq, %select_n3A_260, %eq3A_518 : vector<512x256xi32>
    %jit3A_520 = arith.constant 0x7F800000 : f32
    %broadcast_in_dim3A_521 = vector.broadcast %jit3A_520 : f32 to vector<512x256xf32>
    %select_n3A_522 = arith.select %eq3A_519, %broadcast_in_dim3A_521, %slice3A_516 : vector<512x256xi1>, vector<512x256xf32>
    %lt3A_523 = arith.cmpf olt, %select_n3A_522, %select_n3A_512 : vector<512x256xf32>
    %select_n3A_524 = arith.select %lt3A_523, %select_n3A_522, %select_n3A_512 : vector<512x256xi1>, vector<512x256xf32>
    %jit3A_525 = arith.constant 21 : i32
    %broadcast_in_dim3A_526 = vector.broadcast %jit3A_525 : i32 to vector<512x256xi32>
    %select_n3A_527 = arith.select %lt3A_523, %broadcast_in_dim3A_526, %select_n3A_515 : vector<512x256xi1>, vector<512x256xi32>
    %slice3A_528 = vector.extract_strided_slice %add3A_15 {offsets = [0, 5632], sizes = [512, 256], strides = [1, 1]} : vector<512x10240xf32> to vector<512x256xf32>
    %eq3A_529 = arith.constant 22 : i32
    %eq3A_530 = vector.broadcast %eq3A_529 : i32 to vector<512x256xi32>
    %eq3A_531 = arith.cmpi eq, %select_n3A_260, %eq3A_530 : vector<512x256xi32>
    %jit3A_532 = arith.constant 0x7F800000 : f32
    %broadcast_in_dim3A_533 = vector.broadcast %jit3A_532 : f32 to vector<512x256xf32>
    %select_n3A_534 = arith.select %eq3A_531, %broadcast_in_dim3A_533, %slice3A_528 : vector<512x256xi1>, vector<512x256xf32>
    %lt3A_535 = arith.cmpf olt, %select_n3A_534, %select_n3A_524 : vector<512x256xf32>
    %select_n3A_536 = arith.select %lt3A_535, %select_n3A_534, %select_n3A_524 : vector<512x256xi1>, vector<512x256xf32>
    %jit3A_537 = arith.constant 22 : i32
    %broadcast_in_dim3A_538 = vector.broadcast %jit3A_537 : i32 to vector<512x256xi32>
    %select_n3A_539 = arith.select %lt3A_535, %broadcast_in_dim3A_538, %select_n3A_527 : vector<512x256xi1>, vector<512x256xi32>
    %slice3A_540 = vector.extract_strided_slice %add3A_15 {offsets = [0, 5888], sizes = [512, 256], strides = [1, 1]} : vector<512x10240xf32> to vector<512x256xf32>
    %eq3A_541 = arith.constant 23 : i32
    %eq3A_542 = vector.broadcast %eq3A_541 : i32 to vector<512x256xi32>
    %eq3A_543 = arith.cmpi eq, %select_n3A_260, %eq3A_542 : vector<512x256xi32>
    %jit3A_544 = arith.constant 0x7F800000 : f32
    %broadcast_in_dim3A_545 = vector.broadcast %jit3A_544 : f32 to vector<512x256xf32>
    %select_n3A_546 = arith.select %eq3A_543, %broadcast_in_dim3A_545, %slice3A_540 : vector<512x256xi1>, vector<512x256xf32>
    %lt3A_547 = arith.cmpf olt, %select_n3A_546, %select_n3A_536 : vector<512x256xf32>
    %select_n3A_548 = arith.select %lt3A_547, %select_n3A_546, %select_n3A_536 : vector<512x256xi1>, vector<512x256xf32>
    %jit3A_549 = arith.constant 23 : i32
    %broadcast_in_dim3A_550 = vector.broadcast %jit3A_549 : i32 to vector<512x256xi32>
    %select_n3A_551 = arith.select %lt3A_547, %broadcast_in_dim3A_550, %select_n3A_539 : vector<512x256xi1>, vector<512x256xi32>
    %slice3A_552 = vector.extract_strided_slice %add3A_15 {offsets = [0, 6144], sizes = [512, 256], strides = [1, 1]} : vector<512x10240xf32> to vector<512x256xf32>
    %eq3A_553 = arith.constant 24 : i32
    %eq3A_554 = vector.broadcast %eq3A_553 : i32 to vector<512x256xi32>
    %eq3A_555 = arith.cmpi eq, %select_n3A_260, %eq3A_554 : vector<512x256xi32>
    %jit3A_556 = arith.constant 0x7F800000 : f32
    %broadcast_in_dim3A_557 = vector.broadcast %jit3A_556 : f32 to vector<512x256xf32>
    %select_n3A_558 = arith.select %eq3A_555, %broadcast_in_dim3A_557, %slice3A_552 : vector<512x256xi1>, vector<512x256xf32>
    %lt3A_559 = arith.cmpf olt, %select_n3A_558, %select_n3A_548 : vector<512x256xf32>
    %select_n3A_560 = arith.select %lt3A_559, %select_n3A_558, %select_n3A_548 : vector<512x256xi1>, vector<512x256xf32>
    %jit3A_561 = arith.constant 24 : i32
    %broadcast_in_dim3A_562 = vector.broadcast %jit3A_561 : i32 to vector<512x256xi32>
    %select_n3A_563 = arith.select %lt3A_559, %broadcast_in_dim3A_562, %select_n3A_551 : vector<512x256xi1>, vector<512x256xi32>
    %slice3A_564 = vector.extract_strided_slice %add3A_15 {offsets = [0, 6400], sizes = [512, 256], strides = [1, 1]} : vector<512x10240xf32> to vector<512x256xf32>
    %eq3A_565 = arith.constant 25 : i32
    %eq3A_566 = vector.broadcast %eq3A_565 : i32 to vector<512x256xi32>
    %eq3A_567 = arith.cmpi eq, %select_n3A_260, %eq3A_566 : vector<512x256xi32>
    %jit3A_568 = arith.constant 0x7F800000 : f32
    %broadcast_in_dim3A_569 = vector.broadcast %jit3A_568 : f32 to vector<512x256xf32>
    %select_n3A_570 = arith.select %eq3A_567, %broadcast_in_dim3A_569, %slice3A_564 : vector<512x256xi1>, vector<512x256xf32>
    %lt3A_571 = arith.cmpf olt, %select_n3A_570, %select_n3A_560 : vector<512x256xf32>
    %select_n3A_572 = arith.select %lt3A_571, %select_n3A_570, %select_n3A_560 : vector<512x256xi1>, vector<512x256xf32>
    %jit3A_573 = arith.constant 25 : i32
    %broadcast_in_dim3A_574 = vector.broadcast %jit3A_573 : i32 to vector<512x256xi32>
    %select_n3A_575 = arith.select %lt3A_571, %broadcast_in_dim3A_574, %select_n3A_563 : vector<512x256xi1>, vector<512x256xi32>
    %slice3A_576 = vector.extract_strided_slice %add3A_15 {offsets = [0, 6656], sizes = [512, 256], strides = [1, 1]} : vector<512x10240xf32> to vector<512x256xf32>
    %eq3A_577 = arith.constant 26 : i32
    %eq3A_578 = vector.broadcast %eq3A_577 : i32 to vector<512x256xi32>
    %eq3A_579 = arith.cmpi eq, %select_n3A_260, %eq3A_578 : vector<512x256xi32>
    %jit3A_580 = arith.constant 0x7F800000 : f32
    %broadcast_in_dim3A_581 = vector.broadcast %jit3A_580 : f32 to vector<512x256xf32>
    %select_n3A_582 = arith.select %eq3A_579, %broadcast_in_dim3A_581, %slice3A_576 : vector<512x256xi1>, vector<512x256xf32>
    %lt3A_583 = arith.cmpf olt, %select_n3A_582, %select_n3A_572 : vector<512x256xf32>
    %select_n3A_584 = arith.select %lt3A_583, %select_n3A_582, %select_n3A_572 : vector<512x256xi1>, vector<512x256xf32>
    %jit3A_585 = arith.constant 26 : i32
    %broadcast_in_dim3A_586 = vector.broadcast %jit3A_585 : i32 to vector<512x256xi32>
    %select_n3A_587 = arith.select %lt3A_583, %broadcast_in_dim3A_586, %select_n3A_575 : vector<512x256xi1>, vector<512x256xi32>
    %slice3A_588 = vector.extract_strided_slice %add3A_15 {offsets = [0, 6912], sizes = [512, 256], strides = [1, 1]} : vector<512x10240xf32> to vector<512x256xf32>
    %eq3A_589 = arith.constant 27 : i32
    %eq3A_590 = vector.broadcast %eq3A_589 : i32 to vector<512x256xi32>
    %eq3A_591 = arith.cmpi eq, %select_n3A_260, %eq3A_590 : vector<512x256xi32>
    %jit3A_592 = arith.constant 0x7F800000 : f32
    %broadcast_in_dim3A_593 = vector.broadcast %jit3A_592 : f32 to vector<512x256xf32>
    %select_n3A_594 = arith.select %eq3A_591, %broadcast_in_dim3A_593, %slice3A_588 : vector<512x256xi1>, vector<512x256xf32>
    %lt3A_595 = arith.cmpf olt, %select_n3A_594, %select_n3A_584 : vector<512x256xf32>
    %select_n3A_596 = arith.select %lt3A_595, %select_n3A_594, %select_n3A_584 : vector<512x256xi1>, vector<512x256xf32>
    %jit3A_597 = arith.constant 27 : i32
    %broadcast_in_dim3A_598 = vector.broadcast %jit3A_597 : i32 to vector<512x256xi32>
    %select_n3A_599 = arith.select %lt3A_595, %broadcast_in_dim3A_598, %select_n3A_587 : vector<512x256xi1>, vector<512x256xi32>
    %slice3A_600 = vector.extract_strided_slice %add3A_15 {offsets = [0, 7168], sizes = [512, 256], strides = [1, 1]} : vector<512x10240xf32> to vector<512x256xf32>
    %eq3A_601 = arith.constant 28 : i32
    %eq3A_602 = vector.broadcast %eq3A_601 : i32 to vector<512x256xi32>
    %eq3A_603 = arith.cmpi eq, %select_n3A_260, %eq3A_602 : vector<512x256xi32>
    %jit3A_604 = arith.constant 0x7F800000 : f32
    %broadcast_in_dim3A_605 = vector.broadcast %jit3A_604 : f32 to vector<512x256xf32>
    %select_n3A_606 = arith.select %eq3A_603, %broadcast_in_dim3A_605, %slice3A_600 : vector<512x256xi1>, vector<512x256xf32>
    %lt3A_607 = arith.cmpf olt, %select_n3A_606, %select_n3A_596 : vector<512x256xf32>
    %select_n3A_608 = arith.select %lt3A_607, %select_n3A_606, %select_n3A_596 : vector<512x256xi1>, vector<512x256xf32>
    %jit3A_609 = arith.constant 28 : i32
    %broadcast_in_dim3A_610 = vector.broadcast %jit3A_609 : i32 to vector<512x256xi32>
    %select_n3A_611 = arith.select %lt3A_607, %broadcast_in_dim3A_610, %select_n3A_599 : vector<512x256xi1>, vector<512x256xi32>
    %slice3A_612 = vector.extract_strided_slice %add3A_15 {offsets = [0, 7424], sizes = [512, 256], strides = [1, 1]} : vector<512x10240xf32> to vector<512x256xf32>
    %eq3A_613 = arith.constant 29 : i32
    %eq3A_614 = vector.broadcast %eq3A_613 : i32 to vector<512x256xi32>
    %eq3A_615 = arith.cmpi eq, %select_n3A_260, %eq3A_614 : vector<512x256xi32>
    %jit3A_616 = arith.constant 0x7F800000 : f32
    %broadcast_in_dim3A_617 = vector.broadcast %jit3A_616 : f32 to vector<512x256xf32>
    %select_n3A_618 = arith.select %eq3A_615, %broadcast_in_dim3A_617, %slice3A_612 : vector<512x256xi1>, vector<512x256xf32>
    %lt3A_619 = arith.cmpf olt, %select_n3A_618, %select_n3A_608 : vector<512x256xf32>
    %select_n3A_620 = arith.select %lt3A_619, %select_n3A_618, %select_n3A_608 : vector<512x256xi1>, vector<512x256xf32>
    %jit3A_621 = arith.constant 29 : i32
    %broadcast_in_dim3A_622 = vector.broadcast %jit3A_621 : i32 to vector<512x256xi32>
    %select_n3A_623 = arith.select %lt3A_619, %broadcast_in_dim3A_622, %select_n3A_611 : vector<512x256xi1>, vector<512x256xi32>
    %slice3A_624 = vector.extract_strided_slice %add3A_15 {offsets = [0, 7680], sizes = [512, 256], strides = [1, 1]} : vector<512x10240xf32> to vector<512x256xf32>
    %eq3A_625 = arith.constant 30 : i32
    %eq3A_626 = vector.broadcast %eq3A_625 : i32 to vector<512x256xi32>
    %eq3A_627 = arith.cmpi eq, %select_n3A_260, %eq3A_626 : vector<512x256xi32>
    %jit3A_628 = arith.constant 0x7F800000 : f32
    %broadcast_in_dim3A_629 = vector.broadcast %jit3A_628 : f32 to vector<512x256xf32>
    %select_n3A_630 = arith.select %eq3A_627, %broadcast_in_dim3A_629, %slice3A_624 : vector<512x256xi1>, vector<512x256xf32>
    %lt3A_631 = arith.cmpf olt, %select_n3A_630, %select_n3A_620 : vector<512x256xf32>
    %select_n3A_632 = arith.select %lt3A_631, %select_n3A_630, %select_n3A_620 : vector<512x256xi1>, vector<512x256xf32>
    %jit3A_633 = arith.constant 30 : i32
    %broadcast_in_dim3A_634 = vector.broadcast %jit3A_633 : i32 to vector<512x256xi32>
    %select_n3A_635 = arith.select %lt3A_631, %broadcast_in_dim3A_634, %select_n3A_623 : vector<512x256xi1>, vector<512x256xi32>
    %slice3A_636 = vector.extract_strided_slice %add3A_15 {offsets = [0, 7936], sizes = [512, 256], strides = [1, 1]} : vector<512x10240xf32> to vector<512x256xf32>
    %eq3A_637 = arith.constant 31 : i32
    %eq3A_638 = vector.broadcast %eq3A_637 : i32 to vector<512x256xi32>
    %eq3A_639 = arith.cmpi eq, %select_n3A_260, %eq3A_638 : vector<512x256xi32>
    %jit3A_640 = arith.constant 0x7F800000 : f32
    %broadcast_in_dim3A_641 = vector.broadcast %jit3A_640 : f32 to vector<512x256xf32>
    %select_n3A_642 = arith.select %eq3A_639, %broadcast_in_dim3A_641, %slice3A_636 : vector<512x256xi1>, vector<512x256xf32>
    %lt3A_643 = arith.cmpf olt, %select_n3A_642, %select_n3A_632 : vector<512x256xf32>
    %select_n3A_644 = arith.select %lt3A_643, %select_n3A_642, %select_n3A_632 : vector<512x256xi1>, vector<512x256xf32>
    %jit3A_645 = arith.constant 31 : i32
    %broadcast_in_dim3A_646 = vector.broadcast %jit3A_645 : i32 to vector<512x256xi32>
    %select_n3A_647 = arith.select %lt3A_643, %broadcast_in_dim3A_646, %select_n3A_635 : vector<512x256xi1>, vector<512x256xi32>
    %slice3A_648 = vector.extract_strided_slice %add3A_15 {offsets = [0, 8192], sizes = [512, 256], strides = [1, 1]} : vector<512x10240xf32> to vector<512x256xf32>
    %eq3A_649 = arith.constant 32 : i32
    %eq3A_650 = vector.broadcast %eq3A_649 : i32 to vector<512x256xi32>
    %eq3A_651 = arith.cmpi eq, %select_n3A_260, %eq3A_650 : vector<512x256xi32>
    %jit3A_652 = arith.constant 0x7F800000 : f32
    %broadcast_in_dim3A_653 = vector.broadcast %jit3A_652 : f32 to vector<512x256xf32>
    %select_n3A_654 = arith.select %eq3A_651, %broadcast_in_dim3A_653, %slice3A_648 : vector<512x256xi1>, vector<512x256xf32>
    %lt3A_655 = arith.cmpf olt, %select_n3A_654, %select_n3A_644 : vector<512x256xf32>
    %select_n3A_656 = arith.select %lt3A_655, %select_n3A_654, %select_n3A_644 : vector<512x256xi1>, vector<512x256xf32>
    %jit3A_657 = arith.constant 32 : i32
    %broadcast_in_dim3A_658 = vector.broadcast %jit3A_657 : i32 to vector<512x256xi32>
    %select_n3A_659 = arith.select %lt3A_655, %broadcast_in_dim3A_658, %select_n3A_647 : vector<512x256xi1>, vector<512x256xi32>
    %slice3A_660 = vector.extract_strided_slice %add3A_15 {offsets = [0, 8448], sizes = [512, 256], strides = [1, 1]} : vector<512x10240xf32> to vector<512x256xf32>
    %eq3A_661 = arith.constant 33 : i32
    %eq3A_662 = vector.broadcast %eq3A_661 : i32 to vector<512x256xi32>
    %eq3A_663 = arith.cmpi eq, %select_n3A_260, %eq3A_662 : vector<512x256xi32>
    %jit3A_664 = arith.constant 0x7F800000 : f32
    %broadcast_in_dim3A_665 = vector.broadcast %jit3A_664 : f32 to vector<512x256xf32>
    %select_n3A_666 = arith.select %eq3A_663, %broadcast_in_dim3A_665, %slice3A_660 : vector<512x256xi1>, vector<512x256xf32>
    %lt3A_667 = arith.cmpf olt, %select_n3A_666, %select_n3A_656 : vector<512x256xf32>
    %select_n3A_668 = arith.select %lt3A_667, %select_n3A_666, %select_n3A_656 : vector<512x256xi1>, vector<512x256xf32>
    %jit3A_669 = arith.constant 33 : i32
    %broadcast_in_dim3A_670 = vector.broadcast %jit3A_669 : i32 to vector<512x256xi32>
    %select_n3A_671 = arith.select %lt3A_667, %broadcast_in_dim3A_670, %select_n3A_659 : vector<512x256xi1>, vector<512x256xi32>
    %slice3A_672 = vector.extract_strided_slice %add3A_15 {offsets = [0, 8704], sizes = [512, 256], strides = [1, 1]} : vector<512x10240xf32> to vector<512x256xf32>
    %eq3A_673 = arith.constant 34 : i32
    %eq3A_674 = vector.broadcast %eq3A_673 : i32 to vector<512x256xi32>
    %eq3A_675 = arith.cmpi eq, %select_n3A_260, %eq3A_674 : vector<512x256xi32>
    %jit3A_676 = arith.constant 0x7F800000 : f32
    %broadcast_in_dim3A_677 = vector.broadcast %jit3A_676 : f32 to vector<512x256xf32>
    %select_n3A_678 = arith.select %eq3A_675, %broadcast_in_dim3A_677, %slice3A_672 : vector<512x256xi1>, vector<512x256xf32>
    %lt3A_679 = arith.cmpf olt, %select_n3A_678, %select_n3A_668 : vector<512x256xf32>
    %select_n3A_680 = arith.select %lt3A_679, %select_n3A_678, %select_n3A_668 : vector<512x256xi1>, vector<512x256xf32>
    %jit3A_681 = arith.constant 34 : i32
    %broadcast_in_dim3A_682 = vector.broadcast %jit3A_681 : i32 to vector<512x256xi32>
    %select_n3A_683 = arith.select %lt3A_679, %broadcast_in_dim3A_682, %select_n3A_671 : vector<512x256xi1>, vector<512x256xi32>
    %slice3A_684 = vector.extract_strided_slice %add3A_15 {offsets = [0, 8960], sizes = [512, 256], strides = [1, 1]} : vector<512x10240xf32> to vector<512x256xf32>
    %eq3A_685 = arith.constant 35 : i32
    %eq3A_686 = vector.broadcast %eq3A_685 : i32 to vector<512x256xi32>
    %eq3A_687 = arith.cmpi eq, %select_n3A_260, %eq3A_686 : vector<512x256xi32>
    %jit3A_688 = arith.constant 0x7F800000 : f32
    %broadcast_in_dim3A_689 = vector.broadcast %jit3A_688 : f32 to vector<512x256xf32>
    %select_n3A_690 = arith.select %eq3A_687, %broadcast_in_dim3A_689, %slice3A_684 : vector<512x256xi1>, vector<512x256xf32>
    %lt3A_691 = arith.cmpf olt, %select_n3A_690, %select_n3A_680 : vector<512x256xf32>
    %select_n3A_692 = arith.select %lt3A_691, %select_n3A_690, %select_n3A_680 : vector<512x256xi1>, vector<512x256xf32>
    %jit3A_693 = arith.constant 35 : i32
    %broadcast_in_dim3A_694 = vector.broadcast %jit3A_693 : i32 to vector<512x256xi32>
    %select_n3A_695 = arith.select %lt3A_691, %broadcast_in_dim3A_694, %select_n3A_683 : vector<512x256xi1>, vector<512x256xi32>
    %slice3A_696 = vector.extract_strided_slice %add3A_15 {offsets = [0, 9216], sizes = [512, 256], strides = [1, 1]} : vector<512x10240xf32> to vector<512x256xf32>
    %eq3A_697 = arith.constant 36 : i32
    %eq3A_698 = vector.broadcast %eq3A_697 : i32 to vector<512x256xi32>
    %eq3A_699 = arith.cmpi eq, %select_n3A_260, %eq3A_698 : vector<512x256xi32>
    %jit3A_700 = arith.constant 0x7F800000 : f32
    %broadcast_in_dim3A_701 = vector.broadcast %jit3A_700 : f32 to vector<512x256xf32>
    %select_n3A_702 = arith.select %eq3A_699, %broadcast_in_dim3A_701, %slice3A_696 : vector<512x256xi1>, vector<512x256xf32>
    %lt3A_703 = arith.cmpf olt, %select_n3A_702, %select_n3A_692 : vector<512x256xf32>
    %select_n3A_704 = arith.select %lt3A_703, %select_n3A_702, %select_n3A_692 : vector<512x256xi1>, vector<512x256xf32>
    %jit3A_705 = arith.constant 36 : i32
    %broadcast_in_dim3A_706 = vector.broadcast %jit3A_705 : i32 to vector<512x256xi32>
    %select_n3A_707 = arith.select %lt3A_703, %broadcast_in_dim3A_706, %select_n3A_695 : vector<512x256xi1>, vector<512x256xi32>
    %slice3A_708 = vector.extract_strided_slice %add3A_15 {offsets = [0, 9472], sizes = [512, 256], strides = [1, 1]} : vector<512x10240xf32> to vector<512x256xf32>
    %eq3A_709 = arith.constant 37 : i32
    %eq3A_710 = vector.broadcast %eq3A_709 : i32 to vector<512x256xi32>
    %eq3A_711 = arith.cmpi eq, %select_n3A_260, %eq3A_710 : vector<512x256xi32>
    %jit3A_712 = arith.constant 0x7F800000 : f32
    %broadcast_in_dim3A_713 = vector.broadcast %jit3A_712 : f32 to vector<512x256xf32>
    %select_n3A_714 = arith.select %eq3A_711, %broadcast_in_dim3A_713, %slice3A_708 : vector<512x256xi1>, vector<512x256xf32>
    %lt3A_715 = arith.cmpf olt, %select_n3A_714, %select_n3A_704 : vector<512x256xf32>
    %select_n3A_716 = arith.select %lt3A_715, %select_n3A_714, %select_n3A_704 : vector<512x256xi1>, vector<512x256xf32>
    %jit3A_717 = arith.constant 37 : i32
    %broadcast_in_dim3A_718 = vector.broadcast %jit3A_717 : i32 to vector<512x256xi32>
    %select_n3A_719 = arith.select %lt3A_715, %broadcast_in_dim3A_718, %select_n3A_707 : vector<512x256xi1>, vector<512x256xi32>
    %slice3A_720 = vector.extract_strided_slice %add3A_15 {offsets = [0, 9728], sizes = [512, 256], strides = [1, 1]} : vector<512x10240xf32> to vector<512x256xf32>
    %eq3A_721 = arith.constant 38 : i32
    %eq3A_722 = vector.broadcast %eq3A_721 : i32 to vector<512x256xi32>
    %eq3A_723 = arith.cmpi eq, %select_n3A_260, %eq3A_722 : vector<512x256xi32>
    %jit3A_724 = arith.constant 0x7F800000 : f32
    %broadcast_in_dim3A_725 = vector.broadcast %jit3A_724 : f32 to vector<512x256xf32>
    %select_n3A_726 = arith.select %eq3A_723, %broadcast_in_dim3A_725, %slice3A_720 : vector<512x256xi1>, vector<512x256xf32>
    %lt3A_727 = arith.cmpf olt, %select_n3A_726, %select_n3A_716 : vector<512x256xf32>
    %select_n3A_728 = arith.select %lt3A_727, %select_n3A_726, %select_n3A_716 : vector<512x256xi1>, vector<512x256xf32>
    %jit3A_729 = arith.constant 38 : i32
    %broadcast_in_dim3A_730 = vector.broadcast %jit3A_729 : i32 to vector<512x256xi32>
    %select_n3A_731 = arith.select %lt3A_727, %broadcast_in_dim3A_730, %select_n3A_719 : vector<512x256xi1>, vector<512x256xi32>
    %slice3A_732 = vector.extract_strided_slice %add3A_15 {offsets = [0, 9984], sizes = [512, 256], strides = [1, 1]} : vector<512x10240xf32> to vector<512x256xf32>
    %ge3A_733 = arith.constant 16 : i32
    %ge3A_734 = vector.broadcast %ge3A_733 : i32 to vector<512x256xi32>
    %ge3A_735 = arith.cmpi sge, %iota3A, %ge3A_734 : vector<512x256xi32>
    %jit3A_736 = arith.constant 0x7F800000 : f32
    %broadcast_in_dim3A_737 = vector.broadcast %jit3A_736 : f32 to vector<512x256xf32>
    %select_n3A_738 = arith.select %ge3A_735, %broadcast_in_dim3A_737, %slice3A_732 : vector<512x256xi1>, vector<512x256xf32>
    %eq3A_739 = arith.constant 39 : i32
    %eq3A_740 = vector.broadcast %eq3A_739 : i32 to vector<512x256xi32>
    %eq3A_741 = arith.cmpi eq, %select_n3A_260, %eq3A_740 : vector<512x256xi32>
    %jit3A_742 = arith.constant 0x7F800000 : f32
    %broadcast_in_dim3A_743 = vector.broadcast %jit3A_742 : f32 to vector<512x256xf32>
    %select_n3A_744 = arith.select %eq3A_741, %broadcast_in_dim3A_743, %select_n3A_738 : vector<512x256xi1>, vector<512x256xf32>
    %lt3A_745 = arith.cmpf olt, %select_n3A_744, %select_n3A_728 : vector<512x256xf32>
    %select_n3A_746 = arith.select %lt3A_745, %select_n3A_744, %select_n3A_728 : vector<512x256xi1>, vector<512x256xf32>
    %jit3A_747 = arith.constant 39 : i32
    %broadcast_in_dim3A_748 = vector.broadcast %jit3A_747 : i32 to vector<512x256xi32>
    %select_n3A_749 = arith.select %lt3A_745, %broadcast_in_dim3A_748, %select_n3A_731 : vector<512x256xi1>, vector<512x256xi32>
    %broadcast_in_dim3A_750 = arith.constant 0x7F800000 : f32
    %broadcast_in_dim3A_751 = vector.broadcast %broadcast_in_dim3A_750 : f32 to vector<512x256xf32>
    %broadcast_in_dim3A_752 = arith.constant 0 : i32
    %broadcast_in_dim3A_753 = vector.broadcast %broadcast_in_dim3A_752 : i32 to vector<512x256xi32>
    %slice3A_754 = vector.extract_strided_slice %add3A_15 {offsets = [0, 0], sizes = [512, 256], strides = [1, 1]} : vector<512x10240xf32> to vector<512x256xf32>
    %eq3A_755 = arith.constant 0 : i32
    %eq3A_756 = vector.broadcast %eq3A_755 : i32 to vector<512x256xi32>
    %eq3A_757 = arith.cmpi eq, %select_n3A_260, %eq3A_756 : vector<512x256xi32>
    %jit3A_758 = arith.constant 0x7F800000 : f32
    %broadcast_in_dim3A_759 = vector.broadcast %jit3A_758 : f32 to vector<512x256xf32>
    %select_n3A_760 = arith.select %eq3A_757, %broadcast_in_dim3A_759, %slice3A_754 : vector<512x256xi1>, vector<512x256xf32>
    %eq3A_761 = arith.constant 0 : i32
    %eq3A_762 = vector.broadcast %eq3A_761 : i32 to vector<512x256xi32>
    %eq3A_763 = arith.cmpi eq, %select_n3A_749, %eq3A_762 : vector<512x256xi32>
    %jit3A_764 = arith.constant 0x7F800000 : f32
    %broadcast_in_dim3A_765 = vector.broadcast %jit3A_764 : f32 to vector<512x256xf32>
    %select_n3A_766 = arith.select %eq3A_763, %broadcast_in_dim3A_765, %select_n3A_760 : vector<512x256xi1>, vector<512x256xf32>
    %lt3A_767 = arith.cmpf olt, %select_n3A_766, %broadcast_in_dim3A_751 : vector<512x256xf32>
    %select_n3A_768 = arith.select %lt3A_767, %select_n3A_766, %broadcast_in_dim3A_751 : vector<512x256xi1>, vector<512x256xf32>
    %jit3A_769 = arith.constant 0 : i32
    %broadcast_in_dim3A_770 = vector.broadcast %jit3A_769 : i32 to vector<512x256xi32>
    %select_n3A_771 = arith.select %lt3A_767, %broadcast_in_dim3A_770, %broadcast_in_dim3A_753 : vector<512x256xi1>, vector<512x256xi32>
    %slice3A_772 = vector.extract_strided_slice %add3A_15 {offsets = [0, 256], sizes = [512, 256], strides = [1, 1]} : vector<512x10240xf32> to vector<512x256xf32>
    %eq3A_773 = arith.constant 1 : i32
    %eq3A_774 = vector.broadcast %eq3A_773 : i32 to vector<512x256xi32>
    %eq3A_775 = arith.cmpi eq, %select_n3A_260, %eq3A_774 : vector<512x256xi32>
    %jit3A_776 = arith.constant 0x7F800000 : f32
    %broadcast_in_dim3A_777 = vector.broadcast %jit3A_776 : f32 to vector<512x256xf32>
    %select_n3A_778 = arith.select %eq3A_775, %broadcast_in_dim3A_777, %slice3A_772 : vector<512x256xi1>, vector<512x256xf32>
    %eq3A_779 = arith.constant 1 : i32
    %eq3A_780 = vector.broadcast %eq3A_779 : i32 to vector<512x256xi32>
    %eq3A_781 = arith.cmpi eq, %select_n3A_749, %eq3A_780 : vector<512x256xi32>
    %jit3A_782 = arith.constant 0x7F800000 : f32
    %broadcast_in_dim3A_783 = vector.broadcast %jit3A_782 : f32 to vector<512x256xf32>
    %select_n3A_784 = arith.select %eq3A_781, %broadcast_in_dim3A_783, %select_n3A_778 : vector<512x256xi1>, vector<512x256xf32>
    %lt3A_785 = arith.cmpf olt, %select_n3A_784, %select_n3A_768 : vector<512x256xf32>
    %select_n3A_786 = arith.select %lt3A_785, %select_n3A_784, %select_n3A_768 : vector<512x256xi1>, vector<512x256xf32>
    %jit3A_787 = arith.constant 1 : i32
    %broadcast_in_dim3A_788 = vector.broadcast %jit3A_787 : i32 to vector<512x256xi32>
    %select_n3A_789 = arith.select %lt3A_785, %broadcast_in_dim3A_788, %select_n3A_771 : vector<512x256xi1>, vector<512x256xi32>
    %slice3A_790 = vector.extract_strided_slice %add3A_15 {offsets = [0, 512], sizes = [512, 256], strides = [1, 1]} : vector<512x10240xf32> to vector<512x256xf32>
    %eq3A_791 = arith.constant 2 : i32
    %eq3A_792 = vector.broadcast %eq3A_791 : i32 to vector<512x256xi32>
    %eq3A_793 = arith.cmpi eq, %select_n3A_260, %eq3A_792 : vector<512x256xi32>
    %jit3A_794 = arith.constant 0x7F800000 : f32
    %broadcast_in_dim3A_795 = vector.broadcast %jit3A_794 : f32 to vector<512x256xf32>
    %select_n3A_796 = arith.select %eq3A_793, %broadcast_in_dim3A_795, %slice3A_790 : vector<512x256xi1>, vector<512x256xf32>
    %eq3A_797 = arith.constant 2 : i32
    %eq3A_798 = vector.broadcast %eq3A_797 : i32 to vector<512x256xi32>
    %eq3A_799 = arith.cmpi eq, %select_n3A_749, %eq3A_798 : vector<512x256xi32>
    %jit3A_800 = arith.constant 0x7F800000 : f32
    %broadcast_in_dim3A_801 = vector.broadcast %jit3A_800 : f32 to vector<512x256xf32>
    %select_n3A_802 = arith.select %eq3A_799, %broadcast_in_dim3A_801, %select_n3A_796 : vector<512x256xi1>, vector<512x256xf32>
    %lt3A_803 = arith.cmpf olt, %select_n3A_802, %select_n3A_786 : vector<512x256xf32>
    %select_n3A_804 = arith.select %lt3A_803, %select_n3A_802, %select_n3A_786 : vector<512x256xi1>, vector<512x256xf32>
    %jit3A_805 = arith.constant 2 : i32
    %broadcast_in_dim3A_806 = vector.broadcast %jit3A_805 : i32 to vector<512x256xi32>
    %select_n3A_807 = arith.select %lt3A_803, %broadcast_in_dim3A_806, %select_n3A_789 : vector<512x256xi1>, vector<512x256xi32>
    %slice3A_808 = vector.extract_strided_slice %add3A_15 {offsets = [0, 768], sizes = [512, 256], strides = [1, 1]} : vector<512x10240xf32> to vector<512x256xf32>
    %eq3A_809 = arith.constant 3 : i32
    %eq3A_810 = vector.broadcast %eq3A_809 : i32 to vector<512x256xi32>
    %eq3A_811 = arith.cmpi eq, %select_n3A_260, %eq3A_810 : vector<512x256xi32>
    %jit3A_812 = arith.constant 0x7F800000 : f32
    %broadcast_in_dim3A_813 = vector.broadcast %jit3A_812 : f32 to vector<512x256xf32>
    %select_n3A_814 = arith.select %eq3A_811, %broadcast_in_dim3A_813, %slice3A_808 : vector<512x256xi1>, vector<512x256xf32>
    %eq3A_815 = arith.constant 3 : i32
    %eq3A_816 = vector.broadcast %eq3A_815 : i32 to vector<512x256xi32>
    %eq3A_817 = arith.cmpi eq, %select_n3A_749, %eq3A_816 : vector<512x256xi32>
    %jit3A_818 = arith.constant 0x7F800000 : f32
    %broadcast_in_dim3A_819 = vector.broadcast %jit3A_818 : f32 to vector<512x256xf32>
    %select_n3A_820 = arith.select %eq3A_817, %broadcast_in_dim3A_819, %select_n3A_814 : vector<512x256xi1>, vector<512x256xf32>
    %lt3A_821 = arith.cmpf olt, %select_n3A_820, %select_n3A_804 : vector<512x256xf32>
    %select_n3A_822 = arith.select %lt3A_821, %select_n3A_820, %select_n3A_804 : vector<512x256xi1>, vector<512x256xf32>
    %jit3A_823 = arith.constant 3 : i32
    %broadcast_in_dim3A_824 = vector.broadcast %jit3A_823 : i32 to vector<512x256xi32>
    %select_n3A_825 = arith.select %lt3A_821, %broadcast_in_dim3A_824, %select_n3A_807 : vector<512x256xi1>, vector<512x256xi32>
    %slice3A_826 = vector.extract_strided_slice %add3A_15 {offsets = [0, 1024], sizes = [512, 256], strides = [1, 1]} : vector<512x10240xf32> to vector<512x256xf32>
    %eq3A_827 = arith.constant 4 : i32
    %eq3A_828 = vector.broadcast %eq3A_827 : i32 to vector<512x256xi32>
    %eq3A_829 = arith.cmpi eq, %select_n3A_260, %eq3A_828 : vector<512x256xi32>
    %jit3A_830 = arith.constant 0x7F800000 : f32
    %broadcast_in_dim3A_831 = vector.broadcast %jit3A_830 : f32 to vector<512x256xf32>
    %select_n3A_832 = arith.select %eq3A_829, %broadcast_in_dim3A_831, %slice3A_826 : vector<512x256xi1>, vector<512x256xf32>
    %eq3A_833 = arith.constant 4 : i32
    %eq3A_834 = vector.broadcast %eq3A_833 : i32 to vector<512x256xi32>
    %eq3A_835 = arith.cmpi eq, %select_n3A_749, %eq3A_834 : vector<512x256xi32>
    %jit3A_836 = arith.constant 0x7F800000 : f32
    %broadcast_in_dim3A_837 = vector.broadcast %jit3A_836 : f32 to vector<512x256xf32>
    %select_n3A_838 = arith.select %eq3A_835, %broadcast_in_dim3A_837, %select_n3A_832 : vector<512x256xi1>, vector<512x256xf32>
    %lt3A_839 = arith.cmpf olt, %select_n3A_838, %select_n3A_822 : vector<512x256xf32>
    %select_n3A_840 = arith.select %lt3A_839, %select_n3A_838, %select_n3A_822 : vector<512x256xi1>, vector<512x256xf32>
    %jit3A_841 = arith.constant 4 : i32
    %broadcast_in_dim3A_842 = vector.broadcast %jit3A_841 : i32 to vector<512x256xi32>
    %select_n3A_843 = arith.select %lt3A_839, %broadcast_in_dim3A_842, %select_n3A_825 : vector<512x256xi1>, vector<512x256xi32>
    %slice3A_844 = vector.extract_strided_slice %add3A_15 {offsets = [0, 1280], sizes = [512, 256], strides = [1, 1]} : vector<512x10240xf32> to vector<512x256xf32>
    %eq3A_845 = arith.constant 5 : i32
    %eq3A_846 = vector.broadcast %eq3A_845 : i32 to vector<512x256xi32>
    %eq3A_847 = arith.cmpi eq, %select_n3A_260, %eq3A_846 : vector<512x256xi32>
    %jit3A_848 = arith.constant 0x7F800000 : f32
    %broadcast_in_dim3A_849 = vector.broadcast %jit3A_848 : f32 to vector<512x256xf32>
    %select_n3A_850 = arith.select %eq3A_847, %broadcast_in_dim3A_849, %slice3A_844 : vector<512x256xi1>, vector<512x256xf32>
    %eq3A_851 = arith.constant 5 : i32
    %eq3A_852 = vector.broadcast %eq3A_851 : i32 to vector<512x256xi32>
    %eq3A_853 = arith.cmpi eq, %select_n3A_749, %eq3A_852 : vector<512x256xi32>
    %jit3A_854 = arith.constant 0x7F800000 : f32
    %broadcast_in_dim3A_855 = vector.broadcast %jit3A_854 : f32 to vector<512x256xf32>
    %select_n3A_856 = arith.select %eq3A_853, %broadcast_in_dim3A_855, %select_n3A_850 : vector<512x256xi1>, vector<512x256xf32>
    %lt3A_857 = arith.cmpf olt, %select_n3A_856, %select_n3A_840 : vector<512x256xf32>
    %select_n3A_858 = arith.select %lt3A_857, %select_n3A_856, %select_n3A_840 : vector<512x256xi1>, vector<512x256xf32>
    %jit3A_859 = arith.constant 5 : i32
    %broadcast_in_dim3A_860 = vector.broadcast %jit3A_859 : i32 to vector<512x256xi32>
    %select_n3A_861 = arith.select %lt3A_857, %broadcast_in_dim3A_860, %select_n3A_843 : vector<512x256xi1>, vector<512x256xi32>
    %slice3A_862 = vector.extract_strided_slice %add3A_15 {offsets = [0, 1536], sizes = [512, 256], strides = [1, 1]} : vector<512x10240xf32> to vector<512x256xf32>
    %eq3A_863 = arith.constant 6 : i32
    %eq3A_864 = vector.broadcast %eq3A_863 : i32 to vector<512x256xi32>
    %eq3A_865 = arith.cmpi eq, %select_n3A_260, %eq3A_864 : vector<512x256xi32>
    %jit3A_866 = arith.constant 0x7F800000 : f32
    %broadcast_in_dim3A_867 = vector.broadcast %jit3A_866 : f32 to vector<512x256xf32>
    %select_n3A_868 = arith.select %eq3A_865, %broadcast_in_dim3A_867, %slice3A_862 : vector<512x256xi1>, vector<512x256xf32>
    %eq3A_869 = arith.constant 6 : i32
    %eq3A_870 = vector.broadcast %eq3A_869 : i32 to vector<512x256xi32>
    %eq3A_871 = arith.cmpi eq, %select_n3A_749, %eq3A_870 : vector<512x256xi32>
    %jit3A_872 = arith.constant 0x7F800000 : f32
    %broadcast_in_dim3A_873 = vector.broadcast %jit3A_872 : f32 to vector<512x256xf32>
    %select_n3A_874 = arith.select %eq3A_871, %broadcast_in_dim3A_873, %select_n3A_868 : vector<512x256xi1>, vector<512x256xf32>
    %lt3A_875 = arith.cmpf olt, %select_n3A_874, %select_n3A_858 : vector<512x256xf32>
    %select_n3A_876 = arith.select %lt3A_875, %select_n3A_874, %select_n3A_858 : vector<512x256xi1>, vector<512x256xf32>
    %jit3A_877 = arith.constant 6 : i32
    %broadcast_in_dim3A_878 = vector.broadcast %jit3A_877 : i32 to vector<512x256xi32>
    %select_n3A_879 = arith.select %lt3A_875, %broadcast_in_dim3A_878, %select_n3A_861 : vector<512x256xi1>, vector<512x256xi32>
    %slice3A_880 = vector.extract_strided_slice %add3A_15 {offsets = [0, 1792], sizes = [512, 256], strides = [1, 1]} : vector<512x10240xf32> to vector<512x256xf32>
    %eq3A_881 = arith.constant 7 : i32
    %eq3A_882 = vector.broadcast %eq3A_881 : i32 to vector<512x256xi32>
    %eq3A_883 = arith.cmpi eq, %select_n3A_260, %eq3A_882 : vector<512x256xi32>
    %jit3A_884 = arith.constant 0x7F800000 : f32
    %broadcast_in_dim3A_885 = vector.broadcast %jit3A_884 : f32 to vector<512x256xf32>
    %select_n3A_886 = arith.select %eq3A_883, %broadcast_in_dim3A_885, %slice3A_880 : vector<512x256xi1>, vector<512x256xf32>
    %eq3A_887 = arith.constant 7 : i32
    %eq3A_888 = vector.broadcast %eq3A_887 : i32 to vector<512x256xi32>
    %eq3A_889 = arith.cmpi eq, %select_n3A_749, %eq3A_888 : vector<512x256xi32>
    %jit3A_890 = arith.constant 0x7F800000 : f32
    %broadcast_in_dim3A_891 = vector.broadcast %jit3A_890 : f32 to vector<512x256xf32>
    %select_n3A_892 = arith.select %eq3A_889, %broadcast_in_dim3A_891, %select_n3A_886 : vector<512x256xi1>, vector<512x256xf32>
    %lt3A_893 = arith.cmpf olt, %select_n3A_892, %select_n3A_876 : vector<512x256xf32>
    %select_n3A_894 = arith.select %lt3A_893, %select_n3A_892, %select_n3A_876 : vector<512x256xi1>, vector<512x256xf32>
    %jit3A_895 = arith.constant 7 : i32
    %broadcast_in_dim3A_896 = vector.broadcast %jit3A_895 : i32 to vector<512x256xi32>
    %select_n3A_897 = arith.select %lt3A_893, %broadcast_in_dim3A_896, %select_n3A_879 : vector<512x256xi1>, vector<512x256xi32>
    %slice3A_898 = vector.extract_strided_slice %add3A_15 {offsets = [0, 2048], sizes = [512, 256], strides = [1, 1]} : vector<512x10240xf32> to vector<512x256xf32>
    %eq3A_899 = arith.constant 8 : i32
    %eq3A_900 = vector.broadcast %eq3A_899 : i32 to vector<512x256xi32>
    %eq3A_901 = arith.cmpi eq, %select_n3A_260, %eq3A_900 : vector<512x256xi32>
    %jit3A_902 = arith.constant 0x7F800000 : f32
    %broadcast_in_dim3A_903 = vector.broadcast %jit3A_902 : f32 to vector<512x256xf32>
    %select_n3A_904 = arith.select %eq3A_901, %broadcast_in_dim3A_903, %slice3A_898 : vector<512x256xi1>, vector<512x256xf32>
    %eq3A_905 = arith.constant 8 : i32
    %eq3A_906 = vector.broadcast %eq3A_905 : i32 to vector<512x256xi32>
    %eq3A_907 = arith.cmpi eq, %select_n3A_749, %eq3A_906 : vector<512x256xi32>
    %jit3A_908 = arith.constant 0x7F800000 : f32
    %broadcast_in_dim3A_909 = vector.broadcast %jit3A_908 : f32 to vector<512x256xf32>
    %select_n3A_910 = arith.select %eq3A_907, %broadcast_in_dim3A_909, %select_n3A_904 : vector<512x256xi1>, vector<512x256xf32>
    %lt3A_911 = arith.cmpf olt, %select_n3A_910, %select_n3A_894 : vector<512x256xf32>
    %select_n3A_912 = arith.select %lt3A_911, %select_n3A_910, %select_n3A_894 : vector<512x256xi1>, vector<512x256xf32>
    %jit3A_913 = arith.constant 8 : i32
    %broadcast_in_dim3A_914 = vector.broadcast %jit3A_913 : i32 to vector<512x256xi32>
    %select_n3A_915 = arith.select %lt3A_911, %broadcast_in_dim3A_914, %select_n3A_897 : vector<512x256xi1>, vector<512x256xi32>
    %slice3A_916 = vector.extract_strided_slice %add3A_15 {offsets = [0, 2304], sizes = [512, 256], strides = [1, 1]} : vector<512x10240xf32> to vector<512x256xf32>
    %eq3A_917 = arith.constant 9 : i32
    %eq3A_918 = vector.broadcast %eq3A_917 : i32 to vector<512x256xi32>
    %eq3A_919 = arith.cmpi eq, %select_n3A_260, %eq3A_918 : vector<512x256xi32>
    %jit3A_920 = arith.constant 0x7F800000 : f32
    %broadcast_in_dim3A_921 = vector.broadcast %jit3A_920 : f32 to vector<512x256xf32>
    %select_n3A_922 = arith.select %eq3A_919, %broadcast_in_dim3A_921, %slice3A_916 : vector<512x256xi1>, vector<512x256xf32>
    %eq3A_923 = arith.constant 9 : i32
    %eq3A_924 = vector.broadcast %eq3A_923 : i32 to vector<512x256xi32>
    %eq3A_925 = arith.cmpi eq, %select_n3A_749, %eq3A_924 : vector<512x256xi32>
    %jit3A_926 = arith.constant 0x7F800000 : f32
    %broadcast_in_dim3A_927 = vector.broadcast %jit3A_926 : f32 to vector<512x256xf32>
    %select_n3A_928 = arith.select %eq3A_925, %broadcast_in_dim3A_927, %select_n3A_922 : vector<512x256xi1>, vector<512x256xf32>
    %lt3A_929 = arith.cmpf olt, %select_n3A_928, %select_n3A_912 : vector<512x256xf32>
    %select_n3A_930 = arith.select %lt3A_929, %select_n3A_928, %select_n3A_912 : vector<512x256xi1>, vector<512x256xf32>
    %jit3A_931 = arith.constant 9 : i32
    %broadcast_in_dim3A_932 = vector.broadcast %jit3A_931 : i32 to vector<512x256xi32>
    %select_n3A_933 = arith.select %lt3A_929, %broadcast_in_dim3A_932, %select_n3A_915 : vector<512x256xi1>, vector<512x256xi32>
    %slice3A_934 = vector.extract_strided_slice %add3A_15 {offsets = [0, 2560], sizes = [512, 256], strides = [1, 1]} : vector<512x10240xf32> to vector<512x256xf32>
    %eq3A_935 = arith.constant 10 : i32
    %eq3A_936 = vector.broadcast %eq3A_935 : i32 to vector<512x256xi32>
    %eq3A_937 = arith.cmpi eq, %select_n3A_260, %eq3A_936 : vector<512x256xi32>
    %jit3A_938 = arith.constant 0x7F800000 : f32
    %broadcast_in_dim3A_939 = vector.broadcast %jit3A_938 : f32 to vector<512x256xf32>
    %select_n3A_940 = arith.select %eq3A_937, %broadcast_in_dim3A_939, %slice3A_934 : vector<512x256xi1>, vector<512x256xf32>
    %eq3A_941 = arith.constant 10 : i32
    %eq3A_942 = vector.broadcast %eq3A_941 : i32 to vector<512x256xi32>
    %eq3A_943 = arith.cmpi eq, %select_n3A_749, %eq3A_942 : vector<512x256xi32>
    %jit3A_944 = arith.constant 0x7F800000 : f32
    %broadcast_in_dim3A_945 = vector.broadcast %jit3A_944 : f32 to vector<512x256xf32>
    %select_n3A_946 = arith.select %eq3A_943, %broadcast_in_dim3A_945, %select_n3A_940 : vector<512x256xi1>, vector<512x256xf32>
    %lt3A_947 = arith.cmpf olt, %select_n3A_946, %select_n3A_930 : vector<512x256xf32>
    %select_n3A_948 = arith.select %lt3A_947, %select_n3A_946, %select_n3A_930 : vector<512x256xi1>, vector<512x256xf32>
    %jit3A_949 = arith.constant 10 : i32
    %broadcast_in_dim3A_950 = vector.broadcast %jit3A_949 : i32 to vector<512x256xi32>
    %select_n3A_951 = arith.select %lt3A_947, %broadcast_in_dim3A_950, %select_n3A_933 : vector<512x256xi1>, vector<512x256xi32>
    %slice3A_952 = vector.extract_strided_slice %add3A_15 {offsets = [0, 2816], sizes = [512, 256], strides = [1, 1]} : vector<512x10240xf32> to vector<512x256xf32>
    %eq3A_953 = arith.constant 11 : i32
    %eq3A_954 = vector.broadcast %eq3A_953 : i32 to vector<512x256xi32>
    %eq3A_955 = arith.cmpi eq, %select_n3A_260, %eq3A_954 : vector<512x256xi32>
    %jit3A_956 = arith.constant 0x7F800000 : f32
    %broadcast_in_dim3A_957 = vector.broadcast %jit3A_956 : f32 to vector<512x256xf32>
    %select_n3A_958 = arith.select %eq3A_955, %broadcast_in_dim3A_957, %slice3A_952 : vector<512x256xi1>, vector<512x256xf32>
    %eq3A_959 = arith.constant 11 : i32
    %eq3A_960 = vector.broadcast %eq3A_959 : i32 to vector<512x256xi32>
    %eq3A_961 = arith.cmpi eq, %select_n3A_749, %eq3A_960 : vector<512x256xi32>
    %jit3A_962 = arith.constant 0x7F800000 : f32
    %broadcast_in_dim3A_963 = vector.broadcast %jit3A_962 : f32 to vector<512x256xf32>
    %select_n3A_964 = arith.select %eq3A_961, %broadcast_in_dim3A_963, %select_n3A_958 : vector<512x256xi1>, vector<512x256xf32>
    %lt3A_965 = arith.cmpf olt, %select_n3A_964, %select_n3A_948 : vector<512x256xf32>
    %select_n3A_966 = arith.select %lt3A_965, %select_n3A_964, %select_n3A_948 : vector<512x256xi1>, vector<512x256xf32>
    %jit3A_967 = arith.constant 11 : i32
    %broadcast_in_dim3A_968 = vector.broadcast %jit3A_967 : i32 to vector<512x256xi32>
    %select_n3A_969 = arith.select %lt3A_965, %broadcast_in_dim3A_968, %select_n3A_951 : vector<512x256xi1>, vector<512x256xi32>
    %slice3A_970 = vector.extract_strided_slice %add3A_15 {offsets = [0, 3072], sizes = [512, 256], strides = [1, 1]} : vector<512x10240xf32> to vector<512x256xf32>
    %eq3A_971 = arith.constant 12 : i32
    %eq3A_972 = vector.broadcast %eq3A_971 : i32 to vector<512x256xi32>
    %eq3A_973 = arith.cmpi eq, %select_n3A_260, %eq3A_972 : vector<512x256xi32>
    %jit3A_974 = arith.constant 0x7F800000 : f32
    %broadcast_in_dim3A_975 = vector.broadcast %jit3A_974 : f32 to vector<512x256xf32>
    %select_n3A_976 = arith.select %eq3A_973, %broadcast_in_dim3A_975, %slice3A_970 : vector<512x256xi1>, vector<512x256xf32>
    %eq3A_977 = arith.constant 12 : i32
    %eq3A_978 = vector.broadcast %eq3A_977 : i32 to vector<512x256xi32>
    %eq3A_979 = arith.cmpi eq, %select_n3A_749, %eq3A_978 : vector<512x256xi32>
    %jit3A_980 = arith.constant 0x7F800000 : f32
    %broadcast_in_dim3A_981 = vector.broadcast %jit3A_980 : f32 to vector<512x256xf32>
    %select_n3A_982 = arith.select %eq3A_979, %broadcast_in_dim3A_981, %select_n3A_976 : vector<512x256xi1>, vector<512x256xf32>
    %lt3A_983 = arith.cmpf olt, %select_n3A_982, %select_n3A_966 : vector<512x256xf32>
    %select_n3A_984 = arith.select %lt3A_983, %select_n3A_982, %select_n3A_966 : vector<512x256xi1>, vector<512x256xf32>
    %jit3A_985 = arith.constant 12 : i32
    %broadcast_in_dim3A_986 = vector.broadcast %jit3A_985 : i32 to vector<512x256xi32>
    %select_n3A_987 = arith.select %lt3A_983, %broadcast_in_dim3A_986, %select_n3A_969 : vector<512x256xi1>, vector<512x256xi32>
    %slice3A_988 = vector.extract_strided_slice %add3A_15 {offsets = [0, 3328], sizes = [512, 256], strides = [1, 1]} : vector<512x10240xf32> to vector<512x256xf32>
    %eq3A_989 = arith.constant 13 : i32
    %eq3A_990 = vector.broadcast %eq3A_989 : i32 to vector<512x256xi32>
    %eq3A_991 = arith.cmpi eq, %select_n3A_260, %eq3A_990 : vector<512x256xi32>
    %jit3A_992 = arith.constant 0x7F800000 : f32
    %broadcast_in_dim3A_993 = vector.broadcast %jit3A_992 : f32 to vector<512x256xf32>
    %select_n3A_994 = arith.select %eq3A_991, %broadcast_in_dim3A_993, %slice3A_988 : vector<512x256xi1>, vector<512x256xf32>
    %eq3A_995 = arith.constant 13 : i32
    %eq3A_996 = vector.broadcast %eq3A_995 : i32 to vector<512x256xi32>
    %eq3A_997 = arith.cmpi eq, %select_n3A_749, %eq3A_996 : vector<512x256xi32>
    %jit3A_998 = arith.constant 0x7F800000 : f32
    %broadcast_in_dim3A_999 = vector.broadcast %jit3A_998 : f32 to vector<512x256xf32>
    %select_n3A_1000 = arith.select %eq3A_997, %broadcast_in_dim3A_999, %select_n3A_994 : vector<512x256xi1>, vector<512x256xf32>
    %lt3A_1001 = arith.cmpf olt, %select_n3A_1000, %select_n3A_984 : vector<512x256xf32>
    %select_n3A_1002 = arith.select %lt3A_1001, %select_n3A_1000, %select_n3A_984 : vector<512x256xi1>, vector<512x256xf32>
    %jit3A_1003 = arith.constant 13 : i32
    %broadcast_in_dim3A_1004 = vector.broadcast %jit3A_1003 : i32 to vector<512x256xi32>
    %select_n3A_1005 = arith.select %lt3A_1001, %broadcast_in_dim3A_1004, %select_n3A_987 : vector<512x256xi1>, vector<512x256xi32>
    %slice3A_1006 = vector.extract_strided_slice %add3A_15 {offsets = [0, 3584], sizes = [512, 256], strides = [1, 1]} : vector<512x10240xf32> to vector<512x256xf32>
    %eq3A_1007 = arith.constant 14 : i32
    %eq3A_1008 = vector.broadcast %eq3A_1007 : i32 to vector<512x256xi32>
    %eq3A_1009 = arith.cmpi eq, %select_n3A_260, %eq3A_1008 : vector<512x256xi32>
    %jit3A_1010 = arith.constant 0x7F800000 : f32
    %broadcast_in_dim3A_1011 = vector.broadcast %jit3A_1010 : f32 to vector<512x256xf32>
    %select_n3A_1012 = arith.select %eq3A_1009, %broadcast_in_dim3A_1011, %slice3A_1006 : vector<512x256xi1>, vector<512x256xf32>
    %eq3A_1013 = arith.constant 14 : i32
    %eq3A_1014 = vector.broadcast %eq3A_1013 : i32 to vector<512x256xi32>
    %eq3A_1015 = arith.cmpi eq, %select_n3A_749, %eq3A_1014 : vector<512x256xi32>
    %jit3A_1016 = arith.constant 0x7F800000 : f32
    %broadcast_in_dim3A_1017 = vector.broadcast %jit3A_1016 : f32 to vector<512x256xf32>
    %select_n3A_1018 = arith.select %eq3A_1015, %broadcast_in_dim3A_1017, %select_n3A_1012 : vector<512x256xi1>, vector<512x256xf32>
    %lt3A_1019 = arith.cmpf olt, %select_n3A_1018, %select_n3A_1002 : vector<512x256xf32>
    %select_n3A_1020 = arith.select %lt3A_1019, %select_n3A_1018, %select_n3A_1002 : vector<512x256xi1>, vector<512x256xf32>
    %jit3A_1021 = arith.constant 14 : i32
    %broadcast_in_dim3A_1022 = vector.broadcast %jit3A_1021 : i32 to vector<512x256xi32>
    %select_n3A_1023 = arith.select %lt3A_1019, %broadcast_in_dim3A_1022, %select_n3A_1005 : vector<512x256xi1>, vector<512x256xi32>
    %slice3A_1024 = vector.extract_strided_slice %add3A_15 {offsets = [0, 3840], sizes = [512, 256], strides = [1, 1]} : vector<512x10240xf32> to vector<512x256xf32>
    %eq3A_1025 = arith.constant 15 : i32
    %eq3A_1026 = vector.broadcast %eq3A_1025 : i32 to vector<512x256xi32>
    %eq3A_1027 = arith.cmpi eq, %select_n3A_260, %eq3A_1026 : vector<512x256xi32>
    %jit3A_1028 = arith.constant 0x7F800000 : f32
    %broadcast_in_dim3A_1029 = vector.broadcast %jit3A_1028 : f32 to vector<512x256xf32>
    %select_n3A_1030 = arith.select %eq3A_1027, %broadcast_in_dim3A_1029, %slice3A_1024 : vector<512x256xi1>, vector<512x256xf32>
    %eq3A_1031 = arith.constant 15 : i32
    %eq3A_1032 = vector.broadcast %eq3A_1031 : i32 to vector<512x256xi32>
    %eq3A_1033 = arith.cmpi eq, %select_n3A_749, %eq3A_1032 : vector<512x256xi32>
    %jit3A_1034 = arith.constant 0x7F800000 : f32
    %broadcast_in_dim3A_1035 = vector.broadcast %jit3A_1034 : f32 to vector<512x256xf32>
    %select_n3A_1036 = arith.select %eq3A_1033, %broadcast_in_dim3A_1035, %select_n3A_1030 : vector<512x256xi1>, vector<512x256xf32>
    %lt3A_1037 = arith.cmpf olt, %select_n3A_1036, %select_n3A_1020 : vector<512x256xf32>
    %select_n3A_1038 = arith.select %lt3A_1037, %select_n3A_1036, %select_n3A_1020 : vector<512x256xi1>, vector<512x256xf32>
    %jit3A_1039 = arith.constant 15 : i32
    %broadcast_in_dim3A_1040 = vector.broadcast %jit3A_1039 : i32 to vector<512x256xi32>
    %select_n3A_1041 = arith.select %lt3A_1037, %broadcast_in_dim3A_1040, %select_n3A_1023 : vector<512x256xi1>, vector<512x256xi32>
    %slice3A_1042 = vector.extract_strided_slice %add3A_15 {offsets = [0, 4096], sizes = [512, 256], strides = [1, 1]} : vector<512x10240xf32> to vector<512x256xf32>
    %eq3A_1043 = arith.constant 16 : i32
    %eq3A_1044 = vector.broadcast %eq3A_1043 : i32 to vector<512x256xi32>
    %eq3A_1045 = arith.cmpi eq, %select_n3A_260, %eq3A_1044 : vector<512x256xi32>
    %jit3A_1046 = arith.constant 0x7F800000 : f32
    %broadcast_in_dim3A_1047 = vector.broadcast %jit3A_1046 : f32 to vector<512x256xf32>
    %select_n3A_1048 = arith.select %eq3A_1045, %broadcast_in_dim3A_1047, %slice3A_1042 : vector<512x256xi1>, vector<512x256xf32>
    %eq3A_1049 = arith.constant 16 : i32
    %eq3A_1050 = vector.broadcast %eq3A_1049 : i32 to vector<512x256xi32>
    %eq3A_1051 = arith.cmpi eq, %select_n3A_749, %eq3A_1050 : vector<512x256xi32>
    %jit3A_1052 = arith.constant 0x7F800000 : f32
    %broadcast_in_dim3A_1053 = vector.broadcast %jit3A_1052 : f32 to vector<512x256xf32>
    %select_n3A_1054 = arith.select %eq3A_1051, %broadcast_in_dim3A_1053, %select_n3A_1048 : vector<512x256xi1>, vector<512x256xf32>
    %lt3A_1055 = arith.cmpf olt, %select_n3A_1054, %select_n3A_1038 : vector<512x256xf32>
    %select_n3A_1056 = arith.select %lt3A_1055, %select_n3A_1054, %select_n3A_1038 : vector<512x256xi1>, vector<512x256xf32>
    %jit3A_1057 = arith.constant 16 : i32
    %broadcast_in_dim3A_1058 = vector.broadcast %jit3A_1057 : i32 to vector<512x256xi32>
    %select_n3A_1059 = arith.select %lt3A_1055, %broadcast_in_dim3A_1058, %select_n3A_1041 : vector<512x256xi1>, vector<512x256xi32>
    %slice3A_1060 = vector.extract_strided_slice %add3A_15 {offsets = [0, 4352], sizes = [512, 256], strides = [1, 1]} : vector<512x10240xf32> to vector<512x256xf32>
    %eq3A_1061 = arith.constant 17 : i32
    %eq3A_1062 = vector.broadcast %eq3A_1061 : i32 to vector<512x256xi32>
    %eq3A_1063 = arith.cmpi eq, %select_n3A_260, %eq3A_1062 : vector<512x256xi32>
    %jit3A_1064 = arith.constant 0x7F800000 : f32
    %broadcast_in_dim3A_1065 = vector.broadcast %jit3A_1064 : f32 to vector<512x256xf32>
    %select_n3A_1066 = arith.select %eq3A_1063, %broadcast_in_dim3A_1065, %slice3A_1060 : vector<512x256xi1>, vector<512x256xf32>
    %eq3A_1067 = arith.constant 17 : i32
    %eq3A_1068 = vector.broadcast %eq3A_1067 : i32 to vector<512x256xi32>
    %eq3A_1069 = arith.cmpi eq, %select_n3A_749, %eq3A_1068 : vector<512x256xi32>
    %jit3A_1070 = arith.constant 0x7F800000 : f32
    %broadcast_in_dim3A_1071 = vector.broadcast %jit3A_1070 : f32 to vector<512x256xf32>
    %select_n3A_1072 = arith.select %eq3A_1069, %broadcast_in_dim3A_1071, %select_n3A_1066 : vector<512x256xi1>, vector<512x256xf32>
    %lt3A_1073 = arith.cmpf olt, %select_n3A_1072, %select_n3A_1056 : vector<512x256xf32>
    %select_n3A_1074 = arith.select %lt3A_1073, %select_n3A_1072, %select_n3A_1056 : vector<512x256xi1>, vector<512x256xf32>
    %jit3A_1075 = arith.constant 17 : i32
    %broadcast_in_dim3A_1076 = vector.broadcast %jit3A_1075 : i32 to vector<512x256xi32>
    %select_n3A_1077 = arith.select %lt3A_1073, %broadcast_in_dim3A_1076, %select_n3A_1059 : vector<512x256xi1>, vector<512x256xi32>
    %slice3A_1078 = vector.extract_strided_slice %add3A_15 {offsets = [0, 4608], sizes = [512, 256], strides = [1, 1]} : vector<512x10240xf32> to vector<512x256xf32>
    %eq3A_1079 = arith.constant 18 : i32
    %eq3A_1080 = vector.broadcast %eq3A_1079 : i32 to vector<512x256xi32>
    %eq3A_1081 = arith.cmpi eq, %select_n3A_260, %eq3A_1080 : vector<512x256xi32>
    %jit3A_1082 = arith.constant 0x7F800000 : f32
    %broadcast_in_dim3A_1083 = vector.broadcast %jit3A_1082 : f32 to vector<512x256xf32>
    %select_n3A_1084 = arith.select %eq3A_1081, %broadcast_in_dim3A_1083, %slice3A_1078 : vector<512x256xi1>, vector<512x256xf32>
    %eq3A_1085 = arith.constant 18 : i32
    %eq3A_1086 = vector.broadcast %eq3A_1085 : i32 to vector<512x256xi32>
    %eq3A_1087 = arith.cmpi eq, %select_n3A_749, %eq3A_1086 : vector<512x256xi32>
    %jit3A_1088 = arith.constant 0x7F800000 : f32
    %broadcast_in_dim3A_1089 = vector.broadcast %jit3A_1088 : f32 to vector<512x256xf32>
    %select_n3A_1090 = arith.select %eq3A_1087, %broadcast_in_dim3A_1089, %select_n3A_1084 : vector<512x256xi1>, vector<512x256xf32>
    %lt3A_1091 = arith.cmpf olt, %select_n3A_1090, %select_n3A_1074 : vector<512x256xf32>
    %select_n3A_1092 = arith.select %lt3A_1091, %select_n3A_1090, %select_n3A_1074 : vector<512x256xi1>, vector<512x256xf32>
    %jit3A_1093 = arith.constant 18 : i32
    %broadcast_in_dim3A_1094 = vector.broadcast %jit3A_1093 : i32 to vector<512x256xi32>
    %select_n3A_1095 = arith.select %lt3A_1091, %broadcast_in_dim3A_1094, %select_n3A_1077 : vector<512x256xi1>, vector<512x256xi32>
    %slice3A_1096 = vector.extract_strided_slice %add3A_15 {offsets = [0, 4864], sizes = [512, 256], strides = [1, 1]} : vector<512x10240xf32> to vector<512x256xf32>
    %eq3A_1097 = arith.constant 19 : i32
    %eq3A_1098 = vector.broadcast %eq3A_1097 : i32 to vector<512x256xi32>
    %eq3A_1099 = arith.cmpi eq, %select_n3A_260, %eq3A_1098 : vector<512x256xi32>
    %jit3A_1100 = arith.constant 0x7F800000 : f32
    %broadcast_in_dim3A_1101 = vector.broadcast %jit3A_1100 : f32 to vector<512x256xf32>
    %select_n3A_1102 = arith.select %eq3A_1099, %broadcast_in_dim3A_1101, %slice3A_1096 : vector<512x256xi1>, vector<512x256xf32>
    %eq3A_1103 = arith.constant 19 : i32
    %eq3A_1104 = vector.broadcast %eq3A_1103 : i32 to vector<512x256xi32>
    %eq3A_1105 = arith.cmpi eq, %select_n3A_749, %eq3A_1104 : vector<512x256xi32>
    %jit3A_1106 = arith.constant 0x7F800000 : f32
    %broadcast_in_dim3A_1107 = vector.broadcast %jit3A_1106 : f32 to vector<512x256xf32>
    %select_n3A_1108 = arith.select %eq3A_1105, %broadcast_in_dim3A_1107, %select_n3A_1102 : vector<512x256xi1>, vector<512x256xf32>
    %lt3A_1109 = arith.cmpf olt, %select_n3A_1108, %select_n3A_1092 : vector<512x256xf32>
    %select_n3A_1110 = arith.select %lt3A_1109, %select_n3A_1108, %select_n3A_1092 : vector<512x256xi1>, vector<512x256xf32>
    %jit3A_1111 = arith.constant 19 : i32
    %broadcast_in_dim3A_1112 = vector.broadcast %jit3A_1111 : i32 to vector<512x256xi32>
    %select_n3A_1113 = arith.select %lt3A_1109, %broadcast_in_dim3A_1112, %select_n3A_1095 : vector<512x256xi1>, vector<512x256xi32>
    %slice3A_1114 = vector.extract_strided_slice %add3A_15 {offsets = [0, 5120], sizes = [512, 256], strides = [1, 1]} : vector<512x10240xf32> to vector<512x256xf32>
    %eq3A_1115 = arith.constant 20 : i32
    %eq3A_1116 = vector.broadcast %eq3A_1115 : i32 to vector<512x256xi32>
    %eq3A_1117 = arith.cmpi eq, %select_n3A_260, %eq3A_1116 : vector<512x256xi32>
    %jit3A_1118 = arith.constant 0x7F800000 : f32
    %broadcast_in_dim3A_1119 = vector.broadcast %jit3A_1118 : f32 to vector<512x256xf32>
    %select_n3A_1120 = arith.select %eq3A_1117, %broadcast_in_dim3A_1119, %slice3A_1114 : vector<512x256xi1>, vector<512x256xf32>
    %eq3A_1121 = arith.constant 20 : i32
    %eq3A_1122 = vector.broadcast %eq3A_1121 : i32 to vector<512x256xi32>
    %eq3A_1123 = arith.cmpi eq, %select_n3A_749, %eq3A_1122 : vector<512x256xi32>
    %jit3A_1124 = arith.constant 0x7F800000 : f32
    %broadcast_in_dim3A_1125 = vector.broadcast %jit3A_1124 : f32 to vector<512x256xf32>
    %select_n3A_1126 = arith.select %eq3A_1123, %broadcast_in_dim3A_1125, %select_n3A_1120 : vector<512x256xi1>, vector<512x256xf32>
    %lt3A_1127 = arith.cmpf olt, %select_n3A_1126, %select_n3A_1110 : vector<512x256xf32>
    %select_n3A_1128 = arith.select %lt3A_1127, %select_n3A_1126, %select_n3A_1110 : vector<512x256xi1>, vector<512x256xf32>
    %jit3A_1129 = arith.constant 20 : i32
    %broadcast_in_dim3A_1130 = vector.broadcast %jit3A_1129 : i32 to vector<512x256xi32>
    %select_n3A_1131 = arith.select %lt3A_1127, %broadcast_in_dim3A_1130, %select_n3A_1113 : vector<512x256xi1>, vector<512x256xi32>
    %slice3A_1132 = vector.extract_strided_slice %add3A_15 {offsets = [0, 5376], sizes = [512, 256], strides = [1, 1]} : vector<512x10240xf32> to vector<512x256xf32>
    %eq3A_1133 = arith.constant 21 : i32
    %eq3A_1134 = vector.broadcast %eq3A_1133 : i32 to vector<512x256xi32>
    %eq3A_1135 = arith.cmpi eq, %select_n3A_260, %eq3A_1134 : vector<512x256xi32>
    %jit3A_1136 = arith.constant 0x7F800000 : f32
    %broadcast_in_dim3A_1137 = vector.broadcast %jit3A_1136 : f32 to vector<512x256xf32>
    %select_n3A_1138 = arith.select %eq3A_1135, %broadcast_in_dim3A_1137, %slice3A_1132 : vector<512x256xi1>, vector<512x256xf32>
    %eq3A_1139 = arith.constant 21 : i32
    %eq3A_1140 = vector.broadcast %eq3A_1139 : i32 to vector<512x256xi32>
    %eq3A_1141 = arith.cmpi eq, %select_n3A_749, %eq3A_1140 : vector<512x256xi32>
    %jit3A_1142 = arith.constant 0x7F800000 : f32
    %broadcast_in_dim3A_1143 = vector.broadcast %jit3A_1142 : f32 to vector<512x256xf32>
    %select_n3A_1144 = arith.select %eq3A_1141, %broadcast_in_dim3A_1143, %select_n3A_1138 : vector<512x256xi1>, vector<512x256xf32>
    %lt3A_1145 = arith.cmpf olt, %select_n3A_1144, %select_n3A_1128 : vector<512x256xf32>
    %select_n3A_1146 = arith.select %lt3A_1145, %select_n3A_1144, %select_n3A_1128 : vector<512x256xi1>, vector<512x256xf32>
    %jit3A_1147 = arith.constant 21 : i32
    %broadcast_in_dim3A_1148 = vector.broadcast %jit3A_1147 : i32 to vector<512x256xi32>
    %select_n3A_1149 = arith.select %lt3A_1145, %broadcast_in_dim3A_1148, %select_n3A_1131 : vector<512x256xi1>, vector<512x256xi32>
    %slice3A_1150 = vector.extract_strided_slice %add3A_15 {offsets = [0, 5632], sizes = [512, 256], strides = [1, 1]} : vector<512x10240xf32> to vector<512x256xf32>
    %eq3A_1151 = arith.constant 22 : i32
    %eq3A_1152 = vector.broadcast %eq3A_1151 : i32 to vector<512x256xi32>
    %eq3A_1153 = arith.cmpi eq, %select_n3A_260, %eq3A_1152 : vector<512x256xi32>
    %jit3A_1154 = arith.constant 0x7F800000 : f32
    %broadcast_in_dim3A_1155 = vector.broadcast %jit3A_1154 : f32 to vector<512x256xf32>
    %select_n3A_1156 = arith.select %eq3A_1153, %broadcast_in_dim3A_1155, %slice3A_1150 : vector<512x256xi1>, vector<512x256xf32>
    %eq3A_1157 = arith.constant 22 : i32
    %eq3A_1158 = vector.broadcast %eq3A_1157 : i32 to vector<512x256xi32>
    %eq3A_1159 = arith.cmpi eq, %select_n3A_749, %eq3A_1158 : vector<512x256xi32>
    %jit3A_1160 = arith.constant 0x7F800000 : f32
    %broadcast_in_dim3A_1161 = vector.broadcast %jit3A_1160 : f32 to vector<512x256xf32>
    %select_n3A_1162 = arith.select %eq3A_1159, %broadcast_in_dim3A_1161, %select_n3A_1156 : vector<512x256xi1>, vector<512x256xf32>
    %lt3A_1163 = arith.cmpf olt, %select_n3A_1162, %select_n3A_1146 : vector<512x256xf32>
    %select_n3A_1164 = arith.select %lt3A_1163, %select_n3A_1162, %select_n3A_1146 : vector<512x256xi1>, vector<512x256xf32>
    %jit3A_1165 = arith.constant 22 : i32
    %broadcast_in_dim3A_1166 = vector.broadcast %jit3A_1165 : i32 to vector<512x256xi32>
    %select_n3A_1167 = arith.select %lt3A_1163, %broadcast_in_dim3A_1166, %select_n3A_1149 : vector<512x256xi1>, vector<512x256xi32>
    %slice3A_1168 = vector.extract_strided_slice %add3A_15 {offsets = [0, 5888], sizes = [512, 256], strides = [1, 1]} : vector<512x10240xf32> to vector<512x256xf32>
    %eq3A_1169 = arith.constant 23 : i32
    %eq3A_1170 = vector.broadcast %eq3A_1169 : i32 to vector<512x256xi32>
    %eq3A_1171 = arith.cmpi eq, %select_n3A_260, %eq3A_1170 : vector<512x256xi32>
    %jit3A_1172 = arith.constant 0x7F800000 : f32
    %broadcast_in_dim3A_1173 = vector.broadcast %jit3A_1172 : f32 to vector<512x256xf32>
    %select_n3A_1174 = arith.select %eq3A_1171, %broadcast_in_dim3A_1173, %slice3A_1168 : vector<512x256xi1>, vector<512x256xf32>
    %eq3A_1175 = arith.constant 23 : i32
    %eq3A_1176 = vector.broadcast %eq3A_1175 : i32 to vector<512x256xi32>
    %eq3A_1177 = arith.cmpi eq, %select_n3A_749, %eq3A_1176 : vector<512x256xi32>
    %jit3A_1178 = arith.constant 0x7F800000 : f32
    %broadcast_in_dim3A_1179 = vector.broadcast %jit3A_1178 : f32 to vector<512x256xf32>
    %select_n3A_1180 = arith.select %eq3A_1177, %broadcast_in_dim3A_1179, %select_n3A_1174 : vector<512x256xi1>, vector<512x256xf32>
    %lt3A_1181 = arith.cmpf olt, %select_n3A_1180, %select_n3A_1164 : vector<512x256xf32>
    %select_n3A_1182 = arith.select %lt3A_1181, %select_n3A_1180, %select_n3A_1164 : vector<512x256xi1>, vector<512x256xf32>
    %jit3A_1183 = arith.constant 23 : i32
    %broadcast_in_dim3A_1184 = vector.broadcast %jit3A_1183 : i32 to vector<512x256xi32>
    %select_n3A_1185 = arith.select %lt3A_1181, %broadcast_in_dim3A_1184, %select_n3A_1167 : vector<512x256xi1>, vector<512x256xi32>
    %slice3A_1186 = vector.extract_strided_slice %add3A_15 {offsets = [0, 6144], sizes = [512, 256], strides = [1, 1]} : vector<512x10240xf32> to vector<512x256xf32>
    %eq3A_1187 = arith.constant 24 : i32
    %eq3A_1188 = vector.broadcast %eq3A_1187 : i32 to vector<512x256xi32>
    %eq3A_1189 = arith.cmpi eq, %select_n3A_260, %eq3A_1188 : vector<512x256xi32>
    %jit3A_1190 = arith.constant 0x7F800000 : f32
    %broadcast_in_dim3A_1191 = vector.broadcast %jit3A_1190 : f32 to vector<512x256xf32>
    %select_n3A_1192 = arith.select %eq3A_1189, %broadcast_in_dim3A_1191, %slice3A_1186 : vector<512x256xi1>, vector<512x256xf32>
    %eq3A_1193 = arith.constant 24 : i32
    %eq3A_1194 = vector.broadcast %eq3A_1193 : i32 to vector<512x256xi32>
    %eq3A_1195 = arith.cmpi eq, %select_n3A_749, %eq3A_1194 : vector<512x256xi32>
    %jit3A_1196 = arith.constant 0x7F800000 : f32
    %broadcast_in_dim3A_1197 = vector.broadcast %jit3A_1196 : f32 to vector<512x256xf32>
    %select_n3A_1198 = arith.select %eq3A_1195, %broadcast_in_dim3A_1197, %select_n3A_1192 : vector<512x256xi1>, vector<512x256xf32>
    %lt3A_1199 = arith.cmpf olt, %select_n3A_1198, %select_n3A_1182 : vector<512x256xf32>
    %select_n3A_1200 = arith.select %lt3A_1199, %select_n3A_1198, %select_n3A_1182 : vector<512x256xi1>, vector<512x256xf32>
    %jit3A_1201 = arith.constant 24 : i32
    %broadcast_in_dim3A_1202 = vector.broadcast %jit3A_1201 : i32 to vector<512x256xi32>
    %select_n3A_1203 = arith.select %lt3A_1199, %broadcast_in_dim3A_1202, %select_n3A_1185 : vector<512x256xi1>, vector<512x256xi32>
    %slice3A_1204 = vector.extract_strided_slice %add3A_15 {offsets = [0, 6400], sizes = [512, 256], strides = [1, 1]} : vector<512x10240xf32> to vector<512x256xf32>
    %eq3A_1205 = arith.constant 25 : i32
    %eq3A_1206 = vector.broadcast %eq3A_1205 : i32 to vector<512x256xi32>
    %eq3A_1207 = arith.cmpi eq, %select_n3A_260, %eq3A_1206 : vector<512x256xi32>
    %jit3A_1208 = arith.constant 0x7F800000 : f32
    %broadcast_in_dim3A_1209 = vector.broadcast %jit3A_1208 : f32 to vector<512x256xf32>
    %select_n3A_1210 = arith.select %eq3A_1207, %broadcast_in_dim3A_1209, %slice3A_1204 : vector<512x256xi1>, vector<512x256xf32>
    %eq3A_1211 = arith.constant 25 : i32
    %eq3A_1212 = vector.broadcast %eq3A_1211 : i32 to vector<512x256xi32>
    %eq3A_1213 = arith.cmpi eq, %select_n3A_749, %eq3A_1212 : vector<512x256xi32>
    %jit3A_1214 = arith.constant 0x7F800000 : f32
    %broadcast_in_dim3A_1215 = vector.broadcast %jit3A_1214 : f32 to vector<512x256xf32>
    %select_n3A_1216 = arith.select %eq3A_1213, %broadcast_in_dim3A_1215, %select_n3A_1210 : vector<512x256xi1>, vector<512x256xf32>
    %lt3A_1217 = arith.cmpf olt, %select_n3A_1216, %select_n3A_1200 : vector<512x256xf32>
    %select_n3A_1218 = arith.select %lt3A_1217, %select_n3A_1216, %select_n3A_1200 : vector<512x256xi1>, vector<512x256xf32>
    %jit3A_1219 = arith.constant 25 : i32
    %broadcast_in_dim3A_1220 = vector.broadcast %jit3A_1219 : i32 to vector<512x256xi32>
    %select_n3A_1221 = arith.select %lt3A_1217, %broadcast_in_dim3A_1220, %select_n3A_1203 : vector<512x256xi1>, vector<512x256xi32>
    %slice3A_1222 = vector.extract_strided_slice %add3A_15 {offsets = [0, 6656], sizes = [512, 256], strides = [1, 1]} : vector<512x10240xf32> to vector<512x256xf32>
    %eq3A_1223 = arith.constant 26 : i32
    %eq3A_1224 = vector.broadcast %eq3A_1223 : i32 to vector<512x256xi32>
    %eq3A_1225 = arith.cmpi eq, %select_n3A_260, %eq3A_1224 : vector<512x256xi32>
    %jit3A_1226 = arith.constant 0x7F800000 : f32
    %broadcast_in_dim3A_1227 = vector.broadcast %jit3A_1226 : f32 to vector<512x256xf32>
    %select_n3A_1228 = arith.select %eq3A_1225, %broadcast_in_dim3A_1227, %slice3A_1222 : vector<512x256xi1>, vector<512x256xf32>
    %eq3A_1229 = arith.constant 26 : i32
    %eq3A_1230 = vector.broadcast %eq3A_1229 : i32 to vector<512x256xi32>
    %eq3A_1231 = arith.cmpi eq, %select_n3A_749, %eq3A_1230 : vector<512x256xi32>
    %jit3A_1232 = arith.constant 0x7F800000 : f32
    %broadcast_in_dim3A_1233 = vector.broadcast %jit3A_1232 : f32 to vector<512x256xf32>
    %select_n3A_1234 = arith.select %eq3A_1231, %broadcast_in_dim3A_1233, %select_n3A_1228 : vector<512x256xi1>, vector<512x256xf32>
    %lt3A_1235 = arith.cmpf olt, %select_n3A_1234, %select_n3A_1218 : vector<512x256xf32>
    %select_n3A_1236 = arith.select %lt3A_1235, %select_n3A_1234, %select_n3A_1218 : vector<512x256xi1>, vector<512x256xf32>
    %jit3A_1237 = arith.constant 26 : i32
    %broadcast_in_dim3A_1238 = vector.broadcast %jit3A_1237 : i32 to vector<512x256xi32>
    %select_n3A_1239 = arith.select %lt3A_1235, %broadcast_in_dim3A_1238, %select_n3A_1221 : vector<512x256xi1>, vector<512x256xi32>
    %slice3A_1240 = vector.extract_strided_slice %add3A_15 {offsets = [0, 6912], sizes = [512, 256], strides = [1, 1]} : vector<512x10240xf32> to vector<512x256xf32>
    %eq3A_1241 = arith.constant 27 : i32
    %eq3A_1242 = vector.broadcast %eq3A_1241 : i32 to vector<512x256xi32>
    %eq3A_1243 = arith.cmpi eq, %select_n3A_260, %eq3A_1242 : vector<512x256xi32>
    %jit3A_1244 = arith.constant 0x7F800000 : f32
    %broadcast_in_dim3A_1245 = vector.broadcast %jit3A_1244 : f32 to vector<512x256xf32>
    %select_n3A_1246 = arith.select %eq3A_1243, %broadcast_in_dim3A_1245, %slice3A_1240 : vector<512x256xi1>, vector<512x256xf32>
    %eq3A_1247 = arith.constant 27 : i32
    %eq3A_1248 = vector.broadcast %eq3A_1247 : i32 to vector<512x256xi32>
    %eq3A_1249 = arith.cmpi eq, %select_n3A_749, %eq3A_1248 : vector<512x256xi32>
    %jit3A_1250 = arith.constant 0x7F800000 : f32
    %broadcast_in_dim3A_1251 = vector.broadcast %jit3A_1250 : f32 to vector<512x256xf32>
    %select_n3A_1252 = arith.select %eq3A_1249, %broadcast_in_dim3A_1251, %select_n3A_1246 : vector<512x256xi1>, vector<512x256xf32>
    %lt3A_1253 = arith.cmpf olt, %select_n3A_1252, %select_n3A_1236 : vector<512x256xf32>
    %select_n3A_1254 = arith.select %lt3A_1253, %select_n3A_1252, %select_n3A_1236 : vector<512x256xi1>, vector<512x256xf32>
    %jit3A_1255 = arith.constant 27 : i32
    %broadcast_in_dim3A_1256 = vector.broadcast %jit3A_1255 : i32 to vector<512x256xi32>
    %select_n3A_1257 = arith.select %lt3A_1253, %broadcast_in_dim3A_1256, %select_n3A_1239 : vector<512x256xi1>, vector<512x256xi32>
    %slice3A_1258 = vector.extract_strided_slice %add3A_15 {offsets = [0, 7168], sizes = [512, 256], strides = [1, 1]} : vector<512x10240xf32> to vector<512x256xf32>
    %eq3A_1259 = arith.constant 28 : i32
    %eq3A_1260 = vector.broadcast %eq3A_1259 : i32 to vector<512x256xi32>
    %eq3A_1261 = arith.cmpi eq, %select_n3A_260, %eq3A_1260 : vector<512x256xi32>
    %jit3A_1262 = arith.constant 0x7F800000 : f32
    %broadcast_in_dim3A_1263 = vector.broadcast %jit3A_1262 : f32 to vector<512x256xf32>
    %select_n3A_1264 = arith.select %eq3A_1261, %broadcast_in_dim3A_1263, %slice3A_1258 : vector<512x256xi1>, vector<512x256xf32>
    %eq3A_1265 = arith.constant 28 : i32
    %eq3A_1266 = vector.broadcast %eq3A_1265 : i32 to vector<512x256xi32>
    %eq3A_1267 = arith.cmpi eq, %select_n3A_749, %eq3A_1266 : vector<512x256xi32>
    %jit3A_1268 = arith.constant 0x7F800000 : f32
    %broadcast_in_dim3A_1269 = vector.broadcast %jit3A_1268 : f32 to vector<512x256xf32>
    %select_n3A_1270 = arith.select %eq3A_1267, %broadcast_in_dim3A_1269, %select_n3A_1264 : vector<512x256xi1>, vector<512x256xf32>
    %lt3A_1271 = arith.cmpf olt, %select_n3A_1270, %select_n3A_1254 : vector<512x256xf32>
    %select_n3A_1272 = arith.select %lt3A_1271, %select_n3A_1270, %select_n3A_1254 : vector<512x256xi1>, vector<512x256xf32>
    %jit3A_1273 = arith.constant 28 : i32
    %broadcast_in_dim3A_1274 = vector.broadcast %jit3A_1273 : i32 to vector<512x256xi32>
    %select_n3A_1275 = arith.select %lt3A_1271, %broadcast_in_dim3A_1274, %select_n3A_1257 : vector<512x256xi1>, vector<512x256xi32>
    %slice3A_1276 = vector.extract_strided_slice %add3A_15 {offsets = [0, 7424], sizes = [512, 256], strides = [1, 1]} : vector<512x10240xf32> to vector<512x256xf32>
    %eq3A_1277 = arith.constant 29 : i32
    %eq3A_1278 = vector.broadcast %eq3A_1277 : i32 to vector<512x256xi32>
    %eq3A_1279 = arith.cmpi eq, %select_n3A_260, %eq3A_1278 : vector<512x256xi32>
    %jit3A_1280 = arith.constant 0x7F800000 : f32
    %broadcast_in_dim3A_1281 = vector.broadcast %jit3A_1280 : f32 to vector<512x256xf32>
    %select_n3A_1282 = arith.select %eq3A_1279, %broadcast_in_dim3A_1281, %slice3A_1276 : vector<512x256xi1>, vector<512x256xf32>
    %eq3A_1283 = arith.constant 29 : i32
    %eq3A_1284 = vector.broadcast %eq3A_1283 : i32 to vector<512x256xi32>
    %eq3A_1285 = arith.cmpi eq, %select_n3A_749, %eq3A_1284 : vector<512x256xi32>
    %jit3A_1286 = arith.constant 0x7F800000 : f32
    %broadcast_in_dim3A_1287 = vector.broadcast %jit3A_1286 : f32 to vector<512x256xf32>
    %select_n3A_1288 = arith.select %eq3A_1285, %broadcast_in_dim3A_1287, %select_n3A_1282 : vector<512x256xi1>, vector<512x256xf32>
    %lt3A_1289 = arith.cmpf olt, %select_n3A_1288, %select_n3A_1272 : vector<512x256xf32>
    %select_n3A_1290 = arith.select %lt3A_1289, %select_n3A_1288, %select_n3A_1272 : vector<512x256xi1>, vector<512x256xf32>
    %jit3A_1291 = arith.constant 29 : i32
    %broadcast_in_dim3A_1292 = vector.broadcast %jit3A_1291 : i32 to vector<512x256xi32>
    %select_n3A_1293 = arith.select %lt3A_1289, %broadcast_in_dim3A_1292, %select_n3A_1275 : vector<512x256xi1>, vector<512x256xi32>
    %slice3A_1294 = vector.extract_strided_slice %add3A_15 {offsets = [0, 7680], sizes = [512, 256], strides = [1, 1]} : vector<512x10240xf32> to vector<512x256xf32>
    %eq3A_1295 = arith.constant 30 : i32
    %eq3A_1296 = vector.broadcast %eq3A_1295 : i32 to vector<512x256xi32>
    %eq3A_1297 = arith.cmpi eq, %select_n3A_260, %eq3A_1296 : vector<512x256xi32>
    %jit3A_1298 = arith.constant 0x7F800000 : f32
    %broadcast_in_dim3A_1299 = vector.broadcast %jit3A_1298 : f32 to vector<512x256xf32>
    %select_n3A_1300 = arith.select %eq3A_1297, %broadcast_in_dim3A_1299, %slice3A_1294 : vector<512x256xi1>, vector<512x256xf32>
    %eq3A_1301 = arith.constant 30 : i32
    %eq3A_1302 = vector.broadcast %eq3A_1301 : i32 to vector<512x256xi32>
    %eq3A_1303 = arith.cmpi eq, %select_n3A_749, %eq3A_1302 : vector<512x256xi32>
    %jit3A_1304 = arith.constant 0x7F800000 : f32
    %broadcast_in_dim3A_1305 = vector.broadcast %jit3A_1304 : f32 to vector<512x256xf32>
    %select_n3A_1306 = arith.select %eq3A_1303, %broadcast_in_dim3A_1305, %select_n3A_1300 : vector<512x256xi1>, vector<512x256xf32>
    %lt3A_1307 = arith.cmpf olt, %select_n3A_1306, %select_n3A_1290 : vector<512x256xf32>
    %select_n3A_1308 = arith.select %lt3A_1307, %select_n3A_1306, %select_n3A_1290 : vector<512x256xi1>, vector<512x256xf32>
    %jit3A_1309 = arith.constant 30 : i32
    %broadcast_in_dim3A_1310 = vector.broadcast %jit3A_1309 : i32 to vector<512x256xi32>
    %select_n3A_1311 = arith.select %lt3A_1307, %broadcast_in_dim3A_1310, %select_n3A_1293 : vector<512x256xi1>, vector<512x256xi32>
    %slice3A_1312 = vector.extract_strided_slice %add3A_15 {offsets = [0, 7936], sizes = [512, 256], strides = [1, 1]} : vector<512x10240xf32> to vector<512x256xf32>
    %eq3A_1313 = arith.constant 31 : i32
    %eq3A_1314 = vector.broadcast %eq3A_1313 : i32 to vector<512x256xi32>
    %eq3A_1315 = arith.cmpi eq, %select_n3A_260, %eq3A_1314 : vector<512x256xi32>
    %jit3A_1316 = arith.constant 0x7F800000 : f32
    %broadcast_in_dim3A_1317 = vector.broadcast %jit3A_1316 : f32 to vector<512x256xf32>
    %select_n3A_1318 = arith.select %eq3A_1315, %broadcast_in_dim3A_1317, %slice3A_1312 : vector<512x256xi1>, vector<512x256xf32>
    %eq3A_1319 = arith.constant 31 : i32
    %eq3A_1320 = vector.broadcast %eq3A_1319 : i32 to vector<512x256xi32>
    %eq3A_1321 = arith.cmpi eq, %select_n3A_749, %eq3A_1320 : vector<512x256xi32>
    %jit3A_1322 = arith.constant 0x7F800000 : f32
    %broadcast_in_dim3A_1323 = vector.broadcast %jit3A_1322 : f32 to vector<512x256xf32>
    %select_n3A_1324 = arith.select %eq3A_1321, %broadcast_in_dim3A_1323, %select_n3A_1318 : vector<512x256xi1>, vector<512x256xf32>
    %lt3A_1325 = arith.cmpf olt, %select_n3A_1324, %select_n3A_1308 : vector<512x256xf32>
    %select_n3A_1326 = arith.select %lt3A_1325, %select_n3A_1324, %select_n3A_1308 : vector<512x256xi1>, vector<512x256xf32>
    %jit3A_1327 = arith.constant 31 : i32
    %broadcast_in_dim3A_1328 = vector.broadcast %jit3A_1327 : i32 to vector<512x256xi32>
    %select_n3A_1329 = arith.select %lt3A_1325, %broadcast_in_dim3A_1328, %select_n3A_1311 : vector<512x256xi1>, vector<512x256xi32>
    %slice3A_1330 = vector.extract_strided_slice %add3A_15 {offsets = [0, 8192], sizes = [512, 256], strides = [1, 1]} : vector<512x10240xf32> to vector<512x256xf32>
    %eq3A_1331 = arith.constant 32 : i32
    %eq3A_1332 = vector.broadcast %eq3A_1331 : i32 to vector<512x256xi32>
    %eq3A_1333 = arith.cmpi eq, %select_n3A_260, %eq3A_1332 : vector<512x256xi32>
    %jit3A_1334 = arith.constant 0x7F800000 : f32
    %broadcast_in_dim3A_1335 = vector.broadcast %jit3A_1334 : f32 to vector<512x256xf32>
    %select_n3A_1336 = arith.select %eq3A_1333, %broadcast_in_dim3A_1335, %slice3A_1330 : vector<512x256xi1>, vector<512x256xf32>
    %eq3A_1337 = arith.constant 32 : i32
    %eq3A_1338 = vector.broadcast %eq3A_1337 : i32 to vector<512x256xi32>
    %eq3A_1339 = arith.cmpi eq, %select_n3A_749, %eq3A_1338 : vector<512x256xi32>
    %jit3A_1340 = arith.constant 0x7F800000 : f32
    %broadcast_in_dim3A_1341 = vector.broadcast %jit3A_1340 : f32 to vector<512x256xf32>
    %select_n3A_1342 = arith.select %eq3A_1339, %broadcast_in_dim3A_1341, %select_n3A_1336 : vector<512x256xi1>, vector<512x256xf32>
    %lt3A_1343 = arith.cmpf olt, %select_n3A_1342, %select_n3A_1326 : vector<512x256xf32>
    %select_n3A_1344 = arith.select %lt3A_1343, %select_n3A_1342, %select_n3A_1326 : vector<512x256xi1>, vector<512x256xf32>
    %jit3A_1345 = arith.constant 32 : i32
    %broadcast_in_dim3A_1346 = vector.broadcast %jit3A_1345 : i32 to vector<512x256xi32>
    %select_n3A_1347 = arith.select %lt3A_1343, %broadcast_in_dim3A_1346, %select_n3A_1329 : vector<512x256xi1>, vector<512x256xi32>
    %slice3A_1348 = vector.extract_strided_slice %add3A_15 {offsets = [0, 8448], sizes = [512, 256], strides = [1, 1]} : vector<512x10240xf32> to vector<512x256xf32>
    %eq3A_1349 = arith.constant 33 : i32
    %eq3A_1350 = vector.broadcast %eq3A_1349 : i32 to vector<512x256xi32>
    %eq3A_1351 = arith.cmpi eq, %select_n3A_260, %eq3A_1350 : vector<512x256xi32>
    %jit3A_1352 = arith.constant 0x7F800000 : f32
    %broadcast_in_dim3A_1353 = vector.broadcast %jit3A_1352 : f32 to vector<512x256xf32>
    %select_n3A_1354 = arith.select %eq3A_1351, %broadcast_in_dim3A_1353, %slice3A_1348 : vector<512x256xi1>, vector<512x256xf32>
    %eq3A_1355 = arith.constant 33 : i32
    %eq3A_1356 = vector.broadcast %eq3A_1355 : i32 to vector<512x256xi32>
    %eq3A_1357 = arith.cmpi eq, %select_n3A_749, %eq3A_1356 : vector<512x256xi32>
    %jit3A_1358 = arith.constant 0x7F800000 : f32
    %broadcast_in_dim3A_1359 = vector.broadcast %jit3A_1358 : f32 to vector<512x256xf32>
    %select_n3A_1360 = arith.select %eq3A_1357, %broadcast_in_dim3A_1359, %select_n3A_1354 : vector<512x256xi1>, vector<512x256xf32>
    %lt3A_1361 = arith.cmpf olt, %select_n3A_1360, %select_n3A_1344 : vector<512x256xf32>
    %select_n3A_1362 = arith.select %lt3A_1361, %select_n3A_1360, %select_n3A_1344 : vector<512x256xi1>, vector<512x256xf32>
    %jit3A_1363 = arith.constant 33 : i32
    %broadcast_in_dim3A_1364 = vector.broadcast %jit3A_1363 : i32 to vector<512x256xi32>
    %select_n3A_1365 = arith.select %lt3A_1361, %broadcast_in_dim3A_1364, %select_n3A_1347 : vector<512x256xi1>, vector<512x256xi32>
    %slice3A_1366 = vector.extract_strided_slice %add3A_15 {offsets = [0, 8704], sizes = [512, 256], strides = [1, 1]} : vector<512x10240xf32> to vector<512x256xf32>
    %eq3A_1367 = arith.constant 34 : i32
    %eq3A_1368 = vector.broadcast %eq3A_1367 : i32 to vector<512x256xi32>
    %eq3A_1369 = arith.cmpi eq, %select_n3A_260, %eq3A_1368 : vector<512x256xi32>
    %jit3A_1370 = arith.constant 0x7F800000 : f32
    %broadcast_in_dim3A_1371 = vector.broadcast %jit3A_1370 : f32 to vector<512x256xf32>
    %select_n3A_1372 = arith.select %eq3A_1369, %broadcast_in_dim3A_1371, %slice3A_1366 : vector<512x256xi1>, vector<512x256xf32>
    %eq3A_1373 = arith.constant 34 : i32
    %eq3A_1374 = vector.broadcast %eq3A_1373 : i32 to vector<512x256xi32>
    %eq3A_1375 = arith.cmpi eq, %select_n3A_749, %eq3A_1374 : vector<512x256xi32>
    %jit3A_1376 = arith.constant 0x7F800000 : f32
    %broadcast_in_dim3A_1377 = vector.broadcast %jit3A_1376 : f32 to vector<512x256xf32>
    %select_n3A_1378 = arith.select %eq3A_1375, %broadcast_in_dim3A_1377, %select_n3A_1372 : vector<512x256xi1>, vector<512x256xf32>
    %lt3A_1379 = arith.cmpf olt, %select_n3A_1378, %select_n3A_1362 : vector<512x256xf32>
    %select_n3A_1380 = arith.select %lt3A_1379, %select_n3A_1378, %select_n3A_1362 : vector<512x256xi1>, vector<512x256xf32>
    %jit3A_1381 = arith.constant 34 : i32
    %broadcast_in_dim3A_1382 = vector.broadcast %jit3A_1381 : i32 to vector<512x256xi32>
    %select_n3A_1383 = arith.select %lt3A_1379, %broadcast_in_dim3A_1382, %select_n3A_1365 : vector<512x256xi1>, vector<512x256xi32>
    %slice3A_1384 = vector.extract_strided_slice %add3A_15 {offsets = [0, 8960], sizes = [512, 256], strides = [1, 1]} : vector<512x10240xf32> to vector<512x256xf32>
    %eq3A_1385 = arith.constant 35 : i32
    %eq3A_1386 = vector.broadcast %eq3A_1385 : i32 to vector<512x256xi32>
    %eq3A_1387 = arith.cmpi eq, %select_n3A_260, %eq3A_1386 : vector<512x256xi32>
    %jit3A_1388 = arith.constant 0x7F800000 : f32
    %broadcast_in_dim3A_1389 = vector.broadcast %jit3A_1388 : f32 to vector<512x256xf32>
    %select_n3A_1390 = arith.select %eq3A_1387, %broadcast_in_dim3A_1389, %slice3A_1384 : vector<512x256xi1>, vector<512x256xf32>
    %eq3A_1391 = arith.constant 35 : i32
    %eq3A_1392 = vector.broadcast %eq3A_1391 : i32 to vector<512x256xi32>
    %eq3A_1393 = arith.cmpi eq, %select_n3A_749, %eq3A_1392 : vector<512x256xi32>
    %jit3A_1394 = arith.constant 0x7F800000 : f32
    %broadcast_in_dim3A_1395 = vector.broadcast %jit3A_1394 : f32 to vector<512x256xf32>
    %select_n3A_1396 = arith.select %eq3A_1393, %broadcast_in_dim3A_1395, %select_n3A_1390 : vector<512x256xi1>, vector<512x256xf32>
    %lt3A_1397 = arith.cmpf olt, %select_n3A_1396, %select_n3A_1380 : vector<512x256xf32>
    %select_n3A_1398 = arith.select %lt3A_1397, %select_n3A_1396, %select_n3A_1380 : vector<512x256xi1>, vector<512x256xf32>
    %jit3A_1399 = arith.constant 35 : i32
    %broadcast_in_dim3A_1400 = vector.broadcast %jit3A_1399 : i32 to vector<512x256xi32>
    %select_n3A_1401 = arith.select %lt3A_1397, %broadcast_in_dim3A_1400, %select_n3A_1383 : vector<512x256xi1>, vector<512x256xi32>
    %slice3A_1402 = vector.extract_strided_slice %add3A_15 {offsets = [0, 9216], sizes = [512, 256], strides = [1, 1]} : vector<512x10240xf32> to vector<512x256xf32>
    %eq3A_1403 = arith.constant 36 : i32
    %eq3A_1404 = vector.broadcast %eq3A_1403 : i32 to vector<512x256xi32>
    %eq3A_1405 = arith.cmpi eq, %select_n3A_260, %eq3A_1404 : vector<512x256xi32>
    %jit3A_1406 = arith.constant 0x7F800000 : f32
    %broadcast_in_dim3A_1407 = vector.broadcast %jit3A_1406 : f32 to vector<512x256xf32>
    %select_n3A_1408 = arith.select %eq3A_1405, %broadcast_in_dim3A_1407, %slice3A_1402 : vector<512x256xi1>, vector<512x256xf32>
    %eq3A_1409 = arith.constant 36 : i32
    %eq3A_1410 = vector.broadcast %eq3A_1409 : i32 to vector<512x256xi32>
    %eq3A_1411 = arith.cmpi eq, %select_n3A_749, %eq3A_1410 : vector<512x256xi32>
    %jit3A_1412 = arith.constant 0x7F800000 : f32
    %broadcast_in_dim3A_1413 = vector.broadcast %jit3A_1412 : f32 to vector<512x256xf32>
    %select_n3A_1414 = arith.select %eq3A_1411, %broadcast_in_dim3A_1413, %select_n3A_1408 : vector<512x256xi1>, vector<512x256xf32>
    %lt3A_1415 = arith.cmpf olt, %select_n3A_1414, %select_n3A_1398 : vector<512x256xf32>
    %select_n3A_1416 = arith.select %lt3A_1415, %select_n3A_1414, %select_n3A_1398 : vector<512x256xi1>, vector<512x256xf32>
    %jit3A_1417 = arith.constant 36 : i32
    %broadcast_in_dim3A_1418 = vector.broadcast %jit3A_1417 : i32 to vector<512x256xi32>
    %select_n3A_1419 = arith.select %lt3A_1415, %broadcast_in_dim3A_1418, %select_n3A_1401 : vector<512x256xi1>, vector<512x256xi32>
    %slice3A_1420 = vector.extract_strided_slice %add3A_15 {offsets = [0, 9472], sizes = [512, 256], strides = [1, 1]} : vector<512x10240xf32> to vector<512x256xf32>
    %eq3A_1421 = arith.constant 37 : i32
    %eq3A_1422 = vector.broadcast %eq3A_1421 : i32 to vector<512x256xi32>
    %eq3A_1423 = arith.cmpi eq, %select_n3A_260, %eq3A_1422 : vector<512x256xi32>
    %jit3A_1424 = arith.constant 0x7F800000 : f32
    %broadcast_in_dim3A_1425 = vector.broadcast %jit3A_1424 : f32 to vector<512x256xf32>
    %select_n3A_1426 = arith.select %eq3A_1423, %broadcast_in_dim3A_1425, %slice3A_1420 : vector<512x256xi1>, vector<512x256xf32>
    %eq3A_1427 = arith.constant 37 : i32
    %eq3A_1428 = vector.broadcast %eq3A_1427 : i32 to vector<512x256xi32>
    %eq3A_1429 = arith.cmpi eq, %select_n3A_749, %eq3A_1428 : vector<512x256xi32>
    %jit3A_1430 = arith.constant 0x7F800000 : f32
    %broadcast_in_dim3A_1431 = vector.broadcast %jit3A_1430 : f32 to vector<512x256xf32>
    %select_n3A_1432 = arith.select %eq3A_1429, %broadcast_in_dim3A_1431, %select_n3A_1426 : vector<512x256xi1>, vector<512x256xf32>
    %lt3A_1433 = arith.cmpf olt, %select_n3A_1432, %select_n3A_1416 : vector<512x256xf32>
    %select_n3A_1434 = arith.select %lt3A_1433, %select_n3A_1432, %select_n3A_1416 : vector<512x256xi1>, vector<512x256xf32>
    %jit3A_1435 = arith.constant 37 : i32
    %broadcast_in_dim3A_1436 = vector.broadcast %jit3A_1435 : i32 to vector<512x256xi32>
    %select_n3A_1437 = arith.select %lt3A_1433, %broadcast_in_dim3A_1436, %select_n3A_1419 : vector<512x256xi1>, vector<512x256xi32>
    %slice3A_1438 = vector.extract_strided_slice %add3A_15 {offsets = [0, 9728], sizes = [512, 256], strides = [1, 1]} : vector<512x10240xf32> to vector<512x256xf32>
    %eq3A_1439 = arith.constant 38 : i32
    %eq3A_1440 = vector.broadcast %eq3A_1439 : i32 to vector<512x256xi32>
    %eq3A_1441 = arith.cmpi eq, %select_n3A_260, %eq3A_1440 : vector<512x256xi32>
    %jit3A_1442 = arith.constant 0x7F800000 : f32
    %broadcast_in_dim3A_1443 = vector.broadcast %jit3A_1442 : f32 to vector<512x256xf32>
    %select_n3A_1444 = arith.select %eq3A_1441, %broadcast_in_dim3A_1443, %slice3A_1438 : vector<512x256xi1>, vector<512x256xf32>
    %eq3A_1445 = arith.constant 38 : i32
    %eq3A_1446 = vector.broadcast %eq3A_1445 : i32 to vector<512x256xi32>
    %eq3A_1447 = arith.cmpi eq, %select_n3A_749, %eq3A_1446 : vector<512x256xi32>
    %jit3A_1448 = arith.constant 0x7F800000 : f32
    %broadcast_in_dim3A_1449 = vector.broadcast %jit3A_1448 : f32 to vector<512x256xf32>
    %select_n3A_1450 = arith.select %eq3A_1447, %broadcast_in_dim3A_1449, %select_n3A_1444 : vector<512x256xi1>, vector<512x256xf32>
    %lt3A_1451 = arith.cmpf olt, %select_n3A_1450, %select_n3A_1434 : vector<512x256xf32>
    %select_n3A_1452 = arith.select %lt3A_1451, %select_n3A_1450, %select_n3A_1434 : vector<512x256xi1>, vector<512x256xf32>
    %jit3A_1453 = arith.constant 38 : i32
    %broadcast_in_dim3A_1454 = vector.broadcast %jit3A_1453 : i32 to vector<512x256xi32>
    %select_n3A_1455 = arith.select %lt3A_1451, %broadcast_in_dim3A_1454, %select_n3A_1437 : vector<512x256xi1>, vector<512x256xi32>
    %slice3A_1456 = vector.extract_strided_slice %add3A_15 {offsets = [0, 9984], sizes = [512, 256], strides = [1, 1]} : vector<512x10240xf32> to vector<512x256xf32>
    %ge3A_1457 = arith.constant 16 : i32
    %ge3A_1458 = vector.broadcast %ge3A_1457 : i32 to vector<512x256xi32>
    %ge3A_1459 = arith.cmpi sge, %iota3A, %ge3A_1458 : vector<512x256xi32>
    %jit3A_1460 = arith.constant 0x7F800000 : f32
    %broadcast_in_dim3A_1461 = vector.broadcast %jit3A_1460 : f32 to vector<512x256xf32>
    %select_n3A_1462 = arith.select %ge3A_1459, %broadcast_in_dim3A_1461, %slice3A_1456 : vector<512x256xi1>, vector<512x256xf32>
    %eq3A_1463 = arith.constant 39 : i32
    %eq3A_1464 = vector.broadcast %eq3A_1463 : i32 to vector<512x256xi32>
    %eq3A_1465 = arith.cmpi eq, %select_n3A_260, %eq3A_1464 : vector<512x256xi32>
    %jit3A_1466 = arith.constant 0x7F800000 : f32
    %broadcast_in_dim3A_1467 = vector.broadcast %jit3A_1466 : f32 to vector<512x256xf32>
    %select_n3A_1468 = arith.select %eq3A_1465, %broadcast_in_dim3A_1467, %select_n3A_1462 : vector<512x256xi1>, vector<512x256xf32>
    %eq3A_1469 = arith.constant 39 : i32
    %eq3A_1470 = vector.broadcast %eq3A_1469 : i32 to vector<512x256xi32>
    %eq3A_1471 = arith.cmpi eq, %select_n3A_749, %eq3A_1470 : vector<512x256xi32>
    %jit3A_1472 = arith.constant 0x7F800000 : f32
    %broadcast_in_dim3A_1473 = vector.broadcast %jit3A_1472 : f32 to vector<512x256xf32>
    %select_n3A_1474 = arith.select %eq3A_1471, %broadcast_in_dim3A_1473, %select_n3A_1468 : vector<512x256xi1>, vector<512x256xf32>
    %lt3A_1475 = arith.cmpf olt, %select_n3A_1474, %select_n3A_1452 : vector<512x256xf32>
    %select_n3A_1476 = arith.select %lt3A_1475, %select_n3A_1474, %select_n3A_1452 : vector<512x256xi1>, vector<512x256xf32>
    %jit3A_1477 = arith.constant 39 : i32
    %broadcast_in_dim3A_1478 = vector.broadcast %jit3A_1477 : i32 to vector<512x256xi32>
    %select_n3A_1479 = arith.select %lt3A_1475, %broadcast_in_dim3A_1478, %select_n3A_1455 : vector<512x256xi1>, vector<512x256xi32>
    %broadcast_in_dim3A_1480 = arith.constant 0x7F800000 : f32
    %broadcast_in_dim3A_1481 = vector.broadcast %broadcast_in_dim3A_1480 : f32 to vector<512x256xf32>
    %broadcast_in_dim3A_1482 = arith.constant 0 : i32
    %broadcast_in_dim3A_1483 = vector.broadcast %broadcast_in_dim3A_1482 : i32 to vector<512x256xi32>
    %slice3A_1484 = vector.extract_strided_slice %add3A_15 {offsets = [0, 0], sizes = [512, 256], strides = [1, 1]} : vector<512x10240xf32> to vector<512x256xf32>
    %eq3A_1485 = arith.constant 0 : i32
    %eq3A_1486 = vector.broadcast %eq3A_1485 : i32 to vector<512x256xi32>
    %eq3A_1487 = arith.cmpi eq, %select_n3A_260, %eq3A_1486 : vector<512x256xi32>
    %jit3A_1488 = arith.constant 0x7F800000 : f32
    %broadcast_in_dim3A_1489 = vector.broadcast %jit3A_1488 : f32 to vector<512x256xf32>
    %select_n3A_1490 = arith.select %eq3A_1487, %broadcast_in_dim3A_1489, %slice3A_1484 : vector<512x256xi1>, vector<512x256xf32>
    %eq3A_1491 = arith.constant 0 : i32
    %eq3A_1492 = vector.broadcast %eq3A_1491 : i32 to vector<512x256xi32>
    %eq3A_1493 = arith.cmpi eq, %select_n3A_749, %eq3A_1492 : vector<512x256xi32>
    %jit3A_1494 = arith.constant 0x7F800000 : f32
    %broadcast_in_dim3A_1495 = vector.broadcast %jit3A_1494 : f32 to vector<512x256xf32>
    %select_n3A_1496 = arith.select %eq3A_1493, %broadcast_in_dim3A_1495, %select_n3A_1490 : vector<512x256xi1>, vector<512x256xf32>
    %eq3A_1497 = arith.constant 0 : i32
    %eq3A_1498 = vector.broadcast %eq3A_1497 : i32 to vector<512x256xi32>
    %eq3A_1499 = arith.cmpi eq, %select_n3A_1479, %eq3A_1498 : vector<512x256xi32>
    %jit3A_1500 = arith.constant 0x7F800000 : f32
    %broadcast_in_dim3A_1501 = vector.broadcast %jit3A_1500 : f32 to vector<512x256xf32>
    %select_n3A_1502 = arith.select %eq3A_1499, %broadcast_in_dim3A_1501, %select_n3A_1496 : vector<512x256xi1>, vector<512x256xf32>
    %lt3A_1503 = arith.cmpf olt, %select_n3A_1502, %broadcast_in_dim3A_1481 : vector<512x256xf32>
    %select_n3A_1504 = arith.select %lt3A_1503, %select_n3A_1502, %broadcast_in_dim3A_1481 : vector<512x256xi1>, vector<512x256xf32>
    %jit3A_1505 = arith.constant 0 : i32
    %broadcast_in_dim3A_1506 = vector.broadcast %jit3A_1505 : i32 to vector<512x256xi32>
    %select_n3A_1507 = arith.select %lt3A_1503, %broadcast_in_dim3A_1506, %broadcast_in_dim3A_1483 : vector<512x256xi1>, vector<512x256xi32>
    %slice3A_1508 = vector.extract_strided_slice %add3A_15 {offsets = [0, 256], sizes = [512, 256], strides = [1, 1]} : vector<512x10240xf32> to vector<512x256xf32>
    %eq3A_1509 = arith.constant 1 : i32
    %eq3A_1510 = vector.broadcast %eq3A_1509 : i32 to vector<512x256xi32>
    %eq3A_1511 = arith.cmpi eq, %select_n3A_260, %eq3A_1510 : vector<512x256xi32>
    %jit3A_1512 = arith.constant 0x7F800000 : f32
    %broadcast_in_dim3A_1513 = vector.broadcast %jit3A_1512 : f32 to vector<512x256xf32>
    %select_n3A_1514 = arith.select %eq3A_1511, %broadcast_in_dim3A_1513, %slice3A_1508 : vector<512x256xi1>, vector<512x256xf32>
    %eq3A_1515 = arith.constant 1 : i32
    %eq3A_1516 = vector.broadcast %eq3A_1515 : i32 to vector<512x256xi32>
    %eq3A_1517 = arith.cmpi eq, %select_n3A_749, %eq3A_1516 : vector<512x256xi32>
    %jit3A_1518 = arith.constant 0x7F800000 : f32
    %broadcast_in_dim3A_1519 = vector.broadcast %jit3A_1518 : f32 to vector<512x256xf32>
    %select_n3A_1520 = arith.select %eq3A_1517, %broadcast_in_dim3A_1519, %select_n3A_1514 : vector<512x256xi1>, vector<512x256xf32>
    %eq3A_1521 = arith.constant 1 : i32
    %eq3A_1522 = vector.broadcast %eq3A_1521 : i32 to vector<512x256xi32>
    %eq3A_1523 = arith.cmpi eq, %select_n3A_1479, %eq3A_1522 : vector<512x256xi32>
    %jit3A_1524 = arith.constant 0x7F800000 : f32
    %broadcast_in_dim3A_1525 = vector.broadcast %jit3A_1524 : f32 to vector<512x256xf32>
    %select_n3A_1526 = arith.select %eq3A_1523, %broadcast_in_dim3A_1525, %select_n3A_1520 : vector<512x256xi1>, vector<512x256xf32>
    %lt3A_1527 = arith.cmpf olt, %select_n3A_1526, %select_n3A_1504 : vector<512x256xf32>
    %select_n3A_1528 = arith.select %lt3A_1527, %select_n3A_1526, %select_n3A_1504 : vector<512x256xi1>, vector<512x256xf32>
    %jit3A_1529 = arith.constant 1 : i32
    %broadcast_in_dim3A_1530 = vector.broadcast %jit3A_1529 : i32 to vector<512x256xi32>
    %select_n3A_1531 = arith.select %lt3A_1527, %broadcast_in_dim3A_1530, %select_n3A_1507 : vector<512x256xi1>, vector<512x256xi32>
    %slice3A_1532 = vector.extract_strided_slice %add3A_15 {offsets = [0, 512], sizes = [512, 256], strides = [1, 1]} : vector<512x10240xf32> to vector<512x256xf32>
    %eq3A_1533 = arith.constant 2 : i32
    %eq3A_1534 = vector.broadcast %eq3A_1533 : i32 to vector<512x256xi32>
    %eq3A_1535 = arith.cmpi eq, %select_n3A_260, %eq3A_1534 : vector<512x256xi32>
    %jit3A_1536 = arith.constant 0x7F800000 : f32
    %broadcast_in_dim3A_1537 = vector.broadcast %jit3A_1536 : f32 to vector<512x256xf32>
    %select_n3A_1538 = arith.select %eq3A_1535, %broadcast_in_dim3A_1537, %slice3A_1532 : vector<512x256xi1>, vector<512x256xf32>
    %eq3A_1539 = arith.constant 2 : i32
    %eq3A_1540 = vector.broadcast %eq3A_1539 : i32 to vector<512x256xi32>
    %eq3A_1541 = arith.cmpi eq, %select_n3A_749, %eq3A_1540 : vector<512x256xi32>
    %jit3A_1542 = arith.constant 0x7F800000 : f32
    %broadcast_in_dim3A_1543 = vector.broadcast %jit3A_1542 : f32 to vector<512x256xf32>
    %select_n3A_1544 = arith.select %eq3A_1541, %broadcast_in_dim3A_1543, %select_n3A_1538 : vector<512x256xi1>, vector<512x256xf32>
    %eq3A_1545 = arith.constant 2 : i32
    %eq3A_1546 = vector.broadcast %eq3A_1545 : i32 to vector<512x256xi32>
    %eq3A_1547 = arith.cmpi eq, %select_n3A_1479, %eq3A_1546 : vector<512x256xi32>
    %jit3A_1548 = arith.constant 0x7F800000 : f32
    %broadcast_in_dim3A_1549 = vector.broadcast %jit3A_1548 : f32 to vector<512x256xf32>
    %select_n3A_1550 = arith.select %eq3A_1547, %broadcast_in_dim3A_1549, %select_n3A_1544 : vector<512x256xi1>, vector<512x256xf32>
    %lt3A_1551 = arith.cmpf olt, %select_n3A_1550, %select_n3A_1528 : vector<512x256xf32>
    %select_n3A_1552 = arith.select %lt3A_1551, %select_n3A_1550, %select_n3A_1528 : vector<512x256xi1>, vector<512x256xf32>
    %jit3A_1553 = arith.constant 2 : i32
    %broadcast_in_dim3A_1554 = vector.broadcast %jit3A_1553 : i32 to vector<512x256xi32>
    %select_n3A_1555 = arith.select %lt3A_1551, %broadcast_in_dim3A_1554, %select_n3A_1531 : vector<512x256xi1>, vector<512x256xi32>
    %slice3A_1556 = vector.extract_strided_slice %add3A_15 {offsets = [0, 768], sizes = [512, 256], strides = [1, 1]} : vector<512x10240xf32> to vector<512x256xf32>
    %eq3A_1557 = arith.constant 3 : i32
    %eq3A_1558 = vector.broadcast %eq3A_1557 : i32 to vector<512x256xi32>
    %eq3A_1559 = arith.cmpi eq, %select_n3A_260, %eq3A_1558 : vector<512x256xi32>
    %jit3A_1560 = arith.constant 0x7F800000 : f32
    %broadcast_in_dim3A_1561 = vector.broadcast %jit3A_1560 : f32 to vector<512x256xf32>
    %select_n3A_1562 = arith.select %eq3A_1559, %broadcast_in_dim3A_1561, %slice3A_1556 : vector<512x256xi1>, vector<512x256xf32>
    %eq3A_1563 = arith.constant 3 : i32
    %eq3A_1564 = vector.broadcast %eq3A_1563 : i32 to vector<512x256xi32>
    %eq3A_1565 = arith.cmpi eq, %select_n3A_749, %eq3A_1564 : vector<512x256xi32>
    %jit3A_1566 = arith.constant 0x7F800000 : f32
    %broadcast_in_dim3A_1567 = vector.broadcast %jit3A_1566 : f32 to vector<512x256xf32>
    %select_n3A_1568 = arith.select %eq3A_1565, %broadcast_in_dim3A_1567, %select_n3A_1562 : vector<512x256xi1>, vector<512x256xf32>
    %eq3A_1569 = arith.constant 3 : i32
    %eq3A_1570 = vector.broadcast %eq3A_1569 : i32 to vector<512x256xi32>
    %eq3A_1571 = arith.cmpi eq, %select_n3A_1479, %eq3A_1570 : vector<512x256xi32>
    %jit3A_1572 = arith.constant 0x7F800000 : f32
    %broadcast_in_dim3A_1573 = vector.broadcast %jit3A_1572 : f32 to vector<512x256xf32>
    %select_n3A_1574 = arith.select %eq3A_1571, %broadcast_in_dim3A_1573, %select_n3A_1568 : vector<512x256xi1>, vector<512x256xf32>
    %lt3A_1575 = arith.cmpf olt, %select_n3A_1574, %select_n3A_1552 : vector<512x256xf32>
    %select_n3A_1576 = arith.select %lt3A_1575, %select_n3A_1574, %select_n3A_1552 : vector<512x256xi1>, vector<512x256xf32>
    %jit3A_1577 = arith.constant 3 : i32
    %broadcast_in_dim3A_1578 = vector.broadcast %jit3A_1577 : i32 to vector<512x256xi32>
    %select_n3A_1579 = arith.select %lt3A_1575, %broadcast_in_dim3A_1578, %select_n3A_1555 : vector<512x256xi1>, vector<512x256xi32>
    %slice3A_1580 = vector.extract_strided_slice %add3A_15 {offsets = [0, 1024], sizes = [512, 256], strides = [1, 1]} : vector<512x10240xf32> to vector<512x256xf32>
    %eq3A_1581 = arith.constant 4 : i32
    %eq3A_1582 = vector.broadcast %eq3A_1581 : i32 to vector<512x256xi32>
    %eq3A_1583 = arith.cmpi eq, %select_n3A_260, %eq3A_1582 : vector<512x256xi32>
    %jit3A_1584 = arith.constant 0x7F800000 : f32
    %broadcast_in_dim3A_1585 = vector.broadcast %jit3A_1584 : f32 to vector<512x256xf32>
    %select_n3A_1586 = arith.select %eq3A_1583, %broadcast_in_dim3A_1585, %slice3A_1580 : vector<512x256xi1>, vector<512x256xf32>
    %eq3A_1587 = arith.constant 4 : i32
    %eq3A_1588 = vector.broadcast %eq3A_1587 : i32 to vector<512x256xi32>
    %eq3A_1589 = arith.cmpi eq, %select_n3A_749, %eq3A_1588 : vector<512x256xi32>
    %jit3A_1590 = arith.constant 0x7F800000 : f32
    %broadcast_in_dim3A_1591 = vector.broadcast %jit3A_1590 : f32 to vector<512x256xf32>
    %select_n3A_1592 = arith.select %eq3A_1589, %broadcast_in_dim3A_1591, %select_n3A_1586 : vector<512x256xi1>, vector<512x256xf32>
    %eq3A_1593 = arith.constant 4 : i32
    %eq3A_1594 = vector.broadcast %eq3A_1593 : i32 to vector<512x256xi32>
    %eq3A_1595 = arith.cmpi eq, %select_n3A_1479, %eq3A_1594 : vector<512x256xi32>
    %jit3A_1596 = arith.constant 0x7F800000 : f32
    %broadcast_in_dim3A_1597 = vector.broadcast %jit3A_1596 : f32 to vector<512x256xf32>
    %select_n3A_1598 = arith.select %eq3A_1595, %broadcast_in_dim3A_1597, %select_n3A_1592 : vector<512x256xi1>, vector<512x256xf32>
    %lt3A_1599 = arith.cmpf olt, %select_n3A_1598, %select_n3A_1576 : vector<512x256xf32>
    %select_n3A_1600 = arith.select %lt3A_1599, %select_n3A_1598, %select_n3A_1576 : vector<512x256xi1>, vector<512x256xf32>
    %jit3A_1601 = arith.constant 4 : i32
    %broadcast_in_dim3A_1602 = vector.broadcast %jit3A_1601 : i32 to vector<512x256xi32>
    %select_n3A_1603 = arith.select %lt3A_1599, %broadcast_in_dim3A_1602, %select_n3A_1579 : vector<512x256xi1>, vector<512x256xi32>
    %slice3A_1604 = vector.extract_strided_slice %add3A_15 {offsets = [0, 1280], sizes = [512, 256], strides = [1, 1]} : vector<512x10240xf32> to vector<512x256xf32>
    %eq3A_1605 = arith.constant 5 : i32
    %eq3A_1606 = vector.broadcast %eq3A_1605 : i32 to vector<512x256xi32>
    %eq3A_1607 = arith.cmpi eq, %select_n3A_260, %eq3A_1606 : vector<512x256xi32>
    %jit3A_1608 = arith.constant 0x7F800000 : f32
    %broadcast_in_dim3A_1609 = vector.broadcast %jit3A_1608 : f32 to vector<512x256xf32>
    %select_n3A_1610 = arith.select %eq3A_1607, %broadcast_in_dim3A_1609, %slice3A_1604 : vector<512x256xi1>, vector<512x256xf32>
    %eq3A_1611 = arith.constant 5 : i32
    %eq3A_1612 = vector.broadcast %eq3A_1611 : i32 to vector<512x256xi32>
    %eq3A_1613 = arith.cmpi eq, %select_n3A_749, %eq3A_1612 : vector<512x256xi32>
    %jit3A_1614 = arith.constant 0x7F800000 : f32
    %broadcast_in_dim3A_1615 = vector.broadcast %jit3A_1614 : f32 to vector<512x256xf32>
    %select_n3A_1616 = arith.select %eq3A_1613, %broadcast_in_dim3A_1615, %select_n3A_1610 : vector<512x256xi1>, vector<512x256xf32>
    %eq3A_1617 = arith.constant 5 : i32
    %eq3A_1618 = vector.broadcast %eq3A_1617 : i32 to vector<512x256xi32>
    %eq3A_1619 = arith.cmpi eq, %select_n3A_1479, %eq3A_1618 : vector<512x256xi32>
    %jit3A_1620 = arith.constant 0x7F800000 : f32
    %broadcast_in_dim3A_1621 = vector.broadcast %jit3A_1620 : f32 to vector<512x256xf32>
    %select_n3A_1622 = arith.select %eq3A_1619, %broadcast_in_dim3A_1621, %select_n3A_1616 : vector<512x256xi1>, vector<512x256xf32>
    %lt3A_1623 = arith.cmpf olt, %select_n3A_1622, %select_n3A_1600 : vector<512x256xf32>
    %select_n3A_1624 = arith.select %lt3A_1623, %select_n3A_1622, %select_n3A_1600 : vector<512x256xi1>, vector<512x256xf32>
    %jit3A_1625 = arith.constant 5 : i32
    %broadcast_in_dim3A_1626 = vector.broadcast %jit3A_1625 : i32 to vector<512x256xi32>
    %select_n3A_1627 = arith.select %lt3A_1623, %broadcast_in_dim3A_1626, %select_n3A_1603 : vector<512x256xi1>, vector<512x256xi32>
    %slice3A_1628 = vector.extract_strided_slice %add3A_15 {offsets = [0, 1536], sizes = [512, 256], strides = [1, 1]} : vector<512x10240xf32> to vector<512x256xf32>
    %eq3A_1629 = arith.constant 6 : i32
    %eq3A_1630 = vector.broadcast %eq3A_1629 : i32 to vector<512x256xi32>
    %eq3A_1631 = arith.cmpi eq, %select_n3A_260, %eq3A_1630 : vector<512x256xi32>
    %jit3A_1632 = arith.constant 0x7F800000 : f32
    %broadcast_in_dim3A_1633 = vector.broadcast %jit3A_1632 : f32 to vector<512x256xf32>
    %select_n3A_1634 = arith.select %eq3A_1631, %broadcast_in_dim3A_1633, %slice3A_1628 : vector<512x256xi1>, vector<512x256xf32>
    %eq3A_1635 = arith.constant 6 : i32
    %eq3A_1636 = vector.broadcast %eq3A_1635 : i32 to vector<512x256xi32>
    %eq3A_1637 = arith.cmpi eq, %select_n3A_749, %eq3A_1636 : vector<512x256xi32>
    %jit3A_1638 = arith.constant 0x7F800000 : f32
    %broadcast_in_dim3A_1639 = vector.broadcast %jit3A_1638 : f32 to vector<512x256xf32>
    %select_n3A_1640 = arith.select %eq3A_1637, %broadcast_in_dim3A_1639, %select_n3A_1634 : vector<512x256xi1>, vector<512x256xf32>
    %eq3A_1641 = arith.constant 6 : i32
    %eq3A_1642 = vector.broadcast %eq3A_1641 : i32 to vector<512x256xi32>
    %eq3A_1643 = arith.cmpi eq, %select_n3A_1479, %eq3A_1642 : vector<512x256xi32>
    %jit3A_1644 = arith.constant 0x7F800000 : f32
    %broadcast_in_dim3A_1645 = vector.broadcast %jit3A_1644 : f32 to vector<512x256xf32>
    %select_n3A_1646 = arith.select %eq3A_1643, %broadcast_in_dim3A_1645, %select_n3A_1640 : vector<512x256xi1>, vector<512x256xf32>
    %lt3A_1647 = arith.cmpf olt, %select_n3A_1646, %select_n3A_1624 : vector<512x256xf32>
    %select_n3A_1648 = arith.select %lt3A_1647, %select_n3A_1646, %select_n3A_1624 : vector<512x256xi1>, vector<512x256xf32>
    %jit3A_1649 = arith.constant 6 : i32
    %broadcast_in_dim3A_1650 = vector.broadcast %jit3A_1649 : i32 to vector<512x256xi32>
    %select_n3A_1651 = arith.select %lt3A_1647, %broadcast_in_dim3A_1650, %select_n3A_1627 : vector<512x256xi1>, vector<512x256xi32>
    %slice3A_1652 = vector.extract_strided_slice %add3A_15 {offsets = [0, 1792], sizes = [512, 256], strides = [1, 1]} : vector<512x10240xf32> to vector<512x256xf32>
    %eq3A_1653 = arith.constant 7 : i32
    %eq3A_1654 = vector.broadcast %eq3A_1653 : i32 to vector<512x256xi32>
    %eq3A_1655 = arith.cmpi eq, %select_n3A_260, %eq3A_1654 : vector<512x256xi32>
    %jit3A_1656 = arith.constant 0x7F800000 : f32
    %broadcast_in_dim3A_1657 = vector.broadcast %jit3A_1656 : f32 to vector<512x256xf32>
    %select_n3A_1658 = arith.select %eq3A_1655, %broadcast_in_dim3A_1657, %slice3A_1652 : vector<512x256xi1>, vector<512x256xf32>
    %eq3A_1659 = arith.constant 7 : i32
    %eq3A_1660 = vector.broadcast %eq3A_1659 : i32 to vector<512x256xi32>
    %eq3A_1661 = arith.cmpi eq, %select_n3A_749, %eq3A_1660 : vector<512x256xi32>
    %jit3A_1662 = arith.constant 0x7F800000 : f32
    %broadcast_in_dim3A_1663 = vector.broadcast %jit3A_1662 : f32 to vector<512x256xf32>
    %select_n3A_1664 = arith.select %eq3A_1661, %broadcast_in_dim3A_1663, %select_n3A_1658 : vector<512x256xi1>, vector<512x256xf32>
    %eq3A_1665 = arith.constant 7 : i32
    %eq3A_1666 = vector.broadcast %eq3A_1665 : i32 to vector<512x256xi32>
    %eq3A_1667 = arith.cmpi eq, %select_n3A_1479, %eq3A_1666 : vector<512x256xi32>
    %jit3A_1668 = arith.constant 0x7F800000 : f32
    %broadcast_in_dim3A_1669 = vector.broadcast %jit3A_1668 : f32 to vector<512x256xf32>
    %select_n3A_1670 = arith.select %eq3A_1667, %broadcast_in_dim3A_1669, %select_n3A_1664 : vector<512x256xi1>, vector<512x256xf32>
    %lt3A_1671 = arith.cmpf olt, %select_n3A_1670, %select_n3A_1648 : vector<512x256xf32>
    %select_n3A_1672 = arith.select %lt3A_1671, %select_n3A_1670, %select_n3A_1648 : vector<512x256xi1>, vector<512x256xf32>
    %jit3A_1673 = arith.constant 7 : i32
    %broadcast_in_dim3A_1674 = vector.broadcast %jit3A_1673 : i32 to vector<512x256xi32>
    %select_n3A_1675 = arith.select %lt3A_1671, %broadcast_in_dim3A_1674, %select_n3A_1651 : vector<512x256xi1>, vector<512x256xi32>
    %slice3A_1676 = vector.extract_strided_slice %add3A_15 {offsets = [0, 2048], sizes = [512, 256], strides = [1, 1]} : vector<512x10240xf32> to vector<512x256xf32>
    %eq3A_1677 = arith.constant 8 : i32
    %eq3A_1678 = vector.broadcast %eq3A_1677 : i32 to vector<512x256xi32>
    %eq3A_1679 = arith.cmpi eq, %select_n3A_260, %eq3A_1678 : vector<512x256xi32>
    %jit3A_1680 = arith.constant 0x7F800000 : f32
    %broadcast_in_dim3A_1681 = vector.broadcast %jit3A_1680 : f32 to vector<512x256xf32>
    %select_n3A_1682 = arith.select %eq3A_1679, %broadcast_in_dim3A_1681, %slice3A_1676 : vector<512x256xi1>, vector<512x256xf32>
    %eq3A_1683 = arith.constant 8 : i32
    %eq3A_1684 = vector.broadcast %eq3A_1683 : i32 to vector<512x256xi32>
    %eq3A_1685 = arith.cmpi eq, %select_n3A_749, %eq3A_1684 : vector<512x256xi32>
    %jit3A_1686 = arith.constant 0x7F800000 : f32
    %broadcast_in_dim3A_1687 = vector.broadcast %jit3A_1686 : f32 to vector<512x256xf32>
    %select_n3A_1688 = arith.select %eq3A_1685, %broadcast_in_dim3A_1687, %select_n3A_1682 : vector<512x256xi1>, vector<512x256xf32>
    %eq3A_1689 = arith.constant 8 : i32
    %eq3A_1690 = vector.broadcast %eq3A_1689 : i32 to vector<512x256xi32>
    %eq3A_1691 = arith.cmpi eq, %select_n3A_1479, %eq3A_1690 : vector<512x256xi32>
    %jit3A_1692 = arith.constant 0x7F800000 : f32
    %broadcast_in_dim3A_1693 = vector.broadcast %jit3A_1692 : f32 to vector<512x256xf32>
    %select_n3A_1694 = arith.select %eq3A_1691, %broadcast_in_dim3A_1693, %select_n3A_1688 : vector<512x256xi1>, vector<512x256xf32>
    %lt3A_1695 = arith.cmpf olt, %select_n3A_1694, %select_n3A_1672 : vector<512x256xf32>
    %select_n3A_1696 = arith.select %lt3A_1695, %select_n3A_1694, %select_n3A_1672 : vector<512x256xi1>, vector<512x256xf32>
    %jit3A_1697 = arith.constant 8 : i32
    %broadcast_in_dim3A_1698 = vector.broadcast %jit3A_1697 : i32 to vector<512x256xi32>
    %select_n3A_1699 = arith.select %lt3A_1695, %broadcast_in_dim3A_1698, %select_n3A_1675 : vector<512x256xi1>, vector<512x256xi32>
    %slice3A_1700 = vector.extract_strided_slice %add3A_15 {offsets = [0, 2304], sizes = [512, 256], strides = [1, 1]} : vector<512x10240xf32> to vector<512x256xf32>
    %eq3A_1701 = arith.constant 9 : i32
    %eq3A_1702 = vector.broadcast %eq3A_1701 : i32 to vector<512x256xi32>
    %eq3A_1703 = arith.cmpi eq, %select_n3A_260, %eq3A_1702 : vector<512x256xi32>
    %jit3A_1704 = arith.constant 0x7F800000 : f32
    %broadcast_in_dim3A_1705 = vector.broadcast %jit3A_1704 : f32 to vector<512x256xf32>
    %select_n3A_1706 = arith.select %eq3A_1703, %broadcast_in_dim3A_1705, %slice3A_1700 : vector<512x256xi1>, vector<512x256xf32>
    %eq3A_1707 = arith.constant 9 : i32
    %eq3A_1708 = vector.broadcast %eq3A_1707 : i32 to vector<512x256xi32>
    %eq3A_1709 = arith.cmpi eq, %select_n3A_749, %eq3A_1708 : vector<512x256xi32>
    %jit3A_1710 = arith.constant 0x7F800000 : f32
    %broadcast_in_dim3A_1711 = vector.broadcast %jit3A_1710 : f32 to vector<512x256xf32>
    %select_n3A_1712 = arith.select %eq3A_1709, %broadcast_in_dim3A_1711, %select_n3A_1706 : vector<512x256xi1>, vector<512x256xf32>
    %eq3A_1713 = arith.constant 9 : i32
    %eq3A_1714 = vector.broadcast %eq3A_1713 : i32 to vector<512x256xi32>
    %eq3A_1715 = arith.cmpi eq, %select_n3A_1479, %eq3A_1714 : vector<512x256xi32>
    %jit3A_1716 = arith.constant 0x7F800000 : f32
    %broadcast_in_dim3A_1717 = vector.broadcast %jit3A_1716 : f32 to vector<512x256xf32>
    %select_n3A_1718 = arith.select %eq3A_1715, %broadcast_in_dim3A_1717, %select_n3A_1712 : vector<512x256xi1>, vector<512x256xf32>
    %lt3A_1719 = arith.cmpf olt, %select_n3A_1718, %select_n3A_1696 : vector<512x256xf32>
    %select_n3A_1720 = arith.select %lt3A_1719, %select_n3A_1718, %select_n3A_1696 : vector<512x256xi1>, vector<512x256xf32>
    %jit3A_1721 = arith.constant 9 : i32
    %broadcast_in_dim3A_1722 = vector.broadcast %jit3A_1721 : i32 to vector<512x256xi32>
    %select_n3A_1723 = arith.select %lt3A_1719, %broadcast_in_dim3A_1722, %select_n3A_1699 : vector<512x256xi1>, vector<512x256xi32>
    %slice3A_1724 = vector.extract_strided_slice %add3A_15 {offsets = [0, 2560], sizes = [512, 256], strides = [1, 1]} : vector<512x10240xf32> to vector<512x256xf32>
    %eq3A_1725 = arith.constant 10 : i32
    %eq3A_1726 = vector.broadcast %eq3A_1725 : i32 to vector<512x256xi32>
    %eq3A_1727 = arith.cmpi eq, %select_n3A_260, %eq3A_1726 : vector<512x256xi32>
    %jit3A_1728 = arith.constant 0x7F800000 : f32
    %broadcast_in_dim3A_1729 = vector.broadcast %jit3A_1728 : f32 to vector<512x256xf32>
    %select_n3A_1730 = arith.select %eq3A_1727, %broadcast_in_dim3A_1729, %slice3A_1724 : vector<512x256xi1>, vector<512x256xf32>
    %eq3A_1731 = arith.constant 10 : i32
    %eq3A_1732 = vector.broadcast %eq3A_1731 : i32 to vector<512x256xi32>
    %eq3A_1733 = arith.cmpi eq, %select_n3A_749, %eq3A_1732 : vector<512x256xi32>
    %jit3A_1734 = arith.constant 0x7F800000 : f32
    %broadcast_in_dim3A_1735 = vector.broadcast %jit3A_1734 : f32 to vector<512x256xf32>
    %select_n3A_1736 = arith.select %eq3A_1733, %broadcast_in_dim3A_1735, %select_n3A_1730 : vector<512x256xi1>, vector<512x256xf32>
    %eq3A_1737 = arith.constant 10 : i32
    %eq3A_1738 = vector.broadcast %eq3A_1737 : i32 to vector<512x256xi32>
    %eq3A_1739 = arith.cmpi eq, %select_n3A_1479, %eq3A_1738 : vector<512x256xi32>
    %jit3A_1740 = arith.constant 0x7F800000 : f32
    %broadcast_in_dim3A_1741 = vector.broadcast %jit3A_1740 : f32 to vector<512x256xf32>
    %select_n3A_1742 = arith.select %eq3A_1739, %broadcast_in_dim3A_1741, %select_n3A_1736 : vector<512x256xi1>, vector<512x256xf32>
    %lt3A_1743 = arith.cmpf olt, %select_n3A_1742, %select_n3A_1720 : vector<512x256xf32>
    %select_n3A_1744 = arith.select %lt3A_1743, %select_n3A_1742, %select_n3A_1720 : vector<512x256xi1>, vector<512x256xf32>
    %jit3A_1745 = arith.constant 10 : i32
    %broadcast_in_dim3A_1746 = vector.broadcast %jit3A_1745 : i32 to vector<512x256xi32>
    %select_n3A_1747 = arith.select %lt3A_1743, %broadcast_in_dim3A_1746, %select_n3A_1723 : vector<512x256xi1>, vector<512x256xi32>
    %slice3A_1748 = vector.extract_strided_slice %add3A_15 {offsets = [0, 2816], sizes = [512, 256], strides = [1, 1]} : vector<512x10240xf32> to vector<512x256xf32>
    %eq3A_1749 = arith.constant 11 : i32
    %eq3A_1750 = vector.broadcast %eq3A_1749 : i32 to vector<512x256xi32>
    %eq3A_1751 = arith.cmpi eq, %select_n3A_260, %eq3A_1750 : vector<512x256xi32>
    %jit3A_1752 = arith.constant 0x7F800000 : f32
    %broadcast_in_dim3A_1753 = vector.broadcast %jit3A_1752 : f32 to vector<512x256xf32>
    %select_n3A_1754 = arith.select %eq3A_1751, %broadcast_in_dim3A_1753, %slice3A_1748 : vector<512x256xi1>, vector<512x256xf32>
    %eq3A_1755 = arith.constant 11 : i32
    %eq3A_1756 = vector.broadcast %eq3A_1755 : i32 to vector<512x256xi32>
    %eq3A_1757 = arith.cmpi eq, %select_n3A_749, %eq3A_1756 : vector<512x256xi32>
    %jit3A_1758 = arith.constant 0x7F800000 : f32
    %broadcast_in_dim3A_1759 = vector.broadcast %jit3A_1758 : f32 to vector<512x256xf32>
    %select_n3A_1760 = arith.select %eq3A_1757, %broadcast_in_dim3A_1759, %select_n3A_1754 : vector<512x256xi1>, vector<512x256xf32>
    %eq3A_1761 = arith.constant 11 : i32
    %eq3A_1762 = vector.broadcast %eq3A_1761 : i32 to vector<512x256xi32>
    %eq3A_1763 = arith.cmpi eq, %select_n3A_1479, %eq3A_1762 : vector<512x256xi32>
    %jit3A_1764 = arith.constant 0x7F800000 : f32
    %broadcast_in_dim3A_1765 = vector.broadcast %jit3A_1764 : f32 to vector<512x256xf32>
    %select_n3A_1766 = arith.select %eq3A_1763, %broadcast_in_dim3A_1765, %select_n3A_1760 : vector<512x256xi1>, vector<512x256xf32>
    %lt3A_1767 = arith.cmpf olt, %select_n3A_1766, %select_n3A_1744 : vector<512x256xf32>
    %select_n3A_1768 = arith.select %lt3A_1767, %select_n3A_1766, %select_n3A_1744 : vector<512x256xi1>, vector<512x256xf32>
    %jit3A_1769 = arith.constant 11 : i32
    %broadcast_in_dim3A_1770 = vector.broadcast %jit3A_1769 : i32 to vector<512x256xi32>
    %select_n3A_1771 = arith.select %lt3A_1767, %broadcast_in_dim3A_1770, %select_n3A_1747 : vector<512x256xi1>, vector<512x256xi32>
    %slice3A_1772 = vector.extract_strided_slice %add3A_15 {offsets = [0, 3072], sizes = [512, 256], strides = [1, 1]} : vector<512x10240xf32> to vector<512x256xf32>
    %eq3A_1773 = arith.constant 12 : i32
    %eq3A_1774 = vector.broadcast %eq3A_1773 : i32 to vector<512x256xi32>
    %eq3A_1775 = arith.cmpi eq, %select_n3A_260, %eq3A_1774 : vector<512x256xi32>
    %jit3A_1776 = arith.constant 0x7F800000 : f32
    %broadcast_in_dim3A_1777 = vector.broadcast %jit3A_1776 : f32 to vector<512x256xf32>
    %select_n3A_1778 = arith.select %eq3A_1775, %broadcast_in_dim3A_1777, %slice3A_1772 : vector<512x256xi1>, vector<512x256xf32>
    %eq3A_1779 = arith.constant 12 : i32
    %eq3A_1780 = vector.broadcast %eq3A_1779 : i32 to vector<512x256xi32>
    %eq3A_1781 = arith.cmpi eq, %select_n3A_749, %eq3A_1780 : vector<512x256xi32>
    %jit3A_1782 = arith.constant 0x7F800000 : f32
    %broadcast_in_dim3A_1783 = vector.broadcast %jit3A_1782 : f32 to vector<512x256xf32>
    %select_n3A_1784 = arith.select %eq3A_1781, %broadcast_in_dim3A_1783, %select_n3A_1778 : vector<512x256xi1>, vector<512x256xf32>
    %eq3A_1785 = arith.constant 12 : i32
    %eq3A_1786 = vector.broadcast %eq3A_1785 : i32 to vector<512x256xi32>
    %eq3A_1787 = arith.cmpi eq, %select_n3A_1479, %eq3A_1786 : vector<512x256xi32>
    %jit3A_1788 = arith.constant 0x7F800000 : f32
    %broadcast_in_dim3A_1789 = vector.broadcast %jit3A_1788 : f32 to vector<512x256xf32>
    %select_n3A_1790 = arith.select %eq3A_1787, %broadcast_in_dim3A_1789, %select_n3A_1784 : vector<512x256xi1>, vector<512x256xf32>
    %lt3A_1791 = arith.cmpf olt, %select_n3A_1790, %select_n3A_1768 : vector<512x256xf32>
    %select_n3A_1792 = arith.select %lt3A_1791, %select_n3A_1790, %select_n3A_1768 : vector<512x256xi1>, vector<512x256xf32>
    %jit3A_1793 = arith.constant 12 : i32
    %broadcast_in_dim3A_1794 = vector.broadcast %jit3A_1793 : i32 to vector<512x256xi32>
    %select_n3A_1795 = arith.select %lt3A_1791, %broadcast_in_dim3A_1794, %select_n3A_1771 : vector<512x256xi1>, vector<512x256xi32>
    %slice3A_1796 = vector.extract_strided_slice %add3A_15 {offsets = [0, 3328], sizes = [512, 256], strides = [1, 1]} : vector<512x10240xf32> to vector<512x256xf32>
    %eq3A_1797 = arith.constant 13 : i32
    %eq3A_1798 = vector.broadcast %eq3A_1797 : i32 to vector<512x256xi32>
    %eq3A_1799 = arith.cmpi eq, %select_n3A_260, %eq3A_1798 : vector<512x256xi32>
    %jit3A_1800 = arith.constant 0x7F800000 : f32
    %broadcast_in_dim3A_1801 = vector.broadcast %jit3A_1800 : f32 to vector<512x256xf32>
    %select_n3A_1802 = arith.select %eq3A_1799, %broadcast_in_dim3A_1801, %slice3A_1796 : vector<512x256xi1>, vector<512x256xf32>
    %eq3A_1803 = arith.constant 13 : i32
    %eq3A_1804 = vector.broadcast %eq3A_1803 : i32 to vector<512x256xi32>
    %eq3A_1805 = arith.cmpi eq, %select_n3A_749, %eq3A_1804 : vector<512x256xi32>
    %jit3A_1806 = arith.constant 0x7F800000 : f32
    %broadcast_in_dim3A_1807 = vector.broadcast %jit3A_1806 : f32 to vector<512x256xf32>
    %select_n3A_1808 = arith.select %eq3A_1805, %broadcast_in_dim3A_1807, %select_n3A_1802 : vector<512x256xi1>, vector<512x256xf32>
    %eq3A_1809 = arith.constant 13 : i32
    %eq3A_1810 = vector.broadcast %eq3A_1809 : i32 to vector<512x256xi32>
    %eq3A_1811 = arith.cmpi eq, %select_n3A_1479, %eq3A_1810 : vector<512x256xi32>
    %jit3A_1812 = arith.constant 0x7F800000 : f32
    %broadcast_in_dim3A_1813 = vector.broadcast %jit3A_1812 : f32 to vector<512x256xf32>
    %select_n3A_1814 = arith.select %eq3A_1811, %broadcast_in_dim3A_1813, %select_n3A_1808 : vector<512x256xi1>, vector<512x256xf32>
    %lt3A_1815 = arith.cmpf olt, %select_n3A_1814, %select_n3A_1792 : vector<512x256xf32>
    %select_n3A_1816 = arith.select %lt3A_1815, %select_n3A_1814, %select_n3A_1792 : vector<512x256xi1>, vector<512x256xf32>
    %jit3A_1817 = arith.constant 13 : i32
    %broadcast_in_dim3A_1818 = vector.broadcast %jit3A_1817 : i32 to vector<512x256xi32>
    %select_n3A_1819 = arith.select %lt3A_1815, %broadcast_in_dim3A_1818, %select_n3A_1795 : vector<512x256xi1>, vector<512x256xi32>
    %slice3A_1820 = vector.extract_strided_slice %add3A_15 {offsets = [0, 3584], sizes = [512, 256], strides = [1, 1]} : vector<512x10240xf32> to vector<512x256xf32>
    %eq3A_1821 = arith.constant 14 : i32
    %eq3A_1822 = vector.broadcast %eq3A_1821 : i32 to vector<512x256xi32>
    %eq3A_1823 = arith.cmpi eq, %select_n3A_260, %eq3A_1822 : vector<512x256xi32>
    %jit3A_1824 = arith.constant 0x7F800000 : f32
    %broadcast_in_dim3A_1825 = vector.broadcast %jit3A_1824 : f32 to vector<512x256xf32>
    %select_n3A_1826 = arith.select %eq3A_1823, %broadcast_in_dim3A_1825, %slice3A_1820 : vector<512x256xi1>, vector<512x256xf32>
    %eq3A_1827 = arith.constant 14 : i32
    %eq3A_1828 = vector.broadcast %eq3A_1827 : i32 to vector<512x256xi32>
    %eq3A_1829 = arith.cmpi eq, %select_n3A_749, %eq3A_1828 : vector<512x256xi32>
    %jit3A_1830 = arith.constant 0x7F800000 : f32
    %broadcast_in_dim3A_1831 = vector.broadcast %jit3A_1830 : f32 to vector<512x256xf32>
    %select_n3A_1832 = arith.select %eq3A_1829, %broadcast_in_dim3A_1831, %select_n3A_1826 : vector<512x256xi1>, vector<512x256xf32>
    %eq3A_1833 = arith.constant 14 : i32
    %eq3A_1834 = vector.broadcast %eq3A_1833 : i32 to vector<512x256xi32>
    %eq3A_1835 = arith.cmpi eq, %select_n3A_1479, %eq3A_1834 : vector<512x256xi32>
    %jit3A_1836 = arith.constant 0x7F800000 : f32
    %broadcast_in_dim3A_1837 = vector.broadcast %jit3A_1836 : f32 to vector<512x256xf32>
    %select_n3A_1838 = arith.select %eq3A_1835, %broadcast_in_dim3A_1837, %select_n3A_1832 : vector<512x256xi1>, vector<512x256xf32>
    %lt3A_1839 = arith.cmpf olt, %select_n3A_1838, %select_n3A_1816 : vector<512x256xf32>
    %select_n3A_1840 = arith.select %lt3A_1839, %select_n3A_1838, %select_n3A_1816 : vector<512x256xi1>, vector<512x256xf32>
    %jit3A_1841 = arith.constant 14 : i32
    %broadcast_in_dim3A_1842 = vector.broadcast %jit3A_1841 : i32 to vector<512x256xi32>
    %select_n3A_1843 = arith.select %lt3A_1839, %broadcast_in_dim3A_1842, %select_n3A_1819 : vector<512x256xi1>, vector<512x256xi32>
    %slice3A_1844 = vector.extract_strided_slice %add3A_15 {offsets = [0, 3840], sizes = [512, 256], strides = [1, 1]} : vector<512x10240xf32> to vector<512x256xf32>
    %eq3A_1845 = arith.constant 15 : i32
    %eq3A_1846 = vector.broadcast %eq3A_1845 : i32 to vector<512x256xi32>
    %eq3A_1847 = arith.cmpi eq, %select_n3A_260, %eq3A_1846 : vector<512x256xi32>
    %jit3A_1848 = arith.constant 0x7F800000 : f32
    %broadcast_in_dim3A_1849 = vector.broadcast %jit3A_1848 : f32 to vector<512x256xf32>
    %select_n3A_1850 = arith.select %eq3A_1847, %broadcast_in_dim3A_1849, %slice3A_1844 : vector<512x256xi1>, vector<512x256xf32>
    %eq3A_1851 = arith.constant 15 : i32
    %eq3A_1852 = vector.broadcast %eq3A_1851 : i32 to vector<512x256xi32>
    %eq3A_1853 = arith.cmpi eq, %select_n3A_749, %eq3A_1852 : vector<512x256xi32>
    %jit3A_1854 = arith.constant 0x7F800000 : f32
    %broadcast_in_dim3A_1855 = vector.broadcast %jit3A_1854 : f32 to vector<512x256xf32>
    %select_n3A_1856 = arith.select %eq3A_1853, %broadcast_in_dim3A_1855, %select_n3A_1850 : vector<512x256xi1>, vector<512x256xf32>
    %eq3A_1857 = arith.constant 15 : i32
    %eq3A_1858 = vector.broadcast %eq3A_1857 : i32 to vector<512x256xi32>
    %eq3A_1859 = arith.cmpi eq, %select_n3A_1479, %eq3A_1858 : vector<512x256xi32>
    %jit3A_1860 = arith.constant 0x7F800000 : f32
    %broadcast_in_dim3A_1861 = vector.broadcast %jit3A_1860 : f32 to vector<512x256xf32>
    %select_n3A_1862 = arith.select %eq3A_1859, %broadcast_in_dim3A_1861, %select_n3A_1856 : vector<512x256xi1>, vector<512x256xf32>
    %lt3A_1863 = arith.cmpf olt, %select_n3A_1862, %select_n3A_1840 : vector<512x256xf32>
    %select_n3A_1864 = arith.select %lt3A_1863, %select_n3A_1862, %select_n3A_1840 : vector<512x256xi1>, vector<512x256xf32>
    %jit3A_1865 = arith.constant 15 : i32
    %broadcast_in_dim3A_1866 = vector.broadcast %jit3A_1865 : i32 to vector<512x256xi32>
    %select_n3A_1867 = arith.select %lt3A_1863, %broadcast_in_dim3A_1866, %select_n3A_1843 : vector<512x256xi1>, vector<512x256xi32>
    %slice3A_1868 = vector.extract_strided_slice %add3A_15 {offsets = [0, 4096], sizes = [512, 256], strides = [1, 1]} : vector<512x10240xf32> to vector<512x256xf32>
    %eq3A_1869 = arith.constant 16 : i32
    %eq3A_1870 = vector.broadcast %eq3A_1869 : i32 to vector<512x256xi32>
    %eq3A_1871 = arith.cmpi eq, %select_n3A_260, %eq3A_1870 : vector<512x256xi32>
    %jit3A_1872 = arith.constant 0x7F800000 : f32
    %broadcast_in_dim3A_1873 = vector.broadcast %jit3A_1872 : f32 to vector<512x256xf32>
    %select_n3A_1874 = arith.select %eq3A_1871, %broadcast_in_dim3A_1873, %slice3A_1868 : vector<512x256xi1>, vector<512x256xf32>
    %eq3A_1875 = arith.constant 16 : i32
    %eq3A_1876 = vector.broadcast %eq3A_1875 : i32 to vector<512x256xi32>
    %eq3A_1877 = arith.cmpi eq, %select_n3A_749, %eq3A_1876 : vector<512x256xi32>
    %jit3A_1878 = arith.constant 0x7F800000 : f32
    %broadcast_in_dim3A_1879 = vector.broadcast %jit3A_1878 : f32 to vector<512x256xf32>
    %select_n3A_1880 = arith.select %eq3A_1877, %broadcast_in_dim3A_1879, %select_n3A_1874 : vector<512x256xi1>, vector<512x256xf32>
    %eq3A_1881 = arith.constant 16 : i32
    %eq3A_1882 = vector.broadcast %eq3A_1881 : i32 to vector<512x256xi32>
    %eq3A_1883 = arith.cmpi eq, %select_n3A_1479, %eq3A_1882 : vector<512x256xi32>
    %jit3A_1884 = arith.constant 0x7F800000 : f32
    %broadcast_in_dim3A_1885 = vector.broadcast %jit3A_1884 : f32 to vector<512x256xf32>
    %select_n3A_1886 = arith.select %eq3A_1883, %broadcast_in_dim3A_1885, %select_n3A_1880 : vector<512x256xi1>, vector<512x256xf32>
    %lt3A_1887 = arith.cmpf olt, %select_n3A_1886, %select_n3A_1864 : vector<512x256xf32>
    %select_n3A_1888 = arith.select %lt3A_1887, %select_n3A_1886, %select_n3A_1864 : vector<512x256xi1>, vector<512x256xf32>
    %jit3A_1889 = arith.constant 16 : i32
    %broadcast_in_dim3A_1890 = vector.broadcast %jit3A_1889 : i32 to vector<512x256xi32>
    %select_n3A_1891 = arith.select %lt3A_1887, %broadcast_in_dim3A_1890, %select_n3A_1867 : vector<512x256xi1>, vector<512x256xi32>
    %slice3A_1892 = vector.extract_strided_slice %add3A_15 {offsets = [0, 4352], sizes = [512, 256], strides = [1, 1]} : vector<512x10240xf32> to vector<512x256xf32>
    %eq3A_1893 = arith.constant 17 : i32
    %eq3A_1894 = vector.broadcast %eq3A_1893 : i32 to vector<512x256xi32>
    %eq3A_1895 = arith.cmpi eq, %select_n3A_260, %eq3A_1894 : vector<512x256xi32>
    %jit3A_1896 = arith.constant 0x7F800000 : f32
    %broadcast_in_dim3A_1897 = vector.broadcast %jit3A_1896 : f32 to vector<512x256xf32>
    %select_n3A_1898 = arith.select %eq3A_1895, %broadcast_in_dim3A_1897, %slice3A_1892 : vector<512x256xi1>, vector<512x256xf32>
    %eq3A_1899 = arith.constant 17 : i32
    %eq3A_1900 = vector.broadcast %eq3A_1899 : i32 to vector<512x256xi32>
    %eq3A_1901 = arith.cmpi eq, %select_n3A_749, %eq3A_1900 : vector<512x256xi32>
    %jit3A_1902 = arith.constant 0x7F800000 : f32
    %broadcast_in_dim3A_1903 = vector.broadcast %jit3A_1902 : f32 to vector<512x256xf32>
    %select_n3A_1904 = arith.select %eq3A_1901, %broadcast_in_dim3A_1903, %select_n3A_1898 : vector<512x256xi1>, vector<512x256xf32>
    %eq3A_1905 = arith.constant 17 : i32
    %eq3A_1906 = vector.broadcast %eq3A_1905 : i32 to vector<512x256xi32>
    %eq3A_1907 = arith.cmpi eq, %select_n3A_1479, %eq3A_1906 : vector<512x256xi32>
    %jit3A_1908 = arith.constant 0x7F800000 : f32
    %broadcast_in_dim3A_1909 = vector.broadcast %jit3A_1908 : f32 to vector<512x256xf32>
    %select_n3A_1910 = arith.select %eq3A_1907, %broadcast_in_dim3A_1909, %select_n3A_1904 : vector<512x256xi1>, vector<512x256xf32>
    %lt3A_1911 = arith.cmpf olt, %select_n3A_1910, %select_n3A_1888 : vector<512x256xf32>
    %select_n3A_1912 = arith.select %lt3A_1911, %select_n3A_1910, %select_n3A_1888 : vector<512x256xi1>, vector<512x256xf32>
    %jit3A_1913 = arith.constant 17 : i32
    %broadcast_in_dim3A_1914 = vector.broadcast %jit3A_1913 : i32 to vector<512x256xi32>
    %select_n3A_1915 = arith.select %lt3A_1911, %broadcast_in_dim3A_1914, %select_n3A_1891 : vector<512x256xi1>, vector<512x256xi32>
    %slice3A_1916 = vector.extract_strided_slice %add3A_15 {offsets = [0, 4608], sizes = [512, 256], strides = [1, 1]} : vector<512x10240xf32> to vector<512x256xf32>
    %eq3A_1917 = arith.constant 18 : i32
    %eq3A_1918 = vector.broadcast %eq3A_1917 : i32 to vector<512x256xi32>
    %eq3A_1919 = arith.cmpi eq, %select_n3A_260, %eq3A_1918 : vector<512x256xi32>
    %jit3A_1920 = arith.constant 0x7F800000 : f32
    %broadcast_in_dim3A_1921 = vector.broadcast %jit3A_1920 : f32 to vector<512x256xf32>
    %select_n3A_1922 = arith.select %eq3A_1919, %broadcast_in_dim3A_1921, %slice3A_1916 : vector<512x256xi1>, vector<512x256xf32>
    %eq3A_1923 = arith.constant 18 : i32
    %eq3A_1924 = vector.broadcast %eq3A_1923 : i32 to vector<512x256xi32>
    %eq3A_1925 = arith.cmpi eq, %select_n3A_749, %eq3A_1924 : vector<512x256xi32>
    %jit3A_1926 = arith.constant 0x7F800000 : f32
    %broadcast_in_dim3A_1927 = vector.broadcast %jit3A_1926 : f32 to vector<512x256xf32>
    %select_n3A_1928 = arith.select %eq3A_1925, %broadcast_in_dim3A_1927, %select_n3A_1922 : vector<512x256xi1>, vector<512x256xf32>
    %eq3A_1929 = arith.constant 18 : i32
    %eq3A_1930 = vector.broadcast %eq3A_1929 : i32 to vector<512x256xi32>
    %eq3A_1931 = arith.cmpi eq, %select_n3A_1479, %eq3A_1930 : vector<512x256xi32>
    %jit3A_1932 = arith.constant 0x7F800000 : f32
    %broadcast_in_dim3A_1933 = vector.broadcast %jit3A_1932 : f32 to vector<512x256xf32>
    %select_n3A_1934 = arith.select %eq3A_1931, %broadcast_in_dim3A_1933, %select_n3A_1928 : vector<512x256xi1>, vector<512x256xf32>
    %lt3A_1935 = arith.cmpf olt, %select_n3A_1934, %select_n3A_1912 : vector<512x256xf32>
    %select_n3A_1936 = arith.select %lt3A_1935, %select_n3A_1934, %select_n3A_1912 : vector<512x256xi1>, vector<512x256xf32>
    %jit3A_1937 = arith.constant 18 : i32
    %broadcast_in_dim3A_1938 = vector.broadcast %jit3A_1937 : i32 to vector<512x256xi32>
    %select_n3A_1939 = arith.select %lt3A_1935, %broadcast_in_dim3A_1938, %select_n3A_1915 : vector<512x256xi1>, vector<512x256xi32>
    %slice3A_1940 = vector.extract_strided_slice %add3A_15 {offsets = [0, 4864], sizes = [512, 256], strides = [1, 1]} : vector<512x10240xf32> to vector<512x256xf32>
    %eq3A_1941 = arith.constant 19 : i32
    %eq3A_1942 = vector.broadcast %eq3A_1941 : i32 to vector<512x256xi32>
    %eq3A_1943 = arith.cmpi eq, %select_n3A_260, %eq3A_1942 : vector<512x256xi32>
    %jit3A_1944 = arith.constant 0x7F800000 : f32
    %broadcast_in_dim3A_1945 = vector.broadcast %jit3A_1944 : f32 to vector<512x256xf32>
    %select_n3A_1946 = arith.select %eq3A_1943, %broadcast_in_dim3A_1945, %slice3A_1940 : vector<512x256xi1>, vector<512x256xf32>
    %eq3A_1947 = arith.constant 19 : i32
    %eq3A_1948 = vector.broadcast %eq3A_1947 : i32 to vector<512x256xi32>
    %eq3A_1949 = arith.cmpi eq, %select_n3A_749, %eq3A_1948 : vector<512x256xi32>
    %jit3A_1950 = arith.constant 0x7F800000 : f32
    %broadcast_in_dim3A_1951 = vector.broadcast %jit3A_1950 : f32 to vector<512x256xf32>
    %select_n3A_1952 = arith.select %eq3A_1949, %broadcast_in_dim3A_1951, %select_n3A_1946 : vector<512x256xi1>, vector<512x256xf32>
    %eq3A_1953 = arith.constant 19 : i32
    %eq3A_1954 = vector.broadcast %eq3A_1953 : i32 to vector<512x256xi32>
    %eq3A_1955 = arith.cmpi eq, %select_n3A_1479, %eq3A_1954 : vector<512x256xi32>
    %jit3A_1956 = arith.constant 0x7F800000 : f32
    %broadcast_in_dim3A_1957 = vector.broadcast %jit3A_1956 : f32 to vector<512x256xf32>
    %select_n3A_1958 = arith.select %eq3A_1955, %broadcast_in_dim3A_1957, %select_n3A_1952 : vector<512x256xi1>, vector<512x256xf32>
    %lt3A_1959 = arith.cmpf olt, %select_n3A_1958, %select_n3A_1936 : vector<512x256xf32>
    %select_n3A_1960 = arith.select %lt3A_1959, %select_n3A_1958, %select_n3A_1936 : vector<512x256xi1>, vector<512x256xf32>
    %jit3A_1961 = arith.constant 19 : i32
    %broadcast_in_dim3A_1962 = vector.broadcast %jit3A_1961 : i32 to vector<512x256xi32>
    %select_n3A_1963 = arith.select %lt3A_1959, %broadcast_in_dim3A_1962, %select_n3A_1939 : vector<512x256xi1>, vector<512x256xi32>
    %slice3A_1964 = vector.extract_strided_slice %add3A_15 {offsets = [0, 5120], sizes = [512, 256], strides = [1, 1]} : vector<512x10240xf32> to vector<512x256xf32>
    %eq3A_1965 = arith.constant 20 : i32
    %eq3A_1966 = vector.broadcast %eq3A_1965 : i32 to vector<512x256xi32>
    %eq3A_1967 = arith.cmpi eq, %select_n3A_260, %eq3A_1966 : vector<512x256xi32>
    %jit3A_1968 = arith.constant 0x7F800000 : f32
    %broadcast_in_dim3A_1969 = vector.broadcast %jit3A_1968 : f32 to vector<512x256xf32>
    %select_n3A_1970 = arith.select %eq3A_1967, %broadcast_in_dim3A_1969, %slice3A_1964 : vector<512x256xi1>, vector<512x256xf32>
    %eq3A_1971 = arith.constant 20 : i32
    %eq3A_1972 = vector.broadcast %eq3A_1971 : i32 to vector<512x256xi32>
    %eq3A_1973 = arith.cmpi eq, %select_n3A_749, %eq3A_1972 : vector<512x256xi32>
    %jit3A_1974 = arith.constant 0x7F800000 : f32
    %broadcast_in_dim3A_1975 = vector.broadcast %jit3A_1974 : f32 to vector<512x256xf32>
    %select_n3A_1976 = arith.select %eq3A_1973, %broadcast_in_dim3A_1975, %select_n3A_1970 : vector<512x256xi1>, vector<512x256xf32>
    %eq3A_1977 = arith.constant 20 : i32
    %eq3A_1978 = vector.broadcast %eq3A_1977 : i32 to vector<512x256xi32>
    %eq3A_1979 = arith.cmpi eq, %select_n3A_1479, %eq3A_1978 : vector<512x256xi32>
    %jit3A_1980 = arith.constant 0x7F800000 : f32
    %broadcast_in_dim3A_1981 = vector.broadcast %jit3A_1980 : f32 to vector<512x256xf32>
    %select_n3A_1982 = arith.select %eq3A_1979, %broadcast_in_dim3A_1981, %select_n3A_1976 : vector<512x256xi1>, vector<512x256xf32>
    %lt3A_1983 = arith.cmpf olt, %select_n3A_1982, %select_n3A_1960 : vector<512x256xf32>
    %select_n3A_1984 = arith.select %lt3A_1983, %select_n3A_1982, %select_n3A_1960 : vector<512x256xi1>, vector<512x256xf32>
    %jit3A_1985 = arith.constant 20 : i32
    %broadcast_in_dim3A_1986 = vector.broadcast %jit3A_1985 : i32 to vector<512x256xi32>
    %select_n3A_1987 = arith.select %lt3A_1983, %broadcast_in_dim3A_1986, %select_n3A_1963 : vector<512x256xi1>, vector<512x256xi32>
    %slice3A_1988 = vector.extract_strided_slice %add3A_15 {offsets = [0, 5376], sizes = [512, 256], strides = [1, 1]} : vector<512x10240xf32> to vector<512x256xf32>
    %eq3A_1989 = arith.constant 21 : i32
    %eq3A_1990 = vector.broadcast %eq3A_1989 : i32 to vector<512x256xi32>
    %eq3A_1991 = arith.cmpi eq, %select_n3A_260, %eq3A_1990 : vector<512x256xi32>
    %jit3A_1992 = arith.constant 0x7F800000 : f32
    %broadcast_in_dim3A_1993 = vector.broadcast %jit3A_1992 : f32 to vector<512x256xf32>
    %select_n3A_1994 = arith.select %eq3A_1991, %broadcast_in_dim3A_1993, %slice3A_1988 : vector<512x256xi1>, vector<512x256xf32>
    %eq3A_1995 = arith.constant 21 : i32
    %eq3A_1996 = vector.broadcast %eq3A_1995 : i32 to vector<512x256xi32>
    %eq3A_1997 = arith.cmpi eq, %select_n3A_749, %eq3A_1996 : vector<512x256xi32>
    %jit3A_1998 = arith.constant 0x7F800000 : f32
    %broadcast_in_dim3A_1999 = vector.broadcast %jit3A_1998 : f32 to vector<512x256xf32>
    %select_n3A_2000 = arith.select %eq3A_1997, %broadcast_in_dim3A_1999, %select_n3A_1994 : vector<512x256xi1>, vector<512x256xf32>
    %eq3A_2001 = arith.constant 21 : i32
    %eq3A_2002 = vector.broadcast %eq3A_2001 : i32 to vector<512x256xi32>
    %eq3A_2003 = arith.cmpi eq, %select_n3A_1479, %eq3A_2002 : vector<512x256xi32>
    %jit3A_2004 = arith.constant 0x7F800000 : f32
    %broadcast_in_dim3A_2005 = vector.broadcast %jit3A_2004 : f32 to vector<512x256xf32>
    %select_n3A_2006 = arith.select %eq3A_2003, %broadcast_in_dim3A_2005, %select_n3A_2000 : vector<512x256xi1>, vector<512x256xf32>
    %lt3A_2007 = arith.cmpf olt, %select_n3A_2006, %select_n3A_1984 : vector<512x256xf32>
    %select_n3A_2008 = arith.select %lt3A_2007, %select_n3A_2006, %select_n3A_1984 : vector<512x256xi1>, vector<512x256xf32>
    %jit3A_2009 = arith.constant 21 : i32
    %broadcast_in_dim3A_2010 = vector.broadcast %jit3A_2009 : i32 to vector<512x256xi32>
    %select_n3A_2011 = arith.select %lt3A_2007, %broadcast_in_dim3A_2010, %select_n3A_1987 : vector<512x256xi1>, vector<512x256xi32>
    %slice3A_2012 = vector.extract_strided_slice %add3A_15 {offsets = [0, 5632], sizes = [512, 256], strides = [1, 1]} : vector<512x10240xf32> to vector<512x256xf32>
    %eq3A_2013 = arith.constant 22 : i32
    %eq3A_2014 = vector.broadcast %eq3A_2013 : i32 to vector<512x256xi32>
    %eq3A_2015 = arith.cmpi eq, %select_n3A_260, %eq3A_2014 : vector<512x256xi32>
    %jit3A_2016 = arith.constant 0x7F800000 : f32
    %broadcast_in_dim3A_2017 = vector.broadcast %jit3A_2016 : f32 to vector<512x256xf32>
    %select_n3A_2018 = arith.select %eq3A_2015, %broadcast_in_dim3A_2017, %slice3A_2012 : vector<512x256xi1>, vector<512x256xf32>
    %eq3A_2019 = arith.constant 22 : i32
    %eq3A_2020 = vector.broadcast %eq3A_2019 : i32 to vector<512x256xi32>
    %eq3A_2021 = arith.cmpi eq, %select_n3A_749, %eq3A_2020 : vector<512x256xi32>
    %jit3A_2022 = arith.constant 0x7F800000 : f32
    %broadcast_in_dim3A_2023 = vector.broadcast %jit3A_2022 : f32 to vector<512x256xf32>
    %select_n3A_2024 = arith.select %eq3A_2021, %broadcast_in_dim3A_2023, %select_n3A_2018 : vector<512x256xi1>, vector<512x256xf32>
    %eq3A_2025 = arith.constant 22 : i32
    %eq3A_2026 = vector.broadcast %eq3A_2025 : i32 to vector<512x256xi32>
    %eq3A_2027 = arith.cmpi eq, %select_n3A_1479, %eq3A_2026 : vector<512x256xi32>
    %jit3A_2028 = arith.constant 0x7F800000 : f32
    %broadcast_in_dim3A_2029 = vector.broadcast %jit3A_2028 : f32 to vector<512x256xf32>
    %select_n3A_2030 = arith.select %eq3A_2027, %broadcast_in_dim3A_2029, %select_n3A_2024 : vector<512x256xi1>, vector<512x256xf32>
    %lt3A_2031 = arith.cmpf olt, %select_n3A_2030, %select_n3A_2008 : vector<512x256xf32>
    %select_n3A_2032 = arith.select %lt3A_2031, %select_n3A_2030, %select_n3A_2008 : vector<512x256xi1>, vector<512x256xf32>
    %jit3A_2033 = arith.constant 22 : i32
    %broadcast_in_dim3A_2034 = vector.broadcast %jit3A_2033 : i32 to vector<512x256xi32>
    %select_n3A_2035 = arith.select %lt3A_2031, %broadcast_in_dim3A_2034, %select_n3A_2011 : vector<512x256xi1>, vector<512x256xi32>
    %slice3A_2036 = vector.extract_strided_slice %add3A_15 {offsets = [0, 5888], sizes = [512, 256], strides = [1, 1]} : vector<512x10240xf32> to vector<512x256xf32>
    %eq3A_2037 = arith.constant 23 : i32
    %eq3A_2038 = vector.broadcast %eq3A_2037 : i32 to vector<512x256xi32>
    %eq3A_2039 = arith.cmpi eq, %select_n3A_260, %eq3A_2038 : vector<512x256xi32>
    %jit3A_2040 = arith.constant 0x7F800000 : f32
    %broadcast_in_dim3A_2041 = vector.broadcast %jit3A_2040 : f32 to vector<512x256xf32>
    %select_n3A_2042 = arith.select %eq3A_2039, %broadcast_in_dim3A_2041, %slice3A_2036 : vector<512x256xi1>, vector<512x256xf32>
    %eq3A_2043 = arith.constant 23 : i32
    %eq3A_2044 = vector.broadcast %eq3A_2043 : i32 to vector<512x256xi32>
    %eq3A_2045 = arith.cmpi eq, %select_n3A_749, %eq3A_2044 : vector<512x256xi32>
    %jit3A_2046 = arith.constant 0x7F800000 : f32
    %broadcast_in_dim3A_2047 = vector.broadcast %jit3A_2046 : f32 to vector<512x256xf32>
    %select_n3A_2048 = arith.select %eq3A_2045, %broadcast_in_dim3A_2047, %select_n3A_2042 : vector<512x256xi1>, vector<512x256xf32>
    %eq3A_2049 = arith.constant 23 : i32
    %eq3A_2050 = vector.broadcast %eq3A_2049 : i32 to vector<512x256xi32>
    %eq3A_2051 = arith.cmpi eq, %select_n3A_1479, %eq3A_2050 : vector<512x256xi32>
    %jit3A_2052 = arith.constant 0x7F800000 : f32
    %broadcast_in_dim3A_2053 = vector.broadcast %jit3A_2052 : f32 to vector<512x256xf32>
    %select_n3A_2054 = arith.select %eq3A_2051, %broadcast_in_dim3A_2053, %select_n3A_2048 : vector<512x256xi1>, vector<512x256xf32>
    %lt3A_2055 = arith.cmpf olt, %select_n3A_2054, %select_n3A_2032 : vector<512x256xf32>
    %select_n3A_2056 = arith.select %lt3A_2055, %select_n3A_2054, %select_n3A_2032 : vector<512x256xi1>, vector<512x256xf32>
    %jit3A_2057 = arith.constant 23 : i32
    %broadcast_in_dim3A_2058 = vector.broadcast %jit3A_2057 : i32 to vector<512x256xi32>
    %select_n3A_2059 = arith.select %lt3A_2055, %broadcast_in_dim3A_2058, %select_n3A_2035 : vector<512x256xi1>, vector<512x256xi32>
    %slice3A_2060 = vector.extract_strided_slice %add3A_15 {offsets = [0, 6144], sizes = [512, 256], strides = [1, 1]} : vector<512x10240xf32> to vector<512x256xf32>
    %eq3A_2061 = arith.constant 24 : i32
    %eq3A_2062 = vector.broadcast %eq3A_2061 : i32 to vector<512x256xi32>
    %eq3A_2063 = arith.cmpi eq, %select_n3A_260, %eq3A_2062 : vector<512x256xi32>
    %jit3A_2064 = arith.constant 0x7F800000 : f32
    %broadcast_in_dim3A_2065 = vector.broadcast %jit3A_2064 : f32 to vector<512x256xf32>
    %select_n3A_2066 = arith.select %eq3A_2063, %broadcast_in_dim3A_2065, %slice3A_2060 : vector<512x256xi1>, vector<512x256xf32>
    %eq3A_2067 = arith.constant 24 : i32
    %eq3A_2068 = vector.broadcast %eq3A_2067 : i32 to vector<512x256xi32>
    %eq3A_2069 = arith.cmpi eq, %select_n3A_749, %eq3A_2068 : vector<512x256xi32>
    %jit3A_2070 = arith.constant 0x7F800000 : f32
    %broadcast_in_dim3A_2071 = vector.broadcast %jit3A_2070 : f32 to vector<512x256xf32>
    %select_n3A_2072 = arith.select %eq3A_2069, %broadcast_in_dim3A_2071, %select_n3A_2066 : vector<512x256xi1>, vector<512x256xf32>
    %eq3A_2073 = arith.constant 24 : i32
    %eq3A_2074 = vector.broadcast %eq3A_2073 : i32 to vector<512x256xi32>
    %eq3A_2075 = arith.cmpi eq, %select_n3A_1479, %eq3A_2074 : vector<512x256xi32>
    %jit3A_2076 = arith.constant 0x7F800000 : f32
    %broadcast_in_dim3A_2077 = vector.broadcast %jit3A_2076 : f32 to vector<512x256xf32>
    %select_n3A_2078 = arith.select %eq3A_2075, %broadcast_in_dim3A_2077, %select_n3A_2072 : vector<512x256xi1>, vector<512x256xf32>
    %lt3A_2079 = arith.cmpf olt, %select_n3A_2078, %select_n3A_2056 : vector<512x256xf32>
    %select_n3A_2080 = arith.select %lt3A_2079, %select_n3A_2078, %select_n3A_2056 : vector<512x256xi1>, vector<512x256xf32>
    %jit3A_2081 = arith.constant 24 : i32
    %broadcast_in_dim3A_2082 = vector.broadcast %jit3A_2081 : i32 to vector<512x256xi32>
    %select_n3A_2083 = arith.select %lt3A_2079, %broadcast_in_dim3A_2082, %select_n3A_2059 : vector<512x256xi1>, vector<512x256xi32>
    %slice3A_2084 = vector.extract_strided_slice %add3A_15 {offsets = [0, 6400], sizes = [512, 256], strides = [1, 1]} : vector<512x10240xf32> to vector<512x256xf32>
    %eq3A_2085 = arith.constant 25 : i32
    %eq3A_2086 = vector.broadcast %eq3A_2085 : i32 to vector<512x256xi32>
    %eq3A_2087 = arith.cmpi eq, %select_n3A_260, %eq3A_2086 : vector<512x256xi32>
    %jit3A_2088 = arith.constant 0x7F800000 : f32
    %broadcast_in_dim3A_2089 = vector.broadcast %jit3A_2088 : f32 to vector<512x256xf32>
    %select_n3A_2090 = arith.select %eq3A_2087, %broadcast_in_dim3A_2089, %slice3A_2084 : vector<512x256xi1>, vector<512x256xf32>
    %eq3A_2091 = arith.constant 25 : i32
    %eq3A_2092 = vector.broadcast %eq3A_2091 : i32 to vector<512x256xi32>
    %eq3A_2093 = arith.cmpi eq, %select_n3A_749, %eq3A_2092 : vector<512x256xi32>
    %jit3A_2094 = arith.constant 0x7F800000 : f32
    %broadcast_in_dim3A_2095 = vector.broadcast %jit3A_2094 : f32 to vector<512x256xf32>
    %select_n3A_2096 = arith.select %eq3A_2093, %broadcast_in_dim3A_2095, %select_n3A_2090 : vector<512x256xi1>, vector<512x256xf32>
    %eq3A_2097 = arith.constant 25 : i32
    %eq3A_2098 = vector.broadcast %eq3A_2097 : i32 to vector<512x256xi32>
    %eq3A_2099 = arith.cmpi eq, %select_n3A_1479, %eq3A_2098 : vector<512x256xi32>
    %jit3A_2100 = arith.constant 0x7F800000 : f32
    %broadcast_in_dim3A_2101 = vector.broadcast %jit3A_2100 : f32 to vector<512x256xf32>
    %select_n3A_2102 = arith.select %eq3A_2099, %broadcast_in_dim3A_2101, %select_n3A_2096 : vector<512x256xi1>, vector<512x256xf32>
    %lt3A_2103 = arith.cmpf olt, %select_n3A_2102, %select_n3A_2080 : vector<512x256xf32>
    %select_n3A_2104 = arith.select %lt3A_2103, %select_n3A_2102, %select_n3A_2080 : vector<512x256xi1>, vector<512x256xf32>
    %jit3A_2105 = arith.constant 25 : i32
    %broadcast_in_dim3A_2106 = vector.broadcast %jit3A_2105 : i32 to vector<512x256xi32>
    %select_n3A_2107 = arith.select %lt3A_2103, %broadcast_in_dim3A_2106, %select_n3A_2083 : vector<512x256xi1>, vector<512x256xi32>
    %slice3A_2108 = vector.extract_strided_slice %add3A_15 {offsets = [0, 6656], sizes = [512, 256], strides = [1, 1]} : vector<512x10240xf32> to vector<512x256xf32>
    %eq3A_2109 = arith.constant 26 : i32
    %eq3A_2110 = vector.broadcast %eq3A_2109 : i32 to vector<512x256xi32>
    %eq3A_2111 = arith.cmpi eq, %select_n3A_260, %eq3A_2110 : vector<512x256xi32>
    %jit3A_2112 = arith.constant 0x7F800000 : f32
    %broadcast_in_dim3A_2113 = vector.broadcast %jit3A_2112 : f32 to vector<512x256xf32>
    %select_n3A_2114 = arith.select %eq3A_2111, %broadcast_in_dim3A_2113, %slice3A_2108 : vector<512x256xi1>, vector<512x256xf32>
    %eq3A_2115 = arith.constant 26 : i32
    %eq3A_2116 = vector.broadcast %eq3A_2115 : i32 to vector<512x256xi32>
    %eq3A_2117 = arith.cmpi eq, %select_n3A_749, %eq3A_2116 : vector<512x256xi32>
    %jit3A_2118 = arith.constant 0x7F800000 : f32
    %broadcast_in_dim3A_2119 = vector.broadcast %jit3A_2118 : f32 to vector<512x256xf32>
    %select_n3A_2120 = arith.select %eq3A_2117, %broadcast_in_dim3A_2119, %select_n3A_2114 : vector<512x256xi1>, vector<512x256xf32>
    %eq3A_2121 = arith.constant 26 : i32
    %eq3A_2122 = vector.broadcast %eq3A_2121 : i32 to vector<512x256xi32>
    %eq3A_2123 = arith.cmpi eq, %select_n3A_1479, %eq3A_2122 : vector<512x256xi32>
    %jit3A_2124 = arith.constant 0x7F800000 : f32
    %broadcast_in_dim3A_2125 = vector.broadcast %jit3A_2124 : f32 to vector<512x256xf32>
    %select_n3A_2126 = arith.select %eq3A_2123, %broadcast_in_dim3A_2125, %select_n3A_2120 : vector<512x256xi1>, vector<512x256xf32>
    %lt3A_2127 = arith.cmpf olt, %select_n3A_2126, %select_n3A_2104 : vector<512x256xf32>
    %select_n3A_2128 = arith.select %lt3A_2127, %select_n3A_2126, %select_n3A_2104 : vector<512x256xi1>, vector<512x256xf32>
    %jit3A_2129 = arith.constant 26 : i32
    %broadcast_in_dim3A_2130 = vector.broadcast %jit3A_2129 : i32 to vector<512x256xi32>
    %select_n3A_2131 = arith.select %lt3A_2127, %broadcast_in_dim3A_2130, %select_n3A_2107 : vector<512x256xi1>, vector<512x256xi32>
    %slice3A_2132 = vector.extract_strided_slice %add3A_15 {offsets = [0, 6912], sizes = [512, 256], strides = [1, 1]} : vector<512x10240xf32> to vector<512x256xf32>
    %eq3A_2133 = arith.constant 27 : i32
    %eq3A_2134 = vector.broadcast %eq3A_2133 : i32 to vector<512x256xi32>
    %eq3A_2135 = arith.cmpi eq, %select_n3A_260, %eq3A_2134 : vector<512x256xi32>
    %jit3A_2136 = arith.constant 0x7F800000 : f32
    %broadcast_in_dim3A_2137 = vector.broadcast %jit3A_2136 : f32 to vector<512x256xf32>
    %select_n3A_2138 = arith.select %eq3A_2135, %broadcast_in_dim3A_2137, %slice3A_2132 : vector<512x256xi1>, vector<512x256xf32>
    %eq3A_2139 = arith.constant 27 : i32
    %eq3A_2140 = vector.broadcast %eq3A_2139 : i32 to vector<512x256xi32>
    %eq3A_2141 = arith.cmpi eq, %select_n3A_749, %eq3A_2140 : vector<512x256xi32>
    %jit3A_2142 = arith.constant 0x7F800000 : f32
    %broadcast_in_dim3A_2143 = vector.broadcast %jit3A_2142 : f32 to vector<512x256xf32>
    %select_n3A_2144 = arith.select %eq3A_2141, %broadcast_in_dim3A_2143, %select_n3A_2138 : vector<512x256xi1>, vector<512x256xf32>
    %eq3A_2145 = arith.constant 27 : i32
    %eq3A_2146 = vector.broadcast %eq3A_2145 : i32 to vector<512x256xi32>
    %eq3A_2147 = arith.cmpi eq, %select_n3A_1479, %eq3A_2146 : vector<512x256xi32>
    %jit3A_2148 = arith.constant 0x7F800000 : f32
    %broadcast_in_dim3A_2149 = vector.broadcast %jit3A_2148 : f32 to vector<512x256xf32>
    %select_n3A_2150 = arith.select %eq3A_2147, %broadcast_in_dim3A_2149, %select_n3A_2144 : vector<512x256xi1>, vector<512x256xf32>
    %lt3A_2151 = arith.cmpf olt, %select_n3A_2150, %select_n3A_2128 : vector<512x256xf32>
    %select_n3A_2152 = arith.select %lt3A_2151, %select_n3A_2150, %select_n3A_2128 : vector<512x256xi1>, vector<512x256xf32>
    %jit3A_2153 = arith.constant 27 : i32
    %broadcast_in_dim3A_2154 = vector.broadcast %jit3A_2153 : i32 to vector<512x256xi32>
    %select_n3A_2155 = arith.select %lt3A_2151, %broadcast_in_dim3A_2154, %select_n3A_2131 : vector<512x256xi1>, vector<512x256xi32>
    %slice3A_2156 = vector.extract_strided_slice %add3A_15 {offsets = [0, 7168], sizes = [512, 256], strides = [1, 1]} : vector<512x10240xf32> to vector<512x256xf32>
    %eq3A_2157 = arith.constant 28 : i32
    %eq3A_2158 = vector.broadcast %eq3A_2157 : i32 to vector<512x256xi32>
    %eq3A_2159 = arith.cmpi eq, %select_n3A_260, %eq3A_2158 : vector<512x256xi32>
    %jit3A_2160 = arith.constant 0x7F800000 : f32
    %broadcast_in_dim3A_2161 = vector.broadcast %jit3A_2160 : f32 to vector<512x256xf32>
    %select_n3A_2162 = arith.select %eq3A_2159, %broadcast_in_dim3A_2161, %slice3A_2156 : vector<512x256xi1>, vector<512x256xf32>
    %eq3A_2163 = arith.constant 28 : i32
    %eq3A_2164 = vector.broadcast %eq3A_2163 : i32 to vector<512x256xi32>
    %eq3A_2165 = arith.cmpi eq, %select_n3A_749, %eq3A_2164 : vector<512x256xi32>
    %jit3A_2166 = arith.constant 0x7F800000 : f32
    %broadcast_in_dim3A_2167 = vector.broadcast %jit3A_2166 : f32 to vector<512x256xf32>
    %select_n3A_2168 = arith.select %eq3A_2165, %broadcast_in_dim3A_2167, %select_n3A_2162 : vector<512x256xi1>, vector<512x256xf32>
    %eq3A_2169 = arith.constant 28 : i32
    %eq3A_2170 = vector.broadcast %eq3A_2169 : i32 to vector<512x256xi32>
    %eq3A_2171 = arith.cmpi eq, %select_n3A_1479, %eq3A_2170 : vector<512x256xi32>
    %jit3A_2172 = arith.constant 0x7F800000 : f32
    %broadcast_in_dim3A_2173 = vector.broadcast %jit3A_2172 : f32 to vector<512x256xf32>
    %select_n3A_2174 = arith.select %eq3A_2171, %broadcast_in_dim3A_2173, %select_n3A_2168 : vector<512x256xi1>, vector<512x256xf32>
    %lt3A_2175 = arith.cmpf olt, %select_n3A_2174, %select_n3A_2152 : vector<512x256xf32>
    %select_n3A_2176 = arith.select %lt3A_2175, %select_n3A_2174, %select_n3A_2152 : vector<512x256xi1>, vector<512x256xf32>
    %jit3A_2177 = arith.constant 28 : i32
    %broadcast_in_dim3A_2178 = vector.broadcast %jit3A_2177 : i32 to vector<512x256xi32>
    %select_n3A_2179 = arith.select %lt3A_2175, %broadcast_in_dim3A_2178, %select_n3A_2155 : vector<512x256xi1>, vector<512x256xi32>
    %slice3A_2180 = vector.extract_strided_slice %add3A_15 {offsets = [0, 7424], sizes = [512, 256], strides = [1, 1]} : vector<512x10240xf32> to vector<512x256xf32>
    %eq3A_2181 = arith.constant 29 : i32
    %eq3A_2182 = vector.broadcast %eq3A_2181 : i32 to vector<512x256xi32>
    %eq3A_2183 = arith.cmpi eq, %select_n3A_260, %eq3A_2182 : vector<512x256xi32>
    %jit3A_2184 = arith.constant 0x7F800000 : f32
    %broadcast_in_dim3A_2185 = vector.broadcast %jit3A_2184 : f32 to vector<512x256xf32>
    %select_n3A_2186 = arith.select %eq3A_2183, %broadcast_in_dim3A_2185, %slice3A_2180 : vector<512x256xi1>, vector<512x256xf32>
    %eq3A_2187 = arith.constant 29 : i32
    %eq3A_2188 = vector.broadcast %eq3A_2187 : i32 to vector<512x256xi32>
    %eq3A_2189 = arith.cmpi eq, %select_n3A_749, %eq3A_2188 : vector<512x256xi32>
    %jit3A_2190 = arith.constant 0x7F800000 : f32
    %broadcast_in_dim3A_2191 = vector.broadcast %jit3A_2190 : f32 to vector<512x256xf32>
    %select_n3A_2192 = arith.select %eq3A_2189, %broadcast_in_dim3A_2191, %select_n3A_2186 : vector<512x256xi1>, vector<512x256xf32>
    %eq3A_2193 = arith.constant 29 : i32
    %eq3A_2194 = vector.broadcast %eq3A_2193 : i32 to vector<512x256xi32>
    %eq3A_2195 = arith.cmpi eq, %select_n3A_1479, %eq3A_2194 : vector<512x256xi32>
    %jit3A_2196 = arith.constant 0x7F800000 : f32
    %broadcast_in_dim3A_2197 = vector.broadcast %jit3A_2196 : f32 to vector<512x256xf32>
    %select_n3A_2198 = arith.select %eq3A_2195, %broadcast_in_dim3A_2197, %select_n3A_2192 : vector<512x256xi1>, vector<512x256xf32>
    %lt3A_2199 = arith.cmpf olt, %select_n3A_2198, %select_n3A_2176 : vector<512x256xf32>
    %select_n3A_2200 = arith.select %lt3A_2199, %select_n3A_2198, %select_n3A_2176 : vector<512x256xi1>, vector<512x256xf32>
    %jit3A_2201 = arith.constant 29 : i32
    %broadcast_in_dim3A_2202 = vector.broadcast %jit3A_2201 : i32 to vector<512x256xi32>
    %select_n3A_2203 = arith.select %lt3A_2199, %broadcast_in_dim3A_2202, %select_n3A_2179 : vector<512x256xi1>, vector<512x256xi32>
    %slice3A_2204 = vector.extract_strided_slice %add3A_15 {offsets = [0, 7680], sizes = [512, 256], strides = [1, 1]} : vector<512x10240xf32> to vector<512x256xf32>
    %eq3A_2205 = arith.constant 30 : i32
    %eq3A_2206 = vector.broadcast %eq3A_2205 : i32 to vector<512x256xi32>
    %eq3A_2207 = arith.cmpi eq, %select_n3A_260, %eq3A_2206 : vector<512x256xi32>
    %jit3A_2208 = arith.constant 0x7F800000 : f32
    %broadcast_in_dim3A_2209 = vector.broadcast %jit3A_2208 : f32 to vector<512x256xf32>
    %select_n3A_2210 = arith.select %eq3A_2207, %broadcast_in_dim3A_2209, %slice3A_2204 : vector<512x256xi1>, vector<512x256xf32>
    %eq3A_2211 = arith.constant 30 : i32
    %eq3A_2212 = vector.broadcast %eq3A_2211 : i32 to vector<512x256xi32>
    %eq3A_2213 = arith.cmpi eq, %select_n3A_749, %eq3A_2212 : vector<512x256xi32>
    %jit3A_2214 = arith.constant 0x7F800000 : f32
    %broadcast_in_dim3A_2215 = vector.broadcast %jit3A_2214 : f32 to vector<512x256xf32>
    %select_n3A_2216 = arith.select %eq3A_2213, %broadcast_in_dim3A_2215, %select_n3A_2210 : vector<512x256xi1>, vector<512x256xf32>
    %eq3A_2217 = arith.constant 30 : i32
    %eq3A_2218 = vector.broadcast %eq3A_2217 : i32 to vector<512x256xi32>
    %eq3A_2219 = arith.cmpi eq, %select_n3A_1479, %eq3A_2218 : vector<512x256xi32>
    %jit3A_2220 = arith.constant 0x7F800000 : f32
    %broadcast_in_dim3A_2221 = vector.broadcast %jit3A_2220 : f32 to vector<512x256xf32>
    %select_n3A_2222 = arith.select %eq3A_2219, %broadcast_in_dim3A_2221, %select_n3A_2216 : vector<512x256xi1>, vector<512x256xf32>
    %lt3A_2223 = arith.cmpf olt, %select_n3A_2222, %select_n3A_2200 : vector<512x256xf32>
    %select_n3A_2224 = arith.select %lt3A_2223, %select_n3A_2222, %select_n3A_2200 : vector<512x256xi1>, vector<512x256xf32>
    %jit3A_2225 = arith.constant 30 : i32
    %broadcast_in_dim3A_2226 = vector.broadcast %jit3A_2225 : i32 to vector<512x256xi32>
    %select_n3A_2227 = arith.select %lt3A_2223, %broadcast_in_dim3A_2226, %select_n3A_2203 : vector<512x256xi1>, vector<512x256xi32>
    %slice3A_2228 = vector.extract_strided_slice %add3A_15 {offsets = [0, 7936], sizes = [512, 256], strides = [1, 1]} : vector<512x10240xf32> to vector<512x256xf32>
    %eq3A_2229 = arith.constant 31 : i32
    %eq3A_2230 = vector.broadcast %eq3A_2229 : i32 to vector<512x256xi32>
    %eq3A_2231 = arith.cmpi eq, %select_n3A_260, %eq3A_2230 : vector<512x256xi32>
    %jit3A_2232 = arith.constant 0x7F800000 : f32
    %broadcast_in_dim3A_2233 = vector.broadcast %jit3A_2232 : f32 to vector<512x256xf32>
    %select_n3A_2234 = arith.select %eq3A_2231, %broadcast_in_dim3A_2233, %slice3A_2228 : vector<512x256xi1>, vector<512x256xf32>
    %eq3A_2235 = arith.constant 31 : i32
    %eq3A_2236 = vector.broadcast %eq3A_2235 : i32 to vector<512x256xi32>
    %eq3A_2237 = arith.cmpi eq, %select_n3A_749, %eq3A_2236 : vector<512x256xi32>
    %jit3A_2238 = arith.constant 0x7F800000 : f32
    %broadcast_in_dim3A_2239 = vector.broadcast %jit3A_2238 : f32 to vector<512x256xf32>
    %select_n3A_2240 = arith.select %eq3A_2237, %broadcast_in_dim3A_2239, %select_n3A_2234 : vector<512x256xi1>, vector<512x256xf32>
    %eq3A_2241 = arith.constant 31 : i32
    %eq3A_2242 = vector.broadcast %eq3A_2241 : i32 to vector<512x256xi32>
    %eq3A_2243 = arith.cmpi eq, %select_n3A_1479, %eq3A_2242 : vector<512x256xi32>
    %jit3A_2244 = arith.constant 0x7F800000 : f32
    %broadcast_in_dim3A_2245 = vector.broadcast %jit3A_2244 : f32 to vector<512x256xf32>
    %select_n3A_2246 = arith.select %eq3A_2243, %broadcast_in_dim3A_2245, %select_n3A_2240 : vector<512x256xi1>, vector<512x256xf32>
    %lt3A_2247 = arith.cmpf olt, %select_n3A_2246, %select_n3A_2224 : vector<512x256xf32>
    %select_n3A_2248 = arith.select %lt3A_2247, %select_n3A_2246, %select_n3A_2224 : vector<512x256xi1>, vector<512x256xf32>
    %jit3A_2249 = arith.constant 31 : i32
    %broadcast_in_dim3A_2250 = vector.broadcast %jit3A_2249 : i32 to vector<512x256xi32>
    %select_n3A_2251 = arith.select %lt3A_2247, %broadcast_in_dim3A_2250, %select_n3A_2227 : vector<512x256xi1>, vector<512x256xi32>
    %slice3A_2252 = vector.extract_strided_slice %add3A_15 {offsets = [0, 8192], sizes = [512, 256], strides = [1, 1]} : vector<512x10240xf32> to vector<512x256xf32>
    %eq3A_2253 = arith.constant 32 : i32
    %eq3A_2254 = vector.broadcast %eq3A_2253 : i32 to vector<512x256xi32>
    %eq3A_2255 = arith.cmpi eq, %select_n3A_260, %eq3A_2254 : vector<512x256xi32>
    %jit3A_2256 = arith.constant 0x7F800000 : f32
    %broadcast_in_dim3A_2257 = vector.broadcast %jit3A_2256 : f32 to vector<512x256xf32>
    %select_n3A_2258 = arith.select %eq3A_2255, %broadcast_in_dim3A_2257, %slice3A_2252 : vector<512x256xi1>, vector<512x256xf32>
    %eq3A_2259 = arith.constant 32 : i32
    %eq3A_2260 = vector.broadcast %eq3A_2259 : i32 to vector<512x256xi32>
    %eq3A_2261 = arith.cmpi eq, %select_n3A_749, %eq3A_2260 : vector<512x256xi32>
    %jit3A_2262 = arith.constant 0x7F800000 : f32
    %broadcast_in_dim3A_2263 = vector.broadcast %jit3A_2262 : f32 to vector<512x256xf32>
    %select_n3A_2264 = arith.select %eq3A_2261, %broadcast_in_dim3A_2263, %select_n3A_2258 : vector<512x256xi1>, vector<512x256xf32>
    %eq3A_2265 = arith.constant 32 : i32
    %eq3A_2266 = vector.broadcast %eq3A_2265 : i32 to vector<512x256xi32>
    %eq3A_2267 = arith.cmpi eq, %select_n3A_1479, %eq3A_2266 : vector<512x256xi32>
    %jit3A_2268 = arith.constant 0x7F800000 : f32
    %broadcast_in_dim3A_2269 = vector.broadcast %jit3A_2268 : f32 to vector<512x256xf32>
    %select_n3A_2270 = arith.select %eq3A_2267, %broadcast_in_dim3A_2269, %select_n3A_2264 : vector<512x256xi1>, vector<512x256xf32>
    %lt3A_2271 = arith.cmpf olt, %select_n3A_2270, %select_n3A_2248 : vector<512x256xf32>
    %select_n3A_2272 = arith.select %lt3A_2271, %select_n3A_2270, %select_n3A_2248 : vector<512x256xi1>, vector<512x256xf32>
    %jit3A_2273 = arith.constant 32 : i32
    %broadcast_in_dim3A_2274 = vector.broadcast %jit3A_2273 : i32 to vector<512x256xi32>
    %select_n3A_2275 = arith.select %lt3A_2271, %broadcast_in_dim3A_2274, %select_n3A_2251 : vector<512x256xi1>, vector<512x256xi32>
    %slice3A_2276 = vector.extract_strided_slice %add3A_15 {offsets = [0, 8448], sizes = [512, 256], strides = [1, 1]} : vector<512x10240xf32> to vector<512x256xf32>
    %eq3A_2277 = arith.constant 33 : i32
    %eq3A_2278 = vector.broadcast %eq3A_2277 : i32 to vector<512x256xi32>
    %eq3A_2279 = arith.cmpi eq, %select_n3A_260, %eq3A_2278 : vector<512x256xi32>
    %jit3A_2280 = arith.constant 0x7F800000 : f32
    %broadcast_in_dim3A_2281 = vector.broadcast %jit3A_2280 : f32 to vector<512x256xf32>
    %select_n3A_2282 = arith.select %eq3A_2279, %broadcast_in_dim3A_2281, %slice3A_2276 : vector<512x256xi1>, vector<512x256xf32>
    %eq3A_2283 = arith.constant 33 : i32
    %eq3A_2284 = vector.broadcast %eq3A_2283 : i32 to vector<512x256xi32>
    %eq3A_2285 = arith.cmpi eq, %select_n3A_749, %eq3A_2284 : vector<512x256xi32>
    %jit3A_2286 = arith.constant 0x7F800000 : f32
    %broadcast_in_dim3A_2287 = vector.broadcast %jit3A_2286 : f32 to vector<512x256xf32>
    %select_n3A_2288 = arith.select %eq3A_2285, %broadcast_in_dim3A_2287, %select_n3A_2282 : vector<512x256xi1>, vector<512x256xf32>
    %eq3A_2289 = arith.constant 33 : i32
    %eq3A_2290 = vector.broadcast %eq3A_2289 : i32 to vector<512x256xi32>
    %eq3A_2291 = arith.cmpi eq, %select_n3A_1479, %eq3A_2290 : vector<512x256xi32>
    %jit3A_2292 = arith.constant 0x7F800000 : f32
    %broadcast_in_dim3A_2293 = vector.broadcast %jit3A_2292 : f32 to vector<512x256xf32>
    %select_n3A_2294 = arith.select %eq3A_2291, %broadcast_in_dim3A_2293, %select_n3A_2288 : vector<512x256xi1>, vector<512x256xf32>
    %lt3A_2295 = arith.cmpf olt, %select_n3A_2294, %select_n3A_2272 : vector<512x256xf32>
    %select_n3A_2296 = arith.select %lt3A_2295, %select_n3A_2294, %select_n3A_2272 : vector<512x256xi1>, vector<512x256xf32>
    %jit3A_2297 = arith.constant 33 : i32
    %broadcast_in_dim3A_2298 = vector.broadcast %jit3A_2297 : i32 to vector<512x256xi32>
    %select_n3A_2299 = arith.select %lt3A_2295, %broadcast_in_dim3A_2298, %select_n3A_2275 : vector<512x256xi1>, vector<512x256xi32>
    %slice3A_2300 = vector.extract_strided_slice %add3A_15 {offsets = [0, 8704], sizes = [512, 256], strides = [1, 1]} : vector<512x10240xf32> to vector<512x256xf32>
    %eq3A_2301 = arith.constant 34 : i32
    %eq3A_2302 = vector.broadcast %eq3A_2301 : i32 to vector<512x256xi32>
    %eq3A_2303 = arith.cmpi eq, %select_n3A_260, %eq3A_2302 : vector<512x256xi32>
    %jit3A_2304 = arith.constant 0x7F800000 : f32
    %broadcast_in_dim3A_2305 = vector.broadcast %jit3A_2304 : f32 to vector<512x256xf32>
    %select_n3A_2306 = arith.select %eq3A_2303, %broadcast_in_dim3A_2305, %slice3A_2300 : vector<512x256xi1>, vector<512x256xf32>
    %eq3A_2307 = arith.constant 34 : i32
    %eq3A_2308 = vector.broadcast %eq3A_2307 : i32 to vector<512x256xi32>
    %eq3A_2309 = arith.cmpi eq, %select_n3A_749, %eq3A_2308 : vector<512x256xi32>
    %jit3A_2310 = arith.constant 0x7F800000 : f32
    %broadcast_in_dim3A_2311 = vector.broadcast %jit3A_2310 : f32 to vector<512x256xf32>
    %select_n3A_2312 = arith.select %eq3A_2309, %broadcast_in_dim3A_2311, %select_n3A_2306 : vector<512x256xi1>, vector<512x256xf32>
    %eq3A_2313 = arith.constant 34 : i32
    %eq3A_2314 = vector.broadcast %eq3A_2313 : i32 to vector<512x256xi32>
    %eq3A_2315 = arith.cmpi eq, %select_n3A_1479, %eq3A_2314 : vector<512x256xi32>
    %jit3A_2316 = arith.constant 0x7F800000 : f32
    %broadcast_in_dim3A_2317 = vector.broadcast %jit3A_2316 : f32 to vector<512x256xf32>
    %select_n3A_2318 = arith.select %eq3A_2315, %broadcast_in_dim3A_2317, %select_n3A_2312 : vector<512x256xi1>, vector<512x256xf32>
    %lt3A_2319 = arith.cmpf olt, %select_n3A_2318, %select_n3A_2296 : vector<512x256xf32>
    %select_n3A_2320 = arith.select %lt3A_2319, %select_n3A_2318, %select_n3A_2296 : vector<512x256xi1>, vector<512x256xf32>
    %jit3A_2321 = arith.constant 34 : i32
    %broadcast_in_dim3A_2322 = vector.broadcast %jit3A_2321 : i32 to vector<512x256xi32>
    %select_n3A_2323 = arith.select %lt3A_2319, %broadcast_in_dim3A_2322, %select_n3A_2299 : vector<512x256xi1>, vector<512x256xi32>
    %slice3A_2324 = vector.extract_strided_slice %add3A_15 {offsets = [0, 8960], sizes = [512, 256], strides = [1, 1]} : vector<512x10240xf32> to vector<512x256xf32>
    %eq3A_2325 = arith.constant 35 : i32
    %eq3A_2326 = vector.broadcast %eq3A_2325 : i32 to vector<512x256xi32>
    %eq3A_2327 = arith.cmpi eq, %select_n3A_260, %eq3A_2326 : vector<512x256xi32>
    %jit3A_2328 = arith.constant 0x7F800000 : f32
    %broadcast_in_dim3A_2329 = vector.broadcast %jit3A_2328 : f32 to vector<512x256xf32>
    %select_n3A_2330 = arith.select %eq3A_2327, %broadcast_in_dim3A_2329, %slice3A_2324 : vector<512x256xi1>, vector<512x256xf32>
    %eq3A_2331 = arith.constant 35 : i32
    %eq3A_2332 = vector.broadcast %eq3A_2331 : i32 to vector<512x256xi32>
    %eq3A_2333 = arith.cmpi eq, %select_n3A_749, %eq3A_2332 : vector<512x256xi32>
    %jit3A_2334 = arith.constant 0x7F800000 : f32
    %broadcast_in_dim3A_2335 = vector.broadcast %jit3A_2334 : f32 to vector<512x256xf32>
    %select_n3A_2336 = arith.select %eq3A_2333, %broadcast_in_dim3A_2335, %select_n3A_2330 : vector<512x256xi1>, vector<512x256xf32>
    %eq3A_2337 = arith.constant 35 : i32
    %eq3A_2338 = vector.broadcast %eq3A_2337 : i32 to vector<512x256xi32>
    %eq3A_2339 = arith.cmpi eq, %select_n3A_1479, %eq3A_2338 : vector<512x256xi32>
    %jit3A_2340 = arith.constant 0x7F800000 : f32
    %broadcast_in_dim3A_2341 = vector.broadcast %jit3A_2340 : f32 to vector<512x256xf32>
    %select_n3A_2342 = arith.select %eq3A_2339, %broadcast_in_dim3A_2341, %select_n3A_2336 : vector<512x256xi1>, vector<512x256xf32>
    %lt3A_2343 = arith.cmpf olt, %select_n3A_2342, %select_n3A_2320 : vector<512x256xf32>
    %select_n3A_2344 = arith.select %lt3A_2343, %select_n3A_2342, %select_n3A_2320 : vector<512x256xi1>, vector<512x256xf32>
    %jit3A_2345 = arith.constant 35 : i32
    %broadcast_in_dim3A_2346 = vector.broadcast %jit3A_2345 : i32 to vector<512x256xi32>
    %select_n3A_2347 = arith.select %lt3A_2343, %broadcast_in_dim3A_2346, %select_n3A_2323 : vector<512x256xi1>, vector<512x256xi32>
    %slice3A_2348 = vector.extract_strided_slice %add3A_15 {offsets = [0, 9216], sizes = [512, 256], strides = [1, 1]} : vector<512x10240xf32> to vector<512x256xf32>
    %eq3A_2349 = arith.constant 36 : i32
    %eq3A_2350 = vector.broadcast %eq3A_2349 : i32 to vector<512x256xi32>
    %eq3A_2351 = arith.cmpi eq, %select_n3A_260, %eq3A_2350 : vector<512x256xi32>
    %jit3A_2352 = arith.constant 0x7F800000 : f32
    %broadcast_in_dim3A_2353 = vector.broadcast %jit3A_2352 : f32 to vector<512x256xf32>
    %select_n3A_2354 = arith.select %eq3A_2351, %broadcast_in_dim3A_2353, %slice3A_2348 : vector<512x256xi1>, vector<512x256xf32>
    %eq3A_2355 = arith.constant 36 : i32
    %eq3A_2356 = vector.broadcast %eq3A_2355 : i32 to vector<512x256xi32>
    %eq3A_2357 = arith.cmpi eq, %select_n3A_749, %eq3A_2356 : vector<512x256xi32>
    %jit3A_2358 = arith.constant 0x7F800000 : f32
    %broadcast_in_dim3A_2359 = vector.broadcast %jit3A_2358 : f32 to vector<512x256xf32>
    %select_n3A_2360 = arith.select %eq3A_2357, %broadcast_in_dim3A_2359, %select_n3A_2354 : vector<512x256xi1>, vector<512x256xf32>
    %eq3A_2361 = arith.constant 36 : i32
    %eq3A_2362 = vector.broadcast %eq3A_2361 : i32 to vector<512x256xi32>
    %eq3A_2363 = arith.cmpi eq, %select_n3A_1479, %eq3A_2362 : vector<512x256xi32>
    %jit3A_2364 = arith.constant 0x7F800000 : f32
    %broadcast_in_dim3A_2365 = vector.broadcast %jit3A_2364 : f32 to vector<512x256xf32>
    %select_n3A_2366 = arith.select %eq3A_2363, %broadcast_in_dim3A_2365, %select_n3A_2360 : vector<512x256xi1>, vector<512x256xf32>
    %lt3A_2367 = arith.cmpf olt, %select_n3A_2366, %select_n3A_2344 : vector<512x256xf32>
    %select_n3A_2368 = arith.select %lt3A_2367, %select_n3A_2366, %select_n3A_2344 : vector<512x256xi1>, vector<512x256xf32>
    %jit3A_2369 = arith.constant 36 : i32
    %broadcast_in_dim3A_2370 = vector.broadcast %jit3A_2369 : i32 to vector<512x256xi32>
    %select_n3A_2371 = arith.select %lt3A_2367, %broadcast_in_dim3A_2370, %select_n3A_2347 : vector<512x256xi1>, vector<512x256xi32>
    %slice3A_2372 = vector.extract_strided_slice %add3A_15 {offsets = [0, 9472], sizes = [512, 256], strides = [1, 1]} : vector<512x10240xf32> to vector<512x256xf32>
    %eq3A_2373 = arith.constant 37 : i32
    %eq3A_2374 = vector.broadcast %eq3A_2373 : i32 to vector<512x256xi32>
    %eq3A_2375 = arith.cmpi eq, %select_n3A_260, %eq3A_2374 : vector<512x256xi32>
    %jit3A_2376 = arith.constant 0x7F800000 : f32
    %broadcast_in_dim3A_2377 = vector.broadcast %jit3A_2376 : f32 to vector<512x256xf32>
    %select_n3A_2378 = arith.select %eq3A_2375, %broadcast_in_dim3A_2377, %slice3A_2372 : vector<512x256xi1>, vector<512x256xf32>
    %eq3A_2379 = arith.constant 37 : i32
    %eq3A_2380 = vector.broadcast %eq3A_2379 : i32 to vector<512x256xi32>
    %eq3A_2381 = arith.cmpi eq, %select_n3A_749, %eq3A_2380 : vector<512x256xi32>
    %jit3A_2382 = arith.constant 0x7F800000 : f32
    %broadcast_in_dim3A_2383 = vector.broadcast %jit3A_2382 : f32 to vector<512x256xf32>
    %select_n3A_2384 = arith.select %eq3A_2381, %broadcast_in_dim3A_2383, %select_n3A_2378 : vector<512x256xi1>, vector<512x256xf32>
    %eq3A_2385 = arith.constant 37 : i32
    %eq3A_2386 = vector.broadcast %eq3A_2385 : i32 to vector<512x256xi32>
    %eq3A_2387 = arith.cmpi eq, %select_n3A_1479, %eq3A_2386 : vector<512x256xi32>
    %jit3A_2388 = arith.constant 0x7F800000 : f32
    %broadcast_in_dim3A_2389 = vector.broadcast %jit3A_2388 : f32 to vector<512x256xf32>
    %select_n3A_2390 = arith.select %eq3A_2387, %broadcast_in_dim3A_2389, %select_n3A_2384 : vector<512x256xi1>, vector<512x256xf32>
    %lt3A_2391 = arith.cmpf olt, %select_n3A_2390, %select_n3A_2368 : vector<512x256xf32>
    %select_n3A_2392 = arith.select %lt3A_2391, %select_n3A_2390, %select_n3A_2368 : vector<512x256xi1>, vector<512x256xf32>
    %jit3A_2393 = arith.constant 37 : i32
    %broadcast_in_dim3A_2394 = vector.broadcast %jit3A_2393 : i32 to vector<512x256xi32>
    %select_n3A_2395 = arith.select %lt3A_2391, %broadcast_in_dim3A_2394, %select_n3A_2371 : vector<512x256xi1>, vector<512x256xi32>
    %slice3A_2396 = vector.extract_strided_slice %add3A_15 {offsets = [0, 9728], sizes = [512, 256], strides = [1, 1]} : vector<512x10240xf32> to vector<512x256xf32>
    %eq3A_2397 = arith.constant 38 : i32
    %eq3A_2398 = vector.broadcast %eq3A_2397 : i32 to vector<512x256xi32>
    %eq3A_2399 = arith.cmpi eq, %select_n3A_260, %eq3A_2398 : vector<512x256xi32>
    %jit3A_2400 = arith.constant 0x7F800000 : f32
    %broadcast_in_dim3A_2401 = vector.broadcast %jit3A_2400 : f32 to vector<512x256xf32>
    %select_n3A_2402 = arith.select %eq3A_2399, %broadcast_in_dim3A_2401, %slice3A_2396 : vector<512x256xi1>, vector<512x256xf32>
    %eq3A_2403 = arith.constant 38 : i32
    %eq3A_2404 = vector.broadcast %eq3A_2403 : i32 to vector<512x256xi32>
    %eq3A_2405 = arith.cmpi eq, %select_n3A_749, %eq3A_2404 : vector<512x256xi32>
    %jit3A_2406 = arith.constant 0x7F800000 : f32
    %broadcast_in_dim3A_2407 = vector.broadcast %jit3A_2406 : f32 to vector<512x256xf32>
    %select_n3A_2408 = arith.select %eq3A_2405, %broadcast_in_dim3A_2407, %select_n3A_2402 : vector<512x256xi1>, vector<512x256xf32>
    %eq3A_2409 = arith.constant 38 : i32
    %eq3A_2410 = vector.broadcast %eq3A_2409 : i32 to vector<512x256xi32>
    %eq3A_2411 = arith.cmpi eq, %select_n3A_1479, %eq3A_2410 : vector<512x256xi32>
    %jit3A_2412 = arith.constant 0x7F800000 : f32
    %broadcast_in_dim3A_2413 = vector.broadcast %jit3A_2412 : f32 to vector<512x256xf32>
    %select_n3A_2414 = arith.select %eq3A_2411, %broadcast_in_dim3A_2413, %select_n3A_2408 : vector<512x256xi1>, vector<512x256xf32>
    %lt3A_2415 = arith.cmpf olt, %select_n3A_2414, %select_n3A_2392 : vector<512x256xf32>
    %select_n3A_2416 = arith.select %lt3A_2415, %select_n3A_2414, %select_n3A_2392 : vector<512x256xi1>, vector<512x256xf32>
    %jit3A_2417 = arith.constant 38 : i32
    %broadcast_in_dim3A_2418 = vector.broadcast %jit3A_2417 : i32 to vector<512x256xi32>
    %select_n3A_2419 = arith.select %lt3A_2415, %broadcast_in_dim3A_2418, %select_n3A_2395 : vector<512x256xi1>, vector<512x256xi32>
    %slice3A_2420 = vector.extract_strided_slice %add3A_15 {offsets = [0, 9984], sizes = [512, 256], strides = [1, 1]} : vector<512x10240xf32> to vector<512x256xf32>
    %ge3A_2421 = arith.constant 16 : i32
    %ge3A_2422 = vector.broadcast %ge3A_2421 : i32 to vector<512x256xi32>
    %ge3A_2423 = arith.cmpi sge, %iota3A, %ge3A_2422 : vector<512x256xi32>
    %jit3A_2424 = arith.constant 0x7F800000 : f32
    %broadcast_in_dim3A_2425 = vector.broadcast %jit3A_2424 : f32 to vector<512x256xf32>
    %select_n3A_2426 = arith.select %ge3A_2423, %broadcast_in_dim3A_2425, %slice3A_2420 : vector<512x256xi1>, vector<512x256xf32>
    %eq3A_2427 = arith.constant 39 : i32
    %eq3A_2428 = vector.broadcast %eq3A_2427 : i32 to vector<512x256xi32>
    %eq3A_2429 = arith.cmpi eq, %select_n3A_260, %eq3A_2428 : vector<512x256xi32>
    %jit3A_2430 = arith.constant 0x7F800000 : f32
    %broadcast_in_dim3A_2431 = vector.broadcast %jit3A_2430 : f32 to vector<512x256xf32>
    %select_n3A_2432 = arith.select %eq3A_2429, %broadcast_in_dim3A_2431, %select_n3A_2426 : vector<512x256xi1>, vector<512x256xf32>
    %eq3A_2433 = arith.constant 39 : i32
    %eq3A_2434 = vector.broadcast %eq3A_2433 : i32 to vector<512x256xi32>
    %eq3A_2435 = arith.cmpi eq, %select_n3A_749, %eq3A_2434 : vector<512x256xi32>
    %jit3A_2436 = arith.constant 0x7F800000 : f32
    %broadcast_in_dim3A_2437 = vector.broadcast %jit3A_2436 : f32 to vector<512x256xf32>
    %select_n3A_2438 = arith.select %eq3A_2435, %broadcast_in_dim3A_2437, %select_n3A_2432 : vector<512x256xi1>, vector<512x256xf32>
    %eq3A_2439 = arith.constant 39 : i32
    %eq3A_2440 = vector.broadcast %eq3A_2439 : i32 to vector<512x256xi32>
    %eq3A_2441 = arith.cmpi eq, %select_n3A_1479, %eq3A_2440 : vector<512x256xi32>
    %jit3A_2442 = arith.constant 0x7F800000 : f32
    %broadcast_in_dim3A_2443 = vector.broadcast %jit3A_2442 : f32 to vector<512x256xf32>
    %select_n3A_2444 = arith.select %eq3A_2441, %broadcast_in_dim3A_2443, %select_n3A_2438 : vector<512x256xi1>, vector<512x256xf32>
    %lt3A_2445 = arith.cmpf olt, %select_n3A_2444, %select_n3A_2416 : vector<512x256xf32>
    %select_n3A_2446 = arith.select %lt3A_2445, %select_n3A_2444, %select_n3A_2416 : vector<512x256xi1>, vector<512x256xf32>
    %jit3A_2447 = arith.constant 39 : i32
    %broadcast_in_dim3A_2448 = vector.broadcast %jit3A_2447 : i32 to vector<512x256xi32>
    %select_n3A_2449 = arith.select %lt3A_2445, %broadcast_in_dim3A_2448, %select_n3A_2419 : vector<512x256xi1>, vector<512x256xi32>
    %concatenate3A = tpu.concatenate %select_n3A_257, %select_n3A_746, %select_n3A_1476, %select_n3A_2446 in 1 : vector<512x256xf32>, vector<512x256xf32>, vector<512x256xf32>, vector<512x256xf32> -> vector<512x1024xf32>
    %mul3A_2450 = arith.constant 256 : i32
    %mul3A_2451 = vector.broadcast %mul3A_2450 : i32 to vector<512x256xi32>
    %mul3A_2452 = arith.muli %select_n3A_260, %mul3A_2451 : vector<512x256xi32>
    %add3A_2453 = arith.addi %mul3A_2452, %iota3A : vector<512x256xi32>
    %mul3A_2454 = arith.constant 256 : i32
    %mul3A_2455 = vector.broadcast %mul3A_2454 : i32 to vector<512x256xi32>
    %mul3A_2456 = arith.muli %select_n3A_749, %mul3A_2455 : vector<512x256xi32>
    %add3A_2457 = arith.addi %mul3A_2456, %iota3A : vector<512x256xi32>
    %mul3A_2458 = arith.constant 256 : i32
    %mul3A_2459 = vector.broadcast %mul3A_2458 : i32 to vector<512x256xi32>
    %mul3A_2460 = arith.muli %select_n3A_1479, %mul3A_2459 : vector<512x256xi32>
    %add3A_2461 = arith.addi %mul3A_2460, %iota3A : vector<512x256xi32>
    %mul3A_2462 = arith.constant 256 : i32
    %mul3A_2463 = vector.broadcast %mul3A_2462 : i32 to vector<512x256xi32>
    %mul3A_2464 = arith.muli %select_n3A_2449, %mul3A_2463 : vector<512x256xi32>
    %add3A_2465 = arith.addi %mul3A_2464, %iota3A : vector<512x256xi32>
    %concatenate3A_2466 = tpu.concatenate %add3A_2453, %add3A_2457, %add3A_2461, %add3A_2465 in 1 : vector<512x256xi32>, vector<512x256xi32>, vector<512x256xi32>, vector<512x256xi32> -> vector<512x1024xi32>
    %reduce_min3A = arith.constant dense<0x7F800000> : vector<512xf32>
    %reduce_min3A_2467 = vector.multi_reduction <minimumf>, %concatenate3A, %reduce_min3A [1] : vector<512x1024xf32> to vector<512xf32>
    %broadcast_in_dim3A_2468 = vector.shape_cast %reduce_min3A_2467 : vector<512xf32> to vector<512x1xf32>
    %eq3A_2469 = vector.broadcast %broadcast_in_dim3A_2468 : vector<512x1xf32> to vector<512x1024xf32>
    %eq3A_2470 = arith.cmpf oeq, %concatenate3A, %eq3A_2469 : vector<512x1024xf32>
    %jit3A_2471 = arith.constant 10240 : i32
    %broadcast_in_dim3A_2472 = vector.broadcast %jit3A_2471 : i32 to vector<512x1024xi32>
    %select_n3A_2473 = arith.select %eq3A_2470, %concatenate3A_2466, %broadcast_in_dim3A_2472 : vector<512x1024xi1>, vector<512x1024xi32>
    %reduce_min3A_2474 = arith.constant dense<2147483647> : vector<512xi32>
    %reduce_min3A_2475 = vector.multi_reduction <minsi>, %select_n3A_2473, %reduce_min3A_2474 [1] : vector<512x1024xi32> to vector<512xi32>
    %broadcast_in_dim3A_2476 = vector.shape_cast %reduce_min3A_2475 : vector<512xi32> to vector<512x1xi32>
    %eq3A_2477 = vector.broadcast %broadcast_in_dim3A_2476 : vector<512x1xi32> to vector<512x1024xi32>
    %eq3A_2478 = arith.cmpi eq, %concatenate3A_2466, %eq3A_2477 : vector<512x1024xi32>
    %jit3A_2479 = arith.constant 0x7F800000 : f32
    %broadcast_in_dim3A_2480 = vector.broadcast %jit3A_2479 : f32 to vector<512x1024xf32>
    %select_n3A_2481 = arith.select %eq3A_2478, %broadcast_in_dim3A_2480, %concatenate3A : vector<512x1024xi1>, vector<512x1024xf32>
    %reduce_min3A_2482 = arith.constant dense<0x7F800000> : vector<512xf32>
    %reduce_min3A_2483 = vector.multi_reduction <minimumf>, %select_n3A_2481, %reduce_min3A_2482 [1] : vector<512x1024xf32> to vector<512xf32>
    %broadcast_in_dim3A_2484 = vector.shape_cast %reduce_min3A_2483 : vector<512xf32> to vector<512x1xf32>
    %eq3A_2485 = vector.broadcast %broadcast_in_dim3A_2484 : vector<512x1xf32> to vector<512x1024xf32>
    %eq3A_2486 = arith.cmpf oeq, %select_n3A_2481, %eq3A_2485 : vector<512x1024xf32>
    %jit3A_2487 = arith.constant 10240 : i32
    %broadcast_in_dim3A_2488 = vector.broadcast %jit3A_2487 : i32 to vector<512x1024xi32>
    %select_n3A_2489 = arith.select %eq3A_2486, %concatenate3A_2466, %broadcast_in_dim3A_2488 : vector<512x1024xi1>, vector<512x1024xi32>
    %reduce_min3A_2490 = arith.constant dense<2147483647> : vector<512xi32>
    %reduce_min3A_2491 = vector.multi_reduction <minsi>, %select_n3A_2489, %reduce_min3A_2490 [1] : vector<512x1024xi32> to vector<512xi32>
    %broadcast_in_dim3A_2492 = vector.shape_cast %reduce_min3A_2491 : vector<512xi32> to vector<512x1xi32>
    %eq3A_2493 = vector.broadcast %broadcast_in_dim3A_2492 : vector<512x1xi32> to vector<512x1024xi32>
    %eq3A_2494 = arith.cmpi eq, %concatenate3A_2466, %eq3A_2493 : vector<512x1024xi32>
    %jit3A_2495 = arith.constant 0x7F800000 : f32
    %broadcast_in_dim3A_2496 = vector.broadcast %jit3A_2495 : f32 to vector<512x1024xf32>
    %select_n3A_2497 = arith.select %eq3A_2494, %broadcast_in_dim3A_2496, %select_n3A_2481 : vector<512x1024xi1>, vector<512x1024xf32>
    %reduce_min3A_2498 = arith.constant dense<0x7F800000> : vector<512xf32>
    %reduce_min3A_2499 = vector.multi_reduction <minimumf>, %select_n3A_2497, %reduce_min3A_2498 [1] : vector<512x1024xf32> to vector<512xf32>
    %broadcast_in_dim3A_2500 = vector.shape_cast %reduce_min3A_2499 : vector<512xf32> to vector<512x1xf32>
    %eq3A_2501 = vector.broadcast %broadcast_in_dim3A_2500 : vector<512x1xf32> to vector<512x1024xf32>
    %eq3A_2502 = arith.cmpf oeq, %select_n3A_2497, %eq3A_2501 : vector<512x1024xf32>
    %jit3A_2503 = arith.constant 10240 : i32
    %broadcast_in_dim3A_2504 = vector.broadcast %jit3A_2503 : i32 to vector<512x1024xi32>
    %select_n3A_2505 = arith.select %eq3A_2502, %concatenate3A_2466, %broadcast_in_dim3A_2504 : vector<512x1024xi1>, vector<512x1024xi32>
    %reduce_min3A_2506 = arith.constant dense<2147483647> : vector<512xi32>
    %reduce_min3A_2507 = vector.multi_reduction <minsi>, %select_n3A_2505, %reduce_min3A_2506 [1] : vector<512x1024xi32> to vector<512xi32>
    %broadcast_in_dim3A_2508 = vector.shape_cast %reduce_min3A_2507 : vector<512xi32> to vector<512x1xi32>
    %eq3A_2509 = vector.broadcast %broadcast_in_dim3A_2508 : vector<512x1xi32> to vector<512x1024xi32>
    %eq3A_2510 = arith.cmpi eq, %concatenate3A_2466, %eq3A_2509 : vector<512x1024xi32>
    %jit3A_2511 = arith.constant 0x7F800000 : f32
    %broadcast_in_dim3A_2512 = vector.broadcast %jit3A_2511 : f32 to vector<512x1024xf32>
    %select_n3A_2513 = arith.select %eq3A_2510, %broadcast_in_dim3A_2512, %select_n3A_2497 : vector<512x1024xi1>, vector<512x1024xf32>
    %reduce_min3A_2514 = arith.constant dense<0x7F800000> : vector<512xf32>
    %reduce_min3A_2515 = vector.multi_reduction <minimumf>, %select_n3A_2513, %reduce_min3A_2514 [1] : vector<512x1024xf32> to vector<512xf32>
    %broadcast_in_dim3A_2516 = vector.shape_cast %reduce_min3A_2515 : vector<512xf32> to vector<512x1xf32>
    %eq3A_2517 = vector.broadcast %broadcast_in_dim3A_2516 : vector<512x1xf32> to vector<512x1024xf32>
    %eq3A_2518 = arith.cmpf oeq, %select_n3A_2513, %eq3A_2517 : vector<512x1024xf32>
    %jit3A_2519 = arith.constant 10240 : i32
    %broadcast_in_dim3A_2520 = vector.broadcast %jit3A_2519 : i32 to vector<512x1024xi32>
    %select_n3A_2521 = arith.select %eq3A_2518, %concatenate3A_2466, %broadcast_in_dim3A_2520 : vector<512x1024xi1>, vector<512x1024xi32>
    %reduce_min3A_2522 = arith.constant dense<2147483647> : vector<512xi32>
    %reduce_min3A_2523 = vector.multi_reduction <minsi>, %select_n3A_2521, %reduce_min3A_2522 [1] : vector<512x1024xi32> to vector<512xi32>
    %broadcast_in_dim3A_2524 = vector.shape_cast %reduce_min3A_2523 : vector<512xi32> to vector<512x1xi32>
    %eq3A_2525 = vector.broadcast %broadcast_in_dim3A_2524 : vector<512x1xi32> to vector<512x1024xi32>
    %eq3A_2526 = arith.cmpi eq, %concatenate3A_2466, %eq3A_2525 : vector<512x1024xi32>
    %jit3A_2527 = arith.constant 0x7F800000 : f32
    %broadcast_in_dim3A_2528 = vector.broadcast %jit3A_2527 : f32 to vector<512x1024xf32>
    %select_n3A_2529 = arith.select %eq3A_2526, %broadcast_in_dim3A_2528, %select_n3A_2513 : vector<512x1024xi1>, vector<512x1024xf32>
    %reduce_min3A_2530 = arith.constant dense<0x7F800000> : vector<512xf32>
    %reduce_min3A_2531 = vector.multi_reduction <minimumf>, %select_n3A_2529, %reduce_min3A_2530 [1] : vector<512x1024xf32> to vector<512xf32>
    %broadcast_in_dim3A_2532 = vector.shape_cast %reduce_min3A_2531 : vector<512xf32> to vector<512x1xf32>
    %eq3A_2533 = vector.broadcast %broadcast_in_dim3A_2532 : vector<512x1xf32> to vector<512x1024xf32>
    %eq3A_2534 = arith.cmpf oeq, %select_n3A_2529, %eq3A_2533 : vector<512x1024xf32>
    %jit3A_2535 = arith.constant 10240 : i32
    %broadcast_in_dim3A_2536 = vector.broadcast %jit3A_2535 : i32 to vector<512x1024xi32>
    %select_n3A_2537 = arith.select %eq3A_2534, %concatenate3A_2466, %broadcast_in_dim3A_2536 : vector<512x1024xi1>, vector<512x1024xi32>
    %reduce_min3A_2538 = arith.constant dense<2147483647> : vector<512xi32>
    %reduce_min3A_2539 = vector.multi_reduction <minsi>, %select_n3A_2537, %reduce_min3A_2538 [1] : vector<512x1024xi32> to vector<512xi32>
    %broadcast_in_dim3A_2540 = vector.shape_cast %reduce_min3A_2539 : vector<512xi32> to vector<512x1xi32>
    %eq3A_2541 = vector.broadcast %broadcast_in_dim3A_2540 : vector<512x1xi32> to vector<512x1024xi32>
    %eq3A_2542 = arith.cmpi eq, %concatenate3A_2466, %eq3A_2541 : vector<512x1024xi32>
    %jit3A_2543 = arith.constant 0x7F800000 : f32
    %broadcast_in_dim3A_2544 = vector.broadcast %jit3A_2543 : f32 to vector<512x1024xf32>
    %select_n3A_2545 = arith.select %eq3A_2542, %broadcast_in_dim3A_2544, %select_n3A_2529 : vector<512x1024xi1>, vector<512x1024xf32>
    %reduce_min3A_2546 = arith.constant dense<0x7F800000> : vector<512xf32>
    %reduce_min3A_2547 = vector.multi_reduction <minimumf>, %select_n3A_2545, %reduce_min3A_2546 [1] : vector<512x1024xf32> to vector<512xf32>
    %broadcast_in_dim3A_2548 = vector.shape_cast %reduce_min3A_2547 : vector<512xf32> to vector<512x1xf32>
    %eq3A_2549 = vector.broadcast %broadcast_in_dim3A_2548 : vector<512x1xf32> to vector<512x1024xf32>
    %eq3A_2550 = arith.cmpf oeq, %select_n3A_2545, %eq3A_2549 : vector<512x1024xf32>
    %jit3A_2551 = arith.constant 10240 : i32
    %broadcast_in_dim3A_2552 = vector.broadcast %jit3A_2551 : i32 to vector<512x1024xi32>
    %select_n3A_2553 = arith.select %eq3A_2550, %concatenate3A_2466, %broadcast_in_dim3A_2552 : vector<512x1024xi1>, vector<512x1024xi32>
    %reduce_min3A_2554 = arith.constant dense<2147483647> : vector<512xi32>
    %reduce_min3A_2555 = vector.multi_reduction <minsi>, %select_n3A_2553, %reduce_min3A_2554 [1] : vector<512x1024xi32> to vector<512xi32>
    %broadcast_in_dim3A_2556 = vector.shape_cast %reduce_min3A_2555 : vector<512xi32> to vector<512x1xi32>
    %eq3A_2557 = vector.broadcast %broadcast_in_dim3A_2556 : vector<512x1xi32> to vector<512x1024xi32>
    %eq3A_2558 = arith.cmpi eq, %concatenate3A_2466, %eq3A_2557 : vector<512x1024xi32>
    %jit3A_2559 = arith.constant 0x7F800000 : f32
    %broadcast_in_dim3A_2560 = vector.broadcast %jit3A_2559 : f32 to vector<512x1024xf32>
    %select_n3A_2561 = arith.select %eq3A_2558, %broadcast_in_dim3A_2560, %select_n3A_2545 : vector<512x1024xi1>, vector<512x1024xf32>
    %reduce_min3A_2562 = arith.constant dense<0x7F800000> : vector<512xf32>
    %reduce_min3A_2563 = vector.multi_reduction <minimumf>, %select_n3A_2561, %reduce_min3A_2562 [1] : vector<512x1024xf32> to vector<512xf32>
    %broadcast_in_dim3A_2564 = vector.shape_cast %reduce_min3A_2563 : vector<512xf32> to vector<512x1xf32>
    %eq3A_2565 = vector.broadcast %broadcast_in_dim3A_2564 : vector<512x1xf32> to vector<512x1024xf32>
    %eq3A_2566 = arith.cmpf oeq, %select_n3A_2561, %eq3A_2565 : vector<512x1024xf32>
    %jit3A_2567 = arith.constant 10240 : i32
    %broadcast_in_dim3A_2568 = vector.broadcast %jit3A_2567 : i32 to vector<512x1024xi32>
    %select_n3A_2569 = arith.select %eq3A_2566, %concatenate3A_2466, %broadcast_in_dim3A_2568 : vector<512x1024xi1>, vector<512x1024xi32>
    %reduce_min3A_2570 = arith.constant dense<2147483647> : vector<512xi32>
    %reduce_min3A_2571 = vector.multi_reduction <minsi>, %select_n3A_2569, %reduce_min3A_2570 [1] : vector<512x1024xi32> to vector<512xi32>
    %broadcast_in_dim3A_2572 = vector.shape_cast %reduce_min3A_2571 : vector<512xi32> to vector<512x1xi32>
    %eq3A_2573 = vector.broadcast %broadcast_in_dim3A_2572 : vector<512x1xi32> to vector<512x1024xi32>
    %eq3A_2574 = arith.cmpi eq, %concatenate3A_2466, %eq3A_2573 : vector<512x1024xi32>
    %jit3A_2575 = arith.constant 0x7F800000 : f32
    %broadcast_in_dim3A_2576 = vector.broadcast %jit3A_2575 : f32 to vector<512x1024xf32>
    %select_n3A_2577 = arith.select %eq3A_2574, %broadcast_in_dim3A_2576, %select_n3A_2561 : vector<512x1024xi1>, vector<512x1024xf32>
    %reduce_min3A_2578 = arith.constant dense<0x7F800000> : vector<512xf32>
    %reduce_min3A_2579 = vector.multi_reduction <minimumf>, %select_n3A_2577, %reduce_min3A_2578 [1] : vector<512x1024xf32> to vector<512xf32>
    %broadcast_in_dim3A_2580 = vector.shape_cast %reduce_min3A_2579 : vector<512xf32> to vector<512x1xf32>
    %eq3A_2581 = vector.broadcast %broadcast_in_dim3A_2580 : vector<512x1xf32> to vector<512x1024xf32>
    %eq3A_2582 = arith.cmpf oeq, %select_n3A_2577, %eq3A_2581 : vector<512x1024xf32>
    %jit3A_2583 = arith.constant 10240 : i32
    %broadcast_in_dim3A_2584 = vector.broadcast %jit3A_2583 : i32 to vector<512x1024xi32>
    %select_n3A_2585 = arith.select %eq3A_2582, %concatenate3A_2466, %broadcast_in_dim3A_2584 : vector<512x1024xi1>, vector<512x1024xi32>
    %reduce_min3A_2586 = arith.constant dense<2147483647> : vector<512xi32>
    %reduce_min3A_2587 = vector.multi_reduction <minsi>, %select_n3A_2585, %reduce_min3A_2586 [1] : vector<512x1024xi32> to vector<512xi32>
    %broadcast_in_dim3A_2588 = vector.shape_cast %reduce_min3A_2587 : vector<512xi32> to vector<512x1xi32>
    %eq3A_2589 = vector.broadcast %broadcast_in_dim3A_2588 : vector<512x1xi32> to vector<512x1024xi32>
    %eq3A_2590 = arith.cmpi eq, %concatenate3A_2466, %eq3A_2589 : vector<512x1024xi32>
    %jit3A_2591 = arith.constant 0x7F800000 : f32
    %broadcast_in_dim3A_2592 = vector.broadcast %jit3A_2591 : f32 to vector<512x1024xf32>
    %select_n3A_2593 = arith.select %eq3A_2590, %broadcast_in_dim3A_2592, %select_n3A_2577 : vector<512x1024xi1>, vector<512x1024xf32>
    %reduce_min3A_2594 = arith.constant dense<0x7F800000> : vector<512xf32>
    %reduce_min3A_2595 = vector.multi_reduction <minimumf>, %select_n3A_2593, %reduce_min3A_2594 [1] : vector<512x1024xf32> to vector<512xf32>
    %broadcast_in_dim3A_2596 = vector.shape_cast %reduce_min3A_2595 : vector<512xf32> to vector<512x1xf32>
    %eq3A_2597 = vector.broadcast %broadcast_in_dim3A_2596 : vector<512x1xf32> to vector<512x1024xf32>
    %eq3A_2598 = arith.cmpf oeq, %select_n3A_2593, %eq3A_2597 : vector<512x1024xf32>
    %jit3A_2599 = arith.constant 10240 : i32
    %broadcast_in_dim3A_2600 = vector.broadcast %jit3A_2599 : i32 to vector<512x1024xi32>
    %select_n3A_2601 = arith.select %eq3A_2598, %concatenate3A_2466, %broadcast_in_dim3A_2600 : vector<512x1024xi1>, vector<512x1024xi32>
    %reduce_min3A_2602 = arith.constant dense<2147483647> : vector<512xi32>
    %reduce_min3A_2603 = vector.multi_reduction <minsi>, %select_n3A_2601, %reduce_min3A_2602 [1] : vector<512x1024xi32> to vector<512xi32>
    %broadcast_in_dim3A_2604 = vector.shape_cast %reduce_min3A_2603 : vector<512xi32> to vector<512x1xi32>
    %eq3A_2605 = vector.broadcast %broadcast_in_dim3A_2604 : vector<512x1xi32> to vector<512x1024xi32>
    %eq3A_2606 = arith.cmpi eq, %concatenate3A_2466, %eq3A_2605 : vector<512x1024xi32>
    %jit3A_2607 = arith.constant 0x7F800000 : f32
    %broadcast_in_dim3A_2608 = vector.broadcast %jit3A_2607 : f32 to vector<512x1024xf32>
    %select_n3A_2609 = arith.select %eq3A_2606, %broadcast_in_dim3A_2608, %select_n3A_2593 : vector<512x1024xi1>, vector<512x1024xf32>
    %reduce_min3A_2610 = arith.constant dense<0x7F800000> : vector<512xf32>
    %reduce_min3A_2611 = vector.multi_reduction <minimumf>, %select_n3A_2609, %reduce_min3A_2610 [1] : vector<512x1024xf32> to vector<512xf32>
    %broadcast_in_dim3A_2612 = vector.shape_cast %reduce_min3A_2611 : vector<512xf32> to vector<512x1xf32>
    %eq3A_2613 = vector.broadcast %broadcast_in_dim3A_2612 : vector<512x1xf32> to vector<512x1024xf32>
    %eq3A_2614 = arith.cmpf oeq, %select_n3A_2609, %eq3A_2613 : vector<512x1024xf32>
    %jit3A_2615 = arith.constant 10240 : i32
    %broadcast_in_dim3A_2616 = vector.broadcast %jit3A_2615 : i32 to vector<512x1024xi32>
    %select_n3A_2617 = arith.select %eq3A_2614, %concatenate3A_2466, %broadcast_in_dim3A_2616 : vector<512x1024xi1>, vector<512x1024xi32>
    %reduce_min3A_2618 = arith.constant dense<2147483647> : vector<512xi32>
    %reduce_min3A_2619 = vector.multi_reduction <minsi>, %select_n3A_2617, %reduce_min3A_2618 [1] : vector<512x1024xi32> to vector<512xi32>
    %broadcast_in_dim3A_2620 = vector.shape_cast %reduce_min3A_2619 : vector<512xi32> to vector<512x1xi32>
    %eq3A_2621 = vector.broadcast %broadcast_in_dim3A_2620 : vector<512x1xi32> to vector<512x1024xi32>
    %eq3A_2622 = arith.cmpi eq, %concatenate3A_2466, %eq3A_2621 : vector<512x1024xi32>
    %jit3A_2623 = arith.constant 0x7F800000 : f32
    %broadcast_in_dim3A_2624 = vector.broadcast %jit3A_2623 : f32 to vector<512x1024xf32>
    %select_n3A_2625 = arith.select %eq3A_2622, %broadcast_in_dim3A_2624, %select_n3A_2609 : vector<512x1024xi1>, vector<512x1024xf32>
    %reduce_min3A_2626 = arith.constant dense<0x7F800000> : vector<512xf32>
    %reduce_min3A_2627 = vector.multi_reduction <minimumf>, %select_n3A_2625, %reduce_min3A_2626 [1] : vector<512x1024xf32> to vector<512xf32>
    %broadcast_in_dim3A_2628 = vector.shape_cast %reduce_min3A_2627 : vector<512xf32> to vector<512x1xf32>
    %eq3A_2629 = vector.broadcast %broadcast_in_dim3A_2628 : vector<512x1xf32> to vector<512x1024xf32>
    %eq3A_2630 = arith.cmpf oeq, %select_n3A_2625, %eq3A_2629 : vector<512x1024xf32>
    %jit3A_2631 = arith.constant 10240 : i32
    %broadcast_in_dim3A_2632 = vector.broadcast %jit3A_2631 : i32 to vector<512x1024xi32>
    %select_n3A_2633 = arith.select %eq3A_2630, %concatenate3A_2466, %broadcast_in_dim3A_2632 : vector<512x1024xi1>, vector<512x1024xi32>
    %reduce_min3A_2634 = arith.constant dense<2147483647> : vector<512xi32>
    %reduce_min3A_2635 = vector.multi_reduction <minsi>, %select_n3A_2633, %reduce_min3A_2634 [1] : vector<512x1024xi32> to vector<512xi32>
    %broadcast_in_dim3A_2636 = vector.shape_cast %reduce_min3A_2635 : vector<512xi32> to vector<512x1xi32>
    %eq3A_2637 = vector.broadcast %broadcast_in_dim3A_2636 : vector<512x1xi32> to vector<512x1024xi32>
    %eq3A_2638 = arith.cmpi eq, %concatenate3A_2466, %eq3A_2637 : vector<512x1024xi32>
    %jit3A_2639 = arith.constant 0x7F800000 : f32
    %broadcast_in_dim3A_2640 = vector.broadcast %jit3A_2639 : f32 to vector<512x1024xf32>
    %select_n3A_2641 = arith.select %eq3A_2638, %broadcast_in_dim3A_2640, %select_n3A_2625 : vector<512x1024xi1>, vector<512x1024xf32>
    %reduce_min3A_2642 = arith.constant dense<0x7F800000> : vector<512xf32>
    %reduce_min3A_2643 = vector.multi_reduction <minimumf>, %select_n3A_2641, %reduce_min3A_2642 [1] : vector<512x1024xf32> to vector<512xf32>
    %broadcast_in_dim3A_2644 = vector.shape_cast %reduce_min3A_2643 : vector<512xf32> to vector<512x1xf32>
    %eq3A_2645 = vector.broadcast %broadcast_in_dim3A_2644 : vector<512x1xf32> to vector<512x1024xf32>
    %eq3A_2646 = arith.cmpf oeq, %select_n3A_2641, %eq3A_2645 : vector<512x1024xf32>
    %jit3A_2647 = arith.constant 10240 : i32
    %broadcast_in_dim3A_2648 = vector.broadcast %jit3A_2647 : i32 to vector<512x1024xi32>
    %select_n3A_2649 = arith.select %eq3A_2646, %concatenate3A_2466, %broadcast_in_dim3A_2648 : vector<512x1024xi1>, vector<512x1024xi32>
    %reduce_min3A_2650 = arith.constant dense<2147483647> : vector<512xi32>
    %reduce_min3A_2651 = vector.multi_reduction <minsi>, %select_n3A_2649, %reduce_min3A_2650 [1] : vector<512x1024xi32> to vector<512xi32>
    %broadcast_in_dim3A_2652 = vector.shape_cast %reduce_min3A_2651 : vector<512xi32> to vector<512x1xi32>
    %eq3A_2653 = vector.broadcast %broadcast_in_dim3A_2652 : vector<512x1xi32> to vector<512x1024xi32>
    %eq3A_2654 = arith.cmpi eq, %concatenate3A_2466, %eq3A_2653 : vector<512x1024xi32>
    %jit3A_2655 = arith.constant 0x7F800000 : f32
    %broadcast_in_dim3A_2656 = vector.broadcast %jit3A_2655 : f32 to vector<512x1024xf32>
    %select_n3A_2657 = arith.select %eq3A_2654, %broadcast_in_dim3A_2656, %select_n3A_2641 : vector<512x1024xi1>, vector<512x1024xf32>
    %reduce_min3A_2658 = arith.constant dense<0x7F800000> : vector<512xf32>
    %reduce_min3A_2659 = vector.multi_reduction <minimumf>, %select_n3A_2657, %reduce_min3A_2658 [1] : vector<512x1024xf32> to vector<512xf32>
    %broadcast_in_dim3A_2660 = vector.shape_cast %reduce_min3A_2659 : vector<512xf32> to vector<512x1xf32>
    %eq3A_2661 = vector.broadcast %broadcast_in_dim3A_2660 : vector<512x1xf32> to vector<512x1024xf32>
    %eq3A_2662 = arith.cmpf oeq, %select_n3A_2657, %eq3A_2661 : vector<512x1024xf32>
    %jit3A_2663 = arith.constant 10240 : i32
    %broadcast_in_dim3A_2664 = vector.broadcast %jit3A_2663 : i32 to vector<512x1024xi32>
    %select_n3A_2665 = arith.select %eq3A_2662, %concatenate3A_2466, %broadcast_in_dim3A_2664 : vector<512x1024xi1>, vector<512x1024xi32>
    %reduce_min3A_2666 = arith.constant dense<2147483647> : vector<512xi32>
    %reduce_min3A_2667 = vector.multi_reduction <minsi>, %select_n3A_2665, %reduce_min3A_2666 [1] : vector<512x1024xi32> to vector<512xi32>
    %broadcast_in_dim3A_2668 = vector.shape_cast %reduce_min3A_2667 : vector<512xi32> to vector<512x1xi32>
    %eq3A_2669 = vector.broadcast %broadcast_in_dim3A_2668 : vector<512x1xi32> to vector<512x1024xi32>
    %eq3A_2670 = arith.cmpi eq, %concatenate3A_2466, %eq3A_2669 : vector<512x1024xi32>
    %jit3A_2671 = arith.constant 0x7F800000 : f32
    %broadcast_in_dim3A_2672 = vector.broadcast %jit3A_2671 : f32 to vector<512x1024xf32>
    %select_n3A_2673 = arith.select %eq3A_2670, %broadcast_in_dim3A_2672, %select_n3A_2657 : vector<512x1024xi1>, vector<512x1024xf32>
    %reduce_min3A_2674 = arith.constant dense<0x7F800000> : vector<512xf32>
    %reduce_min3A_2675 = vector.multi_reduction <minimumf>, %select_n3A_2673, %reduce_min3A_2674 [1] : vector<512x1024xf32> to vector<512xf32>
    %broadcast_in_dim3A_2676 = vector.shape_cast %reduce_min3A_2675 : vector<512xf32> to vector<512x1xf32>
    %eq3A_2677 = vector.broadcast %broadcast_in_dim3A_2676 : vector<512x1xf32> to vector<512x1024xf32>
    %eq3A_2678 = arith.cmpf oeq, %select_n3A_2673, %eq3A_2677 : vector<512x1024xf32>
    %jit3A_2679 = arith.constant 10240 : i32
    %broadcast_in_dim3A_2680 = vector.broadcast %jit3A_2679 : i32 to vector<512x1024xi32>
    %select_n3A_2681 = arith.select %eq3A_2678, %concatenate3A_2466, %broadcast_in_dim3A_2680 : vector<512x1024xi1>, vector<512x1024xi32>
    %reduce_min3A_2682 = arith.constant dense<2147483647> : vector<512xi32>
    %reduce_min3A_2683 = vector.multi_reduction <minsi>, %select_n3A_2681, %reduce_min3A_2682 [1] : vector<512x1024xi32> to vector<512xi32>
    %broadcast_in_dim3A_2684 = vector.shape_cast %reduce_min3A_2683 : vector<512xi32> to vector<512x1xi32>
    %eq3A_2685 = vector.broadcast %broadcast_in_dim3A_2684 : vector<512x1xi32> to vector<512x1024xi32>
    %eq3A_2686 = arith.cmpi eq, %concatenate3A_2466, %eq3A_2685 : vector<512x1024xi32>
    %jit3A_2687 = arith.constant 0x7F800000 : f32
    %broadcast_in_dim3A_2688 = vector.broadcast %jit3A_2687 : f32 to vector<512x1024xf32>
    %select_n3A_2689 = arith.select %eq3A_2686, %broadcast_in_dim3A_2688, %select_n3A_2673 : vector<512x1024xi1>, vector<512x1024xf32>
    %reduce_min3A_2690 = arith.constant dense<0x7F800000> : vector<512xf32>
    %reduce_min3A_2691 = vector.multi_reduction <minimumf>, %select_n3A_2689, %reduce_min3A_2690 [1] : vector<512x1024xf32> to vector<512xf32>
    %broadcast_in_dim3A_2692 = vector.shape_cast %reduce_min3A_2691 : vector<512xf32> to vector<512x1xf32>
    %eq3A_2693 = vector.broadcast %broadcast_in_dim3A_2692 : vector<512x1xf32> to vector<512x1024xf32>
    %eq3A_2694 = arith.cmpf oeq, %select_n3A_2689, %eq3A_2693 : vector<512x1024xf32>
    %jit3A_2695 = arith.constant 10240 : i32
    %broadcast_in_dim3A_2696 = vector.broadcast %jit3A_2695 : i32 to vector<512x1024xi32>
    %select_n3A_2697 = arith.select %eq3A_2694, %concatenate3A_2466, %broadcast_in_dim3A_2696 : vector<512x1024xi1>, vector<512x1024xi32>
    %reduce_min3A_2698 = arith.constant dense<2147483647> : vector<512xi32>
    %reduce_min3A_2699 = vector.multi_reduction <minsi>, %select_n3A_2697, %reduce_min3A_2698 [1] : vector<512x1024xi32> to vector<512xi32>
    %broadcast_in_dim3A_2700 = vector.shape_cast %reduce_min3A_2699 : vector<512xi32> to vector<512x1xi32>
    %eq3A_2701 = vector.broadcast %broadcast_in_dim3A_2700 : vector<512x1xi32> to vector<512x1024xi32>
    %eq3A_2702 = arith.cmpi eq, %concatenate3A_2466, %eq3A_2701 : vector<512x1024xi32>
    %jit3A_2703 = arith.constant 0x7F800000 : f32
    %broadcast_in_dim3A_2704 = vector.broadcast %jit3A_2703 : f32 to vector<512x1024xf32>
    %select_n3A_2705 = arith.select %eq3A_2702, %broadcast_in_dim3A_2704, %select_n3A_2689 : vector<512x1024xi1>, vector<512x1024xf32>
    %reduce_min3A_2706 = arith.constant dense<0x7F800000> : vector<512xf32>
    %reduce_min3A_2707 = vector.multi_reduction <minimumf>, %select_n3A_2705, %reduce_min3A_2706 [1] : vector<512x1024xf32> to vector<512xf32>
    %broadcast_in_dim3A_2708 = vector.shape_cast %reduce_min3A_2707 : vector<512xf32> to vector<512x1xf32>
    %eq3A_2709 = vector.broadcast %broadcast_in_dim3A_2708 : vector<512x1xf32> to vector<512x1024xf32>
    %eq3A_2710 = arith.cmpf oeq, %select_n3A_2705, %eq3A_2709 : vector<512x1024xf32>
    %jit3A_2711 = arith.constant 10240 : i32
    %broadcast_in_dim3A_2712 = vector.broadcast %jit3A_2711 : i32 to vector<512x1024xi32>
    %select_n3A_2713 = arith.select %eq3A_2710, %concatenate3A_2466, %broadcast_in_dim3A_2712 : vector<512x1024xi1>, vector<512x1024xi32>
    %reduce_min3A_2714 = arith.constant dense<2147483647> : vector<512xi32>
    %reduce_min3A_2715 = vector.multi_reduction <minsi>, %select_n3A_2713, %reduce_min3A_2714 [1] : vector<512x1024xi32> to vector<512xi32>
    %broadcast_in_dim3A_2716 = vector.shape_cast %reduce_min3A_2715 : vector<512xi32> to vector<512x1xi32>
    %concatenate3A_2717 = tpu.concatenate %broadcast_in_dim3A_2476, %broadcast_in_dim3A_2492, %broadcast_in_dim3A_2508, %broadcast_in_dim3A_2524, %broadcast_in_dim3A_2540, %broadcast_in_dim3A_2556, %broadcast_in_dim3A_2572, %broadcast_in_dim3A_2588, %broadcast_in_dim3A_2604, %broadcast_in_dim3A_2620, %broadcast_in_dim3A_2636, %broadcast_in_dim3A_2652, %broadcast_in_dim3A_2668, %broadcast_in_dim3A_2684, %broadcast_in_dim3A_2700, %broadcast_in_dim3A_2716 in 1 : vector<512x1xi32>, vector<512x1xi32>, vector<512x1xi32>, vector<512x1xi32>, vector<512x1xi32>, vector<512x1xi32>, vector<512x1xi32>, vector<512x1xi32>, vector<512x1xi32>, vector<512x1xi32>, vector<512x1xi32>, vector<512x1xi32>, vector<512x1xi32>, vector<512x1xi32>, vector<512x1xi32>, vector<512x1xi32> -> vector<512x16xi32>
    %swap3A = arith.constant 0 : index
    %swap3A_2718 = arith.constant 0 : index
    %swap3A_2719 = vector.load %arg4[%swap3A, %swap3A_2718] : memref<512x16xi32, #tpu.memory_space<vmem>>, vector<512x16xi32>
    tpu.vector_store %arg4[%swap3A, %swap3A_2718], %concatenate3A_2717 {strides = array<i32>} : memref<512x16xi32, #tpu.memory_space<vmem>>, vector<512x16xi32>,
    return
  }
  func.func @transform_0(%arg0: i32) -> (i32, i32) {
    %c0_i32 = arith.constant 0 : i32
    %c0_i32_0 = arith.constant 0 : i32
    return %arg0, %c0_i32 : i32, i32
  }
  func.func @transform_1(%arg0: i32) -> (i32, i32) {
    %c0_i32 = arith.constant 0 : i32
    %c0_i32_0 = arith.constant 0 : i32
    %c0_i32_1 = arith.constant 0 : i32
    return %c0_i32, %c0_i32_0 : i32, i32
  }
  func.func @transform_2(%arg0: i32) -> (i32, i32) {
    %c0_i32 = arith.constant 0 : i32
    %c0_i32_0 = arith.constant 0 : i32
    %c0_i32_1 = arith.constant 0 : i32
    return %c0_i32, %c0_i32_0 : i32, i32
  }
  func.func @transform_3(%arg0: i32) -> (i32, i32) {
    %c0_i32 = arith.constant 0 : i32
    %c0_i32_0 = arith.constant 0 : i32
    return %arg0, %c0_i32 : i32, i32
  }
}

module attributes {stable_mosaic.version = 14 : i64} {
  func.func @_attn_body(%arg0: i32, %arg1: memref<4096x128xf32, #tpu.memory_space<vmem>>, %arg2: memref<4096x128xf32, #tpu.memory_space<vmem>>, %arg3: memref<256x128xf32, #tpu.memory_space<vmem>>, %arg4: memref<256x128xf32, #tpu.memory_space<vmem>>, %arg5: memref<128x128xf32, #tpu.memory_space<vmem>>, %arg6: memref<1x128xf32, #tpu.memory_space<vmem>>, %arg7: memref<128x128xf32, #tpu.memory_space<vmem>>, %arg8: memref<1x128xf32, #tpu.memory_space<vmem>>, %arg9: memref<128x128xf32, #tpu.memory_space<vmem>>, %arg10: memref<1x128xf32, #tpu.memory_space<vmem>>, %arg11: memref<16x16xf32, #tpu.memory_space<vmem>>, %arg12: memref<1x16xf32, #tpu.memory_space<vmem>>, %arg13: memref<1x16xf32, #tpu.memory_space<vmem>>, %arg14: memref<1x16xf32, #tpu.memory_space<vmem>>, %arg15: memref<16x128xf32, #tpu.memory_space<vmem>>, %arg16: memref<1x128xf32, #tpu.memory_space<vmem>>, %arg17: memref<1x128xf32, #tpu.memory_space<vmem>>, %arg18: memref<1x128xf32, #tpu.memory_space<vmem>>, %arg19: memref<128x16xf32, #tpu.memory_space<vmem>>, %arg20: memref<1x16xf32, #tpu.memory_space<vmem>>, %arg21: memref<1x16xf32, #tpu.memory_space<vmem>>, %arg22: memref<1x16xf32, #tpu.memory_space<vmem>>, %arg23: memref<16x16xf32, #tpu.memory_space<vmem>>, %arg24: memref<1x16xf32, #tpu.memory_space<vmem>>, %arg25: memref<16x128xf32, #tpu.memory_space<vmem>>, %arg26: memref<256x128xf32, #tpu.memory_space<vmem>>) attributes {dimension_semantics = [#tpu.dimension_semantics<arbitrary>], iteration_bounds = array<i64: 20>, scalar_prefetch = 0 : i64, scratch_operands = 0 : i64, tpu.core_type = #tpu.core_type<tc>, window_params = [{transform_indices = @transform_0, window_bounds = array<i64: 4096, 128>}, {transform_indices = @transform_1, window_bounds = array<i64: 4096, 128>}, {transform_indices = @transform_2, window_bounds = array<i64: 256, 128>}, {transform_indices = @transform_3, window_bounds = array<i64: 256, 128>}, {pipeline_mode = #tpu.pipeline_mode<synchronous>, transform_indices = @transform_4, window_bounds = array<i64: 128, 128>}, {pipeline_mode = #tpu.pipeline_mode<synchronous>, transform_indices = @transform_5, window_bounds = array<i64: 1, 128>}, {pipeline_mode = #tpu.pipeline_mode<synchronous>, transform_indices = @transform_6, window_bounds = array<i64: 128, 128>}, {pipeline_mode = #tpu.pipeline_mode<synchronous>, transform_indices = @transform_7, window_bounds = array<i64: 1, 128>}, {pipeline_mode = #tpu.pipeline_mode<synchronous>, transform_indices = @transform_8, window_bounds = array<i64: 128, 128>}, {pipeline_mode = #tpu.pipeline_mode<synchronous>, transform_indices = @transform_9, window_bounds = array<i64: 1, 128>}, {pipeline_mode = #tpu.pipeline_mode<synchronous>, transform_indices = @transform_10, window_bounds = array<i64: 16, 16>}, {pipeline_mode = #tpu.pipeline_mode<synchronous>, transform_indices = @transform_11, window_bounds = array<i64: 1, 16>}, {pipeline_mode = #tpu.pipeline_mode<synchronous>, transform_indices = @transform_12, window_bounds = array<i64: 1, 16>}, {pipeline_mode = #tpu.pipeline_mode<synchronous>, transform_indices = @transform_13, window_bounds = array<i64: 1, 16>}, {pipeline_mode = #tpu.pipeline_mode<synchronous>, transform_indices = @transform_14, window_bounds = array<i64: 16, 128>}, {pipeline_mode = #tpu.pipeline_mode<synchronous>, transform_indices = @transform_15, window_bounds = array<i64: 1, 128>}, {pipeline_mode = #tpu.pipeline_mode<synchronous>, transform_indices = @transform_16, window_bounds = array<i64: 1, 128>}, {pipeline_mode = #tpu.pipeline_mode<synchronous>, transform_indices = @transform_17, window_bounds = array<i64: 1, 128>}, {pipeline_mode = #tpu.pipeline_mode<synchronous>, transform_indices = @transform_18, window_bounds = array<i64: 128, 16>}, {pipeline_mode = #tpu.pipeline_mode<synchronous>, transform_indices = @transform_19, window_bounds = array<i64: 1, 16>}, {pipeline_mode = #tpu.pipeline_mode<synchronous>, transform_indices = @transform_20, window_bounds = array<i64: 1, 16>}, {pipeline_mode = #tpu.pipeline_mode<synchronous>, transform_indices = @transform_21, window_bounds = array<i64: 1, 16>}, {pipeline_mode = #tpu.pipeline_mode<synchronous>, transform_indices = @transform_22, window_bounds = array<i64: 16, 16>}, {pipeline_mode = #tpu.pipeline_mode<synchronous>, transform_indices = @transform_23, window_bounds = array<i64: 1, 16>}, {pipeline_mode = #tpu.pipeline_mode<synchronous>, transform_indices = @transform_24, window_bounds = array<i64: 16, 128>}, {transform_indices = @transform_25, window_bounds = array<i64: 256, 128>}]} {
    %get3A = arith.constant 0 : index
    %get3A_0 = arith.constant 0 : index
    %get3A_1 = vector.load %arg1[%get3A, %get3A_0] : memref<4096x128xf32, #tpu.memory_space<vmem>>, vector<4096x128xf32>
    %get3A_2 = arith.constant 0 : index
    %get3A_3 = arith.constant 0 : index
    %get3A_4 = vector.load %arg7[%get3A_2, %get3A_3] : memref<128x128xf32, #tpu.memory_space<vmem>>, vector<128x128xf32>
    %dot_general3A = arith.constant dense<0.000000e+00> : vector<4096x128xf32>
    %dot_general3A_5 = tpu.matmul %get3A_1, %get3A_4, %dot_general3A {dimension_numbers = #tpu.dot_dimension_numbers<[1], [0], [0], [1], [0, 0, 1, 1], [], []>, transpose_lhs_hint = false} : vector<4096x128xf32>, vector<128x128xf32>, vector<4096x128xf32> -> vector<4096x128xf32>
    %get3A_6 = arith.constant 0 : index
    %get3A_7 = arith.constant 0 : index
    %get3A_8 = vector.load %arg8[%get3A_6, %get3A_7] : memref<1x128xf32, #tpu.memory_space<vmem>>, vector<1x128xf32>
    %add3A = vector.broadcast %get3A_8 : vector<1x128xf32> to vector<4096x128xf32>
    %add3A_9 = arith.addf %dot_general3A_5, %add3A : vector<4096x128xf32>
    %get3A_10 = arith.constant 0 : index
    %get3A_11 = arith.constant 0 : index
    %get3A_12 = vector.load %arg9[%get3A_10, %get3A_11] : memref<128x128xf32, #tpu.memory_space<vmem>>, vector<128x128xf32>
    %dot_general3A_13 = arith.constant dense<0.000000e+00> : vector<4096x128xf32>
    %dot_general3A_14 = tpu.matmul %get3A_1, %get3A_12, %dot_general3A_13 {dimension_numbers = #tpu.dot_dimension_numbers<[1], [0], [0], [1], [0, 0, 1, 1], [], []>, transpose_lhs_hint = false} : vector<4096x128xf32>, vector<128x128xf32>, vector<4096x128xf32> -> vector<4096x128xf32>
    %get3A_15 = arith.constant 0 : index
    %get3A_16 = arith.constant 0 : index
    %get3A_17 = vector.load %arg10[%get3A_15, %get3A_16] : memref<1x128xf32, #tpu.memory_space<vmem>>, vector<1x128xf32>
    %add3A_18 = vector.broadcast %get3A_17 : vector<1x128xf32> to vector<4096x128xf32>
    %add3A_19 = arith.addf %dot_general3A_14, %add3A_18 : vector<4096x128xf32>
    %get3A_20 = arith.constant 0 : index
    %get3A_21 = arith.constant 0 : index
    %get3A_22 = vector.load %arg3[%get3A_20, %get3A_21] : memref<256x128xf32, #tpu.memory_space<vmem>>, vector<256x128xf32>
    %get3A_23 = arith.constant 0 : index
    %get3A_24 = arith.constant 0 : index
    %get3A_25 = vector.load %arg5[%get3A_23, %get3A_24] : memref<128x128xf32, #tpu.memory_space<vmem>>, vector<128x128xf32>
    %dot_general3A_26 = arith.constant dense<0.000000e+00> : vector<256x128xf32>
    %dot_general3A_27 = tpu.matmul %get3A_22, %get3A_25, %dot_general3A_26 {dimension_numbers = #tpu.dot_dimension_numbers<[1], [0], [0], [1], [0, 0, 1, 1], [], []>, transpose_lhs_hint = false} : vector<256x128xf32>, vector<128x128xf32>, vector<256x128xf32> -> vector<256x128xf32>
    %get3A_28 = arith.constant 0 : index
    %get3A_29 = arith.constant 0 : index
    %get3A_30 = vector.load %arg6[%get3A_28, %get3A_29] : memref<1x128xf32, #tpu.memory_space<vmem>>, vector<1x128xf32>
    %add3A_31 = vector.broadcast %get3A_30 : vector<1x128xf32> to vector<256x128xf32>
    %add3A_32 = arith.addf %dot_general3A_27, %add3A_31 : vector<256x128xf32>
    %get3A_33 = arith.constant 0 : index
    %get3A_34 = arith.constant 0 : index
    %get3A_35 = vector.load %arg2[%get3A_33, %get3A_34] : memref<4096x128xf32, #tpu.memory_space<vmem>>, vector<4096x128xf32>
    %slice3A = vector.extract_strided_slice %get3A_35 {offsets = [0, 0], sizes = [4096, 16], strides = [1, 1]} : vector<4096x128xf32> to vector<4096x16xf32>
    %reshape3A = vector.shape_cast %slice3A : vector<4096x16xf32> to vector<256x16x16xf32>
    %get3A_36 = arith.constant 0 : index
    %get3A_37 = arith.constant 0 : index
    %get3A_38 = vector.load %arg4[%get3A_36, %get3A_37] : memref<256x128xf32, #tpu.memory_space<vmem>>, vector<256x128xf32>
    %slice3A_39 = vector.extract_strided_slice %get3A_38 {offsets = [0, 0], sizes = [256, 16], strides = [1, 1]} : vector<256x128xf32> to vector<256x16xf32>
    %broadcast_in_dim3A = vector.shape_cast %slice3A_39 : vector<256x16xf32> to vector<256x1x16xf32>
    %sub3A = vector.broadcast %broadcast_in_dim3A : vector<256x1x16xf32> to vector<256x16x16xf32>
    %sub3A_40 = arith.subf %reshape3A, %sub3A : vector<256x16x16xf32>
    %reshape3A_41 = vector.shape_cast %sub3A_40 : vector<256x16x16xf32> to vector<4096x16xf32>
    %get3A_42 = arith.constant 0 : index
    %get3A_43 = arith.constant 0 : index
    %get3A_44 = vector.load %arg11[%get3A_42, %get3A_43] : memref<16x16xf32, #tpu.memory_space<vmem>>, vector<16x16xf32>
    %dot_general3A_45 = arith.constant dense<0.000000e+00> : vector<4096x16xf32>
    %dot_general3A_46 = tpu.matmul %reshape3A_41, %get3A_44, %dot_general3A_45 {dimension_numbers = #tpu.dot_dimension_numbers<[1], [0], [0], [1], [0, 0, 1, 1], [], []>, transpose_lhs_hint = false} : vector<4096x16xf32>, vector<16x16xf32>, vector<4096x16xf32> -> vector<4096x16xf32>
    %get3A_47 = arith.constant 0 : index
    %get3A_48 = arith.constant 0 : index
    %get3A_49 = vector.load %arg12[%get3A_47, %get3A_48] : memref<1x16xf32, #tpu.memory_space<vmem>>, vector<1x16xf32>
    %add3A_50 = vector.broadcast %get3A_49 : vector<1x16xf32> to vector<4096x16xf32>
    %add3A_51 = arith.addf %dot_general3A_46, %add3A_50 : vector<4096x16xf32>
    %get3A_52 = arith.constant 0 : index
    %get3A_53 = arith.constant 0 : index
    %get3A_54 = vector.load %arg13[%get3A_52, %get3A_53] : memref<1x16xf32, #tpu.memory_space<vmem>>, vector<1x16xf32>
    %mul3A = vector.broadcast %get3A_54 : vector<1x16xf32> to vector<4096x16xf32>
    %mul3A_55 = arith.mulf %mul3A, %add3A_51 : vector<4096x16xf32>
    %mul3A_56 = arith.constant 0.999994993 : f32
    %mul3A_57 = vector.broadcast %mul3A_56 : f32 to vector<4096x16xf32>
    %mul3A_58 = arith.mulf %mul3A_55, %mul3A_57 : vector<4096x16xf32>
    %get3A_59 = arith.constant 0 : index
    %get3A_60 = arith.constant 0 : index
    %get3A_61 = vector.load %arg14[%get3A_59, %get3A_60] : memref<1x16xf32, #tpu.memory_space<vmem>>, vector<1x16xf32>
    %add3A_62 = vector.broadcast %get3A_61 : vector<1x16xf32> to vector<4096x16xf32>
    %add3A_63 = arith.addf %mul3A_58, %add3A_62 : vector<4096x16xf32>
    %max3A = arith.constant 0.000000e+00 : f32
    %max3A_64 = vector.broadcast %max3A : f32 to vector<4096x16xf32>
    %max3A_65 = arith.maximumf %add3A_63, %max3A_64 : vector<4096x16xf32>
    %get3A_66 = arith.constant 0 : index
    %get3A_67 = arith.constant 0 : index
    %get3A_68 = vector.load %arg15[%get3A_66, %get3A_67] : memref<16x128xf32, #tpu.memory_space<vmem>>, vector<16x128xf32>
    %dot_general3A_69 = arith.constant dense<0.000000e+00> : vector<4096x128xf32>
    %dot_general3A_70 = tpu.matmul %max3A_65, %get3A_68, %dot_general3A_69 {dimension_numbers = #tpu.dot_dimension_numbers<[1], [0], [0], [1], [0, 0, 1, 1], [], []>, transpose_lhs_hint = false} : vector<4096x16xf32>, vector<16x128xf32>, vector<4096x128xf32> -> vector<4096x128xf32>
    %get3A_71 = arith.constant 0 : index
    %get3A_72 = arith.constant 0 : index
    %get3A_73 = vector.load %arg16[%get3A_71, %get3A_72] : memref<1x128xf32, #tpu.memory_space<vmem>>, vector<1x128xf32>
    %add3A_74 = vector.broadcast %get3A_73 : vector<1x128xf32> to vector<4096x128xf32>
    %add3A_75 = arith.addf %dot_general3A_70, %add3A_74 : vector<4096x128xf32>
    %reshape3A_76 = vector.shape_cast %add3A_9 : vector<4096x128xf32> to vector<256x16x128xf32>
    %broadcast_in_dim3A_77 = vector.shape_cast %add3A_32 : vector<256x128xf32> to vector<256x1x128xf32>
    %sub3A_78 = vector.broadcast %broadcast_in_dim3A_77 : vector<256x1x128xf32> to vector<256x16x128xf32>
    %sub3A_79 = arith.subf %reshape3A_76, %sub3A_78 : vector<256x16x128xf32>
    %reshape3A_80 = vector.shape_cast %add3A_75 : vector<4096x128xf32> to vector<256x16x128xf32>
    %add3A_81 = arith.addf %sub3A_79, %reshape3A_80 : vector<256x16x128xf32>
    %get3A_82 = arith.constant 0 : index
    %get3A_83 = arith.constant 0 : index
    %get3A_84 = vector.load %arg17[%get3A_82, %get3A_83] : memref<1x128xf32, #tpu.memory_space<vmem>>, vector<1x128xf32>
    %broadcast_in_dim3A_85 = vector.shape_cast %get3A_84 : vector<1x128xf32> to vector<1x1x128xf32>
    %mul3A_86 = vector.broadcast %broadcast_in_dim3A_85 : vector<1x1x128xf32> to vector<256x16x128xf32>
    %mul3A_87 = arith.mulf %mul3A_86, %add3A_81 : vector<256x16x128xf32>
    %mul3A_88 = arith.constant 0.999994993 : f32
    %mul3A_89 = vector.broadcast %mul3A_88 : f32 to vector<256x16x128xf32>
    %mul3A_90 = arith.mulf %mul3A_87, %mul3A_89 : vector<256x16x128xf32>
    %get3A_91 = arith.constant 0 : index
    %get3A_92 = arith.constant 0 : index
    %get3A_93 = vector.load %arg18[%get3A_91, %get3A_92] : memref<1x128xf32, #tpu.memory_space<vmem>>, vector<1x128xf32>
    %broadcast_in_dim3A_94 = vector.shape_cast %get3A_93 : vector<1x128xf32> to vector<1x1x128xf32>
    %add3A_95 = vector.broadcast %broadcast_in_dim3A_94 : vector<1x1x128xf32> to vector<256x16x128xf32>
    %add3A_96 = arith.addf %mul3A_90, %add3A_95 : vector<256x16x128xf32>
    %max3A_97 = arith.constant 0.000000e+00 : f32
    %max3A_98 = vector.broadcast %max3A_97 : f32 to vector<256x16x128xf32>
    %max3A_99 = arith.maximumf %add3A_96, %max3A_98 : vector<256x16x128xf32>
    %reshape3A_100 = vector.shape_cast %max3A_99 : vector<256x16x128xf32> to vector<4096x128xf32>
    %get3A_101 = arith.constant 0 : index
    %get3A_102 = arith.constant 0 : index
    %get3A_103 = vector.load %arg19[%get3A_101, %get3A_102] : memref<128x16xf32, #tpu.memory_space<vmem>>, vector<128x16xf32>
    %dot_general3A_104 = arith.constant dense<0.000000e+00> : vector<4096x16xf32>
    %dot_general3A_105 = tpu.matmul %reshape3A_100, %get3A_103, %dot_general3A_104 {dimension_numbers = #tpu.dot_dimension_numbers<[1], [0], [0], [1], [0, 0, 1, 1], [], []>, transpose_lhs_hint = false} : vector<4096x128xf32>, vector<128x16xf32>, vector<4096x16xf32> -> vector<4096x16xf32>
    %get3A_106 = arith.constant 0 : index
    %get3A_107 = arith.constant 0 : index
    %get3A_108 = vector.load %arg20[%get3A_106, %get3A_107] : memref<1x16xf32, #tpu.memory_space<vmem>>, vector<1x16xf32>
    %add3A_109 = vector.broadcast %get3A_108 : vector<1x16xf32> to vector<4096x16xf32>
    %add3A_110 = arith.addf %dot_general3A_105, %add3A_109 : vector<4096x16xf32>
    %get3A_111 = arith.constant 0 : index
    %get3A_112 = arith.constant 0 : index
    %get3A_113 = vector.load %arg21[%get3A_111, %get3A_112] : memref<1x16xf32, #tpu.memory_space<vmem>>, vector<1x16xf32>
    %mul3A_114 = vector.broadcast %get3A_113 : vector<1x16xf32> to vector<4096x16xf32>
    %mul3A_115 = arith.mulf %mul3A_114, %add3A_110 : vector<4096x16xf32>
    %mul3A_116 = arith.constant 0.999994993 : f32
    %mul3A_117 = vector.broadcast %mul3A_116 : f32 to vector<4096x16xf32>
    %mul3A_118 = arith.mulf %mul3A_115, %mul3A_117 : vector<4096x16xf32>
    %get3A_119 = arith.constant 0 : index
    %get3A_120 = arith.constant 0 : index
    %get3A_121 = vector.load %arg22[%get3A_119, %get3A_120] : memref<1x16xf32, #tpu.memory_space<vmem>>, vector<1x16xf32>
    %add3A_122 = vector.broadcast %get3A_121 : vector<1x16xf32> to vector<4096x16xf32>
    %add3A_123 = arith.addf %mul3A_118, %add3A_122 : vector<4096x16xf32>
    %max3A_124 = arith.constant 0.000000e+00 : f32
    %max3A_125 = vector.broadcast %max3A_124 : f32 to vector<4096x16xf32>
    %max3A_126 = arith.maximumf %add3A_123, %max3A_125 : vector<4096x16xf32>
    %get3A_127 = arith.constant 0 : index
    %get3A_128 = arith.constant 0 : index
    %get3A_129 = vector.load %arg23[%get3A_127, %get3A_128] : memref<16x16xf32, #tpu.memory_space<vmem>>, vector<16x16xf32>
    %dot_general3A_130 = arith.constant dense<0.000000e+00> : vector<4096x16xf32>
    %dot_general3A_131 = tpu.matmul %max3A_126, %get3A_129, %dot_general3A_130 {dimension_numbers = #tpu.dot_dimension_numbers<[1], [0], [0], [1], [0, 0, 1, 1], [], []>, transpose_lhs_hint = false} : vector<4096x16xf32>, vector<16x16xf32>, vector<4096x16xf32> -> vector<4096x16xf32>
    %get3A_132 = arith.constant 0 : index
    %get3A_133 = arith.constant 0 : index
    %get3A_134 = vector.load %arg24[%get3A_132, %get3A_133] : memref<1x16xf32, #tpu.memory_space<vmem>>, vector<1x16xf32>
    %add3A_135 = vector.broadcast %get3A_134 : vector<1x16xf32> to vector<4096x16xf32>
    %add3A_136 = arith.addf %dot_general3A_131, %add3A_135 : vector<4096x16xf32>
    %reshape3A_137 = vector.shape_cast %add3A_136 : vector<4096x16xf32> to vector<256x16x16xf32>
    %reduce_max3A = arith.constant dense<0xFF800000> : vector<256x16xf32>
    %reduce_max3A_138 = vector.multi_reduction <maximumf>, %reshape3A_137, %reduce_max3A [1] : vector<256x16x16xf32> to vector<256x16xf32>
    %broadcast_in_dim3A_139 = vector.shape_cast %reduce_max3A_138 : vector<256x16xf32> to vector<256x1x16xf32>
    %sub3A_140 = vector.broadcast %broadcast_in_dim3A_139 : vector<256x1x16xf32> to vector<256x16x16xf32>
    %sub3A_141 = arith.subf %reshape3A_137, %sub3A_140 : vector<256x16x16xf32>
    %exp3A = math.exp %sub3A_141 : vector<256x16x16xf32>
    %reduce_sum3A = arith.constant dense<0.000000e+00> : vector<256x16xf32>
    %reduce_sum3A_142 = vector.multi_reduction <add>, %exp3A, %reduce_sum3A [1] : vector<256x16x16xf32> to vector<256x16xf32>
    %broadcast_in_dim3A_143 = vector.shape_cast %reduce_sum3A_142 : vector<256x16xf32> to vector<256x1x16xf32>
    %div3A = vector.broadcast %broadcast_in_dim3A_143 : vector<256x1x16xf32> to vector<256x16x16xf32>
    %div3A_144 = arith.divf %exp3A, %div3A : vector<256x16x16xf32>
    %reshape3A_145 = vector.shape_cast %div3A_144 : vector<256x16x16xf32> to vector<4096x16xf32>
    %get3A_146 = arith.constant 0 : index
    %get3A_147 = arith.constant 0 : index
    %get3A_148 = vector.load %arg25[%get3A_146, %get3A_147] : memref<16x128xf32, #tpu.memory_space<vmem>>, vector<16x128xf32>
    %dot_general3A_149 = arith.constant dense<0.000000e+00> : vector<4096x128xf32>
    %dot_general3A_150 = tpu.matmul %reshape3A_145, %get3A_148, %dot_general3A_149 {dimension_numbers = #tpu.dot_dimension_numbers<[1], [0], [0], [1], [0, 0, 1, 1], [], []>, transpose_lhs_hint = false} : vector<4096x16xf32>, vector<16x128xf32>, vector<4096x128xf32> -> vector<4096x128xf32>
    %add3A_151 = arith.addf %add3A_19, %add3A_75 : vector<4096x128xf32>
    %reshape3A_152 = vector.shape_cast %add3A_151 : vector<4096x128xf32> to vector<256x16x128xf32>
    %reshape3A_153 = vector.shape_cast %dot_general3A_150 : vector<4096x128xf32> to vector<256x16x128xf32>
    %mul3A_154 = arith.mulf %reshape3A_152, %reshape3A_153 : vector<256x16x128xf32>
    %reduce_sum3A_155 = arith.constant dense<0.000000e+00> : vector<256x128xf32>
    %reduce_sum3A_156 = vector.multi_reduction <add>, %mul3A_154, %reduce_sum3A_155 [1] : vector<256x16x128xf32> to vector<256x128xf32>
    %swap3A = arith.constant 0 : index
    %swap3A_157 = arith.constant 0 : index
    %swap3A_158 = vector.load %arg26[%swap3A, %swap3A_157] : memref<256x128xf32, #tpu.memory_space<vmem>>, vector<256x128xf32>
    tpu.vector_store %arg26[%swap3A, %swap3A_157], %reduce_sum3A_156 {strides = array<i32>} : memref<256x128xf32, #tpu.memory_space<vmem>>, vector<256x128xf32>,
    return
  }
  func.func @transform_0(%arg0: i32) -> (i32, i32) {
    %c0_i32 = arith.constant 0 : i32
    %c0_i32_0 = arith.constant 0 : i32
    return %arg0, %c0_i32 : i32, i32
  }
  func.func @transform_1(%arg0: i32) -> (i32, i32) {
    %c0_i32 = arith.constant 0 : i32
    %c0_i32_0 = arith.constant 0 : i32
    return %arg0, %c0_i32 : i32, i32
  }
  func.func @transform_2(%arg0: i32) -> (i32, i32) {
    %c0_i32 = arith.constant 0 : i32
    %c0_i32_0 = arith.constant 0 : i32
    return %arg0, %c0_i32 : i32, i32
  }
  func.func @transform_3(%arg0: i32) -> (i32, i32) {
    %c0_i32 = arith.constant 0 : i32
    %c0_i32_0 = arith.constant 0 : i32
    return %arg0, %c0_i32 : i32, i32
  }
  func.func @transform_4(%arg0: i32) -> (i32, i32) {
    %c0_i32 = arith.constant 0 : i32
    %c0_i32_0 = arith.constant 0 : i32
    %c0_i32_1 = arith.constant 0 : i32
    return %c0_i32, %c0_i32_0 : i32, i32
  }
  func.func @transform_5(%arg0: i32) -> (i32, i32) {
    %c0_i32 = arith.constant 0 : i32
    %c0_i32_0 = arith.constant 0 : i32
    %c0_i32_1 = arith.constant 0 : i32
    return %c0_i32, %c0_i32_0 : i32, i32
  }
  func.func @transform_6(%arg0: i32) -> (i32, i32) {
    %c0_i32 = arith.constant 0 : i32
    %c0_i32_0 = arith.constant 0 : i32
    %c0_i32_1 = arith.constant 0 : i32
    return %c0_i32, %c0_i32_0 : i32, i32
  }
  func.func @transform_7(%arg0: i32) -> (i32, i32) {
    %c0_i32 = arith.constant 0 : i32
    %c0_i32_0 = arith.constant 0 : i32
    %c0_i32_1 = arith.constant 0 : i32
    return %c0_i32, %c0_i32_0 : i32, i32
  }
  func.func @transform_8(%arg0: i32) -> (i32, i32) {
    %c0_i32 = arith.constant 0 : i32
    %c0_i32_0 = arith.constant 0 : i32
    %c0_i32_1 = arith.constant 0 : i32
    return %c0_i32, %c0_i32_0 : i32, i32
  }
  func.func @transform_9(%arg0: i32) -> (i32, i32) {
    %c0_i32 = arith.constant 0 : i32
    %c0_i32_0 = arith.constant 0 : i32
    %c0_i32_1 = arith.constant 0 : i32
    return %c0_i32, %c0_i32_0 : i32, i32
  }
  func.func @transform_10(%arg0: i32) -> (i32, i32) {
    %c0_i32 = arith.constant 0 : i32
    %c0_i32_0 = arith.constant 0 : i32
    %c0_i32_1 = arith.constant 0 : i32
    return %c0_i32, %c0_i32_0 : i32, i32
  }
  func.func @transform_11(%arg0: i32) -> (i32, i32) {
    %c0_i32 = arith.constant 0 : i32
    %c0_i32_0 = arith.constant 0 : i32
    %c0_i32_1 = arith.constant 0 : i32
    return %c0_i32, %c0_i32_0 : i32, i32
  }
  func.func @transform_12(%arg0: i32) -> (i32, i32) {
    %c0_i32 = arith.constant 0 : i32
    %c0_i32_0 = arith.constant 0 : i32
    %c0_i32_1 = arith.constant 0 : i32
    return %c0_i32, %c0_i32_0 : i32, i32
  }
  func.func @transform_13(%arg0: i32) -> (i32, i32) {
    %c0_i32 = arith.constant 0 : i32
    %c0_i32_0 = arith.constant 0 : i32
    %c0_i32_1 = arith.constant 0 : i32
    return %c0_i32, %c0_i32_0 : i32, i32
  }
  func.func @transform_14(%arg0: i32) -> (i32, i32) {
    %c0_i32 = arith.constant 0 : i32
    %c0_i32_0 = arith.constant 0 : i32
    %c0_i32_1 = arith.constant 0 : i32
    return %c0_i32, %c0_i32_0 : i32, i32
  }
  func.func @transform_15(%arg0: i32) -> (i32, i32) {
    %c0_i32 = arith.constant 0 : i32
    %c0_i32_0 = arith.constant 0 : i32
    %c0_i32_1 = arith.constant 0 : i32
    return %c0_i32, %c0_i32_0 : i32, i32
  }
  func.func @transform_16(%arg0: i32) -> (i32, i32) {
    %c0_i32 = arith.constant 0 : i32
    %c0_i32_0 = arith.constant 0 : i32
    %c0_i32_1 = arith.constant 0 : i32
    return %c0_i32, %c0_i32_0 : i32, i32
  }
  func.func @transform_17(%arg0: i32) -> (i32, i32) {
    %c0_i32 = arith.constant 0 : i32
    %c0_i32_0 = arith.constant 0 : i32
    %c0_i32_1 = arith.constant 0 : i32
    return %c0_i32, %c0_i32_0 : i32, i32
  }
  func.func @transform_18(%arg0: i32) -> (i32, i32) {
    %c0_i32 = arith.constant 0 : i32
    %c0_i32_0 = arith.constant 0 : i32
    %c0_i32_1 = arith.constant 0 : i32
    return %c0_i32, %c0_i32_0 : i32, i32
  }
  func.func @transform_19(%arg0: i32) -> (i32, i32) {
    %c0_i32 = arith.constant 0 : i32
    %c0_i32_0 = arith.constant 0 : i32
    %c0_i32_1 = arith.constant 0 : i32
    return %c0_i32, %c0_i32_0 : i32, i32
  }
  func.func @transform_20(%arg0: i32) -> (i32, i32) {
    %c0_i32 = arith.constant 0 : i32
    %c0_i32_0 = arith.constant 0 : i32
    %c0_i32_1 = arith.constant 0 : i32
    return %c0_i32, %c0_i32_0 : i32, i32
  }
  func.func @transform_21(%arg0: i32) -> (i32, i32) {
    %c0_i32 = arith.constant 0 : i32
    %c0_i32_0 = arith.constant 0 : i32
    %c0_i32_1 = arith.constant 0 : i32
    return %c0_i32, %c0_i32_0 : i32, i32
  }
  func.func @transform_22(%arg0: i32) -> (i32, i32) {
    %c0_i32 = arith.constant 0 : i32
    %c0_i32_0 = arith.constant 0 : i32
    %c0_i32_1 = arith.constant 0 : i32
    return %c0_i32, %c0_i32_0 : i32, i32
  }
  func.func @transform_23(%arg0: i32) -> (i32, i32) {
    %c0_i32 = arith.constant 0 : i32
    %c0_i32_0 = arith.constant 0 : i32
    %c0_i32_1 = arith.constant 0 : i32
    return %c0_i32, %c0_i32_0 : i32, i32
  }
  func.func @transform_24(%arg0: i32) -> (i32, i32) {
    %c0_i32 = arith.constant 0 : i32
    %c0_i32_0 = arith.constant 0 : i32
    %c0_i32_1 = arith.constant 0 : i32
    return %c0_i32, %c0_i32_0 : i32, i32
  }
  func.func @transform_25(%arg0: i32) -> (i32, i32) {
    %c0_i32 = arith.constant 0 : i32
    %c0_i32_0 = arith.constant 0 : i32
    return %arg0, %c0_i32 : i32, i32
  }
}

</mosaic_0001>

<sc_bundles>
// kernel: kernel.11.cloned.1.call-start
scs
__scs_entry_jumppad:
0x0: {  	(pc) =	sbr.rel $0x88, $3  }
0x1: {  	(tag) =	ssettag $0x0;
	lr =	simm.s32 $0x1  }
0x2: {  	[smem:$0x3F8B] =	sst lr;
	_ =	strace $0xD0000000  }
0x3: {  	_ = 	snop  }
0x4: {  	_ = 	snop  }
0x5: {  	_ = 	snop  }
0x6: {  	_ = 	snop  }
0x7: {  	_ = 	snop  }
__scs_overlays_trampoline_lowered:
0x8: {  	[smem:$0x3F9A] =	sst s0  }
0x9: {  	[smem:$0x3F9B] =	sst s1  }
0xa: {  	[smem:$0x3F9C] =	sst s2  }
0xb: {  	[smem:$0x3F9D] =	sst s3  }
0xc: {  	[smem:$0x3F9E] =	sst s4  }
0xd: {  	[smem:$0x3F9F] =	sst s5  }
0xe: {  	[smem:$0x3FA0] =	sst s6  }
0xf: {  	[smem:$0x3FA1] =	sst s7  }
0x10: {  	[smem:$0x3FA2] =	sst s8  }
0x11: {  	[smem:$0x3FA3] =	sst s9;
	s0 =	simm.s32 @!p0 $0x0  }
0x12: {  	s1 =	sld [smem:$0x3F89];
	s0 =	simm.s32 @p0 $0x1  }
0x13: {  	[smem:$0x3FA4] =	sst s0;
	s0 =	simm.s32 @!p1 $0x0  }
0x14: {  	s2 =	sld [smem:$0x3F88];
	s0 =	simm.s32 @p1 $0x1  }
0x15: {  	[smem:$0x3FA5] =	sst s0;
	s0 =	simm.s32 @!p2 $0x0  }
0x16: {  	s3 =	sld [smem:$0x3FDB];
	s0 =	simm.s32 @p2 $0x1  }
0x17: {  	s4 =	simm.s32 $0x1BF5;
	[smem:$0x3FA7] =	sst s0  }
0x18: {  	s0 =	sld [smem:$0x3F8A];
	_ =	swait.ge [sflag:s4], $0x0  }
0x19: {  	s7 =	sld [smem:$0x3F8B]  }
0x1a: {  	s8 =	sadd.s32 $0xFFFFE003, lr  }
0x1b: {  	s9 =	sadd.s32 $0xFFFFFEF7, lr;
	s5 =	simm.s32 $0xFFFFFFFF;
	p2 =	slt.u32 s8, $0xFFFFF086  }
0x1c: {  	p1 =	slt.u32 s9, $0xF7A;
	s5 =	simm.s32 @!p2 $0x0  }
0x1d: {  	s5 =	simm.s32 @p1 $0x1;
	p0 =	seq.s32 s7, s2  }
0x1e: {  	s7 =	smul.u32 @!p0 $0xF7A, s2;
	p2 =	seq.s32 @!p0 s5, $0x0  }
0x1f: {  	s9 =	smul.u32 $0xF7A, s1;
	s8 =	simm.s32 @!p0 $0x1BF5;
	p2 =	por !p2, p0  }
0x20: {  	[sflag:s8] =	ssyncset.s32 @!p0 $0xFFFFF086;
	s6 =	sadd.s32 @!p0 s3, s7;
	s7 =	simm.s32 @!p0 $0x108  }
0x21: {  	s3 =	sadd.s32 s3, s9;
	s6 =	sadd.s32 @!p0 $0x88, s6;
	s7 =	simm.s32 @p2 $0x1082  }
0x22: {  	[simem:s7], [sflag:s8] =	dma.local @!p0 [hbm:s6], $0xF7A  }
0x23: {  	s9 =	sor.u32 $0xD0000000, s2;
	s6 =	simm.s32 $0x108;
	_ =	swait.ge @!p0 [sflag:s8], $0x0  }
0x24: {  	s3 =	sadd.s32 $0x88, s3;
	s6 =	simm.s32 @!p1 $0x1082;
	[sflag:s4] =	ssyncset.s32 $0xFFFFF086  }
0x25: {  	[simem:s6], [sflag:s4] =	dma.local [hbm:s3], $0xF7A  }
0x26: {  	[smem:$0x3F8B] =	sst s1;
	(tag) =	ssettag s2;
	_ =	strace s9  }
0x27: {  	s1 =	sld [smem:$0x3F9B]  }
0x28: {  	s2 =	sld [smem:$0x3F9C]  }
0x29: {  	s4 =	sld [smem:$0x3F9E]  }
0x2a: {  	p0 =	seq.s32 s5, $0x0;
	s5 =	sld [smem:$0x3F9F]  }
0x2b: {  	s6 =	sld [smem:$0x3FA0]  }
0x2c: {  	s7 =	sld [smem:$0x3FA1]  }
0x2d: {  	s3 =	simm.s32 $0x108;
	s8 =	sld [smem:$0x3FA2]  }
0x2e: {  	s3 =	simm.s32 @!p0 $0x1082;
	s9 =	sld [smem:$0x3FA3]  }
0x2f: {  	lr =	sadd.s32 s0, s3;
	s0 =	sld [smem:$0x3F9A]  }
0x30: {  	s3 =	sld [smem:$0x3F9D]  }
0x31: {  	[smem:$0x3FA6] =	sst s10  }
0x32: {  	s10 =	sld [smem:$0x3FA4];
	_ =	sdelay $0x3  }
0x33: {  	p0 =	seq.s32 s10, $0x1;
	s10 =	sld [smem:$0x3FA6];
	_ =	sdelay $0x3  }
0x34: {  	[smem:$0x3FA6] =	sst s10  }
0x35: {  	s10 =	sld [smem:$0x3FA5];
	_ =	sdelay $0x3  }
0x36: {  	p1 =	seq.s32 s10, $0x1;
	s10 =	sld [smem:$0x3FA6];
	_ =	sdelay $0x3  }
0x37: {  	[smem:$0x3FA6] =	sst s10  }
0x38: {  	s10 =	sld [smem:$0x3FA7]  }
0x39: {  	_ = 	snop;
	(pc) =	sbr.ind lr, $3  }
0x3a: {  	_ = 	snop  }
0x3b: {  	_ = 	snop  }
0x3c: {  	p2 =	seq.s32 s10, $0x1;
	s10 =	sld [smem:$0x3FA6]  }
0x3d: {  	_ =	shalt  }
0x3e: {  	_ =	shalt  }
0x3f: {  	_ =	shalt  }
0x40: {  	_ =	shalt  }
0x41: {  	_ =	shalt  }
0x42: {  	_ =	shalt  }
0x43: {  	_ =	shalt  }
0x44: {  	_ =	shalt  }
0x45: {  	_ =	shalt  }
0x46: {  	_ =	shalt  }
0x47: {  	_ =	shalt  }
0x48: {  	_ =	shalt  }
0x49: {  	_ =	shalt  }
0x4a: {  	_ =	shalt  }
0x4b: {  	_ =	shalt  }
0x4c: {  	_ =	shalt  }
0x4d: {  	_ =	shalt  }
0x4e: {  	_ =	shalt  }
0x4f: {  	_ =	shalt  }
0x50: {  	_ =	shalt  }
0x51: {  	_ =	shalt  }
0x52: {  	_ =	shalt  }
0x53: {  	_ =	shalt  }
0x54: {  	_ =	shalt  }
0x55: {  	_ =	shalt  }
0x56: {  	_ =	shalt  }
0x57: {  	_ =	shalt  }
0x58: {  	_ =	shalt  }
0x59: {  	_ =	shalt  }
0x5a: {  	_ =	shalt  }
0x5b: {  	_ =	shalt  }
0x5c: {  	_ =	shalt  }
0x5d: {  	_ =	shalt  }
0x5e: {  	_ =	shalt  }
0x5f: {  	_ =	shalt  }
0x60: {  	_ =	shalt  }
0x61: {  	_ =	shalt  }
0x62: {  	_ =	shalt  }
0x63: {  	_ =	shalt  }
0x64: {  	_ =	shalt  }
0x65: {  	_ =	shalt  }
0x66: {  	_ =	shalt  }
0x67: {  	_ =	shalt  }
0x68: {  	_ =	shalt  }
0x69: {  	_ =	shalt  }
0x6a: {  	_ =	shalt  }
0x6b: {  	_ =	shalt  }
0x6c: {  	_ =	shalt  }
0x6d: {  	_ =	shalt  }
0x6e: {  	_ =	shalt  }
0x6f: {  	_ =	shalt  }
0x70: {  	_ =	shalt  }
0x71: {  	_ =	shalt  }
0x72: {  	_ =	shalt  }
0x73: {  	_ =	shalt  }
0x74: {  	_ =	shalt  }
0x75: {  	_ =	shalt  }
0x76: {  	_ =	shalt  }
0x77: {  	_ =	shalt  }
0x78: {  	_ =	shalt  }
0x79: {  	_ =	shalt  }
0x7a: {  	_ =	shalt  }
0x7b: {  	_ =	shalt  }
0x7c: {  	_ =	shalt  }
0x7d: {  	_ =	shalt  }
0x7e: {  	_ =	shalt  }
0x7f: {  	_ =	shalt  }
0x80: {  	_ =	shalt  }
0x81: {  	_ =	shalt  }
0x82: {  	_ =	shalt  }
0x83: {  	_ =	shalt  }
0x84: {  	_ =	shalt  }
0x85: {  	_ =	shalt  }
0x86: {  	_ =	shalt  }
0x87: {  	_ =	shalt  }
.Lfunc_end0:
.L_simem_size_0:
called_computation.1_lowered:
.L_overlay_start_0:
0x88: {  	s2 =	sld [smem:$0x3FD9]  }
0x89: {  	s3 =	sld [smem:$0x3FFE];
	_ =	sdelay $0x1  }
0x8a: {  	s1 =	srdreg.scid  }
0x8b: {  	s0 =	sand.u32 $0x1, s1  }
0x8c: {  	s17 =	sshll.u32 s0, $0xA;
	s2 =	sadd.s32 s3, s2  }
0x8d: {  	s2 =	sadd.s32 s2, s17  }
0x8e: {  	[smem:$0x3FB2] =	sst s2  }
0x8f: {  	_ = 	snop  }
0x90: {  	s2 =	sld [smem:$0x3FD0];
	(tm) =	ssettm $0x1  }
0x91: {  	s18 =	sld [smem:$0x3FFB];
	_ =	sdelay $0x3  }
0x92: {  	_ =	strace s18  }
0x93: {  	s3 =	sld [smem:$0x3FFC];
	_ =	sdelay $0x3  }
0x94: {  	_ =	strace s3  }
0x95: {  	s3 =	sld [smem:$0x3FFD];
	_ =	sdelay $0x3  }
0x96: {  	_ =	strace s3  }
0x97: {  	_ =	strace $0x8FFFFFFF  }
0x98: {  	s19 =	sld [smem:$0x3FDB];
	_ =	sdelay $0x1  }
0x99: {  	s4 =	simm.s32 $_scs_section_size  }
0x9a: {  	s5 =	simm.s32 $_size__tile_overlayer_lowered;
	s6 =	simm.s32 $_tile_overlayer_lowered  }
0x9b: {  	s22 =	simm.s32 $0x1BFF;
	s21 =	sshll.u32 s6, $0x1;
	s3 =	sadd.s32 s4, s19  }
0x9c: {  	s7 =	simm.s32 $0x0;
	s20 =	sshll.u32 s5, $0x1;
	s5 =	sadd.s32 s21, s3  }
0x9d: {  	[timem:s7], [sflag:s22] =	dma.local [hbm:s5], s20  }
0x9e: {  	_ =	swait.ge [sflag:s22], s20  }
0x9f: {  	s4 =	ssub.s32 $0x0, s20;
	[sflag:s22] =	ssyncset.done $0x0  }
0xa0: {  	[sflag:s22] =	ssyncadd.s32 s4;
	_ =	sdelay $0x1  }
0xa1: {  	s23 =	simm.s32 $0x1B8B  }
0xa2: {  	_ =	swait.ge [sflag:s23], $0x1  }
0xa3: {  	[sflag:s23] =	ssyncset.done $0x0  }
0xa4: {  	s25 =	simm.s32 $0x1B8E;
	s24 =	sld [smem:$0x3FFE];
	[sflag:s23] =	ssyncadd.s32 $0xFFFFFFFF  }
0xa5: {  	s26 =	simm.s32 $execute0_lowered;
	[smem:$0x3FD2] =	sst s25  }
0xa6: {  	s5 =	sshll.u32 s26, $0x1;
	_ =	strace $0x80000046;
	[dreg:$0x1] =	wrdreg $0xFFFFFFFF  }
0xa7: {  	s28 =	simm.s32 $_size_execute0_lowered;
	s3 =	sadd.s32 s3, s5;
	[dreg:$0x0] =	wrdreg $0x0  }
0xa8: {  	s5 =	sshll.u32 s28, $0x1;
	[dreg:$0x2] =	wrdreg s3  }
0xa9: {  	[dreg:$0x3] =	wrdreg s5  }
0xaa: {  	[dreg:$0x4] =	wrdreg $0xC0  }
0xab: {  	_ =	task [dreg:s7], $0x5FFFF  }
0xac: {  	[dreg:$0x1] =	wrdreg $0xFFFFFFFF  }
0xad: {  	[dreg:$0x0] =	wrdreg $0x60  }
0xae: {  	[dreg:$0x2] =	wrdreg s24  }
0xaf: {  	[dreg:$0x3] =	wrdreg s2  }
0xb0: {  	[dreg:$0x4] =	wrdreg $0xA  }
0xb1: {  	_ =	task.clear_ibuf [dreg:s7], $0x5FFFF;
	_ =	strace $0x90000046  }
0xb2: {  	s29 =	simm.s32 $0xA;
	_ =	strace $0x80000051  }
0xb3: {  	_ =	swait.ge [sflag:s29], $0x1  }
0xb4: {  	[sflag:s29] =	ssyncadd.s32 $0xFFFFFFFF  }
0xb5: {  	_ =	strace $0x90000051  }
0xb6: {  	_ =	sfence  }
0xb7: {  	s30 =	sld [smem:$0x0];
	_ =	sdelay $0x2  }
0xb8: {  	s31 =	sshll.u32 s1, $0xD;
	s1 =	sshrl.u32 s1, $0x2  }
0xb9: {  	s3 =	sand.u32 $0x4000, s31;
	s1 =	sadd.s32 s1, s30  }
0xba: {  	s0 =	sor.u32 s3, s0;
	s1 =	sshll.u32 s1, $0x11  }
0xbb: {  	s0 =	sor.u32 s1, s0  }
0xbc: {  	s0 =	sadd.s32 $0x8F2B, s0  }
0xbd: {  	[sflag:s0] =	ssyncadd.remote.s32 $0x1  }
0xbe: {  	_ =	sfence.sel $0xFFFF  }
0xbf: {  	[dreg:$0x0] =	wrdreg $0xFFFFFFFF;
	(pc) =	sbr.abs _section_cstart, $3  }
0xc0: {  	[dreg:$0x1] =	wrdreg $0xFFFFFFFF  }
0xc1: {  	_ =	task.clear_ibuf [dreg:s7], $0x2FFFF;
	_ =	strace $0x9FFFFFFF  }
0xc2: {  	(tm) =	ssettm $0x7FFFFFFF  }
0xc3: {  	_ =	shalt  }
tec
execute0_lowered:
.L_overlay_start_1:
0x0: {  	(tag) =	ssettag $0x1  }
0x1: {  	s7 =	rddreg [dreg:$0x0]  }
0x2: {  	s1 =	rddreg [dreg:$0x1]  }
0x3: {  	s0 =	rddreg [dreg:$0x2];
	s2 =	simm.s32 $0x0  }
0x4: {  	s3 =	srdreg.scid;
	s12 =	simm.s32 $0x7;
	s13 =	simm.s32 $0x0  }
0x5: {  	[smem:$0x7FF] =	sst s2;
	s5 =	sand.u32 $0x1, s3;
	s3 =	stileid.u32  }
0x6: {  	s4 =	sadd.s32 $0x2C400, s7;
	_ =	strace $0x80000047;
	s6 =	sshll.u32 s5, $0x4  }
0x7: {  	s8 =	ssub.s32 $0x2, s5;
	s5 =	sadd.s32 $0x4400, s7;
	s9 =	sor.u32 s3, s6  }
0x8: {  	s10 =	sshrl.u32 s8, $0x1;
	s6 =	sadd.s32 $0x54400, s7;
	s11 =	smul.u32 $0x140, s9  }
0x9: {  	s7 =	sadd.s32 $0x194400, s7;
	s10 =	ssub.s32 s8, s10;
	s8 =	smul.u32 $0x14, s9  }
0xa: {  	s10 =	smax.u32 s10, $0x1;
	s9 =	sadd.s32 s1, s11;
	s11 =	simm.s32 $0x80  }
.LBB2_1:
0xb: {  	_ =	strace $0x80000048  }
0xc: {  	s15 =	simm.s32 $0x14;
	s22 =	simm.s32 $0x0;
	s14 =	simm.s32 $0x0  }
0xd: {  	s16 =	simm.s32 $0x0;
	s20 =	simm.s32 $0x0;
	s17 =	simm.s32 $0x0  }
0xe: {  	[tilespmem:s2], [sflag:$0x1] =	stream.linear.gather [hbm4b:s9+s2], $0x80, $0x200038;
	[tilespmem:$0x10100] =	vst v63  }
0xf: {  	s18 =	simm.s32 $0x0;
	s19 =	simm.s32 $0x1;
	_ =	strace $0x90000048  }
.LBB2_2:
0x10: {  	s21 =	sadd.s32 $0x1, s22  }
0x11: {  	p0 =	seq.s32 s21, $0x14  }
0x12: {  	s21 =	simm.s32 @p0 $0x0  }
0x13: {  	p1 =	sne.s32 s15, $0x1;
	p0 =	sne.s32 s22, s21  }
0x14: {  	p0 =	por !p1, !p0  }
0x15: {  	p0 =	por !p0, !p0  }
0x16: {  	s23 =	sadd.s32 @p0 s8, s21  }
0x17: {  	s24 =	sand.u32 @p0 $0x1, s19;
	s23 =	sshll.u32 @p0 s23, $0x4  }
0x18: {  	_ =	strace @p0 $0x80000049;
	s26 =	simm.s32 @p0 $0x0;
	s23 =	sand.u32 @p0 $0x1FFFFFF0, s23  }
0x19: {  	s25 =	sshll.u32 @p0 s24, $0x7;
	s24 =	sadd.s32 @p0 $0x1, s24;
	s23 =	sadd.s32 @p0 s1, s23  }
0x1a: {  	[tilespmem:s25], [sflag:s24] =	stream.linear.gather @p0 [hbm4b:s23+s26], $0x80, $0x200038;
	[tilespmem:$0x10100] =	vst v63  }
0x1b: {  	s28 =	sand.u32 $0x1, s18;
	_ =	strace @p0 $0x90000049  }
0x1c: {  	s23 =	sadd.s32 $0x1, s28;
	_ =	strace $0x8000004A  }
0x1d: {  	_ =	swait.ge [sflag:s23], $0x80  }
0x1e: {  	[sflag:s23] =	ssyncset.done $0x0  }
0x1f: {  	s24 =	sand.u32 $0x1, s17;
	[sflag:s23] =	ssyncadd.s32 $0xFFFFFF80  }
0x20: {  	s30 =	sshll.u32 s18, $0x7;
	s29 =	sshll.u32 s24, $0xE;
	_ =	strace $0x9000004A  }
0x21: {  	s31 =	sand.u32 $0x80, s30;
	s26 =	sor.u32 $0x100, s29;
	_ =	strace $0x8000004B  }
0x22: {  	[tilespmem:s26], [sflag:$0x7] =	stream.indirect.gather [hbm4b:s4+s11], $0x80, s31, s11, $0x2000b8;
	[tilespmem:$0x10100] =	vst v63  }
0x23: {  	s25 =	sand.u32 $0x1, s16;
	_ =	swait.ge [sflag:s12], $0x4000  }
0x24: {  	p1 =	seq.s32 s15, $0x1;
	s28 =	sshll.u32 s25, $0xE;
	[sflag:s12] =	ssyncset.done $0x0  }
0x25: {  	p2 =	seq.s32 @!p1 s22, s21;
	s28 =	sor.u32 $0x8100, s28;
	[sflag:s12] =	ssyncadd.s32 $0xFFFFC000  }
0x26: {  	[tilespmem:s28], [sflag:$0x7] =	stream.indirect.gather [hbm4b:s5+s11], $0x80, s31, s11, $0x2000b8;
	[tilespmem:$0x10100] =	vst v63  }
0x27: {  	p1 =	por p1, !p2;
	_ =	swait.ge [sflag:s12], $0x4000  }
0x28: {  	s22 =	sadd.s32 @p1 s8, s22;
	[sflag:s12] =	ssyncset.done $0x0  }
0x29: {  	s22 =	sshll.u32 @p1 s22, $0xB;
	[sflag:s12] =	ssyncadd.s32 $0xFFFFC000  }
0x2a: {  	s22 =	sand.u32 @p1 $0x1FFFF800, s22;
	s23 =	simm.s32 $0x0;
	_ =	strace $0x9000004B  }
0x2b: {  	s23 =	sadd.s32 @p1 $0x3, s24;
	s24 =	sadd.s32 @p1 s6, s22;
	_ =	strace @p1 $0x8000004C  }
0x2c: {  	[hbm4b:s24+s2] =	stream.linear.scatter @p1 [tilespmem:s26], [sflag:s23], $0x4000, $0x200038;
	[tilespmem:$0x10100] =	vst v63  }
0x2d: {  	s17 =	sadd.s32 @p1 $0x1, s17;
	_ =	strace @p1 $0x9000004C  }
0x2e: {  	s22 =	sadd.s32 @p1 s7, s22;
	s23 =	sadd.s32 @p1 $0x5, s25;
	_ =	strace @p1 $0x8000004D  }
0x2f: {  	[hbm4b:s22+s2] =	stream.linear.scatter @p1 [tilespmem:s28], [sflag:s23], $0x4000, $0x200038;
	[tilespmem:$0x10100] =	vst v63  }
0x30: {  	s23 =	simm.s32 @p1 $0x1;
	_ =	strace @p1 $0x9000004D;
	p1 =	seq.s32 s15, $0x14  }
0x31: {  	s22 =	sand.u32 @!p1 $0x1, s20  }
0x32: {  	_ =	strace @!p1 $0x8000004E;
	s22 =	sadd.s32 @!p1 $0x3, s22  }
0x33: {  	_ =	swait.ge @!p1 [sflag:s22], $0x4000  }
0x34: {  	s24 =	simm.s32 $0x1;
	[sflag:s22] =	ssyncset.done @!p1 $0x0  }
0x35: {  	s24 =	simm.s32 @!p0 $0x0;
	[sflag:s22] =	ssyncadd.s32 @!p1 $0xFFFFC000  }
0x36: {  	s15 =	sadd.s32 $0xFFFFFFFF, s15;
	s22 =	sand.u32 @!p1 $0x1, s14;
	_ =	strace @!p1 $0x9000004E  }
0x37: {  	p0 =	sne.s32 s15, $0x0;
	s22 =	sadd.s32 @!p1 $0x5, s22;
	_ =	strace @!p1 $0x8000004F  }
.Ltmp0:
0x38: {  	s19 =	sadd.s32 s24, s19;
	_ =	swait.ge @!p1 [sflag:s22], $0x4000;
	(pc) =	sbr.rel @p0 .LBB2_2-.Ltmp0, $4  }
0x39: {  	s16 =	sadd.s32 s16, s23;
	s24 =	sadd.s32 @!p1 $0x1, s20;
	[sflag:s22] =	ssyncset.done @!p1 $0x0  }
0x3a: {  	s24 =	smov.u32 @p1 s20;
	[sflag:s22] =	ssyncadd.s32 @!p1 $0xFFFFC000;
	s22 =	simm.s32 @!p1 $0x1  }
0x3b: {  	s18 =	sadd.s32 s18, s23;
	s20 =	smov.u32 s24;
	s22 =	simm.s32 @p1 $0x0  }
0x3c: {  	_ =	strace @!p1 $0x9000004F;
	s14 =	sadd.s32 s14, s22;
	s22 =	smov.u32 s21  }
0x3d: {  	s15 =	sand.u32 $0x1, s24  }
0x3e: {  	_ =	strace $0x80000050;
	s15 =	sadd.s32 $0x3, s15  }
0x3f: {  	s13 =	sadd.s32 $0x1, s13;
	_ =	swait.ge [sflag:s15], $0x4000  }
0x40: {  	s14 =	sand.u32 $0x1, s14;
	p0 =	sne.s32 s13, s10;
	[sflag:s15] =	ssyncset.done $0x0  }
.Ltmp1:
0x41: {  	s14 =	sadd.s32 $0x5, s14;
	[sflag:s15] =	ssyncadd.s32 $0xFFFFC000;
	(pc) =	sbr.rel @p0 .LBB2_1-.Ltmp1, $4  }
0x42: {  	_ =	swait.ge [sflag:s14], $0x4000  }
0x43: {  	[sflag:s14] =	ssyncset.done $0x0  }
0x44: {  	[sflag:s14] =	ssyncadd.s32 $0xFFFFC000  }
0x45: {  	_ =	strace $0x90000050  }
0x46: {  	_ =	sfence.sel $0x180000  }
0x47: {  	[bflag:$0x0] =	sbarrier.arrive $0xFFFF  }
0x48: {  	p0 =	sne.s32 s3, $0x0;
	_ =	strace $0x90000047  }
0x49: {  	s0 =	sadd.s32 @!p0 $0x100000, s0;
	[bflag:$0x2] =	sbarrier.arrive $0xFFFF  }
0x4a: {  	[sflag:s0] =	ssyncadd.tile.s32 @!p0 $0x1;
	_ =	shalt  }
.Lfunc_end2:
_tile_overlayer_lowered:
.L_overlay_start_2:
0x4b: {  	(tag) =	ssettag $0x2  }
0x4c: {  	s0 =	rddreg [dreg:$0x0];
	s2 =	stileid.u32  }
0x4d: {  	s1 =	rddreg [dreg:$0x1];
	p0 =	sne.s32 s2, $0x0  }
0x4e: {  	s3 =	rddreg [dreg:$0x2];
	[bflag:$0x3] =	sbarrier.arrive $0xFFFF;
	s2 =	simm.s32 @!p0 $0x1C01  }
0x4f: {  	[timem:s3], [sflag:s2] =	dma.local @!p0 [hbm:s0], s1  }
0x50: {  	s0 =	simm.s32 @!p0 $0x1  }
0x51: {  	_ =	swait.ge @!p0 [sflag:s0], s1  }
0x52: {  	s1 =	ssub.s32 @!p0 $0x0, s1;
	[sflag:s0] =	ssyncset.done @!p0 $0x0  }
0x53: {  	[sflag:s0] =	ssyncadd.s32 @!p0 s1  }
0x54: {  	[bflag:$0x3] =	sbarrier.arrive $0xFFFF  }
0x55: {  	_ =	shalt  }

// kernel: kernel.8.cloned.1.call-start
scs
__scs_entry_jumppad:
0x0: {  	(pc) =	sbr.rel $0x88, $3  }
0x1: {  	(tag) =	ssettag $0x0;
	lr =	simm.s32 $0x1  }
0x2: {  	[smem:$0x3F8B] =	sst lr;
	_ =	strace $0xD0000000  }
0x3: {  	_ = 	snop  }
0x4: {  	_ = 	snop  }
0x5: {  	_ = 	snop  }
0x6: {  	_ = 	snop  }
0x7: {  	_ = 	snop  }
__scs_overlays_trampoline_lowered:
0x8: {  	[smem:$0x3F9A] =	sst s0  }
0x9: {  	[smem:$0x3F9B] =	sst s1  }
0xa: {  	[smem:$0x3F9C] =	sst s2  }
0xb: {  	[smem:$0x3F9D] =	sst s3  }
0xc: {  	[smem:$0x3F9E] =	sst s4  }
0xd: {  	[smem:$0x3F9F] =	sst s5  }
0xe: {  	[smem:$0x3FA0] =	sst s6  }
0xf: {  	[smem:$0x3FA1] =	sst s7  }
0x10: {  	[smem:$0x3FA2] =	sst s8  }
0x11: {  	[smem:$0x3FA3] =	sst s9;
	s0 =	simm.s32 @!p0 $0x0  }
0x12: {  	s1 =	sld [smem:$0x3F89];
	s0 =	simm.s32 @p0 $0x1  }
0x13: {  	[smem:$0x3FA4] =	sst s0;
	s0 =	simm.s32 @!p1 $0x0  }
0x14: {  	s2 =	sld [smem:$0x3F88];
	s0 =	simm.s32 @p1 $0x1  }
0x15: {  	[smem:$0x3FA5] =	sst s0;
	s0 =	simm.s32 @!p2 $0x0  }
0x16: {  	s3 =	sld [smem:$0x3FDB];
	s0 =	simm.s32 @p2 $0x1  }
0x17: {  	s4 =	simm.s32 $0x1BF5;
	[smem:$0x3FA7] =	sst s0  }
0x18: {  	s0 =	sld [smem:$0x3F8A];
	_ =	swait.ge [sflag:s4], $0x0  }
0x19: {  	s7 =	sld [smem:$0x3F8B]  }
0x1a: {  	s8 =	sadd.s32 $0xFFFFE003, lr  }
0x1b: {  	s9 =	sadd.s32 $0xFFFFFEF7, lr;
	s5 =	simm.s32 $0xFFFFFFFF;
	p2 =	slt.u32 s8, $0xFFFFF086  }
0x1c: {  	p1 =	slt.u32 s9, $0xF7A;
	s5 =	simm.s32 @!p2 $0x0  }
0x1d: {  	s5 =	simm.s32 @p1 $0x1;
	p0 =	seq.s32 s7, s2  }
0x1e: {  	s7 =	smul.u32 @!p0 $0xF7A, s2;
	p2 =	seq.s32 @!p0 s5, $0x0  }
0x1f: {  	s9 =	smul.u32 $0xF7A, s1;
	s8 =	simm.s32 @!p0 $0x1BF5;
	p2 =	por !p2, p0  }
0x20: {  	[sflag:s8] =	ssyncset.s32 @!p0 $0xFFFFF086;
	s6 =	sadd.s32 @!p0 s3, s7;
	s7 =	simm.s32 @!p0 $0x108  }
0x21: {  	s3 =	sadd.s32 s3, s9;
	s6 =	sadd.s32 @!p0 $0x88, s6;
	s7 =	simm.s32 @p2 $0x1082  }
0x22: {  	[simem:s7], [sflag:s8] =	dma.local @!p0 [hbm:s6], $0xF7A  }
0x23: {  	s9 =	sor.u32 $0xD0000000, s2;
	s6 =	simm.s32 $0x108;
	_ =	swait.ge @!p0 [sflag:s8], $0x0  }
0x24: {  	s3 =	sadd.s32 $0x88, s3;
	s6 =	simm.s32 @!p1 $0x1082;
	[sflag:s4] =	ssyncset.s32 $0xFFFFF086  }
0x25: {  	[simem:s6], [sflag:s4] =	dma.local [hbm:s3], $0xF7A  }
0x26: {  	[smem:$0x3F8B] =	sst s1;
	(tag) =	ssettag s2;
	_ =	strace s9  }
0x27: {  	s1 =	sld [smem:$0x3F9B]  }
0x28: {  	s2 =	sld [smem:$0x3F9C]  }
0x29: {  	s4 =	sld [smem:$0x3F9E]  }
0x2a: {  	p0 =	seq.s32 s5, $0x0;
	s5 =	sld [smem:$0x3F9F]  }
0x2b: {  	s6 =	sld [smem:$0x3FA0]  }
0x2c: {  	s7 =	sld [smem:$0x3FA1]  }
0x2d: {  	s3 =	simm.s32 $0x108;
	s8 =	sld [smem:$0x3FA2]  }
0x2e: {  	s3 =	simm.s32 @!p0 $0x1082;
	s9 =	sld [smem:$0x3FA3]  }
0x2f: {  	lr =	sadd.s32 s0, s3;
	s0 =	sld [smem:$0x3F9A]  }
0x30: {  	s3 =	sld [smem:$0x3F9D]  }
0x31: {  	[smem:$0x3FA6] =	sst s10  }
0x32: {  	s10 =	sld [smem:$0x3FA4];
	_ =	sdelay $0x3  }
0x33: {  	p0 =	seq.s32 s10, $0x1;
	s10 =	sld [smem:$0x3FA6];
	_ =	sdelay $0x3  }
0x34: {  	[smem:$0x3FA6] =	sst s10  }
0x35: {  	s10 =	sld [smem:$0x3FA5];
	_ =	sdelay $0x3  }
0x36: {  	p1 =	seq.s32 s10, $0x1;
	s10 =	sld [smem:$0x3FA6];
	_ =	sdelay $0x3  }
0x37: {  	[smem:$0x3FA6] =	sst s10  }
0x38: {  	s10 =	sld [smem:$0x3FA7]  }
0x39: {  	_ = 	snop;
	(pc) =	sbr.ind lr, $3  }
0x3a: {  	_ = 	snop  }
0x3b: {  	_ = 	snop  }
0x3c: {  	p2 =	seq.s32 s10, $0x1;
	s10 =	sld [smem:$0x3FA6]  }
0x3d: {  	_ =	shalt  }
0x3e: {  	_ =	shalt  }
0x3f: {  	_ =	shalt  }
0x40: {  	_ =	shalt  }
0x41: {  	_ =	shalt  }
0x42: {  	_ =	shalt  }
0x43: {  	_ =	shalt  }
0x44: {  	_ =	shalt  }
0x45: {  	_ =	shalt  }
0x46: {  	_ =	shalt  }
0x47: {  	_ =	shalt  }
0x48: {  	_ =	shalt  }
0x49: {  	_ =	shalt  }
0x4a: {  	_ =	shalt  }
0x4b: {  	_ =	shalt  }
0x4c: {  	_ =	shalt  }
0x4d: {  	_ =	shalt  }
0x4e: {  	_ =	shalt  }
0x4f: {  	_ =	shalt  }
0x50: {  	_ =	shalt  }
0x51: {  	_ =	shalt  }
0x52: {  	_ =	shalt  }
0x53: {  	_ =	shalt  }
0x54: {  	_ =	shalt  }
0x55: {  	_ =	shalt  }
0x56: {  	_ =	shalt  }
0x57: {  	_ =	shalt  }
0x58: {  	_ =	shalt  }
0x59: {  	_ =	shalt  }
0x5a: {  	_ =	shalt  }
0x5b: {  	_ =	shalt  }
0x5c: {  	_ =	shalt  }
0x5d: {  	_ =	shalt  }
0x5e: {  	_ =	shalt  }
0x5f: {  	_ =	shalt  }
0x60: {  	_ =	shalt  }
0x61: {  	_ =	shalt  }
0x62: {  	_ =	shalt  }
0x63: {  	_ =	shalt  }
0x64: {  	_ =	shalt  }
0x65: {  	_ =	shalt  }
0x66: {  	_ =	shalt  }
0x67: {  	_ =	shalt  }
0x68: {  	_ =	shalt  }
0x69: {  	_ =	shalt  }
0x6a: {  	_ =	shalt  }
0x6b: {  	_ =	shalt  }
0x6c: {  	_ =	shalt  }
0x6d: {  	_ =	shalt  }
0x6e: {  	_ =	shalt  }
0x6f: {  	_ =	shalt  }
0x70: {  	_ =	shalt  }
0x71: {  	_ =	shalt  }
0x72: {  	_ =	shalt  }
0x73: {  	_ =	shalt  }
0x74: {  	_ =	shalt  }
0x75: {  	_ =	shalt  }
0x76: {  	_ =	shalt  }
0x77: {  	_ =	shalt  }
0x78: {  	_ =	shalt  }
0x79: {  	_ =	shalt  }
0x7a: {  	_ =	shalt  }
0x7b: {  	_ =	shalt  }
0x7c: {  	_ =	shalt  }
0x7d: {  	_ =	shalt  }
0x7e: {  	_ =	shalt  }
0x7f: {  	_ =	shalt  }
0x80: {  	_ =	shalt  }
0x81: {  	_ =	shalt  }
0x82: {  	_ =	shalt  }
0x83: {  	_ =	shalt  }
0x84: {  	_ =	shalt  }
0x85: {  	_ =	shalt  }
0x86: {  	_ =	shalt  }
0x87: {  	_ =	shalt  }
.Lfunc_end0:
.L_simem_size_0:
called_computation_lowered:
.L_overlay_start_0:
0x88: {  	s2 =	sld [smem:$0x3FD9]  }
0x89: {  	s3 =	sld [smem:$0x3FFE];
	_ =	sdelay $0x1  }
0x8a: {  	s1 =	srdreg.scid  }
0x8b: {  	s0 =	sand.u32 $0x1, s1  }
0x8c: {  	s17 =	sshll.u32 s0, $0xA;
	s2 =	sadd.s32 s3, s2  }
0x8d: {  	s2 =	sadd.s32 s2, s17  }
0x8e: {  	[smem:$0x3FB2] =	sst s2  }
0x8f: {  	_ = 	snop  }
0x90: {  	(tm) =	ssettm $0x1  }
0x91: {  	s18 =	sld [smem:$0x3FFB];
	_ =	sdelay $0x3  }
0x92: {  	_ =	strace s18  }
0x93: {  	s2 =	sld [smem:$0x3FFC];
	_ =	sdelay $0x3  }
0x94: {  	_ =	strace s2  }
0x95: {  	s2 =	sld [smem:$0x3FFD];
	_ =	sdelay $0x3  }
0x96: {  	_ =	strace s2  }
0x97: {  	_ =	strace $0x8FFFFFFF  }
0x98: {  	s19 =	sld [smem:$0x3FDB];
	_ =	sdelay $0x1  }
0x99: {  	s20 =	simm.s32 $_scs_section_size  }
0x9a: {  	s4 =	simm.s32 $_size__tile_overlayer_lowered;
	s5 =	simm.s32 $_tile_overlayer_lowered  }
0x9b: {  	s6 =	simm.s32 $0x1BFF;
	s21 =	sshll.u32 s5, $0x1;
	s3 =	sadd.s32 s20, s19  }
0x9c: {  	s22 =	simm.s32 $0x0;
	s4 =	sshll.u32 s4, $0x1;
	s5 =	sadd.s32 s21, s3  }
0x9d: {  	[timem:s22], [sflag:s6] =	dma.local [hbm:s5], s4  }
0x9e: {  	_ =	swait.ge [sflag:s6], s4  }
0x9f: {  	s4 =	ssub.s32 $0x0, s4;
	[sflag:s6] =	ssyncset.done $0x0  }
0xa0: {  	[sflag:s6] =	ssyncadd.s32 s4;
	_ =	sdelay $0x1  }
0xa1: {  	s23 =	simm.s32 $0x1B8B  }
0xa2: {  	_ =	swait.ge [sflag:s23], $0x1  }
0xa3: {  	[sflag:s23] =	ssyncset.done $0x0  }
0xa4: {  	[sflag:s23] =	ssyncadd.s32 $0xFFFFFFFF  }
0xa5: {  	s4 =	sld [smem:$0x0]  }
0xa6: {  	s5 =	sand.u32 $0xFFFFFFFE, s1  }
0xa7: {  	p0 =	sne.s32 s1, s5  }
0xa8: {  	s5 =	sshll.u32 @p0 s5, $0xE  }
0xa9: {  	s5 =	sadd.s32 @p0 $0x11B8D, s5;
	s6 =	sshll.u32 @p0 s4, $0x11  }
0xaa: {  	s5 =	sor.u32 @p0 s6, s5  }
0xab: {  	[sflag:s5] =	ssyncadd.remote.s32 @p0 $0x1;
	_ =	sdelay $0x1  }
0xac: {  	s5 =	simm.s32 @p0 $0x1B8D  }
0xad: {  	_ =	swait.eq @p0 [sflag:s5], $0x1  }
0xae: {  	[sflag:s5] =	ssyncadd.s32 @p0 $0xFFFFFFFF  }
0xaf: {  	s6 =	sshll.u32 @!p0 s1, $0xE  }
0xb0: {  	s6 =	sor.u32 @!p0 $0x4000, s6;
	s5 =	simm.s32 @!p0 $0x1B8D  }
0xb1: {  	s4 =	sshll.u32 @!p0 s4, $0x11;
	s6 =	sadd.s32 @!p0 $0x11B8D, s6;
	_ =	swait.eq @!p0 [sflag:s5], $0x1  }
0xb2: {  	s4 =	sor.u32 @!p0 s4, s6;
	[sflag:s5] =	ssyncadd.s32 @!p0 $0xFFFFFFFF  }
0xb3: {  	s25 =	simm.s32 $0x1B8E;
	s24 =	sld [smem:$0x3FFE];
	[sflag:s4] =	ssyncadd.remote.s32 @!p0 $0x1  }
0xb4: {  	s26 =	simm.s32 $execute0_lowered;
	[smem:$0x3FD2] =	sst s25  }
0xb5: {  	s5 =	sshll.u32 s26, $0x1;
	_ =	strace $0x80000052;
	[dreg:$0x1] =	wrdreg $0xFFFFFFFF  }
0xb6: {  	s28 =	simm.s32 $_size_execute0_lowered;
	s3 =	sadd.s32 s3, s5;
	[dreg:$0x0] =	wrdreg $0x0  }
0xb7: {  	s5 =	sshll.u32 s28, $0x1;
	[dreg:$0x2] =	wrdreg s3  }
0xb8: {  	[dreg:$0x3] =	wrdreg s5  }
0xb9: {  	[dreg:$0x4] =	wrdreg $0xC0  }
0xba: {  	_ =	task [dreg:s22], $0x5FFFF  }
0xbb: {  	[dreg:$0x1] =	wrdreg $0xFFFFFFFF  }
0xbc: {  	[dreg:$0x0] =	wrdreg $0x60  }
0xbd: {  	[dreg:$0x2] =	wrdreg s24  }
0xbe: {  	[dreg:$0x3] =	wrdreg $0x9  }
0xbf: {  	_ =	task.clear_ibuf [dreg:s22], $0x4FFFF;
	_ =	strace $0x90000052  }
0xc0: {  	s29 =	simm.s32 $0x9;
	_ =	strace $0x8000005D  }
0xc1: {  	_ =	swait.ge [sflag:s29], $0x1  }
0xc2: {  	[sflag:s29] =	ssyncadd.s32 $0xFFFFFFFF  }
0xc3: {  	_ =	strace $0x9000005D  }
0xc4: {  	_ =	sfence  }
0xc5: {  	s30 =	sld [smem:$0x0];
	_ =	sdelay $0x2  }
0xc6: {  	s31 =	sshll.u32 s1, $0xD;
	s1 =	sshrl.u32 s1, $0x2  }
0xc7: {  	s4 =	sand.u32 $0x4000, s31;
	s1 =	sadd.s32 s1, s30  }
0xc8: {  	s0 =	sor.u32 s4, s0;
	s1 =	sshll.u32 s1, $0x11  }
0xc9: {  	s0 =	sor.u32 s1, s0  }
0xca: {  	s0 =	sadd.s32 $0x8F2B, s0  }
0xcb: {  	[sflag:s0] =	ssyncadd.remote.s32 $0x1  }
0xcc: {  	_ =	sfence.sel $0xFFFF  }
0xcd: {  	[dreg:$0x0] =	wrdreg $0xFFFFFFFF;
	(pc) =	sbr.abs _section_cstart, $3  }
0xce: {  	[dreg:$0x1] =	wrdreg $0xFFFFFFFF  }
0xcf: {  	_ =	task.clear_ibuf [dreg:s22], $0x2FFFF;
	_ =	strace $0x9FFFFFFF  }
0xd0: {  	(tm) =	ssettm $0x7FFFFFFF  }
0xd1: {  	_ =	shalt  }
tec
execute0_lowered:
.L_overlay_start_1:
0x0: {  	(tag) =	ssettag $0x1  }
0x1: {  	s7 =	rddreg [dreg:$0x0]  }
0x2: {  	s0 =	rddreg [dreg:$0x1];
	s1 =	simm.s32 $0x0;
	s2 =	srdreg.scid  }
0x3: {  	s12 =	simm.s32 $0x7;
	s13 =	simm.s32 $0x0;
	[smem:$0x7FF] =	sst s1  }
0x4: {  	s5 =	sand.u32 $0x1, s2;
	s3 =	sadd.s32 $0x2C400, s7;
	s2 =	stileid.u32  }
0x5: {  	s4 =	sadd.s32 $0x4400, s7;
	_ =	strace $0x80000053;
	s6 =	sshll.u32 s5, $0x4  }
0x6: {  	s8 =	ssub.s32 $0x2, s5;
	s5 =	sadd.s32 $0x2D4400, s7;
	s9 =	sor.u32 s2, s6  }
0x7: {  	s10 =	sshrl.u32 s8, $0x1;
	s6 =	sadd.s32 $0x2D6C00, s7;
	s11 =	smul.u32 $0x140, s9  }
0x8: {  	s7 =	sadd.s32 $0x416C00, s7;
	s10 =	ssub.s32 s8, s10;
	s8 =	smul.u32 $0x14, s9  }
0x9: {  	s10 =	smax.u32 s10, $0x1;
	s9 =	sadd.s32 s5, s11;
	s11 =	simm.s32 $0x80  }
.LBB2_1:
0xa: {  	_ =	strace $0x80000054  }
0xb: {  	s15 =	simm.s32 $0x14;
	s22 =	simm.s32 $0x0;
	s14 =	simm.s32 $0x0  }
0xc: {  	s16 =	simm.s32 $0x0;
	s20 =	simm.s32 $0x0;
	s17 =	simm.s32 $0x0  }
0xd: {  	[tilespmem:s1], [sflag:$0x1] =	stream.linear.gather [hbm4b:s9+s1], $0x80, $0x200038;
	[tilespmem:$0x10100] =	vst v63  }
0xe: {  	s18 =	simm.s32 $0x0;
	s19 =	simm.s32 $0x1;
	_ =	strace $0x90000054  }
.LBB2_2:
0xf: {  	s21 =	sadd.s32 $0x1, s22  }
0x10: {  	p0 =	seq.s32 s21, $0x14  }
0x11: {  	s21 =	simm.s32 @p0 $0x0  }
0x12: {  	p1 =	sne.s32 s15, $0x1;
	p0 =	sne.s32 s22, s21  }
0x13: {  	p0 =	por !p1, !p0  }
0x14: {  	p0 =	por !p0, !p0  }
0x15: {  	s23 =	sadd.s32 @p0 s8, s21  }
0x16: {  	s24 =	sand.u32 @p0 $0x1, s19;
	s23 =	sshll.u32 @p0 s23, $0x4  }
0x17: {  	_ =	strace @p0 $0x80000055;
	s26 =	simm.s32 @p0 $0x0;
	s23 =	sand.u32 @p0 $0x1FFFFFF0, s23  }
0x18: {  	s25 =	sshll.u32 @p0 s24, $0x7;
	s24 =	sadd.s32 @p0 $0x1, s24;
	s23 =	sadd.s32 @p0 s5, s23  }
0x19: {  	[tilespmem:s25], [sflag:s24] =	stream.linear.gather @p0 [hbm4b:s23+s26], $0x80, $0x200038;
	[tilespmem:$0x10100] =	vst v63  }
0x1a: {  	s28 =	sand.u32 $0x1, s18;
	_ =	strace @p0 $0x90000055  }
0x1b: {  	s23 =	sadd.s32 $0x1, s28;
	_ =	strace $0x80000056  }
0x1c: {  	_ =	swait.ge [sflag:s23], $0x80  }
0x1d: {  	[sflag:s23] =	ssyncset.done $0x0  }
0x1e: {  	s24 =	sand.u32 $0x1, s17;
	[sflag:s23] =	ssyncadd.s32 $0xFFFFFF80  }
0x1f: {  	s30 =	sshll.u32 s18, $0x7;
	s29 =	sshll.u32 s24, $0xE;
	_ =	strace $0x90000056  }
0x20: {  	s31 =	sand.u32 $0x80, s30;
	s26 =	sor.u32 $0x100, s29;
	_ =	strace $0x80000057  }
0x21: {  	[tilespmem:s26], [sflag:$0x7] =	stream.indirect.gather [hbm4b:s3+s11], $0x80, s31, s11, $0x2000b8;
	[tilespmem:$0x10100] =	vst v63  }
0x22: {  	s25 =	sand.u32 $0x1, s16;
	_ =	swait.ge [sflag:s12], $0x4000  }
0x23: {  	p1 =	seq.s32 s15, $0x1;
	s28 =	sshll.u32 s25, $0xE;
	[sflag:s12] =	ssyncset.done $0x0  }
0x24: {  	p2 =	seq.s32 @!p1 s22, s21;
	s28 =	sor.u32 $0x8100, s28;
	[sflag:s12] =	ssyncadd.s32 $0xFFFFC000  }
0x25: {  	[tilespmem:s28], [sflag:$0x7] =	stream.indirect.gather [hbm4b:s4+s11], $0x80, s31, s11, $0x2000b8;
	[tilespmem:$0x10100] =	vst v63  }
0x26: {  	p1 =	por p1, !p2;
	_ =	swait.ge [sflag:s12], $0x4000  }
0x27: {  	s22 =	sadd.s32 @p1 s8, s22;
	[sflag:s12] =	ssyncset.done $0x0  }
0x28: {  	s22 =	sshll.u32 @p1 s22, $0xB;
	[sflag:s12] =	ssyncadd.s32 $0xFFFFC000  }
0x29: {  	s22 =	sand.u32 @p1 $0x1FFFF800, s22;
	s23 =	simm.s32 $0x0;
	_ =	strace $0x90000057  }
0x2a: {  	s23 =	sadd.s32 @p1 $0x3, s24;
	s24 =	sadd.s32 @p1 s6, s22;
	_ =	strace @p1 $0x80000058  }
0x2b: {  	[hbm4b:s24+s1] =	stream.linear.scatter @p1 [tilespmem:s26], [sflag:s23], $0x4000, $0x200038;
	[tilespmem:$0x10100] =	vst v63  }
0x2c: {  	s17 =	sadd.s32 @p1 $0x1, s17;
	_ =	strace @p1 $0x90000058  }
0x2d: {  	s22 =	sadd.s32 @p1 s7, s22;
	s23 =	sadd.s32 @p1 $0x5, s25;
	_ =	strace @p1 $0x80000059  }
0x2e: {  	[hbm4b:s22+s1] =	stream.linear.scatter @p1 [tilespmem:s28], [sflag:s23], $0x4000, $0x200038;
	[tilespmem:$0x10100] =	vst v63  }
0x2f: {  	s23 =	simm.s32 @p1 $0x1;
	_ =	strace @p1 $0x90000059;
	p1 =	seq.s32 s15, $0x14  }
0x30: {  	s22 =	sand.u32 @!p1 $0x1, s20  }
0x31: {  	_ =	strace @!p1 $0x8000005A;
	s22 =	sadd.s32 @!p1 $0x3, s22  }
0x32: {  	_ =	swait.ge @!p1 [sflag:s22], $0x4000  }
0x33: {  	s24 =	simm.s32 $0x1;
	[sflag:s22] =	ssyncset.done @!p1 $0x0  }
0x34: {  	s24 =	simm.s32 @!p0 $0x0;
	[sflag:s22] =	ssyncadd.s32 @!p1 $0xFFFFC000  }
0x35: {  	s15 =	sadd.s32 $0xFFFFFFFF, s15;
	s22 =	sand.u32 @!p1 $0x1, s14;
	_ =	strace @!p1 $0x9000005A  }
0x36: {  	p0 =	sne.s32 s15, $0x0;
	s22 =	sadd.s32 @!p1 $0x5, s22;
	_ =	strace @!p1 $0x8000005B  }
.Ltmp0:
0x37: {  	s19 =	sadd.s32 s24, s19;
	_ =	swait.ge @!p1 [sflag:s22], $0x4000;
	(pc) =	sbr.rel @p0 .LBB2_2-.Ltmp0, $4  }
0x38: {  	s16 =	sadd.s32 s16, s23;
	s24 =	sadd.s32 @!p1 $0x1, s20;
	[sflag:s22] =	ssyncset.done @!p1 $0x0  }
0x39: {  	s24 =	smov.u32 @p1 s20;
	[sflag:s22] =	ssyncadd.s32 @!p1 $0xFFFFC000;
	s22 =	simm.s32 @!p1 $0x1  }
0x3a: {  	s18 =	sadd.s32 s18, s23;
	s20 =	smov.u32 s24;
	s22 =	simm.s32 @p1 $0x0  }
0x3b: {  	_ =	strace @!p1 $0x9000005B;
	s14 =	sadd.s32 s14, s22;
	s22 =	smov.u32 s21  }
0x3c: {  	s15 =	sand.u32 $0x1, s24  }
0x3d: {  	_ =	strace $0x8000005C;
	s15 =	sadd.s32 $0x3, s15  }
0x3e: {  	s13 =	sadd.s32 $0x1, s13;
	_ =	swait.ge [sflag:s15], $0x4000  }
0x3f: {  	s14 =	sand.u32 $0x1, s14;
	p0 =	sne.s32 s13, s10;
	[sflag:s15] =	ssyncset.done $0x0  }
.Ltmp1:
0x40: {  	s14 =	sadd.s32 $0x5, s14;
	[sflag:s15] =	ssyncadd.s32 $0xFFFFC000;
	(pc) =	sbr.rel @p0 .LBB2_1-.Ltmp1, $4  }
0x41: {  	_ =	swait.ge [sflag:s14], $0x4000  }
0x42: {  	[sflag:s14] =	ssyncset.done $0x0  }
0x43: {  	[sflag:s14] =	ssyncadd.s32 $0xFFFFC000  }
0x44: {  	_ =	strace $0x9000005C  }
0x45: {  	_ =	sfence.sel $0x180000  }
0x46: {  	[bflag:$0x0] =	sbarrier.arrive $0xFFFF  }
0x47: {  	p0 =	sne.s32 s2, $0x0;
	_ =	strace $0x90000053  }
0x48: {  	s0 =	sadd.s32 @!p0 $0x100000, s0;
	[bflag:$0x2] =	sbarrier.arrive $0xFFFF  }
0x49: {  	[sflag:s0] =	ssyncadd.tile.s32 @!p0 $0x1;
	_ =	shalt  }
.Lfunc_end2:
_tile_overlayer_lowered:
.L_overlay_start_2:
0x4a: {  	(tag) =	ssettag $0x2  }
0x4b: {  	s0 =	rddreg [dreg:$0x0];
	s2 =	stileid.u32  }
0x4c: {  	s1 =	rddreg [dreg:$0x1];
	p0 =	sne.s32 s2, $0x0  }
0x4d: {  	s3 =	rddreg [dreg:$0x2];
	[bflag:$0x3] =	sbarrier.arrive $0xFFFF;
	s2 =	simm.s32 @!p0 $0x1C01  }
0x4e: {  	[timem:s3], [sflag:s2] =	dma.local @!p0 [hbm:s0], s1  }
0x4f: {  	s0 =	simm.s32 @!p0 $0x1  }
0x50: {  	_ =	swait.ge @!p0 [sflag:s0], s1  }
0x51: {  	s1 =	ssub.s32 @!p0 $0x0, s1;
	[sflag:s0] =	ssyncset.done @!p0 $0x0  }
0x52: {  	[sflag:s0] =	ssyncadd.s32 @!p0 s1  }
0x53: {  	[bflag:$0x3] =	sbarrier.arrive $0xFFFF  }
0x54: {  	_ =	shalt  }

</sc_bundles>
